<compile_context>
chip_gen: v7x
topology: tpu7x:2x2x1
jax: 0.10.2.dev20260603
libtpu: 0.0.44.dev20260713+nightly
codegen_flags: <defaults>
</compile_context>

<pallas_src>
import functools

import jax
import jax.numpy as jnp
from jax import lax
from jax.experimental import pallas as pl
from jax.experimental.pallas import tpu as pltpu
from jax.experimental.pallas import tpu_sc as plsc

N = 10000
E = 320000
D = 128
H = 128
OUT = 64

NC = 2
NS = 16
NW = NC * NS

NPAD = 10240
C = 112
EPAD = 322560
TOTAL_CHUNKS = EPAD // C
K0 = 168
K1 = TOTAL_CHUNKS // NS - K0
KMAX = max(K0, K1)
EDGES_PER_TILE_DEG = E // NW
ROWS_PER_SC_TILE = NPAD // NS

RB = 1280
GRID = NPAD // RB

_mesh = plsc.VectorSubcoreMesh(core_axis_name="c", subcore_axis_name="s")


@functools.partial(
    pl.kernel,
    out_type=jax.ShapeDtypeStruct((NW, 2, NPAD), jnp.float32),
    mesh=_mesh,
    scratch_types=[
        pltpu.VMEM((EDGES_PER_TILE_DEG,), jnp.int32),
        pltpu.VMEM((EDGES_PER_TILE_DEG,), jnp.int32),
        pltpu.VMEM((NPAD,), jnp.float32),
        pltpu.VMEM((NPAD,), jnp.float32),
    ],
    compiler_params=pltpu.CompilerParams(needs_layout_passes=False),
)
def _sc_degrees(src_hbm, dst_hbm, out_hbm, sidx, didx, ldo, ldi):
    cid = lax.axis_index("c")
    sid = lax.axis_index("s")
    wid = sid * NC + cid

    zero16 = jnp.zeros((16,), jnp.float32)
    ones16 = jnp.ones((16,), jnp.float32)

    def zbody(i, _):
        ldo[pl.ds(i * 16, 16)] = zero16
        ldi[pl.ds(i * 16, 16)] = zero16
        return 0

    lax.fori_loop(0, NPAD // 16, zbody, 0)

    e0 = wid * EDGES_PER_TILE_DEG
    pltpu.sync_copy(src_hbm.at[pl.ds(e0, EDGES_PER_TILE_DEG)], sidx)
    pltpu.sync_copy(dst_hbm.at[pl.ds(e0, EDGES_PER_TILE_DEG)], didx)

    def body(i, _):
        sv = sidx[pl.ds(i * 16, 16)]
        dv = didx[pl.ds(i * 16, 16)]
        plsc.addupdate_scatter(ldo, [sv], ones16)
        plsc.addupdate_scatter(ldi, [dv], ones16)
        return 0

    lax.fori_loop(0, EDGES_PER_TILE_DEG // 16, body, 0)

    pltpu.sync_copy(ldo, out_hbm.at[wid, 0])
    pltpu.sync_copy(ldi, out_hbm.at[wid, 1])


NIDX = 4
NROW = 3


@functools.partial(
    pl.kernel,
    out_type=jax.ShapeDtypeStruct((NC, NPAD, D), jnp.float32),
    mesh=_mesh,
    scratch_types=(
        [pltpu.VMEM((2, C), jnp.int32) for _ in range(NIDX)]
        + [pltpu.VMEM((C, D), jnp.float32) for _ in range(NROW)]
        + [pltpu.VMEM_SHARED((NPAD, D), jnp.float32)]
        + [pltpu.SemaphoreType.DMA for _ in range(NIDX + 2 * NROW)]
    ),
    compiler_params=pltpu.CompilerParams(needs_layout_passes=False),
)
def _sc_agg(xs_hbm, edg_hbm, zeros_hbm, out_hbm,
            ib0, ib1, ib2, ib3, rows0, rows1, rows2, acc,
            isem0, isem1, isem2, isem3, gsem0, gsem1, gsem2,
            ssem0, ssem1, ssem2):
    ibuf = [ib0, ib1, ib2, ib3]
    rows = [rows0, rows1, rows2]
    isem = [isem0, isem1, isem2, isem3]
    gsem = [gsem0, gsem1, gsem2]
    ssem = [ssem0, ssem1, ssem2]
    cid = lax.axis_index("c")
    sid = lax.axis_index("s")

    nck = sid * K0 + cid * (NS * K0 + sid * (K1 - K0))
    kc = K0 + cid * (K1 - K0)

    def idx_copy(c, sl):
        pltpu.async_copy(edg_hbm.at[nck + c], ibuf[sl], isem[sl])

    def idx_wait(c, sl):
        pltpu.make_async_copy(edg_hbm.at[nck + c], ibuf[sl], isem[sl]).wait()

    def gather(sl, b):
        pltpu.async_copy(xs_hbm.at[ibuf[sl].at[0]], rows[b], gsem[b])

    def gather_wait(sl, b):
        pltpu.make_async_copy(xs_hbm.at[ibuf[sl].at[0]], rows[b],
                              gsem[b]).wait()

    def scatter(sl, b):
        pltpu.async_copy(rows[b], acc.at[ibuf[sl].at[1]], ssem[b], add=True)

    def scatter_wait(sl, b):
        pltpu.make_async_copy(rows[b], acc.at[ibuf[sl].at[1]],
                              ssem[b]).wait()

    idx_copy(0, 0)
    idx_copy(1, 1)
    idx_copy(2, 2)
    r0 = sid * ROWS_PER_SC_TILE
    pltpu.sync_copy(zeros_hbm, acc.at[pl.ds(r0, ROWS_PER_SC_TILE)])
    idx_wait(0, 0)
    gather(0, 0)
    idx_wait(1, 1)
    gather(1, 1)
    plsc.subcore_barrier()

    UNROLL = 12

    def body(g, _):
        for u in range(UNROLL):
            c = g * UNROLL + u

            @pl.when((c + 2 < kc) & (c >= 1))
            def _():
                scatter_wait((u + 3) % NIDX, (u + 2) % NROW)

            @pl.when(c + 3 < kc)
            def _():
                idx_copy(c + 3, (u + 3) % NIDX)

            @pl.when(c + 2 < kc)
            def _():
                idx_wait(c + 2, (u + 2) % NIDX)
                gather((u + 2) % NIDX, (u + 2) % NROW)

            @pl.when(c < kc)
            def _():
                gather_wait(u % NIDX, u % NROW)
                scatter(u % NIDX, u % NROW)
        return 0

    lax.fori_loop(0, (KMAX + UNROLL - 1) // UNROLL, body, 0)

    scatter_wait(0, 0)
    scatter_wait(1, 1)
    scatter_wait(2, 2)

    plsc.subcore_barrier()
    pltpu.sync_copy(acc.at[pl.ds(r0, ROWS_PER_SC_TILE)],
                    out_hbm.at[cid, pl.ds(r0, ROWS_PER_SC_TILE)])


def _tc_prep_body(degp_ref, x_ref, xs_ref, norms_ref):
    deg = jnp.sum(degp_ref[...], axis=0)
    norms = lax.rsqrt(jnp.maximum(deg, 1.0))
    norms_ref[...] = norms
    xs_ref[...] = x_ref[...] * norms[0][:, None]


def _tc_prep(deg_partials, x_pad):
    return pl.pallas_call(
        _tc_prep_body,
        grid=(GRID,),
        in_specs=[
            pl.BlockSpec((NW, 2, RB), lambda i: (0, 0, i)),
            pl.BlockSpec((RB, D), lambda i: (i, 0)),
        ],
        out_specs=[
            pl.BlockSpec((RB, D), lambda i: (i, 0)),
            pl.BlockSpec((2, RB), lambda i: (0, i)),
        ],
        out_shape=[
            jax.ShapeDtypeStruct((NPAD, D), jnp.float32),
            jax.ShapeDtypeStruct((2, NPAD), jnp.float32),
        ],
        compiler_params=pltpu.CompilerParams(
            dimension_semantics=("arbitrary",)),
    )(deg_partials, x_pad)


def _tc_layer_body(agg_ref, norms_ref, W_ref, b_ref, out_ref):
    i = pl.program_id(0)
    a = (agg_ref[0] + agg_ref[1]) * norms_ref[1][:, None]
    h = jnp.dot(a, W_ref[...], preferred_element_type=jnp.float32,
                precision=lax.Precision.HIGHEST) + b_ref[...]
    h = jnp.maximum(h, 0.0) * norms_ref[0][:, None]
    ridx = i * RB + lax.broadcasted_iota(jnp.int32, (RB, 1), 0)
    out_ref[...] = jnp.where(ridx < N, h, 0.0)


def _tc_layer(agg_partials, norms, W1, b1_2d):
    return pl.pallas_call(
        _tc_layer_body,
        grid=(GRID,),
        in_specs=[
            pl.BlockSpec((2, RB, D), lambda i: (0, i, 0)),
            pl.BlockSpec((2, RB), lambda i: (0, i)),
            pl.BlockSpec((D, H), lambda i: (0, 0)),
            pl.BlockSpec((1, H), lambda i: (0, 0)),
        ],
        out_specs=pl.BlockSpec((RB, H), lambda i: (i, 0)),
        out_shape=jax.ShapeDtypeStruct((NPAD, H), jnp.float32),
        compiler_params=pltpu.CompilerParams(
            dimension_semantics=("arbitrary",)),
    )(agg_partials, norms, W1, b1_2d)


def _tc_final_body(agg_ref, norms_ref, W_ref, b_ref, Wfc_ref, bfc_ref,
                   out_ref, acc_ref):
    i = pl.program_id(0)
    a = (agg_ref[0] + agg_ref[1]) * norms_ref[1][:, None]
    h = jnp.dot(a, W_ref[...], preferred_element_type=jnp.float32,
                precision=lax.Precision.HIGHEST) + b_ref[...]
    h = jnp.maximum(h, 0.0)
    ridx = i * RB + lax.broadcasted_iota(jnp.int32, (RB, 1), 0)
    h = jnp.where(ridx < N, h, 0.0)
    s = jnp.sum(h, axis=0, keepdims=True)

    @pl.when(i == 0)
    def _():
        acc_ref[...] = jnp.zeros_like(acc_ref)

    acc_ref[...] += s

    @pl.when(i == GRID - 1)
    def _():
        hg = acc_ref[...] * (1.0 / N)
        out_ref[...] = jnp.dot(hg, Wfc_ref[...],
                               preferred_element_type=jnp.float32,
                               precision=lax.Precision.HIGHEST) + bfc_ref[...]


def _tc_final(agg_partials, norms, W1, b1_2d, Wfc, bfc_2d):
    return pl.pallas_call(
        _tc_final_body,
        grid=(GRID,),
        in_specs=[
            pl.BlockSpec((2, RB, D), lambda i: (0, i, 0)),
            pl.BlockSpec((2, RB), lambda i: (0, i)),
            pl.BlockSpec((D, H), lambda i: (0, 0)),
            pl.BlockSpec((1, H), lambda i: (0, 0)),
            pl.BlockSpec((H, OUT), lambda i: (0, 0)),
            pl.BlockSpec((1, OUT), lambda i: (0, 0)),
        ],
        out_specs=pl.BlockSpec((1, OUT), lambda i: (0, 0)),
        out_shape=jax.ShapeDtypeStruct((1, OUT), jnp.float32),
        scratch_shapes=[pltpu.VMEM((1, H), jnp.float32)],
        compiler_params=pltpu.CompilerParams(
            dimension_semantics=("arbitrary",)),
    )(agg_partials, norms, W1, b1_2d, Wfc, bfc_2d)


def kernel(x, edge_index, W1, b1, Wfc, bfc):
    src = edge_index[0]
    dst = edge_index[1]
    pad = jnp.full((EPAD - E,), N, dtype=jnp.int32)
    src_p = jnp.concatenate([src, pad])
    dst_p = jnp.concatenate([dst, pad])
    edg = jnp.stack([src_p.reshape(TOTAL_CHUNKS, C),
                     dst_p.reshape(TOTAL_CHUNKS, C)], axis=1)
    x_pad = jnp.zeros((NPAD, D), jnp.float32).at[:N].set(x)
    zeros_tile = jnp.zeros((ROWS_PER_SC_TILE, D), jnp.float32)
    b1_2d = b1.reshape(1, H)
    bfc_2d = bfc.reshape(1, OUT)

    degp = _sc_degrees(src, dst)
    xs, norms = _tc_prep(degp, x_pad)
    agg1 = _sc_agg(xs, edg, zeros_tile)
    h1s = _tc_layer(agg1, norms, W1, b1_2d)
    agg2 = _sc_agg(h1s, edg, zeros_tile)
    return _tc_final(agg2, norms, W1, b1_2d, Wfc, bfc_2d)

# --- scband reference (transcript-rebuilt; emitter-appended) ---
"""Pipeline reference for scband-gnn-41953240547547 (READ-ONLY COPY).

The authoritative reference and input builder live on the scoring server;
editing this copy changes nothing except your own understanding.
"""

import jax, jax.numpy as jnp
import numpy as np

N = 10000
E = 320000
D = 128
H = 128
OUT = 64


def setup_inputs(seed: int = 0) -> dict:
    key = jax.random.key(seed)
    k1, k2, k3, k4, k5 = jax.random.split(key, 5)
    x = jax.random.normal(k1, (N, D), dtype=jnp.float32)
    edge_index = jax.random.randint(k2, (2, E), 0, N, dtype=jnp.int32)
    W1 = jax.random.normal(k3, (D, H), dtype=jnp.float32) * (1.0 / np.sqrt(D))
    b1 = jnp.zeros((H,), dtype=jnp.float32)
    Wfc = jax.random.normal(k4, (H, OUT), dtype=jnp.float32) * (1.0 / np.sqrt(H))
    bfc = jnp.zeros((OUT,), dtype=jnp.float32)
    return {"x": x, "edge_index": edge_index, "W1": W1, "b1": b1, "Wfc": Wfc, "bfc": bfc}


def _graph_conv(x, src, dst, W, b):
    # DGL GraphConv with norm='both': D_in^{-1/2} A D_out^{-1/2} X W + b
    ones = jnp.ones((src.shape[0],), dtype=x.dtype)
    deg_out = jnp.zeros((N,), dtype=x.dtype).at[src].add(ones)
    deg_in = jnp.zeros((N,), dtype=x.dtype).at[dst].add(ones)
    norm_src = jax.lax.rsqrt(jnp.maximum(deg_out, 1.0))
    norm_dst = jax.lax.rsqrt(jnp.maximum(deg_in, 1.0))
    xs = x * norm_src[:, None]
    msg = jnp.take(xs, src, axis=0)
    agg = jnp.zeros((N, x.shape[1]), dtype=x.dtype).at[dst].add(msg)
    h = agg * norm_dst[:, None]
    return h @ W + b


def reference(x, edge_index, W1, b1, Wfc, bfc):
    src = edge_index[0]
    dst = edge_index[1]
    # NOTE: faithful to the original forward, which applies conv1 TWICE
    h = jax.nn.relu(_graph_conv(x, src, dst, W1, b1))
    h = jax.nn.relu(_graph_conv(h, src, dst, W1, b1))
    # dgl.mean_nodes over a single graph -> [1, H]
    hg = jnp.mean(h, axis=0, keepdims=True)
    return hg @ Wfc + bfc

if __name__ == "__main__":
    import jax
    _d = setup_inputs()
    print(jax.jit(kernel)(*tuple(_d.values())))

</pallas_src>

<mosaic_0001>
#map = affine_map<(d0, d1) -> (0, 0)>
#map1 = affine_map<(d0, d1) -> (0, 0, 0)>
module attributes {stable_mosaic.version = 14 : i64} {
  func.func @_sc_agg(%arg0: i32, %arg1: i32, %arg2: memref<10240x128xf32, #tpu.memory_space<hbm>>, %arg3: memref<2880x2x112xi32, #tpu.memory_space<hbm>>, %arg4: memref<640x128xf32, #tpu.memory_space<hbm>>, %arg5: memref<2x10240x128xf32, #tpu.memory_space<hbm>>, %arg6: memref<2x112xi32, #tpu.memory_space<vmem>>, %arg7: memref<2x112xi32, #tpu.memory_space<vmem>>, %arg8: memref<2x112xi32, #tpu.memory_space<vmem>>, %arg9: memref<2x112xi32, #tpu.memory_space<vmem>>, %arg10: memref<112x128xf32, #tpu.memory_space<vmem>>, %arg11: memref<112x128xf32, #tpu.memory_space<vmem>>, %arg12: memref<112x128xf32, #tpu.memory_space<vmem>>, %arg13: memref<10240x128xf32, #tpu.memory_space<vmem_shared>>, %arg14: memref<!tpu.dma_semaphore, #tpu.memory_space<semaphore_mem>>, %arg15: memref<!tpu.dma_semaphore, #tpu.memory_space<semaphore_mem>>, %arg16: memref<!tpu.dma_semaphore, #tpu.memory_space<semaphore_mem>>, %arg17: memref<!tpu.dma_semaphore, #tpu.memory_space<semaphore_mem>>, %arg18: memref<!tpu.dma_semaphore, #tpu.memory_space<semaphore_mem>>, %arg19: memref<!tpu.dma_semaphore, #tpu.memory_space<semaphore_mem>>, %arg20: memref<!tpu.dma_semaphore, #tpu.memory_space<semaphore_mem>>, %arg21: memref<!tpu.dma_semaphore, #tpu.memory_space<semaphore_mem>>, %arg22: memref<!tpu.dma_semaphore, #tpu.memory_space<semaphore_mem>>, %arg23: memref<!tpu.dma_semaphore, #tpu.memory_space<semaphore_mem>>) attributes {dimension_semantics = [#tpu.dimension_semantics<core_parallel>, #tpu.dimension_semantics<subcore_parallel>], iteration_bounds = array<i64: 2, 16>, scalar_prefetch = 0 : i64, scratch_operands = 18 : i64, tpu.core_type = #tpu.core_type<sc_vector_subcore>, window_params = [{transform_indices = #map}, {transform_indices = #map1}, {transform_indices = #map}, {transform_indices = #map1}]} {
    %mul3A = arith.constant 168 : i32
    %mul3A_0 = arith.muli %arg1, %mul3A : i32
    %mul3A_1 = arith.constant -156 : i32
    %mul3A_2 = arith.muli %arg1, %mul3A_1 : i32
    %add3A = arith.constant 2688 : i32
    %add3A_3 = arith.addi %add3A, %mul3A_2 : i32
    %mul3A_4 = arith.muli %arg0, %add3A_3 : i32
    %add3A_5 = arith.addi %mul3A_0, %mul3A_4 : i32
    %mul3A_6 = arith.constant -156 : i32
    %mul3A_7 = arith.muli %arg0, %mul3A_6 : i32
    %add3A_8 = arith.constant 168 : i32
    %add3A_9 = arith.addi %add3A_8, %mul3A_7 : i32
    %add3A_10 = arith.constant 0 : i32
    %add3A_11 = arith.addi %add3A_5, %add3A_10 : i32
    %dma_start3A = arith.constant 0 : i32
    %dma_start3A_12 = arith.constant 0 : i32
    %dma_start3A_13 = tpu.memref_slice %arg3[%add3A_11, %dma_start3A, %dma_start3A_12] : memref<2880x2x112xi32, #tpu.memory_space<hbm>> -> memref<1x2x112xi32, #tpu.memory_space<hbm>>
    %dma_start3A_14 = tpu.memref_squeeze %dma_start3A_13 : memref<1x2x112xi32, #tpu.memory_space<hbm>> -> memref<2x112xi32, #tpu.memory_space<hbm>>
    %dma_start3A_15 = arith.constant 0 : i32
    %dma_start3A_16 = arith.constant 0 : i32
    %dma_start3A_17 = tpu.memref_slice %arg3[%add3A_11, %dma_start3A_15, %dma_start3A_16] : memref<2880x2x112xi32, #tpu.memory_space<hbm>> -> memref<1x2x112xi32, #tpu.memory_space<hbm>>
    %dma_start3A_18 = tpu.memref_squeeze %dma_start3A_17 : memref<1x2x112xi32, #tpu.memory_space<hbm>> -> memref<2x112xi32, #tpu.memory_space<hbm>>
    tpu.enqueue_dma source(%dma_start3A_18 : memref<2x112xi32, #tpu.memory_space<hbm>>) target(%arg6 : memref<2x112xi32, #tpu.memory_space<vmem>>) target_semaphore(%arg14 : memref<!tpu.dma_semaphore, #tpu.memory_space<semaphore_mem>>)
    %add3A_19 = arith.constant 1 : i32
    %add3A_20 = arith.addi %add3A_5, %add3A_19 : i32
    %dma_start3A_21 = arith.constant 0 : i32
    %dma_start3A_22 = arith.constant 0 : i32
    %dma_start3A_23 = tpu.memref_slice %arg3[%add3A_20, %dma_start3A_21, %dma_start3A_22] : memref<2880x2x112xi32, #tpu.memory_space<hbm>> -> memref<1x2x112xi32, #tpu.memory_space<hbm>>
    %dma_start3A_24 = tpu.memref_squeeze %dma_start3A_23 : memref<1x2x112xi32, #tpu.memory_space<hbm>> -> memref<2x112xi32, #tpu.memory_space<hbm>>
    %dma_start3A_25 = arith.constant 0 : i32
    %dma_start3A_26 = arith.constant 0 : i32
    %dma_start3A_27 = tpu.memref_slice %arg3[%add3A_20, %dma_start3A_25, %dma_start3A_26] : memref<2880x2x112xi32, #tpu.memory_space<hbm>> -> memref<1x2x112xi32, #tpu.memory_space<hbm>>
    %dma_start3A_28 = tpu.memref_squeeze %dma_start3A_27 : memref<1x2x112xi32, #tpu.memory_space<hbm>> -> memref<2x112xi32, #tpu.memory_space<hbm>>
    tpu.enqueue_dma source(%dma_start3A_28 : memref<2x112xi32, #tpu.memory_space<hbm>>) target(%arg7 : memref<2x112xi32, #tpu.memory_space<vmem>>) target_semaphore(%arg15 : memref<!tpu.dma_semaphore, #tpu.memory_space<semaphore_mem>>)
    %add3A_29 = arith.constant 2 : i32
    %add3A_30 = arith.addi %add3A_5, %add3A_29 : i32
    %dma_start3A_31 = arith.constant 0 : i32
    %dma_start3A_32 = arith.constant 0 : i32
    %dma_start3A_33 = tpu.memref_slice %arg3[%add3A_30, %dma_start3A_31, %dma_start3A_32] : memref<2880x2x112xi32, #tpu.memory_space<hbm>> -> memref<1x2x112xi32, #tpu.memory_space<hbm>>
    %dma_start3A_34 = tpu.memref_squeeze %dma_start3A_33 : memref<1x2x112xi32, #tpu.memory_space<hbm>> -> memref<2x112xi32, #tpu.memory_space<hbm>>
    %dma_start3A_35 = arith.constant 0 : i32
    %dma_start3A_36 = arith.constant 0 : i32
    %dma_start3A_37 = tpu.memref_slice %arg3[%add3A_30, %dma_start3A_35, %dma_start3A_36] : memref<2880x2x112xi32, #tpu.memory_space<hbm>> -> memref<1x2x112xi32, #tpu.memory_space<hbm>>
    %dma_start3A_38 = tpu.memref_squeeze %dma_start3A_37 : memref<1x2x112xi32, #tpu.memory_space<hbm>> -> memref<2x112xi32, #tpu.memory_space<hbm>>
    tpu.enqueue_dma source(%dma_start3A_38 : memref<2x112xi32, #tpu.memory_space<hbm>>) target(%arg8 : memref<2x112xi32, #tpu.memory_space<vmem>>) target_semaphore(%arg16 : memref<!tpu.dma_semaphore, #tpu.memory_space<semaphore_mem>>)
    %mul3A_39 = arith.constant 640 : i32
    %mul3A_40 = arith.muli %arg1, %mul3A_39 : i32
    "tpu.region"() ({
      %run_scoped3A = tpu.sem_alloc : memref<!tpu.dma_semaphore, #tpu.memory_space<semaphore_mem>>
      %dma_start3A_102 = arith.constant 0 : i32
      %dma_start3A_103 = tpu.memref_slice %arg13[%mul3A_40, %dma_start3A_102] : memref<10240x128xf32, #tpu.memory_space<vmem_shared>> -> memref<640x128xf32, #tpu.memory_space<vmem_shared>>
      tpu.enqueue_dma source(%arg4 : memref<640x128xf32, #tpu.memory_space<hbm>>) target(%dma_start3A_103 : memref<640x128xf32, #tpu.memory_space<vmem_shared>>) target_semaphore(%run_scoped3A : memref<!tpu.dma_semaphore, #tpu.memory_space<semaphore_mem>>)
      %dma_wait3A_104 = arith.constant 0 : i32
      %dma_wait3A_105 = tpu.memref_slice %arg13[%mul3A_40, %dma_wait3A_104] : memref<10240x128xf32, #tpu.memory_space<vmem_shared>> -> memref<640x128xf32, #tpu.memory_space<vmem_shared>>
      tpu.wait_dma2 semaphore(%run_scoped3A : memref<!tpu.dma_semaphore, #tpu.memory_space<semaphore_mem>>) src(%arg4 : memref<640x128xf32, #tpu.memory_space<hbm>>) dst(%dma_wait3A_105 : memref<640x128xf32, #tpu.memory_space<vmem_shared>>)
      tpu.yield
    }) : () -> ()
    %add3A_41 = arith.constant 0 : i32
    %add3A_42 = arith.addi %add3A_5, %add3A_41 : i32
    %dma_wait3A = arith.constant 0 : i32
    %dma_wait3A_43 = arith.constant 0 : i32
    %dma_wait3A_44 = tpu.memref_slice %arg3[%add3A_42, %dma_wait3A, %dma_wait3A_43] : memref<2880x2x112xi32, #tpu.memory_space<hbm>> -> memref<1x2x112xi32, #tpu.memory_space<hbm>>
    %dma_wait3A_45 = tpu.memref_squeeze %dma_wait3A_44 : memref<1x2x112xi32, #tpu.memory_space<hbm>> -> memref<2x112xi32, #tpu.memory_space<hbm>>
    %dma_wait3A_46 = arith.constant 0 : i32
    %dma_wait3A_47 = arith.constant 0 : i32
    %dma_wait3A_48 = tpu.memref_slice %arg3[%add3A_42, %dma_wait3A_46, %dma_wait3A_47] : memref<2880x2x112xi32, #tpu.memory_space<hbm>> -> memref<1x2x112xi32, #tpu.memory_space<hbm>>
    %dma_wait3A_49 = tpu.memref_squeeze %dma_wait3A_48 : memref<1x2x112xi32, #tpu.memory_space<hbm>> -> memref<2x112xi32, #tpu.memory_space<hbm>>
    tpu.wait_dma2 semaphore(%arg14 : memref<!tpu.dma_semaphore, #tpu.memory_space<semaphore_mem>>) src(%dma_wait3A_49 : memref<2x112xi32, #tpu.memory_space<hbm>>) dst(%arg6 : memref<2x112xi32, #tpu.memory_space<vmem>>)
    %dma_start3A_50 = arith.constant 0 : i32
    %dma_start3A_51 = arith.constant 0 : i32
    %dma_start3A_52 = tpu.memref_slice %arg6[%dma_start3A_50, %dma_start3A_51] : memref<2x112xi32, #tpu.memory_space<vmem>> -> memref<1x112xi32, #tpu.memory_space<vmem>>
    %dma_start3A_53 = tpu.memref_squeeze %dma_start3A_52 : memref<1x112xi32, #tpu.memory_space<vmem>> -> memref<112xi32, #tpu.memory_space<vmem>>
    %dma_start3A_54 = arith.constant 0 : i32
    %dma_start3A_55 = arith.constant 0 : i32
    %dma_start3A_56 = tpu.memref_slice %arg2[%dma_start3A_54, %dma_start3A_55] : memref<10240x128xf32, #tpu.memory_space<hbm>> -> memref<10240x128xf32, #tpu.memory_space<hbm>>
    tpu.enqueue_indirect_dma source(%dma_start3A_56 : memref<10240x128xf32, #tpu.memory_space<hbm>>) target(%arg10 : memref<112x128xf32, #tpu.memory_space<vmem>>) offsets(%dma_start3A_53 : memref<112xi32, #tpu.memory_space<vmem>>) semaphore(%arg18 : memref<!tpu.dma_semaphore, #tpu.memory_space<semaphore_mem>>)
    %add3A_57 = arith.constant 1 : i32
    %add3A_58 = arith.addi %add3A_5, %add3A_57 : i32
    %dma_wait3A_59 = arith.constant 0 : i32
    %dma_wait3A_60 = arith.constant 0 : i32
    %dma_wait3A_61 = tpu.memref_slice %arg3[%add3A_58, %dma_wait3A_59, %dma_wait3A_60] : memref<2880x2x112xi32, #tpu.memory_space<hbm>> -> memref<1x2x112xi32, #tpu.memory_space<hbm>>
    %dma_wait3A_62 = tpu.memref_squeeze %dma_wait3A_61 : memref<1x2x112xi32, #tpu.memory_space<hbm>> -> memref<2x112xi32, #tpu.memory_space<hbm>>
    %dma_wait3A_63 = arith.constant 0 : i32
    %dma_wait3A_64 = arith.constant 0 : i32
    %dma_wait3A_65 = tpu.memref_slice %arg3[%add3A_58, %dma_wait3A_63, %dma_wait3A_64] : memref<2880x2x112xi32, #tpu.memory_space<hbm>> -> memref<1x2x112xi32, #tpu.memory_space<hbm>>
    %dma_wait3A_66 = tpu.memref_squeeze %dma_wait3A_65 : memref<1x2x112xi32, #tpu.memory_space<hbm>> -> memref<2x112xi32, #tpu.memory_space<hbm>>
    tpu.wait_dma2 semaphore(%arg15 : memref<!tpu.dma_semaphore, #tpu.memory_space<semaphore_mem>>) src(%dma_wait3A_66 : memref<2x112xi32, #tpu.memory_space<hbm>>) dst(%arg7 : memref<2x112xi32, #tpu.memory_space<vmem>>)
    %dma_start3A_67 = arith.constant 0 : i32
    %dma_start3A_68 = arith.constant 0 : i32
    %dma_start3A_69 = tpu.memref_slice %arg7[%dma_start3A_67, %dma_start3A_68] : memref<2x112xi32, #tpu.memory_space<vmem>> -> memref<1x112xi32, #tpu.memory_space<vmem>>
    %dma_start3A_70 = tpu.memref_squeeze %dma_start3A_69 : memref<1x112xi32, #tpu.memory_space<vmem>> -> memref<112xi32, #tpu.memory_space<vmem>>
    %dma_start3A_71 = arith.constant 0 : i32
    %dma_start3A_72 = arith.constant 0 : i32
    %dma_start3A_73 = tpu.memref_slice %arg2[%dma_start3A_71, %dma_start3A_72] : memref<10240x128xf32, #tpu.memory_space<hbm>> -> memref<10240x128xf32, #tpu.memory_space<hbm>>
    tpu.enqueue_indirect_dma source(%dma_start3A_73 : memref<10240x128xf32, #tpu.memory_space<hbm>>) target(%arg11 : memref<112x128xf32, #tpu.memory_space<vmem>>) offsets(%dma_start3A_70 : memref<112xi32, #tpu.memory_space<vmem>>) semaphore(%arg19 : memref<!tpu.dma_semaphore, #tpu.memory_space<semaphore_mem>>)
    %barrier3A = arith.constant 0 : index
    tpu.barrier barrier_id(%barrier3A)
    %scan3A = arith.constant 0 : i32
    %scan3A_74 = arith.constant 0 : i32
    %scan3A_75 = arith.constant 14 : i32
    %scan3A_76 = arith.addi %scan3A_74, %scan3A_75 : i32
    %scan3A_77 = arith.constant 1 : i32
    %scan3A_78 = scf.for %scan3A_102 = %scan3A_74 to %scan3A_76 step %scan3A_77 iter_args(%scan3A_103 = %scan3A) -> (i32)  : i32 {
      %mul3A_104 = arith.constant 12 : i32
      %mul3A_105 = arith.muli %scan3A_102, %mul3A_104 : i32
      %add3A_106 = arith.constant 0 : i32
      %add3A_107 = arith.addi %mul3A_105, %add3A_106 : i32
      %add3A_108 = arith.constant 2 : i32
      %add3A_109 = arith.addi %add3A_107, %add3A_108 : i32
      %lt3A = arith.cmpi slt, %add3A_109, %add3A_9 : i32
      %ge3A = arith.constant 1 : i32
      %ge3A_110 = arith.cmpi sge, %add3A_107, %ge3A : i32
      %and3A = arith.andi %lt3A, %ge3A_110 : i1
      %convert_element_type3A = arith.extui %and3A : i1 to i32
      %cond3A = arith.constant 0 : i32
      %cond3A_111 = arith.cmpi ne, %convert_element_type3A, %cond3A : i32
      scf.if %cond3A_111 {
        %dma_wait3A_448 = arith.constant 1 : i32
        %dma_wait3A_449 = arith.constant 0 : i32
        %dma_wait3A_450 = tpu.memref_slice %arg9[%dma_wait3A_448, %dma_wait3A_449] : memref<2x112xi32, #tpu.memory_space<vmem>> -> memref<1x112xi32, #tpu.memory_space<vmem>>
        %dma_wait3A_451 = tpu.memref_squeeze %dma_wait3A_450 : memref<1x112xi32, #tpu.memory_space<vmem>> -> memref<112xi32, #tpu.memory_space<vmem>>
        %dma_wait3A_452 = arith.constant 0 : i32
        %dma_wait3A_453 = arith.constant 0 : i32
        %dma_wait3A_454 = tpu.memref_slice %arg13[%dma_wait3A_452, %dma_wait3A_453] : memref<10240x128xf32, #tpu.memory_space<vmem_shared>> -> memref<10240x128xf32, #tpu.memory_space<vmem_shared>>
        tpu.wait_indirect_dma semaphore(%arg23 : memref<!tpu.dma_semaphore, #tpu.memory_space<semaphore_mem>>) src(%arg12 : memref<112x128xf32, #tpu.memory_space<vmem>>) dst(%dma_wait3A_454 : memref<10240x128xf32, #tpu.memory_space<vmem_shared>>)
      } else {
      }
      %add3A_112 = arith.constant 3 : i32
      %add3A_113 = arith.addi %add3A_107, %add3A_112 : i32
      %lt3A_114 = arith.cmpi slt, %add3A_113, %add3A_9 : i32
      %convert_element_type3A_115 = arith.extui %lt3A_114 : i1 to i32
      %cond3A_116 = arith.constant 0 : i32
      %cond3A_117 = arith.cmpi ne, %convert_element_type3A_115, %cond3A_116 : i32
      scf.if %cond3A_117 {
        %add3A_448 = arith.constant 3 : i32
        %add3A_449 = arith.addi %add3A_107, %add3A_448 : i32
        %add3A_450 = arith.addi %add3A_5, %add3A_449 : i32
        %dma_start3A_451 = arith.constant 0 : i32
        %dma_start3A_452 = arith.constant 0 : i32
        %dma_start3A_453 = tpu.memref_slice %arg3[%add3A_450, %dma_start3A_451, %dma_start3A_452] : memref<2880x2x112xi32, #tpu.memory_space<hbm>> -> memref<1x2x112xi32, #tpu.memory_space<hbm>>
        %dma_start3A_454 = tpu.memref_squeeze %dma_start3A_453 : memref<1x2x112xi32, #tpu.memory_space<hbm>> -> memref<2x112xi32, #tpu.memory_space<hbm>>
        %dma_start3A_455 = arith.constant 0 : i32
        %dma_start3A_456 = arith.constant 0 : i32
        %dma_start3A_457 = tpu.memref_slice %arg3[%add3A_450, %dma_start3A_455, %dma_start3A_456] : memref<2880x2x112xi32, #tpu.memory_space<hbm>> -> memref<1x2x112xi32, #tpu.memory_space<hbm>>
        %dma_start3A_458 = tpu.memref_squeeze %dma_start3A_457 : memref<1x2x112xi32, #tpu.memory_space<hbm>> -> memref<2x112xi32, #tpu.memory_space<hbm>>
        tpu.enqueue_dma source(%dma_start3A_458 : memref<2x112xi32, #tpu.memory_space<hbm>>) target(%arg9 : memref<2x112xi32, #tpu.memory_space<vmem>>) target_semaphore(%arg17 : memref<!tpu.dma_semaphore, #tpu.memory_space<semaphore_mem>>)
      } else {
      }
      %add3A_118 = arith.constant 2 : i32
      %add3A_119 = arith.addi %add3A_107, %add3A_118 : i32
      %lt3A_120 = arith.cmpi slt, %add3A_119, %add3A_9 : i32
      %convert_element_type3A_121 = arith.extui %lt3A_120 : i1 to i32
      %cond3A_122 = arith.constant 0 : i32
      %cond3A_123 = arith.cmpi ne, %convert_element_type3A_121, %cond3A_122 : i32
      scf.if %cond3A_123 {
        %add3A_448 = arith.constant 2 : i32
        %add3A_449 = arith.addi %add3A_107, %add3A_448 : i32
        %add3A_450 = arith.addi %add3A_5, %add3A_449 : i32
        %dma_wait3A_451 = arith.constant 0 : i32
        %dma_wait3A_452 = arith.constant 0 : i32
        %dma_wait3A_453 = tpu.memref_slice %arg3[%add3A_450, %dma_wait3A_451, %dma_wait3A_452] : memref<2880x2x112xi32, #tpu.memory_space<hbm>> -> memref<1x2x112xi32, #tpu.memory_space<hbm>>
        %dma_wait3A_454 = tpu.memref_squeeze %dma_wait3A_453 : memref<1x2x112xi32, #tpu.memory_space<hbm>> -> memref<2x112xi32, #tpu.memory_space<hbm>>
        %dma_wait3A_455 = arith.constant 0 : i32
        %dma_wait3A_456 = arith.constant 0 : i32
        %dma_wait3A_457 = tpu.memref_slice %arg3[%add3A_450, %dma_wait3A_455, %dma_wait3A_456] : memref<2880x2x112xi32, #tpu.memory_space<hbm>> -> memref<1x2x112xi32, #tpu.memory_space<hbm>>
        %dma_wait3A_458 = tpu.memref_squeeze %dma_wait3A_457 : memref<1x2x112xi32, #tpu.memory_space<hbm>> -> memref<2x112xi32, #tpu.memory_space<hbm>>
        tpu.wait_dma2 semaphore(%arg16 : memref<!tpu.dma_semaphore, #tpu.memory_space<semaphore_mem>>) src(%dma_wait3A_458 : memref<2x112xi32, #tpu.memory_space<hbm>>) dst(%arg8 : memref<2x112xi32, #tpu.memory_space<vmem>>)
        %dma_start3A_459 = arith.constant 0 : i32
        %dma_start3A_460 = arith.constant 0 : i32
        %dma_start3A_461 = tpu.memref_slice %arg8[%dma_start3A_459, %dma_start3A_460] : memref<2x112xi32, #tpu.memory_space<vmem>> -> memref<1x112xi32, #tpu.memory_space<vmem>>
        %dma_start3A_462 = tpu.memref_squeeze %dma_start3A_461 : memref<1x112xi32, #tpu.memory_space<vmem>> -> memref<112xi32, #tpu.memory_space<vmem>>
        %dma_start3A_463 = arith.constant 0 : i32
        %dma_start3A_464 = arith.constant 0 : i32
        %dma_start3A_465 = tpu.memref_slice %arg2[%dma_start3A_463, %dma_start3A_464] : memref<10240x128xf32, #tpu.memory_space<hbm>> -> memref<10240x128xf32, #tpu.memory_space<hbm>>
        tpu.enqueue_indirect_dma source(%dma_start3A_465 : memref<10240x128xf32, #tpu.memory_space<hbm>>) target(%arg12 : memref<112x128xf32, #tpu.memory_space<vmem>>) offsets(%dma_start3A_462 : memref<112xi32, #tpu.memory_space<vmem>>) semaphore(%arg20 : memref<!tpu.dma_semaphore, #tpu.memory_space<semaphore_mem>>)
      } else {
      }
      %lt3A_124 = arith.cmpi slt, %add3A_107, %add3A_9 : i32
      %convert_element_type3A_125 = arith.extui %lt3A_124 : i1 to i32
      %cond3A_126 = arith.constant 0 : i32
      %cond3A_127 = arith.cmpi ne, %convert_element_type3A_125, %cond3A_126 : i32
      scf.if %cond3A_127 {
        %dma_wait3A_448 = arith.constant 0 : i32
        %dma_wait3A_449 = arith.constant 0 : i32
        %dma_wait3A_450 = tpu.memref_slice %arg6[%dma_wait3A_448, %dma_wait3A_449] : memref<2x112xi32, #tpu.memory_space<vmem>> -> memref<1x112xi32, #tpu.memory_space<vmem>>
        %dma_wait3A_451 = tpu.memref_squeeze %dma_wait3A_450 : memref<1x112xi32, #tpu.memory_space<vmem>> -> memref<112xi32, #tpu.memory_space<vmem>>
        %dma_wait3A_452 = arith.constant 0 : i32
        %dma_wait3A_453 = arith.constant 0 : i32
        %dma_wait3A_454 = tpu.memref_slice %arg2[%dma_wait3A_452, %dma_wait3A_453] : memref<10240x128xf32, #tpu.memory_space<hbm>> -> memref<10240x128xf32, #tpu.memory_space<hbm>>
        tpu.wait_indirect_dma semaphore(%arg18 : memref<!tpu.dma_semaphore, #tpu.memory_space<semaphore_mem>>) src(%dma_wait3A_454 : memref<10240x128xf32, #tpu.memory_space<hbm>>) dst(%arg10 : memref<112x128xf32, #tpu.memory_space<vmem>>)
        %dma_start3A_455 = arith.constant 1 : i32
        %dma_start3A_456 = arith.constant 0 : i32
        %dma_start3A_457 = tpu.memref_slice %arg6[%dma_start3A_455, %dma_start3A_456] : memref<2x112xi32, #tpu.memory_space<vmem>> -> memref<1x112xi32, #tpu.memory_space<vmem>>
        %dma_start3A_458 = tpu.memref_squeeze %dma_start3A_457 : memref<1x112xi32, #tpu.memory_space<vmem>> -> memref<112xi32, #tpu.memory_space<vmem>>
        %dma_start3A_459 = arith.constant 0 : i32
        %dma_start3A_460 = arith.constant 0 : i32
        %dma_start3A_461 = tpu.memref_slice %arg13[%dma_start3A_459, %dma_start3A_460] : memref<10240x128xf32, #tpu.memory_space<vmem_shared>> -> memref<10240x128xf32, #tpu.memory_space<vmem_shared>>
        tpu.enqueue_indirect_dma source(%arg10 : memref<112x128xf32, #tpu.memory_space<vmem>>) target(%dma_start3A_461 : memref<10240x128xf32, #tpu.memory_space<vmem_shared>>) offsets(%dma_start3A_458 : memref<112xi32, #tpu.memory_space<vmem>>) semaphore(%arg21 : memref<!tpu.dma_semaphore, #tpu.memory_space<semaphore_mem>>) {add = true}
      } else {
      }
      %mul3A_128 = arith.constant 12 : i32
      %mul3A_129 = arith.muli %scan3A_102, %mul3A_128 : i32
      %add3A_130 = arith.constant 1 : i32
      %add3A_131 = arith.addi %mul3A_129, %add3A_130 : i32
      %add3A_132 = arith.constant 2 : i32
      %add3A_133 = arith.addi %add3A_131, %add3A_132 : i32
      %lt3A_134 = arith.cmpi slt, %add3A_133, %add3A_9 : i32
      %ge3A_135 = arith.constant 1 : i32
      %ge3A_136 = arith.cmpi sge, %add3A_131, %ge3A_135 : i32
      %and3A_137 = arith.andi %lt3A_134, %ge3A_136 : i1
      %convert_element_type3A_138 = arith.extui %and3A_137 : i1 to i32
      %cond3A_139 = arith.constant 0 : i32
      %cond3A_140 = arith.cmpi ne, %convert_element_type3A_138, %cond3A_139 : i32
      scf.if %cond3A_140 {
        %dma_wait3A_448 = arith.constant 1 : i32
        %dma_wait3A_449 = arith.constant 0 : i32
        %dma_wait3A_450 = tpu.memref_slice %arg6[%dma_wait3A_448, %dma_wait3A_449] : memref<2x112xi32, #tpu.memory_space<vmem>> -> memref<1x112xi32, #tpu.memory_space<vmem>>
        %dma_wait3A_451 = tpu.memref_squeeze %dma_wait3A_450 : memref<1x112xi32, #tpu.memory_space<vmem>> -> memref<112xi32, #tpu.memory_space<vmem>>
        %dma_wait3A_452 = arith.constant 0 : i32
        %dma_wait3A_453 = arith.constant 0 : i32
        %dma_wait3A_454 = tpu.memref_slice %arg13[%dma_wait3A_452, %dma_wait3A_453] : memref<10240x128xf32, #tpu.memory_space<vmem_shared>> -> memref<10240x128xf32, #tpu.memory_space<vmem_shared>>
        tpu.wait_indirect_dma semaphore(%arg21 : memref<!tpu.dma_semaphore, #tpu.memory_space<semaphore_mem>>) src(%arg10 : memref<112x128xf32, #tpu.memory_space<vmem>>) dst(%dma_wait3A_454 : memref<10240x128xf32, #tpu.memory_space<vmem_shared>>)
      } else {
      }
      %add3A_141 = arith.constant 3 : i32
      %add3A_142 = arith.addi %add3A_131, %add3A_141 : i32
      %lt3A_143 = arith.cmpi slt, %add3A_142, %add3A_9 : i32
      %convert_element_type3A_144 = arith.extui %lt3A_143 : i1 to i32
      %cond3A_145 = arith.constant 0 : i32
      %cond3A_146 = arith.cmpi ne, %convert_element_type3A_144, %cond3A_145 : i32
      scf.if %cond3A_146 {
        %add3A_448 = arith.constant 3 : i32
        %add3A_449 = arith.addi %add3A_131, %add3A_448 : i32
        %add3A_450 = arith.addi %add3A_5, %add3A_449 : i32
        %dma_start3A_451 = arith.constant 0 : i32
        %dma_start3A_452 = arith.constant 0 : i32
        %dma_start3A_453 = tpu.memref_slice %arg3[%add3A_450, %dma_start3A_451, %dma_start3A_452] : memref<2880x2x112xi32, #tpu.memory_space<hbm>> -> memref<1x2x112xi32, #tpu.memory_space<hbm>>
        %dma_start3A_454 = tpu.memref_squeeze %dma_start3A_453 : memref<1x2x112xi32, #tpu.memory_space<hbm>> -> memref<2x112xi32, #tpu.memory_space<hbm>>
        %dma_start3A_455 = arith.constant 0 : i32
        %dma_start3A_456 = arith.constant 0 : i32
        %dma_start3A_457 = tpu.memref_slice %arg3[%add3A_450, %dma_start3A_455, %dma_start3A_456] : memref<2880x2x112xi32, #tpu.memory_space<hbm>> -> memref<1x2x112xi32, #tpu.memory_space<hbm>>
        %dma_start3A_458 = tpu.memref_squeeze %dma_start3A_457 : memref<1x2x112xi32, #tpu.memory_space<hbm>> -> memref<2x112xi32, #tpu.memory_space<hbm>>
        tpu.enqueue_dma source(%dma_start3A_458 : memref<2x112xi32, #tpu.memory_space<hbm>>) target(%arg6 : memref<2x112xi32, #tpu.memory_space<vmem>>) target_semaphore(%arg14 : memref<!tpu.dma_semaphore, #tpu.memory_space<semaphore_mem>>)
      } else {
      }
      %add3A_147 = arith.constant 2 : i32
      %add3A_148 = arith.addi %add3A_131, %add3A_147 : i32
      %lt3A_149 = arith.cmpi slt, %add3A_148, %add3A_9 : i32
      %convert_element_type3A_150 = arith.extui %lt3A_149 : i1 to i32
      %cond3A_151 = arith.constant 0 : i32
      %cond3A_152 = arith.cmpi ne, %convert_element_type3A_150, %cond3A_151 : i32
      scf.if %cond3A_152 {
        %add3A_448 = arith.constant 2 : i32
        %add3A_449 = arith.addi %add3A_131, %add3A_448 : i32
        %add3A_450 = arith.addi %add3A_5, %add3A_449 : i32
        %dma_wait3A_451 = arith.constant 0 : i32
        %dma_wait3A_452 = arith.constant 0 : i32
        %dma_wait3A_453 = tpu.memref_slice %arg3[%add3A_450, %dma_wait3A_451, %dma_wait3A_452] : memref<2880x2x112xi32, #tpu.memory_space<hbm>> -> memref<1x2x112xi32, #tpu.memory_space<hbm>>
        %dma_wait3A_454 = tpu.memref_squeeze %dma_wait3A_453 : memref<1x2x112xi32, #tpu.memory_space<hbm>> -> memref<2x112xi32, #tpu.memory_space<hbm>>
        %dma_wait3A_455 = arith.constant 0 : i32
        %dma_wait3A_456 = arith.constant 0 : i32
        %dma_wait3A_457 = tpu.memref_slice %arg3[%add3A_450, %dma_wait3A_455, %dma_wait3A_456] : memref<2880x2x112xi32, #tpu.memory_space<hbm>> -> memref<1x2x112xi32, #tpu.memory_space<hbm>>
        %dma_wait3A_458 = tpu.memref_squeeze %dma_wait3A_457 : memref<1x2x112xi32, #tpu.memory_space<hbm>> -> memref<2x112xi32, #tpu.memory_space<hbm>>
        tpu.wait_dma2 semaphore(%arg17 : memref<!tpu.dma_semaphore, #tpu.memory_space<semaphore_mem>>) src(%dma_wait3A_458 : memref<2x112xi32, #tpu.memory_space<hbm>>) dst(%arg9 : memref<2x112xi32, #tpu.memory_space<vmem>>)
        %dma_start3A_459 = arith.constant 0 : i32
        %dma_start3A_460 = arith.constant 0 : i32
        %dma_start3A_461 = tpu.memref_slice %arg9[%dma_start3A_459, %dma_start3A_460] : memref<2x112xi32, #tpu.memory_space<vmem>> -> memref<1x112xi32, #tpu.memory_space<vmem>>
        %dma_start3A_462 = tpu.memref_squeeze %dma_start3A_461 : memref<1x112xi32, #tpu.memory_space<vmem>> -> memref<112xi32, #tpu.memory_space<vmem>>
        %dma_start3A_463 = arith.constant 0 : i32
        %dma_start3A_464 = arith.constant 0 : i32
        %dma_start3A_465 = tpu.memref_slice %arg2[%dma_start3A_463, %dma_start3A_464] : memref<10240x128xf32, #tpu.memory_space<hbm>> -> memref<10240x128xf32, #tpu.memory_space<hbm>>
        tpu.enqueue_indirect_dma source(%dma_start3A_465 : memref<10240x128xf32, #tpu.memory_space<hbm>>) target(%arg10 : memref<112x128xf32, #tpu.memory_space<vmem>>) offsets(%dma_start3A_462 : memref<112xi32, #tpu.memory_space<vmem>>) semaphore(%arg18 : memref<!tpu.dma_semaphore, #tpu.memory_space<semaphore_mem>>)
      } else {
      }
      %lt3A_153 = arith.cmpi slt, %add3A_131, %add3A_9 : i32
      %convert_element_type3A_154 = arith.extui %lt3A_153 : i1 to i32
      %cond3A_155 = arith.constant 0 : i32
      %cond3A_156 = arith.cmpi ne, %convert_element_type3A_154, %cond3A_155 : i32
      scf.if %cond3A_156 {
        %dma_wait3A_448 = arith.constant 0 : i32
        %dma_wait3A_449 = arith.constant 0 : i32
        %dma_wait3A_450 = tpu.memref_slice %arg7[%dma_wait3A_448, %dma_wait3A_449] : memref<2x112xi32, #tpu.memory_space<vmem>> -> memref<1x112xi32, #tpu.memory_space<vmem>>
        %dma_wait3A_451 = tpu.memref_squeeze %dma_wait3A_450 : memref<1x112xi32, #tpu.memory_space<vmem>> -> memref<112xi32, #tpu.memory_space<vmem>>
        %dma_wait3A_452 = arith.constant 0 : i32
        %dma_wait3A_453 = arith.constant 0 : i32
        %dma_wait3A_454 = tpu.memref_slice %arg2[%dma_wait3A_452, %dma_wait3A_453] : memref<10240x128xf32, #tpu.memory_space<hbm>> -> memref<10240x128xf32, #tpu.memory_space<hbm>>
        tpu.wait_indirect_dma semaphore(%arg19 : memref<!tpu.dma_semaphore, #tpu.memory_space<semaphore_mem>>) src(%dma_wait3A_454 : memref<10240x128xf32, #tpu.memory_space<hbm>>) dst(%arg11 : memref<112x128xf32, #tpu.memory_space<vmem>>)
        %dma_start3A_455 = arith.constant 1 : i32
        %dma_start3A_456 = arith.constant 0 : i32
        %dma_start3A_457 = tpu.memref_slice %arg7[%dma_start3A_455, %dma_start3A_456] : memref<2x112xi32, #tpu.memory_space<vmem>> -> memref<1x112xi32, #tpu.memory_space<vmem>>
        %dma_start3A_458 = tpu.memref_squeeze %dma_start3A_457 : memref<1x112xi32, #tpu.memory_space<vmem>> -> memref<112xi32, #tpu.memory_space<vmem>>
        %dma_start3A_459 = arith.constant 0 : i32
        %dma_start3A_460 = arith.constant 0 : i32
        %dma_start3A_461 = tpu.memref_slice %arg13[%dma_start3A_459, %dma_start3A_460] : memref<10240x128xf32, #tpu.memory_space<vmem_shared>> -> memref<10240x128xf32, #tpu.memory_space<vmem_shared>>
        tpu.enqueue_indirect_dma source(%arg11 : memref<112x128xf32, #tpu.memory_space<vmem>>) target(%dma_start3A_461 : memref<10240x128xf32, #tpu.memory_space<vmem_shared>>) offsets(%dma_start3A_458 : memref<112xi32, #tpu.memory_space<vmem>>) semaphore(%arg22 : memref<!tpu.dma_semaphore, #tpu.memory_space<semaphore_mem>>) {add = true}
      } else {
      }
      %mul3A_157 = arith.constant 12 : i32
      %mul3A_158 = arith.muli %scan3A_102, %mul3A_157 : i32
      %add3A_159 = arith.constant 2 : i32
      %add3A_160 = arith.addi %mul3A_158, %add3A_159 : i32
      %add3A_161 = arith.constant 2 : i32
      %add3A_162 = arith.addi %add3A_160, %add3A_161 : i32
      %lt3A_163 = arith.cmpi slt, %add3A_162, %add3A_9 : i32
      %ge3A_164 = arith.constant 1 : i32
      %ge3A_165 = arith.cmpi sge, %add3A_160, %ge3A_164 : i32
      %and3A_166 = arith.andi %lt3A_163, %ge3A_165 : i1
      %convert_element_type3A_167 = arith.extui %and3A_166 : i1 to i32
      %cond3A_168 = arith.constant 0 : i32
      %cond3A_169 = arith.cmpi ne, %convert_element_type3A_167, %cond3A_168 : i32
      scf.if %cond3A_169 {
        %dma_wait3A_448 = arith.constant 1 : i32
        %dma_wait3A_449 = arith.constant 0 : i32
        %dma_wait3A_450 = tpu.memref_slice %arg7[%dma_wait3A_448, %dma_wait3A_449] : memref<2x112xi32, #tpu.memory_space<vmem>> -> memref<1x112xi32, #tpu.memory_space<vmem>>
        %dma_wait3A_451 = tpu.memref_squeeze %dma_wait3A_450 : memref<1x112xi32, #tpu.memory_space<vmem>> -> memref<112xi32, #tpu.memory_space<vmem>>
        %dma_wait3A_452 = arith.constant 0 : i32
        %dma_wait3A_453 = arith.constant 0 : i32
        %dma_wait3A_454 = tpu.memref_slice %arg13[%dma_wait3A_452, %dma_wait3A_453] : memref<10240x128xf32, #tpu.memory_space<vmem_shared>> -> memref<10240x128xf32, #tpu.memory_space<vmem_shared>>
        tpu.wait_indirect_dma semaphore(%arg22 : memref<!tpu.dma_semaphore, #tpu.memory_space<semaphore_mem>>) src(%arg11 : memref<112x128xf32, #tpu.memory_space<vmem>>) dst(%dma_wait3A_454 : memref<10240x128xf32, #tpu.memory_space<vmem_shared>>)
      } else {
      }
      %add3A_170 = arith.constant 3 : i32
      %add3A_171 = arith.addi %add3A_160, %add3A_170 : i32
      %lt3A_172 = arith.cmpi slt, %add3A_171, %add3A_9 : i32
      %convert_element_type3A_173 = arith.extui %lt3A_172 : i1 to i32
      %cond3A_174 = arith.constant 0 : i32
      %cond3A_175 = arith.cmpi ne, %convert_element_type3A_173, %cond3A_174 : i32
      scf.if %cond3A_175 {
        %add3A_448 = arith.constant 3 : i32
        %add3A_449 = arith.addi %add3A_160, %add3A_448 : i32
        %add3A_450 = arith.addi %add3A_5, %add3A_449 : i32
        %dma_start3A_451 = arith.constant 0 : i32
        %dma_start3A_452 = arith.constant 0 : i32
        %dma_start3A_453 = tpu.memref_slice %arg3[%add3A_450, %dma_start3A_451, %dma_start3A_452] : memref<2880x2x112xi32, #tpu.memory_space<hbm>> -> memref<1x2x112xi32, #tpu.memory_space<hbm>>
        %dma_start3A_454 = tpu.memref_squeeze %dma_start3A_453 : memref<1x2x112xi32, #tpu.memory_space<hbm>> -> memref<2x112xi32, #tpu.memory_space<hbm>>
        %dma_start3A_455 = arith.constant 0 : i32
        %dma_start3A_456 = arith.constant 0 : i32
        %dma_start3A_457 = tpu.memref_slice %arg3[%add3A_450, %dma_start3A_455, %dma_start3A_456] : memref<2880x2x112xi32, #tpu.memory_space<hbm>> -> memref<1x2x112xi32, #tpu.memory_space<hbm>>
        %dma_start3A_458 = tpu.memref_squeeze %dma_start3A_457 : memref<1x2x112xi32, #tpu.memory_space<hbm>> -> memref<2x112xi32, #tpu.memory_space<hbm>>
        tpu.enqueue_dma source(%dma_start3A_458 : memref<2x112xi32, #tpu.memory_space<hbm>>) target(%arg7 : memref<2x112xi32, #tpu.memory_space<vmem>>) target_semaphore(%arg15 : memref<!tpu.dma_semaphore, #tpu.memory_space<semaphore_mem>>)
      } else {
      }
      %add3A_176 = arith.constant 2 : i32
      %add3A_177 = arith.addi %add3A_160, %add3A_176 : i32
      %lt3A_178 = arith.cmpi slt, %add3A_177, %add3A_9 : i32
      %convert_element_type3A_179 = arith.extui %lt3A_178 : i1 to i32
      %cond3A_180 = arith.constant 0 : i32
      %cond3A_181 = arith.cmpi ne, %convert_element_type3A_179, %cond3A_180 : i32
      scf.if %cond3A_181 {
        %add3A_448 = arith.constant 2 : i32
        %add3A_449 = arith.addi %add3A_160, %add3A_448 : i32
        %add3A_450 = arith.addi %add3A_5, %add3A_449 : i32
        %dma_wait3A_451 = arith.constant 0 : i32
        %dma_wait3A_452 = arith.constant 0 : i32
        %dma_wait3A_453 = tpu.memref_slice %arg3[%add3A_450, %dma_wait3A_451, %dma_wait3A_452] : memref<2880x2x112xi32, #tpu.memory_space<hbm>> -> memref<1x2x112xi32, #tpu.memory_space<hbm>>
        %dma_wait3A_454 = tpu.memref_squeeze %dma_wait3A_453 : memref<1x2x112xi32, #tpu.memory_space<hbm>> -> memref<2x112xi32, #tpu.memory_space<hbm>>
        %dma_wait3A_455 = arith.constant 0 : i32
        %dma_wait3A_456 = arith.constant 0 : i32
        %dma_wait3A_457 = tpu.memref_slice %arg3[%add3A_450, %dma_wait3A_455, %dma_wait3A_456] : memref<2880x2x112xi32, #tpu.memory_space<hbm>> -> memref<1x2x112xi32, #tpu.memory_space<hbm>>
        %dma_wait3A_458 = tpu.memref_squeeze %dma_wait3A_457 : memref<1x2x112xi32, #tpu.memory_space<hbm>> -> memref<2x112xi32, #tpu.memory_space<hbm>>
        tpu.wait_dma2 semaphore(%arg14 : memref<!tpu.dma_semaphore, #tpu.memory_space<semaphore_mem>>) src(%dma_wait3A_458 : memref<2x112xi32, #tpu.memory_space<hbm>>) dst(%arg6 : memref<2x112xi32, #tpu.memory_space<vmem>>)
        %dma_start3A_459 = arith.constant 0 : i32
        %dma_start3A_460 = arith.constant 0 : i32
        %dma_start3A_461 = tpu.memref_slice %arg6[%dma_start3A_459, %dma_start3A_460] : memref<2x112xi32, #tpu.memory_space<vmem>> -> memref<1x112xi32, #tpu.memory_space<vmem>>
        %dma_start3A_462 = tpu.memref_squeeze %dma_start3A_461 : memref<1x112xi32, #tpu.memory_space<vmem>> -> memref<112xi32, #tpu.memory_space<vmem>>
        %dma_start3A_463 = arith.constant 0 : i32
        %dma_start3A_464 = arith.constant 0 : i32
        %dma_start3A_465 = tpu.memref_slice %arg2[%dma_start3A_463, %dma_start3A_464] : memref<10240x128xf32, #tpu.memory_space<hbm>> -> memref<10240x128xf32, #tpu.memory_space<hbm>>
        tpu.enqueue_indirect_dma source(%dma_start3A_465 : memref<10240x128xf32, #tpu.memory_space<hbm>>) target(%arg11 : memref<112x128xf32, #tpu.memory_space<vmem>>) offsets(%dma_start3A_462 : memref<112xi32, #tpu.memory_space<vmem>>) semaphore(%arg19 : memref<!tpu.dma_semaphore, #tpu.memory_space<semaphore_mem>>)
      } else {
      }
      %lt3A_182 = arith.cmpi slt, %add3A_160, %add3A_9 : i32
      %convert_element_type3A_183 = arith.extui %lt3A_182 : i1 to i32
      %cond3A_184 = arith.constant 0 : i32
      %cond3A_185 = arith.cmpi ne, %convert_element_type3A_183, %cond3A_184 : i32
      scf.if %cond3A_185 {
        %dma_wait3A_448 = arith.constant 0 : i32
        %dma_wait3A_449 = arith.constant 0 : i32
        %dma_wait3A_450 = tpu.memref_slice %arg8[%dma_wait3A_448, %dma_wait3A_449] : memref<2x112xi32, #tpu.memory_space<vmem>> -> memref<1x112xi32, #tpu.memory_space<vmem>>
        %dma_wait3A_451 = tpu.memref_squeeze %dma_wait3A_450 : memref<1x112xi32, #tpu.memory_space<vmem>> -> memref<112xi32, #tpu.memory_space<vmem>>
        %dma_wait3A_452 = arith.constant 0 : i32
        %dma_wait3A_453 = arith.constant 0 : i32
        %dma_wait3A_454 = tpu.memref_slice %arg2[%dma_wait3A_452, %dma_wait3A_453] : memref<10240x128xf32, #tpu.memory_space<hbm>> -> memref<10240x128xf32, #tpu.memory_space<hbm>>
        tpu.wait_indirect_dma semaphore(%arg20 : memref<!tpu.dma_semaphore, #tpu.memory_space<semaphore_mem>>) src(%dma_wait3A_454 : memref<10240x128xf32, #tpu.memory_space<hbm>>) dst(%arg12 : memref<112x128xf32, #tpu.memory_space<vmem>>)
        %dma_start3A_455 = arith.constant 1 : i32
        %dma_start3A_456 = arith.constant 0 : i32
        %dma_start3A_457 = tpu.memref_slice %arg8[%dma_start3A_455, %dma_start3A_456] : memref<2x112xi32, #tpu.memory_space<vmem>> -> memref<1x112xi32, #tpu.memory_space<vmem>>
        %dma_start3A_458 = tpu.memref_squeeze %dma_start3A_457 : memref<1x112xi32, #tpu.memory_space<vmem>> -> memref<112xi32, #tpu.memory_space<vmem>>
        %dma_start3A_459 = arith.constant 0 : i32
        %dma_start3A_460 = arith.constant 0 : i32
        %dma_start3A_461 = tpu.memref_slice %arg13[%dma_start3A_459, %dma_start3A_460] : memref<10240x128xf32, #tpu.memory_space<vmem_shared>> -> memref<10240x128xf32, #tpu.memory_space<vmem_shared>>
        tpu.enqueue_indirect_dma source(%arg12 : memref<112x128xf32, #tpu.memory_space<vmem>>) target(%dma_start3A_461 : memref<10240x128xf32, #tpu.memory_space<vmem_shared>>) offsets(%dma_start3A_458 : memref<112xi32, #tpu.memory_space<vmem>>) semaphore(%arg23 : memref<!tpu.dma_semaphore, #tpu.memory_space<semaphore_mem>>) {add = true}
      } else {
      }
      %mul3A_186 = arith.constant 12 : i32
      %mul3A_187 = arith.muli %scan3A_102, %mul3A_186 : i32
      %add3A_188 = arith.constant 3 : i32
      %add3A_189 = arith.addi %mul3A_187, %add3A_188 : i32
      %add3A_190 = arith.constant 2 : i32
      %add3A_191 = arith.addi %add3A_189, %add3A_190 : i32
      %lt3A_192 = arith.cmpi slt, %add3A_191, %add3A_9 : i32
      %ge3A_193 = arith.constant 1 : i32
      %ge3A_194 = arith.cmpi sge, %add3A_189, %ge3A_193 : i32
      %and3A_195 = arith.andi %lt3A_192, %ge3A_194 : i1
      %convert_element_type3A_196 = arith.extui %and3A_195 : i1 to i32
      %cond3A_197 = arith.constant 0 : i32
      %cond3A_198 = arith.cmpi ne, %convert_element_type3A_196, %cond3A_197 : i32
      scf.if %cond3A_198 {
        %dma_wait3A_448 = arith.constant 1 : i32
        %dma_wait3A_449 = arith.constant 0 : i32
        %dma_wait3A_450 = tpu.memref_slice %arg8[%dma_wait3A_448, %dma_wait3A_449] : memref<2x112xi32, #tpu.memory_space<vmem>> -> memref<1x112xi32, #tpu.memory_space<vmem>>
        %dma_wait3A_451 = tpu.memref_squeeze %dma_wait3A_450 : memref<1x112xi32, #tpu.memory_space<vmem>> -> memref<112xi32, #tpu.memory_space<vmem>>
        %dma_wait3A_452 = arith.constant 0 : i32
        %dma_wait3A_453 = arith.constant 0 : i32
        %dma_wait3A_454 = tpu.memref_slice %arg13[%dma_wait3A_452, %dma_wait3A_453] : memref<10240x128xf32, #tpu.memory_space<vmem_shared>> -> memref<10240x128xf32, #tpu.memory_space<vmem_shared>>
        tpu.wait_indirect_dma semaphore(%arg23 : memref<!tpu.dma_semaphore, #tpu.memory_space<semaphore_mem>>) src(%arg12 : memref<112x128xf32, #tpu.memory_space<vmem>>) dst(%dma_wait3A_454 : memref<10240x128xf32, #tpu.memory_space<vmem_shared>>)
      } else {
      }
      %add3A_199 = arith.constant 3 : i32
      %add3A_200 = arith.addi %add3A_189, %add3A_199 : i32
      %lt3A_201 = arith.cmpi slt, %add3A_200, %add3A_9 : i32
      %convert_element_type3A_202 = arith.extui %lt3A_201 : i1 to i32
      %cond3A_203 = arith.constant 0 : i32
      %cond3A_204 = arith.cmpi ne, %convert_element_type3A_202, %cond3A_203 : i32
      scf.if %cond3A_204 {
        %add3A_448 = arith.constant 3 : i32
        %add3A_449 = arith.addi %add3A_189, %add3A_448 : i32
        %add3A_450 = arith.addi %add3A_5, %add3A_449 : i32
        %dma_start3A_451 = arith.constant 0 : i32
        %dma_start3A_452 = arith.constant 0 : i32
        %dma_start3A_453 = tpu.memref_slice %arg3[%add3A_450, %dma_start3A_451, %dma_start3A_452] : memref<2880x2x112xi32, #tpu.memory_space<hbm>> -> memref<1x2x112xi32, #tpu.memory_space<hbm>>
        %dma_start3A_454 = tpu.memref_squeeze %dma_start3A_453 : memref<1x2x112xi32, #tpu.memory_space<hbm>> -> memref<2x112xi32, #tpu.memory_space<hbm>>
        %dma_start3A_455 = arith.constant 0 : i32
        %dma_start3A_456 = arith.constant 0 : i32
        %dma_start3A_457 = tpu.memref_slice %arg3[%add3A_450, %dma_start3A_455, %dma_start3A_456] : memref<2880x2x112xi32, #tpu.memory_space<hbm>> -> memref<1x2x112xi32, #tpu.memory_space<hbm>>
        %dma_start3A_458 = tpu.memref_squeeze %dma_start3A_457 : memref<1x2x112xi32, #tpu.memory_space<hbm>> -> memref<2x112xi32, #tpu.memory_space<hbm>>
        tpu.enqueue_dma source(%dma_start3A_458 : memref<2x112xi32, #tpu.memory_space<hbm>>) target(%arg8 : memref<2x112xi32, #tpu.memory_space<vmem>>) target_semaphore(%arg16 : memref<!tpu.dma_semaphore, #tpu.memory_space<semaphore_mem>>)
      } else {
      }
      %add3A_205 = arith.constant 2 : i32
      %add3A_206 = arith.addi %add3A_189, %add3A_205 : i32
      %lt3A_207 = arith.cmpi slt, %add3A_206, %add3A_9 : i32
      %convert_element_type3A_208 = arith.extui %lt3A_207 : i1 to i32
      %cond3A_209 = arith.constant 0 : i32
      %cond3A_210 = arith.cmpi ne, %convert_element_type3A_208, %cond3A_209 : i32
      scf.if %cond3A_210 {
        %add3A_448 = arith.constant 2 : i32
        %add3A_449 = arith.addi %add3A_189, %add3A_448 : i32
        %add3A_450 = arith.addi %add3A_5, %add3A_449 : i32
        %dma_wait3A_451 = arith.constant 0 : i32
        %dma_wait3A_452 = arith.constant 0 : i32
        %dma_wait3A_453 = tpu.memref_slice %arg3[%add3A_450, %dma_wait3A_451, %dma_wait3A_452] : memref<2880x2x112xi32, #tpu.memory_space<hbm>> -> memref<1x2x112xi32, #tpu.memory_space<hbm>>
        %dma_wait3A_454 = tpu.memref_squeeze %dma_wait3A_453 : memref<1x2x112xi32, #tpu.memory_space<hbm>> -> memref<2x112xi32, #tpu.memory_space<hbm>>
        %dma_wait3A_455 = arith.constant 0 : i32
        %dma_wait3A_456 = arith.constant 0 : i32
        %dma_wait3A_457 = tpu.memref_slice %arg3[%add3A_450, %dma_wait3A_455, %dma_wait3A_456] : memref<2880x2x112xi32, #tpu.memory_space<hbm>> -> memref<1x2x112xi32, #tpu.memory_space<hbm>>
        %dma_wait3A_458 = tpu.memref_squeeze %dma_wait3A_457 : memref<1x2x112xi32, #tpu.memory_space<hbm>> -> memref<2x112xi32, #tpu.memory_space<hbm>>
        tpu.wait_dma2 semaphore(%arg15 : memref<!tpu.dma_semaphore, #tpu.memory_space<semaphore_mem>>) src(%dma_wait3A_458 : memref<2x112xi32, #tpu.memory_space<hbm>>) dst(%arg7 : memref<2x112xi32, #tpu.memory_space<vmem>>)
        %dma_start3A_459 = arith.constant 0 : i32
        %dma_start3A_460 = arith.constant 0 : i32
        %dma_start3A_461 = tpu.memref_slice %arg7[%dma_start3A_459, %dma_start3A_460] : memref<2x112xi32, #tpu.memory_space<vmem>> -> memref<1x112xi32, #tpu.memory_space<vmem>>
        %dma_start3A_462 = tpu.memref_squeeze %dma_start3A_461 : memref<1x112xi32, #tpu.memory_space<vmem>> -> memref<112xi32, #tpu.memory_space<vmem>>
        %dma_start3A_463 = arith.constant 0 : i32
        %dma_start3A_464 = arith.constant 0 : i32
        %dma_start3A_465 = tpu.memref_slice %arg2[%dma_start3A_463, %dma_start3A_464] : memref<10240x128xf32, #tpu.memory_space<hbm>> -> memref<10240x128xf32, #tpu.memory_space<hbm>>
        tpu.enqueue_indirect_dma source(%dma_start3A_465 : memref<10240x128xf32, #tpu.memory_space<hbm>>) target(%arg12 : memref<112x128xf32, #tpu.memory_space<vmem>>) offsets(%dma_start3A_462 : memref<112xi32, #tpu.memory_space<vmem>>) semaphore(%arg20 : memref<!tpu.dma_semaphore, #tpu.memory_space<semaphore_mem>>)
      } else {
      }
      %lt3A_211 = arith.cmpi slt, %add3A_189, %add3A_9 : i32
      %convert_element_type3A_212 = arith.extui %lt3A_211 : i1 to i32
      %cond3A_213 = arith.constant 0 : i32
      %cond3A_214 = arith.cmpi ne, %convert_element_type3A_212, %cond3A_213 : i32
      scf.if %cond3A_214 {
        %dma_wait3A_448 = arith.constant 0 : i32
        %dma_wait3A_449 = arith.constant 0 : i32
        %dma_wait3A_450 = tpu.memref_slice %arg9[%dma_wait3A_448, %dma_wait3A_449] : memref<2x112xi32, #tpu.memory_space<vmem>> -> memref<1x112xi32, #tpu.memory_space<vmem>>
        %dma_wait3A_451 = tpu.memref_squeeze %dma_wait3A_450 : memref<1x112xi32, #tpu.memory_space<vmem>> -> memref<112xi32, #tpu.memory_space<vmem>>
        %dma_wait3A_452 = arith.constant 0 : i32
        %dma_wait3A_453 = arith.constant 0 : i32
        %dma_wait3A_454 = tpu.memref_slice %arg2[%dma_wait3A_452, %dma_wait3A_453] : memref<10240x128xf32, #tpu.memory_space<hbm>> -> memref<10240x128xf32, #tpu.memory_space<hbm>>
        tpu.wait_indirect_dma semaphore(%arg18 : memref<!tpu.dma_semaphore, #tpu.memory_space<semaphore_mem>>) src(%dma_wait3A_454 : memref<10240x128xf32, #tpu.memory_space<hbm>>) dst(%arg10 : memref<112x128xf32, #tpu.memory_space<vmem>>)
        %dma_start3A_455 = arith.constant 1 : i32
        %dma_start3A_456 = arith.constant 0 : i32
        %dma_start3A_457 = tpu.memref_slice %arg9[%dma_start3A_455, %dma_start3A_456] : memref<2x112xi32, #tpu.memory_space<vmem>> -> memref<1x112xi32, #tpu.memory_space<vmem>>
        %dma_start3A_458 = tpu.memref_squeeze %dma_start3A_457 : memref<1x112xi32, #tpu.memory_space<vmem>> -> memref<112xi32, #tpu.memory_space<vmem>>
        %dma_start3A_459 = arith.constant 0 : i32
        %dma_start3A_460 = arith.constant 0 : i32
        %dma_start3A_461 = tpu.memref_slice %arg13[%dma_start3A_459, %dma_start3A_460] : memref<10240x128xf32, #tpu.memory_space<vmem_shared>> -> memref<10240x128xf32, #tpu.memory_space<vmem_shared>>
        tpu.enqueue_indirect_dma source(%arg10 : memref<112x128xf32, #tpu.memory_space<vmem>>) target(%dma_start3A_461 : memref<10240x128xf32, #tpu.memory_space<vmem_shared>>) offsets(%dma_start3A_458 : memref<112xi32, #tpu.memory_space<vmem>>) semaphore(%arg21 : memref<!tpu.dma_semaphore, #tpu.memory_space<semaphore_mem>>) {add = true}
      } else {
      }
      %mul3A_215 = arith.constant 12 : i32
      %mul3A_216 = arith.muli %scan3A_102, %mul3A_215 : i32
      %add3A_217 = arith.constant 4 : i32
      %add3A_218 = arith.addi %mul3A_216, %add3A_217 : i32
      %add3A_219 = arith.constant 2 : i32
      %add3A_220 = arith.addi %add3A_218, %add3A_219 : i32
      %lt3A_221 = arith.cmpi slt, %add3A_220, %add3A_9 : i32
      %ge3A_222 = arith.constant 1 : i32
      %ge3A_223 = arith.cmpi sge, %add3A_218, %ge3A_222 : i32
      %and3A_224 = arith.andi %lt3A_221, %ge3A_223 : i1
      %convert_element_type3A_225 = arith.extui %and3A_224 : i1 to i32
      %cond3A_226 = arith.constant 0 : i32
      %cond3A_227 = arith.cmpi ne, %convert_element_type3A_225, %cond3A_226 : i32
      scf.if %cond3A_227 {
        %dma_wait3A_448 = arith.constant 1 : i32
        %dma_wait3A_449 = arith.constant 0 : i32
        %dma_wait3A_450 = tpu.memref_slice %arg9[%dma_wait3A_448, %dma_wait3A_449] : memref<2x112xi32, #tpu.memory_space<vmem>> -> memref<1x112xi32, #tpu.memory_space<vmem>>
        %dma_wait3A_451 = tpu.memref_squeeze %dma_wait3A_450 : memref<1x112xi32, #tpu.memory_space<vmem>> -> memref<112xi32, #tpu.memory_space<vmem>>
        %dma_wait3A_452 = arith.constant 0 : i32
        %dma_wait3A_453 = arith.constant 0 : i32
        %dma_wait3A_454 = tpu.memref_slice %arg13[%dma_wait3A_452, %dma_wait3A_453] : memref<10240x128xf32, #tpu.memory_space<vmem_shared>> -> memref<10240x128xf32, #tpu.memory_space<vmem_shared>>
        tpu.wait_indirect_dma semaphore(%arg21 : memref<!tpu.dma_semaphore, #tpu.memory_space<semaphore_mem>>) src(%arg10 : memref<112x128xf32, #tpu.memory_space<vmem>>) dst(%dma_wait3A_454 : memref<10240x128xf32, #tpu.memory_space<vmem_shared>>)
      } else {
      }
      %add3A_228 = arith.constant 3 : i32
      %add3A_229 = arith.addi %add3A_218, %add3A_228 : i32
      %lt3A_230 = arith.cmpi slt, %add3A_229, %add3A_9 : i32
      %convert_element_type3A_231 = arith.extui %lt3A_230 : i1 to i32
      %cond3A_232 = arith.constant 0 : i32
      %cond3A_233 = arith.cmpi ne, %convert_element_type3A_231, %cond3A_232 : i32
      scf.if %cond3A_233 {
        %add3A_448 = arith.constant 3 : i32
        %add3A_449 = arith.addi %add3A_218, %add3A_448 : i32
        %add3A_450 = arith.addi %add3A_5, %add3A_449 : i32
        %dma_start3A_451 = arith.constant 0 : i32
        %dma_start3A_452 = arith.constant 0 : i32
        %dma_start3A_453 = tpu.memref_slice %arg3[%add3A_450, %dma_start3A_451, %dma_start3A_452] : memref<2880x2x112xi32, #tpu.memory_space<hbm>> -> memref<1x2x112xi32, #tpu.memory_space<hbm>>
        %dma_start3A_454 = tpu.memref_squeeze %dma_start3A_453 : memref<1x2x112xi32, #tpu.memory_space<hbm>> -> memref<2x112xi32, #tpu.memory_space<hbm>>
        %dma_start3A_455 = arith.constant 0 : i32
        %dma_start3A_456 = arith.constant 0 : i32
        %dma_start3A_457 = tpu.memref_slice %arg3[%add3A_450, %dma_start3A_455, %dma_start3A_456] : memref<2880x2x112xi32, #tpu.memory_space<hbm>> -> memref<1x2x112xi32, #tpu.memory_space<hbm>>
        %dma_start3A_458 = tpu.memref_squeeze %dma_start3A_457 : memref<1x2x112xi32, #tpu.memory_space<hbm>> -> memref<2x112xi32, #tpu.memory_space<hbm>>
        tpu.enqueue_dma source(%dma_start3A_458 : memref<2x112xi32, #tpu.memory_space<hbm>>) target(%arg9 : memref<2x112xi32, #tpu.memory_space<vmem>>) target_semaphore(%arg17 : memref<!tpu.dma_semaphore, #tpu.memory_space<semaphore_mem>>)
      } else {
      }
      %add3A_234 = arith.constant 2 : i32
      %add3A_235 = arith.addi %add3A_218, %add3A_234 : i32
      %lt3A_236 = arith.cmpi slt, %add3A_235, %add3A_9 : i32
      %convert_element_type3A_237 = arith.extui %lt3A_236 : i1 to i32
      %cond3A_238 = arith.constant 0 : i32
      %cond3A_239 = arith.cmpi ne, %convert_element_type3A_237, %cond3A_238 : i32
      scf.if %cond3A_239 {
        %add3A_448 = arith.constant 2 : i32
        %add3A_449 = arith.addi %add3A_218, %add3A_448 : i32
        %add3A_450 = arith.addi %add3A_5, %add3A_449 : i32
        %dma_wait3A_451 = arith.constant 0 : i32
        %dma_wait3A_452 = arith.constant 0 : i32
        %dma_wait3A_453 = tpu.memref_slice %arg3[%add3A_450, %dma_wait3A_451, %dma_wait3A_452] : memref<2880x2x112xi32, #tpu.memory_space<hbm>> -> memref<1x2x112xi32, #tpu.memory_space<hbm>>
        %dma_wait3A_454 = tpu.memref_squeeze %dma_wait3A_453 : memref<1x2x112xi32, #tpu.memory_space<hbm>> -> memref<2x112xi32, #tpu.memory_space<hbm>>
        %dma_wait3A_455 = arith.constant 0 : i32
        %dma_wait3A_456 = arith.constant 0 : i32
        %dma_wait3A_457 = tpu.memref_slice %arg3[%add3A_450, %dma_wait3A_455, %dma_wait3A_456] : memref<2880x2x112xi32, #tpu.memory_space<hbm>> -> memref<1x2x112xi32, #tpu.memory_space<hbm>>
        %dma_wait3A_458 = tpu.memref_squeeze %dma_wait3A_457 : memref<1x2x112xi32, #tpu.memory_space<hbm>> -> memref<2x112xi32, #tpu.memory_space<hbm>>
        tpu.wait_dma2 semaphore(%arg16 : memref<!tpu.dma_semaphore, #tpu.memory_space<semaphore_mem>>) src(%dma_wait3A_458 : memref<2x112xi32, #tpu.memory_space<hbm>>) dst(%arg8 : memref<2x112xi32, #tpu.memory_space<vmem>>)
        %dma_start3A_459 = arith.constant 0 : i32
        %dma_start3A_460 = arith.constant 0 : i32
        %dma_start3A_461 = tpu.memref_slice %arg8[%dma_start3A_459, %dma_start3A_460] : memref<2x112xi32, #tpu.memory_space<vmem>> -> memref<1x112xi32, #tpu.memory_space<vmem>>
        %dma_start3A_462 = tpu.memref_squeeze %dma_start3A_461 : memref<1x112xi32, #tpu.memory_space<vmem>> -> memref<112xi32, #tpu.memory_space<vmem>>
        %dma_start3A_463 = arith.constant 0 : i32
        %dma_start3A_464 = arith.constant 0 : i32
        %dma_start3A_465 = tpu.memref_slice %arg2[%dma_start3A_463, %dma_start3A_464] : memref<10240x128xf32, #tpu.memory_space<hbm>> -> memref<10240x128xf32, #tpu.memory_space<hbm>>
        tpu.enqueue_indirect_dma source(%dma_start3A_465 : memref<10240x128xf32, #tpu.memory_space<hbm>>) target(%arg10 : memref<112x128xf32, #tpu.memory_space<vmem>>) offsets(%dma_start3A_462 : memref<112xi32, #tpu.memory_space<vmem>>) semaphore(%arg18 : memref<!tpu.dma_semaphore, #tpu.memory_space<semaphore_mem>>)
      } else {
      }
      %lt3A_240 = arith.cmpi slt, %add3A_218, %add3A_9 : i32
      %convert_element_type3A_241 = arith.extui %lt3A_240 : i1 to i32
      %cond3A_242 = arith.constant 0 : i32
      %cond3A_243 = arith.cmpi ne, %convert_element_type3A_241, %cond3A_242 : i32
      scf.if %cond3A_243 {
        %dma_wait3A_448 = arith.constant 0 : i32
        %dma_wait3A_449 = arith.constant 0 : i32
        %dma_wait3A_450 = tpu.memref_slice %arg6[%dma_wait3A_448, %dma_wait3A_449] : memref<2x112xi32, #tpu.memory_space<vmem>> -> memref<1x112xi32, #tpu.memory_space<vmem>>
        %dma_wait3A_451 = tpu.memref_squeeze %dma_wait3A_450 : memref<1x112xi32, #tpu.memory_space<vmem>> -> memref<112xi32, #tpu.memory_space<vmem>>
        %dma_wait3A_452 = arith.constant 0 : i32
        %dma_wait3A_453 = arith.constant 0 : i32
        %dma_wait3A_454 = tpu.memref_slice %arg2[%dma_wait3A_452, %dma_wait3A_453] : memref<10240x128xf32, #tpu.memory_space<hbm>> -> memref<10240x128xf32, #tpu.memory_space<hbm>>
        tpu.wait_indirect_dma semaphore(%arg19 : memref<!tpu.dma_semaphore, #tpu.memory_space<semaphore_mem>>) src(%dma_wait3A_454 : memref<10240x128xf32, #tpu.memory_space<hbm>>) dst(%arg11 : memref<112x128xf32, #tpu.memory_space<vmem>>)
        %dma_start3A_455 = arith.constant 1 : i32
        %dma_start3A_456 = arith.constant 0 : i32
        %dma_start3A_457 = tpu.memref_slice %arg6[%dma_start3A_455, %dma_start3A_456] : memref<2x112xi32, #tpu.memory_space<vmem>> -> memref<1x112xi32, #tpu.memory_space<vmem>>
        %dma_start3A_458 = tpu.memref_squeeze %dma_start3A_457 : memref<1x112xi32, #tpu.memory_space<vmem>> -> memref<112xi32, #tpu.memory_space<vmem>>
        %dma_start3A_459 = arith.constant 0 : i32
        %dma_start3A_460 = arith.constant 0 : i32
        %dma_start3A_461 = tpu.memref_slice %arg13[%dma_start3A_459, %dma_start3A_460] : memref<10240x128xf32, #tpu.memory_space<vmem_shared>> -> memref<10240x128xf32, #tpu.memory_space<vmem_shared>>
        tpu.enqueue_indirect_dma source(%arg11 : memref<112x128xf32, #tpu.memory_space<vmem>>) target(%dma_start3A_461 : memref<10240x128xf32, #tpu.memory_space<vmem_shared>>) offsets(%dma_start3A_458 : memref<112xi32, #tpu.memory_space<vmem>>) semaphore(%arg22 : memref<!tpu.dma_semaphore, #tpu.memory_space<semaphore_mem>>) {add = true}
      } else {
      }
      %mul3A_244 = arith.constant 12 : i32
      %mul3A_245 = arith.muli %scan3A_102, %mul3A_244 : i32
      %add3A_246 = arith.constant 5 : i32
      %add3A_247 = arith.addi %mul3A_245, %add3A_246 : i32
      %add3A_248 = arith.constant 2 : i32
      %add3A_249 = arith.addi %add3A_247, %add3A_248 : i32
      %lt3A_250 = arith.cmpi slt, %add3A_249, %add3A_9 : i32
      %ge3A_251 = arith.constant 1 : i32
      %ge3A_252 = arith.cmpi sge, %add3A_247, %ge3A_251 : i32
      %and3A_253 = arith.andi %lt3A_250, %ge3A_252 : i1
      %convert_element_type3A_254 = arith.extui %and3A_253 : i1 to i32
      %cond3A_255 = arith.constant 0 : i32
      %cond3A_256 = arith.cmpi ne, %convert_element_type3A_254, %cond3A_255 : i32
      scf.if %cond3A_256 {
        %dma_wait3A_448 = arith.constant 1 : i32
        %dma_wait3A_449 = arith.constant 0 : i32
        %dma_wait3A_450 = tpu.memref_slice %arg6[%dma_wait3A_448, %dma_wait3A_449] : memref<2x112xi32, #tpu.memory_space<vmem>> -> memref<1x112xi32, #tpu.memory_space<vmem>>
        %dma_wait3A_451 = tpu.memref_squeeze %dma_wait3A_450 : memref<1x112xi32, #tpu.memory_space<vmem>> -> memref<112xi32, #tpu.memory_space<vmem>>
        %dma_wait3A_452 = arith.constant 0 : i32
        %dma_wait3A_453 = arith.constant 0 : i32
        %dma_wait3A_454 = tpu.memref_slice %arg13[%dma_wait3A_452, %dma_wait3A_453] : memref<10240x128xf32, #tpu.memory_space<vmem_shared>> -> memref<10240x128xf32, #tpu.memory_space<vmem_shared>>
        tpu.wait_indirect_dma semaphore(%arg22 : memref<!tpu.dma_semaphore, #tpu.memory_space<semaphore_mem>>) src(%arg11 : memref<112x128xf32, #tpu.memory_space<vmem>>) dst(%dma_wait3A_454 : memref<10240x128xf32, #tpu.memory_space<vmem_shared>>)
      } else {
      }
      %add3A_257 = arith.constant 3 : i32
      %add3A_258 = arith.addi %add3A_247, %add3A_257 : i32
      %lt3A_259 = arith.cmpi slt, %add3A_258, %add3A_9 : i32
      %convert_element_type3A_260 = arith.extui %lt3A_259 : i1 to i32
      %cond3A_261 = arith.constant 0 : i32
      %cond3A_262 = arith.cmpi ne, %convert_element_type3A_260, %cond3A_261 : i32
      scf.if %cond3A_262 {
        %add3A_448 = arith.constant 3 : i32
        %add3A_449 = arith.addi %add3A_247, %add3A_448 : i32
        %add3A_450 = arith.addi %add3A_5, %add3A_449 : i32
        %dma_start3A_451 = arith.constant 0 : i32
        %dma_start3A_452 = arith.constant 0 : i32
        %dma_start3A_453 = tpu.memref_slice %arg3[%add3A_450, %dma_start3A_451, %dma_start3A_452] : memref<2880x2x112xi32, #tpu.memory_space<hbm>> -> memref<1x2x112xi32, #tpu.memory_space<hbm>>
        %dma_start3A_454 = tpu.memref_squeeze %dma_start3A_453 : memref<1x2x112xi32, #tpu.memory_space<hbm>> -> memref<2x112xi32, #tpu.memory_space<hbm>>
        %dma_start3A_455 = arith.constant 0 : i32
        %dma_start3A_456 = arith.constant 0 : i32
        %dma_start3A_457 = tpu.memref_slice %arg3[%add3A_450, %dma_start3A_455, %dma_start3A_456] : memref<2880x2x112xi32, #tpu.memory_space<hbm>> -> memref<1x2x112xi32, #tpu.memory_space<hbm>>
        %dma_start3A_458 = tpu.memref_squeeze %dma_start3A_457 : memref<1x2x112xi32, #tpu.memory_space<hbm>> -> memref<2x112xi32, #tpu.memory_space<hbm>>
        tpu.enqueue_dma source(%dma_start3A_458 : memref<2x112xi32, #tpu.memory_space<hbm>>) target(%arg6 : memref<2x112xi32, #tpu.memory_space<vmem>>) target_semaphore(%arg14 : memref<!tpu.dma_semaphore, #tpu.memory_space<semaphore_mem>>)
      } else {
      }
      %add3A_263 = arith.constant 2 : i32
      %add3A_264 = arith.addi %add3A_247, %add3A_263 : i32
      %lt3A_265 = arith.cmpi slt, %add3A_264, %add3A_9 : i32
      %convert_element_type3A_266 = arith.extui %lt3A_265 : i1 to i32
      %cond3A_267 = arith.constant 0 : i32
      %cond3A_268 = arith.cmpi ne, %convert_element_type3A_266, %cond3A_267 : i32
      scf.if %cond3A_268 {
        %add3A_448 = arith.constant 2 : i32
        %add3A_449 = arith.addi %add3A_247, %add3A_448 : i32
        %add3A_450 = arith.addi %add3A_5, %add3A_449 : i32
        %dma_wait3A_451 = arith.constant 0 : i32
        %dma_wait3A_452 = arith.constant 0 : i32
        %dma_wait3A_453 = tpu.memref_slice %arg3[%add3A_450, %dma_wait3A_451, %dma_wait3A_452] : memref<2880x2x112xi32, #tpu.memory_space<hbm>> -> memref<1x2x112xi32, #tpu.memory_space<hbm>>
        %dma_wait3A_454 = tpu.memref_squeeze %dma_wait3A_453 : memref<1x2x112xi32, #tpu.memory_space<hbm>> -> memref<2x112xi32, #tpu.memory_space<hbm>>
        %dma_wait3A_455 = arith.constant 0 : i32
        %dma_wait3A_456 = arith.constant 0 : i32
        %dma_wait3A_457 = tpu.memref_slice %arg3[%add3A_450, %dma_wait3A_455, %dma_wait3A_456] : memref<2880x2x112xi32, #tpu.memory_space<hbm>> -> memref<1x2x112xi32, #tpu.memory_space<hbm>>
        %dma_wait3A_458 = tpu.memref_squeeze %dma_wait3A_457 : memref<1x2x112xi32, #tpu.memory_space<hbm>> -> memref<2x112xi32, #tpu.memory_space<hbm>>
        tpu.wait_dma2 semaphore(%arg17 : memref<!tpu.dma_semaphore, #tpu.memory_space<semaphore_mem>>) src(%dma_wait3A_458 : memref<2x112xi32, #tpu.memory_space<hbm>>) dst(%arg9 : memref<2x112xi32, #tpu.memory_space<vmem>>)
        %dma_start3A_459 = arith.constant 0 : i32
        %dma_start3A_460 = arith.constant 0 : i32
        %dma_start3A_461 = tpu.memref_slice %arg9[%dma_start3A_459, %dma_start3A_460] : memref<2x112xi32, #tpu.memory_space<vmem>> -> memref<1x112xi32, #tpu.memory_space<vmem>>
        %dma_start3A_462 = tpu.memref_squeeze %dma_start3A_461 : memref<1x112xi32, #tpu.memory_space<vmem>> -> memref<112xi32, #tpu.memory_space<vmem>>
        %dma_start3A_463 = arith.constant 0 : i32
        %dma_start3A_464 = arith.constant 0 : i32
        %dma_start3A_465 = tpu.memref_slice %arg2[%dma_start3A_463, %dma_start3A_464] : memref<10240x128xf32, #tpu.memory_space<hbm>> -> memref<10240x128xf32, #tpu.memory_space<hbm>>
        tpu.enqueue_indirect_dma source(%dma_start3A_465 : memref<10240x128xf32, #tpu.memory_space<hbm>>) target(%arg11 : memref<112x128xf32, #tpu.memory_space<vmem>>) offsets(%dma_start3A_462 : memref<112xi32, #tpu.memory_space<vmem>>) semaphore(%arg19 : memref<!tpu.dma_semaphore, #tpu.memory_space<semaphore_mem>>)
      } else {
      }
      %lt3A_269 = arith.cmpi slt, %add3A_247, %add3A_9 : i32
      %convert_element_type3A_270 = arith.extui %lt3A_269 : i1 to i32
      %cond3A_271 = arith.constant 0 : i32
      %cond3A_272 = arith.cmpi ne, %convert_element_type3A_270, %cond3A_271 : i32
      scf.if %cond3A_272 {
        %dma_wait3A_448 = arith.constant 0 : i32
        %dma_wait3A_449 = arith.constant 0 : i32
        %dma_wait3A_450 = tpu.memref_slice %arg7[%dma_wait3A_448, %dma_wait3A_449] : memref<2x112xi32, #tpu.memory_space<vmem>> -> memref<1x112xi32, #tpu.memory_space<vmem>>
        %dma_wait3A_451 = tpu.memref_squeeze %dma_wait3A_450 : memref<1x112xi32, #tpu.memory_space<vmem>> -> memref<112xi32, #tpu.memory_space<vmem>>
        %dma_wait3A_452 = arith.constant 0 : i32
        %dma_wait3A_453 = arith.constant 0 : i32
        %dma_wait3A_454 = tpu.memref_slice %arg2[%dma_wait3A_452, %dma_wait3A_453] : memref<10240x128xf32, #tpu.memory_space<hbm>> -> memref<10240x128xf32, #tpu.memory_space<hbm>>
        tpu.wait_indirect_dma semaphore(%arg20 : memref<!tpu.dma_semaphore, #tpu.memory_space<semaphore_mem>>) src(%dma_wait3A_454 : memref<10240x128xf32, #tpu.memory_space<hbm>>) dst(%arg12 : memref<112x128xf32, #tpu.memory_space<vmem>>)
        %dma_start3A_455 = arith.constant 1 : i32
        %dma_start3A_456 = arith.constant 0 : i32
        %dma_start3A_457 = tpu.memref_slice %arg7[%dma_start3A_455, %dma_start3A_456] : memref<2x112xi32, #tpu.memory_space<vmem>> -> memref<1x112xi32, #tpu.memory_space<vmem>>
        %dma_start3A_458 = tpu.memref_squeeze %dma_start3A_457 : memref<1x112xi32, #tpu.memory_space<vmem>> -> memref<112xi32, #tpu.memory_space<vmem>>
        %dma_start3A_459 = arith.constant 0 : i32
        %dma_start3A_460 = arith.constant 0 : i32
        %dma_start3A_461 = tpu.memref_slice %arg13[%dma_start3A_459, %dma_start3A_460] : memref<10240x128xf32, #tpu.memory_space<vmem_shared>> -> memref<10240x128xf32, #tpu.memory_space<vmem_shared>>
        tpu.enqueue_indirect_dma source(%arg12 : memref<112x128xf32, #tpu.memory_space<vmem>>) target(%dma_start3A_461 : memref<10240x128xf32, #tpu.memory_space<vmem_shared>>) offsets(%dma_start3A_458 : memref<112xi32, #tpu.memory_space<vmem>>) semaphore(%arg23 : memref<!tpu.dma_semaphore, #tpu.memory_space<semaphore_mem>>) {add = true}
      } else {
      }
      %mul3A_273 = arith.constant 12 : i32
      %mul3A_274 = arith.muli %scan3A_102, %mul3A_273 : i32
      %add3A_275 = arith.constant 6 : i32
      %add3A_276 = arith.addi %mul3A_274, %add3A_275 : i32
      %add3A_277 = arith.constant 2 : i32
      %add3A_278 = arith.addi %add3A_276, %add3A_277 : i32
      %lt3A_279 = arith.cmpi slt, %add3A_278, %add3A_9 : i32
      %ge3A_280 = arith.constant 1 : i32
      %ge3A_281 = arith.cmpi sge, %add3A_276, %ge3A_280 : i32
      %and3A_282 = arith.andi %lt3A_279, %ge3A_281 : i1
      %convert_element_type3A_283 = arith.extui %and3A_282 : i1 to i32
      %cond3A_284 = arith.constant 0 : i32
      %cond3A_285 = arith.cmpi ne, %convert_element_type3A_283, %cond3A_284 : i32
      scf.if %cond3A_285 {
        %dma_wait3A_448 = arith.constant 1 : i32
        %dma_wait3A_449 = arith.constant 0 : i32
        %dma_wait3A_450 = tpu.memref_slice %arg7[%dma_wait3A_448, %dma_wait3A_449] : memref<2x112xi32, #tpu.memory_space<vmem>> -> memref<1x112xi32, #tpu.memory_space<vmem>>
        %dma_wait3A_451 = tpu.memref_squeeze %dma_wait3A_450 : memref<1x112xi32, #tpu.memory_space<vmem>> -> memref<112xi32, #tpu.memory_space<vmem>>
        %dma_wait3A_452 = arith.constant 0 : i32
        %dma_wait3A_453 = arith.constant 0 : i32
        %dma_wait3A_454 = tpu.memref_slice %arg13[%dma_wait3A_452, %dma_wait3A_453] : memref<10240x128xf32, #tpu.memory_space<vmem_shared>> -> memref<10240x128xf32, #tpu.memory_space<vmem_shared>>
        tpu.wait_indirect_dma semaphore(%arg23 : memref<!tpu.dma_semaphore, #tpu.memory_space<semaphore_mem>>) src(%arg12 : memref<112x128xf32, #tpu.memory_space<vmem>>) dst(%dma_wait3A_454 : memref<10240x128xf32, #tpu.memory_space<vmem_shared>>)
      } else {
      }
      %add3A_286 = arith.constant 3 : i32
      %add3A_287 = arith.addi %add3A_276, %add3A_286 : i32
      %lt3A_288 = arith.cmpi slt, %add3A_287, %add3A_9 : i32
      %convert_element_type3A_289 = arith.extui %lt3A_288 : i1 to i32
      %cond3A_290 = arith.constant 0 : i32
      %cond3A_291 = arith.cmpi ne, %convert_element_type3A_289, %cond3A_290 : i32
      scf.if %cond3A_291 {
        %add3A_448 = arith.constant 3 : i32
        %add3A_449 = arith.addi %add3A_276, %add3A_448 : i32
        %add3A_450 = arith.addi %add3A_5, %add3A_449 : i32
        %dma_start3A_451 = arith.constant 0 : i32
        %dma_start3A_452 = arith.constant 0 : i32
        %dma_start3A_453 = tpu.memref_slice %arg3[%add3A_450, %dma_start3A_451, %dma_start3A_452] : memref<2880x2x112xi32, #tpu.memory_space<hbm>> -> memref<1x2x112xi32, #tpu.memory_space<hbm>>
        %dma_start3A_454 = tpu.memref_squeeze %dma_start3A_453 : memref<1x2x112xi32, #tpu.memory_space<hbm>> -> memref<2x112xi32, #tpu.memory_space<hbm>>
        %dma_start3A_455 = arith.constant 0 : i32
        %dma_start3A_456 = arith.constant 0 : i32
        %dma_start3A_457 = tpu.memref_slice %arg3[%add3A_450, %dma_start3A_455, %dma_start3A_456] : memref<2880x2x112xi32, #tpu.memory_space<hbm>> -> memref<1x2x112xi32, #tpu.memory_space<hbm>>
        %dma_start3A_458 = tpu.memref_squeeze %dma_start3A_457 : memref<1x2x112xi32, #tpu.memory_space<hbm>> -> memref<2x112xi32, #tpu.memory_space<hbm>>
        tpu.enqueue_dma source(%dma_start3A_458 : memref<2x112xi32, #tpu.memory_space<hbm>>) target(%arg7 : memref<2x112xi32, #tpu.memory_space<vmem>>) target_semaphore(%arg15 : memref<!tpu.dma_semaphore, #tpu.memory_space<semaphore_mem>>)
      } else {
      }
      %add3A_292 = arith.constant 2 : i32
      %add3A_293 = arith.addi %add3A_276, %add3A_292 : i32
      %lt3A_294 = arith.cmpi slt, %add3A_293, %add3A_9 : i32
      %convert_element_type3A_295 = arith.extui %lt3A_294 : i1 to i32
      %cond3A_296 = arith.constant 0 : i32
      %cond3A_297 = arith.cmpi ne, %convert_element_type3A_295, %cond3A_296 : i32
      scf.if %cond3A_297 {
        %add3A_448 = arith.constant 2 : i32
        %add3A_449 = arith.addi %add3A_276, %add3A_448 : i32
        %add3A_450 = arith.addi %add3A_5, %add3A_449 : i32
        %dma_wait3A_451 = arith.constant 0 : i32
        %dma_wait3A_452 = arith.constant 0 : i32
        %dma_wait3A_453 = tpu.memref_slice %arg3[%add3A_450, %dma_wait3A_451, %dma_wait3A_452] : memref<2880x2x112xi32, #tpu.memory_space<hbm>> -> memref<1x2x112xi32, #tpu.memory_space<hbm>>
        %dma_wait3A_454 = tpu.memref_squeeze %dma_wait3A_453 : memref<1x2x112xi32, #tpu.memory_space<hbm>> -> memref<2x112xi32, #tpu.memory_space<hbm>>
        %dma_wait3A_455 = arith.constant 0 : i32
        %dma_wait3A_456 = arith.constant 0 : i32
        %dma_wait3A_457 = tpu.memref_slice %arg3[%add3A_450, %dma_wait3A_455, %dma_wait3A_456] : memref<2880x2x112xi32, #tpu.memory_space<hbm>> -> memref<1x2x112xi32, #tpu.memory_space<hbm>>
        %dma_wait3A_458 = tpu.memref_squeeze %dma_wait3A_457 : memref<1x2x112xi32, #tpu.memory_space<hbm>> -> memref<2x112xi32, #tpu.memory_space<hbm>>
        tpu.wait_dma2 semaphore(%arg14 : memref<!tpu.dma_semaphore, #tpu.memory_space<semaphore_mem>>) src(%dma_wait3A_458 : memref<2x112xi32, #tpu.memory_space<hbm>>) dst(%arg6 : memref<2x112xi32, #tpu.memory_space<vmem>>)
        %dma_start3A_459 = arith.constant 0 : i32
        %dma_start3A_460 = arith.constant 0 : i32
        %dma_start3A_461 = tpu.memref_slice %arg6[%dma_start3A_459, %dma_start3A_460] : memref<2x112xi32, #tpu.memory_space<vmem>> -> memref<1x112xi32, #tpu.memory_space<vmem>>
        %dma_start3A_462 = tpu.memref_squeeze %dma_start3A_461 : memref<1x112xi32, #tpu.memory_space<vmem>> -> memref<112xi32, #tpu.memory_space<vmem>>
        %dma_start3A_463 = arith.constant 0 : i32
        %dma_start3A_464 = arith.constant 0 : i32
        %dma_start3A_465 = tpu.memref_slice %arg2[%dma_start3A_463, %dma_start3A_464] : memref<10240x128xf32, #tpu.memory_space<hbm>> -> memref<10240x128xf32, #tpu.memory_space<hbm>>
        tpu.enqueue_indirect_dma source(%dma_start3A_465 : memref<10240x128xf32, #tpu.memory_space<hbm>>) target(%arg12 : memref<112x128xf32, #tpu.memory_space<vmem>>) offsets(%dma_start3A_462 : memref<112xi32, #tpu.memory_space<vmem>>) semaphore(%arg20 : memref<!tpu.dma_semaphore, #tpu.memory_space<semaphore_mem>>)
      } else {
      }
      %lt3A_298 = arith.cmpi slt, %add3A_276, %add3A_9 : i32
      %convert_element_type3A_299 = arith.extui %lt3A_298 : i1 to i32
      %cond3A_300 = arith.constant 0 : i32
      %cond3A_301 = arith.cmpi ne, %convert_element_type3A_299, %cond3A_300 : i32
      scf.if %cond3A_301 {
        %dma_wait3A_448 = arith.constant 0 : i32
        %dma_wait3A_449 = arith.constant 0 : i32
        %dma_wait3A_450 = tpu.memref_slice %arg8[%dma_wait3A_448, %dma_wait3A_449] : memref<2x112xi32, #tpu.memory_space<vmem>> -> memref<1x112xi32, #tpu.memory_space<vmem>>
        %dma_wait3A_451 = tpu.memref_squeeze %dma_wait3A_450 : memref<1x112xi32, #tpu.memory_space<vmem>> -> memref<112xi32, #tpu.memory_space<vmem>>
        %dma_wait3A_452 = arith.constant 0 : i32
        %dma_wait3A_453 = arith.constant 0 : i32
        %dma_wait3A_454 = tpu.memref_slice %arg2[%dma_wait3A_452, %dma_wait3A_453] : memref<10240x128xf32, #tpu.memory_space<hbm>> -> memref<10240x128xf32, #tpu.memory_space<hbm>>
        tpu.wait_indirect_dma semaphore(%arg18 : memref<!tpu.dma_semaphore, #tpu.memory_space<semaphore_mem>>) src(%dma_wait3A_454 : memref<10240x128xf32, #tpu.memory_space<hbm>>) dst(%arg10 : memref<112x128xf32, #tpu.memory_space<vmem>>)
        %dma_start3A_455 = arith.constant 1 : i32
        %dma_start3A_456 = arith.constant 0 : i32
        %dma_start3A_457 = tpu.memref_slice %arg8[%dma_start3A_455, %dma_start3A_456] : memref<2x112xi32, #tpu.memory_space<vmem>> -> memref<1x112xi32, #tpu.memory_space<vmem>>
        %dma_start3A_458 = tpu.memref_squeeze %dma_start3A_457 : memref<1x112xi32, #tpu.memory_space<vmem>> -> memref<112xi32, #tpu.memory_space<vmem>>
        %dma_start3A_459 = arith.constant 0 : i32
        %dma_start3A_460 = arith.constant 0 : i32
        %dma_start3A_461 = tpu.memref_slice %arg13[%dma_start3A_459, %dma_start3A_460] : memref<10240x128xf32, #tpu.memory_space<vmem_shared>> -> memref<10240x128xf32, #tpu.memory_space<vmem_shared>>
        tpu.enqueue_indirect_dma source(%arg10 : memref<112x128xf32, #tpu.memory_space<vmem>>) target(%dma_start3A_461 : memref<10240x128xf32, #tpu.memory_space<vmem_shared>>) offsets(%dma_start3A_458 : memref<112xi32, #tpu.memory_space<vmem>>) semaphore(%arg21 : memref<!tpu.dma_semaphore, #tpu.memory_space<semaphore_mem>>) {add = true}
      } else {
      }
      %mul3A_302 = arith.constant 12 : i32
      %mul3A_303 = arith.muli %scan3A_102, %mul3A_302 : i32
      %add3A_304 = arith.constant 7 : i32
      %add3A_305 = arith.addi %mul3A_303, %add3A_304 : i32
      %add3A_306 = arith.constant 2 : i32
      %add3A_307 = arith.addi %add3A_305, %add3A_306 : i32
      %lt3A_308 = arith.cmpi slt, %add3A_307, %add3A_9 : i32
      %ge3A_309 = arith.constant 1 : i32
      %ge3A_310 = arith.cmpi sge, %add3A_305, %ge3A_309 : i32
      %and3A_311 = arith.andi %lt3A_308, %ge3A_310 : i1
      %convert_element_type3A_312 = arith.extui %and3A_311 : i1 to i32
      %cond3A_313 = arith.constant 0 : i32
      %cond3A_314 = arith.cmpi ne, %convert_element_type3A_312, %cond3A_313 : i32
      scf.if %cond3A_314 {
        %dma_wait3A_448 = arith.constant 1 : i32
        %dma_wait3A_449 = arith.constant 0 : i32
        %dma_wait3A_450 = tpu.memref_slice %arg8[%dma_wait3A_448, %dma_wait3A_449] : memref<2x112xi32, #tpu.memory_space<vmem>> -> memref<1x112xi32, #tpu.memory_space<vmem>>
        %dma_wait3A_451 = tpu.memref_squeeze %dma_wait3A_450 : memref<1x112xi32, #tpu.memory_space<vmem>> -> memref<112xi32, #tpu.memory_space<vmem>>
        %dma_wait3A_452 = arith.constant 0 : i32
        %dma_wait3A_453 = arith.constant 0 : i32
        %dma_wait3A_454 = tpu.memref_slice %arg13[%dma_wait3A_452, %dma_wait3A_453] : memref<10240x128xf32, #tpu.memory_space<vmem_shared>> -> memref<10240x128xf32, #tpu.memory_space<vmem_shared>>
        tpu.wait_indirect_dma semaphore(%arg21 : memref<!tpu.dma_semaphore, #tpu.memory_space<semaphore_mem>>) src(%arg10 : memref<112x128xf32, #tpu.memory_space<vmem>>) dst(%dma_wait3A_454 : memref<10240x128xf32, #tpu.memory_space<vmem_shared>>)
      } else {
      }
      %add3A_315 = arith.constant 3 : i32
      %add3A_316 = arith.addi %add3A_305, %add3A_315 : i32
      %lt3A_317 = arith.cmpi slt, %add3A_316, %add3A_9 : i32
      %convert_element_type3A_318 = arith.extui %lt3A_317 : i1 to i32
      %cond3A_319 = arith.constant 0 : i32
      %cond3A_320 = arith.cmpi ne, %convert_element_type3A_318, %cond3A_319 : i32
      scf.if %cond3A_320 {
        %add3A_448 = arith.constant 3 : i32
        %add3A_449 = arith.addi %add3A_305, %add3A_448 : i32
        %add3A_450 = arith.addi %add3A_5, %add3A_449 : i32
        %dma_start3A_451 = arith.constant 0 : i32
        %dma_start3A_452 = arith.constant 0 : i32
        %dma_start3A_453 = tpu.memref_slice %arg3[%add3A_450, %dma_start3A_451, %dma_start3A_452] : memref<2880x2x112xi32, #tpu.memory_space<hbm>> -> memref<1x2x112xi32, #tpu.memory_space<hbm>>
        %dma_start3A_454 = tpu.memref_squeeze %dma_start3A_453 : memref<1x2x112xi32, #tpu.memory_space<hbm>> -> memref<2x112xi32, #tpu.memory_space<hbm>>
        %dma_start3A_455 = arith.constant 0 : i32
        %dma_start3A_456 = arith.constant 0 : i32
        %dma_start3A_457 = tpu.memref_slice %arg3[%add3A_450, %dma_start3A_455, %dma_start3A_456] : memref<2880x2x112xi32, #tpu.memory_space<hbm>> -> memref<1x2x112xi32, #tpu.memory_space<hbm>>
        %dma_start3A_458 = tpu.memref_squeeze %dma_start3A_457 : memref<1x2x112xi32, #tpu.memory_space<hbm>> -> memref<2x112xi32, #tpu.memory_space<hbm>>
        tpu.enqueue_dma source(%dma_start3A_458 : memref<2x112xi32, #tpu.memory_space<hbm>>) target(%arg8 : memref<2x112xi32, #tpu.memory_space<vmem>>) target_semaphore(%arg16 : memref<!tpu.dma_semaphore, #tpu.memory_space<semaphore_mem>>)
      } else {
      }
      %add3A_321 = arith.constant 2 : i32
      %add3A_322 = arith.addi %add3A_305, %add3A_321 : i32
      %lt3A_323 = arith.cmpi slt, %add3A_322, %add3A_9 : i32
      %convert_element_type3A_324 = arith.extui %lt3A_323 : i1 to i32
      %cond3A_325 = arith.constant 0 : i32
      %cond3A_326 = arith.cmpi ne, %convert_element_type3A_324, %cond3A_325 : i32
      scf.if %cond3A_326 {
        %add3A_448 = arith.constant 2 : i32
        %add3A_449 = arith.addi %add3A_305, %add3A_448 : i32
        %add3A_450 = arith.addi %add3A_5, %add3A_449 : i32
        %dma_wait3A_451 = arith.constant 0 : i32
        %dma_wait3A_452 = arith.constant 0 : i32
        %dma_wait3A_453 = tpu.memref_slice %arg3[%add3A_450, %dma_wait3A_451, %dma_wait3A_452] : memref<2880x2x112xi32, #tpu.memory_space<hbm>> -> memref<1x2x112xi32, #tpu.memory_space<hbm>>
        %dma_wait3A_454 = tpu.memref_squeeze %dma_wait3A_453 : memref<1x2x112xi32, #tpu.memory_space<hbm>> -> memref<2x112xi32, #tpu.memory_space<hbm>>
        %dma_wait3A_455 = arith.constant 0 : i32
        %dma_wait3A_456 = arith.constant 0 : i32
        %dma_wait3A_457 = tpu.memref_slice %arg3[%add3A_450, %dma_wait3A_455, %dma_wait3A_456] : memref<2880x2x112xi32, #tpu.memory_space<hbm>> -> memref<1x2x112xi32, #tpu.memory_space<hbm>>
        %dma_wait3A_458 = tpu.memref_squeeze %dma_wait3A_457 : memref<1x2x112xi32, #tpu.memory_space<hbm>> -> memref<2x112xi32, #tpu.memory_space<hbm>>
        tpu.wait_dma2 semaphore(%arg15 : memref<!tpu.dma_semaphore, #tpu.memory_space<semaphore_mem>>) src(%dma_wait3A_458 : memref<2x112xi32, #tpu.memory_space<hbm>>) dst(%arg7 : memref<2x112xi32, #tpu.memory_space<vmem>>)
        %dma_start3A_459 = arith.constant 0 : i32
        %dma_start3A_460 = arith.constant 0 : i32
        %dma_start3A_461 = tpu.memref_slice %arg7[%dma_start3A_459, %dma_start3A_460] : memref<2x112xi32, #tpu.memory_space<vmem>> -> memref<1x112xi32, #tpu.memory_space<vmem>>
        %dma_start3A_462 = tpu.memref_squeeze %dma_start3A_461 : memref<1x112xi32, #tpu.memory_space<vmem>> -> memref<112xi32, #tpu.memory_space<vmem>>
        %dma_start3A_463 = arith.constant 0 : i32
        %dma_start3A_464 = arith.constant 0 : i32
        %dma_start3A_465 = tpu.memref_slice %arg2[%dma_start3A_463, %dma_start3A_464] : memref<10240x128xf32, #tpu.memory_space<hbm>> -> memref<10240x128xf32, #tpu.memory_space<hbm>>
        tpu.enqueue_indirect_dma source(%dma_start3A_465 : memref<10240x128xf32, #tpu.memory_space<hbm>>) target(%arg10 : memref<112x128xf32, #tpu.memory_space<vmem>>) offsets(%dma_start3A_462 : memref<112xi32, #tpu.memory_space<vmem>>) semaphore(%arg18 : memref<!tpu.dma_semaphore, #tpu.memory_space<semaphore_mem>>)
      } else {
      }
      %lt3A_327 = arith.cmpi slt, %add3A_305, %add3A_9 : i32
      %convert_element_type3A_328 = arith.extui %lt3A_327 : i1 to i32
      %cond3A_329 = arith.constant 0 : i32
      %cond3A_330 = arith.cmpi ne, %convert_element_type3A_328, %cond3A_329 : i32
      scf.if %cond3A_330 {
        %dma_wait3A_448 = arith.constant 0 : i32
        %dma_wait3A_449 = arith.constant 0 : i32
        %dma_wait3A_450 = tpu.memref_slice %arg9[%dma_wait3A_448, %dma_wait3A_449] : memref<2x112xi32, #tpu.memory_space<vmem>> -> memref<1x112xi32, #tpu.memory_space<vmem>>
        %dma_wait3A_451 = tpu.memref_squeeze %dma_wait3A_450 : memref<1x112xi32, #tpu.memory_space<vmem>> -> memref<112xi32, #tpu.memory_space<vmem>>
        %dma_wait3A_452 = arith.constant 0 : i32
        %dma_wait3A_453 = arith.constant 0 : i32
        %dma_wait3A_454 = tpu.memref_slice %arg2[%dma_wait3A_452, %dma_wait3A_453] : memref<10240x128xf32, #tpu.memory_space<hbm>> -> memref<10240x128xf32, #tpu.memory_space<hbm>>
        tpu.wait_indirect_dma semaphore(%arg19 : memref<!tpu.dma_semaphore, #tpu.memory_space<semaphore_mem>>) src(%dma_wait3A_454 : memref<10240x128xf32, #tpu.memory_space<hbm>>) dst(%arg11 : memref<112x128xf32, #tpu.memory_space<vmem>>)
        %dma_start3A_455 = arith.constant 1 : i32
        %dma_start3A_456 = arith.constant 0 : i32
        %dma_start3A_457 = tpu.memref_slice %arg9[%dma_start3A_455, %dma_start3A_456] : memref<2x112xi32, #tpu.memory_space<vmem>> -> memref<1x112xi32, #tpu.memory_space<vmem>>
        %dma_start3A_458 = tpu.memref_squeeze %dma_start3A_457 : memref<1x112xi32, #tpu.memory_space<vmem>> -> memref<112xi32, #tpu.memory_space<vmem>>
        %dma_start3A_459 = arith.constant 0 : i32
        %dma_start3A_460 = arith.constant 0 : i32
        %dma_start3A_461 = tpu.memref_slice %arg13[%dma_start3A_459, %dma_start3A_460] : memref<10240x128xf32, #tpu.memory_space<vmem_shared>> -> memref<10240x128xf32, #tpu.memory_space<vmem_shared>>
        tpu.enqueue_indirect_dma source(%arg11 : memref<112x128xf32, #tpu.memory_space<vmem>>) target(%dma_start3A_461 : memref<10240x128xf32, #tpu.memory_space<vmem_shared>>) offsets(%dma_start3A_458 : memref<112xi32, #tpu.memory_space<vmem>>) semaphore(%arg22 : memref<!tpu.dma_semaphore, #tpu.memory_space<semaphore_mem>>) {add = true}
      } else {
      }
      %mul3A_331 = arith.constant 12 : i32
      %mul3A_332 = arith.muli %scan3A_102, %mul3A_331 : i32
      %add3A_333 = arith.constant 8 : i32
      %add3A_334 = arith.addi %mul3A_332, %add3A_333 : i32
      %add3A_335 = arith.constant 2 : i32
      %add3A_336 = arith.addi %add3A_334, %add3A_335 : i32
      %lt3A_337 = arith.cmpi slt, %add3A_336, %add3A_9 : i32
      %ge3A_338 = arith.constant 1 : i32
      %ge3A_339 = arith.cmpi sge, %add3A_334, %ge3A_338 : i32
      %and3A_340 = arith.andi %lt3A_337, %ge3A_339 : i1
      %convert_element_type3A_341 = arith.extui %and3A_340 : i1 to i32
      %cond3A_342 = arith.constant 0 : i32
      %cond3A_343 = arith.cmpi ne, %convert_element_type3A_341, %cond3A_342 : i32
      scf.if %cond3A_343 {
        %dma_wait3A_448 = arith.constant 1 : i32
        %dma_wait3A_449 = arith.constant 0 : i32
        %dma_wait3A_450 = tpu.memref_slice %arg9[%dma_wait3A_448, %dma_wait3A_449] : memref<2x112xi32, #tpu.memory_space<vmem>> -> memref<1x112xi32, #tpu.memory_space<vmem>>
        %dma_wait3A_451 = tpu.memref_squeeze %dma_wait3A_450 : memref<1x112xi32, #tpu.memory_space<vmem>> -> memref<112xi32, #tpu.memory_space<vmem>>
        %dma_wait3A_452 = arith.constant 0 : i32
        %dma_wait3A_453 = arith.constant 0 : i32
        %dma_wait3A_454 = tpu.memref_slice %arg13[%dma_wait3A_452, %dma_wait3A_453] : memref<10240x128xf32, #tpu.memory_space<vmem_shared>> -> memref<10240x128xf32, #tpu.memory_space<vmem_shared>>
        tpu.wait_indirect_dma semaphore(%arg22 : memref<!tpu.dma_semaphore, #tpu.memory_space<semaphore_mem>>) src(%arg11 : memref<112x128xf32, #tpu.memory_space<vmem>>) dst(%dma_wait3A_454 : memref<10240x128xf32, #tpu.memory_space<vmem_shared>>)
      } else {
      }
      %add3A_344 = arith.constant 3 : i32
      %add3A_345 = arith.addi %add3A_334, %add3A_344 : i32
      %lt3A_346 = arith.cmpi slt, %add3A_345, %add3A_9 : i32
      %convert_element_type3A_347 = arith.extui %lt3A_346 : i1 to i32
      %cond3A_348 = arith.constant 0 : i32
      %cond3A_349 = arith.cmpi ne, %convert_element_type3A_347, %cond3A_348 : i32
      scf.if %cond3A_349 {
        %add3A_448 = arith.constant 3 : i32
        %add3A_449 = arith.addi %add3A_334, %add3A_448 : i32
        %add3A_450 = arith.addi %add3A_5, %add3A_449 : i32
        %dma_start3A_451 = arith.constant 0 : i32
        %dma_start3A_452 = arith.constant 0 : i32
        %dma_start3A_453 = tpu.memref_slice %arg3[%add3A_450, %dma_start3A_451, %dma_start3A_452] : memref<2880x2x112xi32, #tpu.memory_space<hbm>> -> memref<1x2x112xi32, #tpu.memory_space<hbm>>
        %dma_start3A_454 = tpu.memref_squeeze %dma_start3A_453 : memref<1x2x112xi32, #tpu.memory_space<hbm>> -> memref<2x112xi32, #tpu.memory_space<hbm>>
        %dma_start3A_455 = arith.constant 0 : i32
        %dma_start3A_456 = arith.constant 0 : i32
        %dma_start3A_457 = tpu.memref_slice %arg3[%add3A_450, %dma_start3A_455, %dma_start3A_456] : memref<2880x2x112xi32, #tpu.memory_space<hbm>> -> memref<1x2x112xi32, #tpu.memory_space<hbm>>
        %dma_start3A_458 = tpu.memref_squeeze %dma_start3A_457 : memref<1x2x112xi32, #tpu.memory_space<hbm>> -> memref<2x112xi32, #tpu.memory_space<hbm>>
        tpu.enqueue_dma source(%dma_start3A_458 : memref<2x112xi32, #tpu.memory_space<hbm>>) target(%arg9 : memref<2x112xi32, #tpu.memory_space<vmem>>) target_semaphore(%arg17 : memref<!tpu.dma_semaphore, #tpu.memory_space<semaphore_mem>>)
      } else {
      }
      %add3A_350 = arith.constant 2 : i32
      %add3A_351 = arith.addi %add3A_334, %add3A_350 : i32
      %lt3A_352 = arith.cmpi slt, %add3A_351, %add3A_9 : i32
      %convert_element_type3A_353 = arith.extui %lt3A_352 : i1 to i32
      %cond3A_354 = arith.constant 0 : i32
      %cond3A_355 = arith.cmpi ne, %convert_element_type3A_353, %cond3A_354 : i32
      scf.if %cond3A_355 {
        %add3A_448 = arith.constant 2 : i32
        %add3A_449 = arith.addi %add3A_334, %add3A_448 : i32
        %add3A_450 = arith.addi %add3A_5, %add3A_449 : i32
        %dma_wait3A_451 = arith.constant 0 : i32
        %dma_wait3A_452 = arith.constant 0 : i32
        %dma_wait3A_453 = tpu.memref_slice %arg3[%add3A_450, %dma_wait3A_451, %dma_wait3A_452] : memref<2880x2x112xi32, #tpu.memory_space<hbm>> -> memref<1x2x112xi32, #tpu.memory_space<hbm>>
        %dma_wait3A_454 = tpu.memref_squeeze %dma_wait3A_453 : memref<1x2x112xi32, #tpu.memory_space<hbm>> -> memref<2x112xi32, #tpu.memory_space<hbm>>
        %dma_wait3A_455 = arith.constant 0 : i32
        %dma_wait3A_456 = arith.constant 0 : i32
        %dma_wait3A_457 = tpu.memref_slice %arg3[%add3A_450, %dma_wait3A_455, %dma_wait3A_456] : memref<2880x2x112xi32, #tpu.memory_space<hbm>> -> memref<1x2x112xi32, #tpu.memory_space<hbm>>
        %dma_wait3A_458 = tpu.memref_squeeze %dma_wait3A_457 : memref<1x2x112xi32, #tpu.memory_space<hbm>> -> memref<2x112xi32, #tpu.memory_space<hbm>>
        tpu.wait_dma2 semaphore(%arg16 : memref<!tpu.dma_semaphore, #tpu.memory_space<semaphore_mem>>) src(%dma_wait3A_458 : memref<2x112xi32, #tpu.memory_space<hbm>>) dst(%arg8 : memref<2x112xi32, #tpu.memory_space<vmem>>)
        %dma_start3A_459 = arith.constant 0 : i32
        %dma_start3A_460 = arith.constant 0 : i32
        %dma_start3A_461 = tpu.memref_slice %arg8[%dma_start3A_459, %dma_start3A_460] : memref<2x112xi32, #tpu.memory_space<vmem>> -> memref<1x112xi32, #tpu.memory_space<vmem>>
        %dma_start3A_462 = tpu.memref_squeeze %dma_start3A_461 : memref<1x112xi32, #tpu.memory_space<vmem>> -> memref<112xi32, #tpu.memory_space<vmem>>
        %dma_start3A_463 = arith.constant 0 : i32
        %dma_start3A_464 = arith.constant 0 : i32
        %dma_start3A_465 = tpu.memref_slice %arg2[%dma_start3A_463, %dma_start3A_464] : memref<10240x128xf32, #tpu.memory_space<hbm>> -> memref<10240x128xf32, #tpu.memory_space<hbm>>
        tpu.enqueue_indirect_dma source(%dma_start3A_465 : memref<10240x128xf32, #tpu.memory_space<hbm>>) target(%arg11 : memref<112x128xf32, #tpu.memory_space<vmem>>) offsets(%dma_start3A_462 : memref<112xi32, #tpu.memory_space<vmem>>) semaphore(%arg19 : memref<!tpu.dma_semaphore, #tpu.memory_space<semaphore_mem>>)
      } else {
      }
      %lt3A_356 = arith.cmpi slt, %add3A_334, %add3A_9 : i32
      %convert_element_type3A_357 = arith.extui %lt3A_356 : i1 to i32
      %cond3A_358 = arith.constant 0 : i32
      %cond3A_359 = arith.cmpi ne, %convert_element_type3A_357, %cond3A_358 : i32
      scf.if %cond3A_359 {
        %dma_wait3A_448 = arith.constant 0 : i32
        %dma_wait3A_449 = arith.constant 0 : i32
        %dma_wait3A_450 = tpu.memref_slice %arg6[%dma_wait3A_448, %dma_wait3A_449] : memref<2x112xi32, #tpu.memory_space<vmem>> -> memref<1x112xi32, #tpu.memory_space<vmem>>
        %dma_wait3A_451 = tpu.memref_squeeze %dma_wait3A_450 : memref<1x112xi32, #tpu.memory_space<vmem>> -> memref<112xi32, #tpu.memory_space<vmem>>
        %dma_wait3A_452 = arith.constant 0 : i32
        %dma_wait3A_453 = arith.constant 0 : i32
        %dma_wait3A_454 = tpu.memref_slice %arg2[%dma_wait3A_452, %dma_wait3A_453] : memref<10240x128xf32, #tpu.memory_space<hbm>> -> memref<10240x128xf32, #tpu.memory_space<hbm>>
        tpu.wait_indirect_dma semaphore(%arg20 : memref<!tpu.dma_semaphore, #tpu.memory_space<semaphore_mem>>) src(%dma_wait3A_454 : memref<10240x128xf32, #tpu.memory_space<hbm>>) dst(%arg12 : memref<112x128xf32, #tpu.memory_space<vmem>>)
        %dma_start3A_455 = arith.constant 1 : i32
        %dma_start3A_456 = arith.constant 0 : i32
        %dma_start3A_457 = tpu.memref_slice %arg6[%dma_start3A_455, %dma_start3A_456] : memref<2x112xi32, #tpu.memory_space<vmem>> -> memref<1x112xi32, #tpu.memory_space<vmem>>
        %dma_start3A_458 = tpu.memref_squeeze %dma_start3A_457 : memref<1x112xi32, #tpu.memory_space<vmem>> -> memref<112xi32, #tpu.memory_space<vmem>>
        %dma_start3A_459 = arith.constant 0 : i32
        %dma_start3A_460 = arith.constant 0 : i32
        %dma_start3A_461 = tpu.memref_slice %arg13[%dma_start3A_459, %dma_start3A_460] : memref<10240x128xf32, #tpu.memory_space<vmem_shared>> -> memref<10240x128xf32, #tpu.memory_space<vmem_shared>>
        tpu.enqueue_indirect_dma source(%arg12 : memref<112x128xf32, #tpu.memory_space<vmem>>) target(%dma_start3A_461 : memref<10240x128xf32, #tpu.memory_space<vmem_shared>>) offsets(%dma_start3A_458 : memref<112xi32, #tpu.memory_space<vmem>>) semaphore(%arg23 : memref<!tpu.dma_semaphore, #tpu.memory_space<semaphore_mem>>) {add = true}
      } else {
      }
      %mul3A_360 = arith.constant 12 : i32
      %mul3A_361 = arith.muli %scan3A_102, %mul3A_360 : i32
      %add3A_362 = arith.constant 9 : i32
      %add3A_363 = arith.addi %mul3A_361, %add3A_362 : i32
      %add3A_364 = arith.constant 2 : i32
      %add3A_365 = arith.addi %add3A_363, %add3A_364 : i32
      %lt3A_366 = arith.cmpi slt, %add3A_365, %add3A_9 : i32
      %ge3A_367 = arith.constant 1 : i32
      %ge3A_368 = arith.cmpi sge, %add3A_363, %ge3A_367 : i32
      %and3A_369 = arith.andi %lt3A_366, %ge3A_368 : i1
      %convert_element_type3A_370 = arith.extui %and3A_369 : i1 to i32
      %cond3A_371 = arith.constant 0 : i32
      %cond3A_372 = arith.cmpi ne, %convert_element_type3A_370, %cond3A_371 : i32
      scf.if %cond3A_372 {
        %dma_wait3A_448 = arith.constant 1 : i32
        %dma_wait3A_449 = arith.constant 0 : i32
        %dma_wait3A_450 = tpu.memref_slice %arg6[%dma_wait3A_448, %dma_wait3A_449] : memref<2x112xi32, #tpu.memory_space<vmem>> -> memref<1x112xi32, #tpu.memory_space<vmem>>
        %dma_wait3A_451 = tpu.memref_squeeze %dma_wait3A_450 : memref<1x112xi32, #tpu.memory_space<vmem>> -> memref<112xi32, #tpu.memory_space<vmem>>
        %dma_wait3A_452 = arith.constant 0 : i32
        %dma_wait3A_453 = arith.constant 0 : i32
        %dma_wait3A_454 = tpu.memref_slice %arg13[%dma_wait3A_452, %dma_wait3A_453] : memref<10240x128xf32, #tpu.memory_space<vmem_shared>> -> memref<10240x128xf32, #tpu.memory_space<vmem_shared>>
        tpu.wait_indirect_dma semaphore(%arg23 : memref<!tpu.dma_semaphore, #tpu.memory_space<semaphore_mem>>) src(%arg12 : memref<112x128xf32, #tpu.memory_space<vmem>>) dst(%dma_wait3A_454 : memref<10240x128xf32, #tpu.memory_space<vmem_shared>>)
      } else {
      }
      %add3A_373 = arith.constant 3 : i32
      %add3A_374 = arith.addi %add3A_363, %add3A_373 : i32
      %lt3A_375 = arith.cmpi slt, %add3A_374, %add3A_9 : i32
      %convert_element_type3A_376 = arith.extui %lt3A_375 : i1 to i32
      %cond3A_377 = arith.constant 0 : i32
      %cond3A_378 = arith.cmpi ne, %convert_element_type3A_376, %cond3A_377 : i32
      scf.if %cond3A_378 {
        %add3A_448 = arith.constant 3 : i32
        %add3A_449 = arith.addi %add3A_363, %add3A_448 : i32
        %add3A_450 = arith.addi %add3A_5, %add3A_449 : i32
        %dma_start3A_451 = arith.constant 0 : i32
        %dma_start3A_452 = arith.constant 0 : i32
        %dma_start3A_453 = tpu.memref_slice %arg3[%add3A_450, %dma_start3A_451, %dma_start3A_452] : memref<2880x2x112xi32, #tpu.memory_space<hbm>> -> memref<1x2x112xi32, #tpu.memory_space<hbm>>
        %dma_start3A_454 = tpu.memref_squeeze %dma_start3A_453 : memref<1x2x112xi32, #tpu.memory_space<hbm>> -> memref<2x112xi32, #tpu.memory_space<hbm>>
        %dma_start3A_455 = arith.constant 0 : i32
        %dma_start3A_456 = arith.constant 0 : i32
        %dma_start3A_457 = tpu.memref_slice %arg3[%add3A_450, %dma_start3A_455, %dma_start3A_456] : memref<2880x2x112xi32, #tpu.memory_space<hbm>> -> memref<1x2x112xi32, #tpu.memory_space<hbm>>
        %dma_start3A_458 = tpu.memref_squeeze %dma_start3A_457 : memref<1x2x112xi32, #tpu.memory_space<hbm>> -> memref<2x112xi32, #tpu.memory_space<hbm>>
        tpu.enqueue_dma source(%dma_start3A_458 : memref<2x112xi32, #tpu.memory_space<hbm>>) target(%arg6 : memref<2x112xi32, #tpu.memory_space<vmem>>) target_semaphore(%arg14 : memref<!tpu.dma_semaphore, #tpu.memory_space<semaphore_mem>>)
      } else {
      }
      %add3A_379 = arith.constant 2 : i32
      %add3A_380 = arith.addi %add3A_363, %add3A_379 : i32
      %lt3A_381 = arith.cmpi slt, %add3A_380, %add3A_9 : i32
      %convert_element_type3A_382 = arith.extui %lt3A_381 : i1 to i32
      %cond3A_383 = arith.constant 0 : i32
      %cond3A_384 = arith.cmpi ne, %convert_element_type3A_382, %cond3A_383 : i32
      scf.if %cond3A_384 {
        %add3A_448 = arith.constant 2 : i32
        %add3A_449 = arith.addi %add3A_363, %add3A_448 : i32
        %add3A_450 = arith.addi %add3A_5, %add3A_449 : i32
        %dma_wait3A_451 = arith.constant 0 : i32
        %dma_wait3A_452 = arith.constant 0 : i32
        %dma_wait3A_453 = tpu.memref_slice %arg3[%add3A_450, %dma_wait3A_451, %dma_wait3A_452] : memref<2880x2x112xi32, #tpu.memory_space<hbm>> -> memref<1x2x112xi32, #tpu.memory_space<hbm>>
        %dma_wait3A_454 = tpu.memref_squeeze %dma_wait3A_453 : memref<1x2x112xi32, #tpu.memory_space<hbm>> -> memref<2x112xi32, #tpu.memory_space<hbm>>
        %dma_wait3A_455 = arith.constant 0 : i32
        %dma_wait3A_456 = arith.constant 0 : i32
        %dma_wait3A_457 = tpu.memref_slice %arg3[%add3A_450, %dma_wait3A_455, %dma_wait3A_456] : memref<2880x2x112xi32, #tpu.memory_space<hbm>> -> memref<1x2x112xi32, #tpu.memory_space<hbm>>
        %dma_wait3A_458 = tpu.memref_squeeze %dma_wait3A_457 : memref<1x2x112xi32, #tpu.memory_space<hbm>> -> memref<2x112xi32, #tpu.memory_space<hbm>>
        tpu.wait_dma2 semaphore(%arg17 : memref<!tpu.dma_semaphore, #tpu.memory_space<semaphore_mem>>) src(%dma_wait3A_458 : memref<2x112xi32, #tpu.memory_space<hbm>>) dst(%arg9 : memref<2x112xi32, #tpu.memory_space<vmem>>)
        %dma_start3A_459 = arith.constant 0 : i32
        %dma_start3A_460 = arith.constant 0 : i32
        %dma_start3A_461 = tpu.memref_slice %arg9[%dma_start3A_459, %dma_start3A_460] : memref<2x112xi32, #tpu.memory_space<vmem>> -> memref<1x112xi32, #tpu.memory_space<vmem>>
        %dma_start3A_462 = tpu.memref_squeeze %dma_start3A_461 : memref<1x112xi32, #tpu.memory_space<vmem>> -> memref<112xi32, #tpu.memory_space<vmem>>
        %dma_start3A_463 = arith.constant 0 : i32
        %dma_start3A_464 = arith.constant 0 : i32
        %dma_start3A_465 = tpu.memref_slice %arg2[%dma_start3A_463, %dma_start3A_464] : memref<10240x128xf32, #tpu.memory_space<hbm>> -> memref<10240x128xf32, #tpu.memory_space<hbm>>
        tpu.enqueue_indirect_dma source(%dma_start3A_465 : memref<10240x128xf32, #tpu.memory_space<hbm>>) target(%arg12 : memref<112x128xf32, #tpu.memory_space<vmem>>) offsets(%dma_start3A_462 : memref<112xi32, #tpu.memory_space<vmem>>) semaphore(%arg20 : memref<!tpu.dma_semaphore, #tpu.memory_space<semaphore_mem>>)
      } else {
      }
      %lt3A_385 = arith.cmpi slt, %add3A_363, %add3A_9 : i32
      %convert_element_type3A_386 = arith.extui %lt3A_385 : i1 to i32
      %cond3A_387 = arith.constant 0 : i32
      %cond3A_388 = arith.cmpi ne, %convert_element_type3A_386, %cond3A_387 : i32
      scf.if %cond3A_388 {
        %dma_wait3A_448 = arith.constant 0 : i32
        %dma_wait3A_449 = arith.constant 0 : i32
        %dma_wait3A_450 = tpu.memref_slice %arg7[%dma_wait3A_448, %dma_wait3A_449] : memref<2x112xi32, #tpu.memory_space<vmem>> -> memref<1x112xi32, #tpu.memory_space<vmem>>
        %dma_wait3A_451 = tpu.memref_squeeze %dma_wait3A_450 : memref<1x112xi32, #tpu.memory_space<vmem>> -> memref<112xi32, #tpu.memory_space<vmem>>
        %dma_wait3A_452 = arith.constant 0 : i32
        %dma_wait3A_453 = arith.constant 0 : i32
        %dma_wait3A_454 = tpu.memref_slice %arg2[%dma_wait3A_452, %dma_wait3A_453] : memref<10240x128xf32, #tpu.memory_space<hbm>> -> memref<10240x128xf32, #tpu.memory_space<hbm>>
        tpu.wait_indirect_dma semaphore(%arg18 : memref<!tpu.dma_semaphore, #tpu.memory_space<semaphore_mem>>) src(%dma_wait3A_454 : memref<10240x128xf32, #tpu.memory_space<hbm>>) dst(%arg10 : memref<112x128xf32, #tpu.memory_space<vmem>>)
        %dma_start3A_455 = arith.constant 1 : i32
        %dma_start3A_456 = arith.constant 0 : i32
        %dma_start3A_457 = tpu.memref_slice %arg7[%dma_start3A_455, %dma_start3A_456] : memref<2x112xi32, #tpu.memory_space<vmem>> -> memref<1x112xi32, #tpu.memory_space<vmem>>
        %dma_start3A_458 = tpu.memref_squeeze %dma_start3A_457 : memref<1x112xi32, #tpu.memory_space<vmem>> -> memref<112xi32, #tpu.memory_space<vmem>>
        %dma_start3A_459 = arith.constant 0 : i32
        %dma_start3A_460 = arith.constant 0 : i32
        %dma_start3A_461 = tpu.memref_slice %arg13[%dma_start3A_459, %dma_start3A_460] : memref<10240x128xf32, #tpu.memory_space<vmem_shared>> -> memref<10240x128xf32, #tpu.memory_space<vmem_shared>>
        tpu.enqueue_indirect_dma source(%arg10 : memref<112x128xf32, #tpu.memory_space<vmem>>) target(%dma_start3A_461 : memref<10240x128xf32, #tpu.memory_space<vmem_shared>>) offsets(%dma_start3A_458 : memref<112xi32, #tpu.memory_space<vmem>>) semaphore(%arg21 : memref<!tpu.dma_semaphore, #tpu.memory_space<semaphore_mem>>) {add = true}
      } else {
      }
      %mul3A_389 = arith.constant 12 : i32
      %mul3A_390 = arith.muli %scan3A_102, %mul3A_389 : i32
      %add3A_391 = arith.constant 10 : i32
      %add3A_392 = arith.addi %mul3A_390, %add3A_391 : i32
      %add3A_393 = arith.constant 2 : i32
      %add3A_394 = arith.addi %add3A_392, %add3A_393 : i32
      %lt3A_395 = arith.cmpi slt, %add3A_394, %add3A_9 : i32
      %ge3A_396 = arith.constant 1 : i32
      %ge3A_397 = arith.cmpi sge, %add3A_392, %ge3A_396 : i32
      %and3A_398 = arith.andi %lt3A_395, %ge3A_397 : i1
      %convert_element_type3A_399 = arith.extui %and3A_398 : i1 to i32
      %cond3A_400 = arith.constant 0 : i32
      %cond3A_401 = arith.cmpi ne, %convert_element_type3A_399, %cond3A_400 : i32
      scf.if %cond3A_401 {
        %dma_wait3A_448 = arith.constant 1 : i32
        %dma_wait3A_449 = arith.constant 0 : i32
        %dma_wait3A_450 = tpu.memref_slice %arg7[%dma_wait3A_448, %dma_wait3A_449] : memref<2x112xi32, #tpu.memory_space<vmem>> -> memref<1x112xi32, #tpu.memory_space<vmem>>
        %dma_wait3A_451 = tpu.memref_squeeze %dma_wait3A_450 : memref<1x112xi32, #tpu.memory_space<vmem>> -> memref<112xi32, #tpu.memory_space<vmem>>
        %dma_wait3A_452 = arith.constant 0 : i32
        %dma_wait3A_453 = arith.constant 0 : i32
        %dma_wait3A_454 = tpu.memref_slice %arg13[%dma_wait3A_452, %dma_wait3A_453] : memref<10240x128xf32, #tpu.memory_space<vmem_shared>> -> memref<10240x128xf32, #tpu.memory_space<vmem_shared>>
        tpu.wait_indirect_dma semaphore(%arg21 : memref<!tpu.dma_semaphore, #tpu.memory_space<semaphore_mem>>) src(%arg10 : memref<112x128xf32, #tpu.memory_space<vmem>>) dst(%dma_wait3A_454 : memref<10240x128xf32, #tpu.memory_space<vmem_shared>>)
      } else {
      }
      %add3A_402 = arith.constant 3 : i32
      %add3A_403 = arith.addi %add3A_392, %add3A_402 : i32
      %lt3A_404 = arith.cmpi slt, %add3A_403, %add3A_9 : i32
      %convert_element_type3A_405 = arith.extui %lt3A_404 : i1 to i32
      %cond3A_406 = arith.constant 0 : i32
      %cond3A_407 = arith.cmpi ne, %convert_element_type3A_405, %cond3A_406 : i32
      scf.if %cond3A_407 {
        %add3A_448 = arith.constant 3 : i32
        %add3A_449 = arith.addi %add3A_392, %add3A_448 : i32
        %add3A_450 = arith.addi %add3A_5, %add3A_449 : i32
        %dma_start3A_451 = arith.constant 0 : i32
        %dma_start3A_452 = arith.constant 0 : i32
        %dma_start3A_453 = tpu.memref_slice %arg3[%add3A_450, %dma_start3A_451, %dma_start3A_452] : memref<2880x2x112xi32, #tpu.memory_space<hbm>> -> memref<1x2x112xi32, #tpu.memory_space<hbm>>
        %dma_start3A_454 = tpu.memref_squeeze %dma_start3A_453 : memref<1x2x112xi32, #tpu.memory_space<hbm>> -> memref<2x112xi32, #tpu.memory_space<hbm>>
        %dma_start3A_455 = arith.constant 0 : i32
        %dma_start3A_456 = arith.constant 0 : i32
        %dma_start3A_457 = tpu.memref_slice %arg3[%add3A_450, %dma_start3A_455, %dma_start3A_456] : memref<2880x2x112xi32, #tpu.memory_space<hbm>> -> memref<1x2x112xi32, #tpu.memory_space<hbm>>
        %dma_start3A_458 = tpu.memref_squeeze %dma_start3A_457 : memref<1x2x112xi32, #tpu.memory_space<hbm>> -> memref<2x112xi32, #tpu.memory_space<hbm>>
        tpu.enqueue_dma source(%dma_start3A_458 : memref<2x112xi32, #tpu.memory_space<hbm>>) target(%arg7 : memref<2x112xi32, #tpu.memory_space<vmem>>) target_semaphore(%arg15 : memref<!tpu.dma_semaphore, #tpu.memory_space<semaphore_mem>>)
      } else {
      }
      %add3A_408 = arith.constant 2 : i32
      %add3A_409 = arith.addi %add3A_392, %add3A_408 : i32
      %lt3A_410 = arith.cmpi slt, %add3A_409, %add3A_9 : i32
      %convert_element_type3A_411 = arith.extui %lt3A_410 : i1 to i32
      %cond3A_412 = arith.constant 0 : i32
      %cond3A_413 = arith.cmpi ne, %convert_element_type3A_411, %cond3A_412 : i32
      scf.if %cond3A_413 {
        %add3A_448 = arith.constant 2 : i32
        %add3A_449 = arith.addi %add3A_392, %add3A_448 : i32
        %add3A_450 = arith.addi %add3A_5, %add3A_449 : i32
        %dma_wait3A_451 = arith.constant 0 : i32
        %dma_wait3A_452 = arith.constant 0 : i32
        %dma_wait3A_453 = tpu.memref_slice %arg3[%add3A_450, %dma_wait3A_451, %dma_wait3A_452] : memref<2880x2x112xi32, #tpu.memory_space<hbm>> -> memref<1x2x112xi32, #tpu.memory_space<hbm>>
        %dma_wait3A_454 = tpu.memref_squeeze %dma_wait3A_453 : memref<1x2x112xi32, #tpu.memory_space<hbm>> -> memref<2x112xi32, #tpu.memory_space<hbm>>
        %dma_wait3A_455 = arith.constant 0 : i32
        %dma_wait3A_456 = arith.constant 0 : i32
        %dma_wait3A_457 = tpu.memref_slice %arg3[%add3A_450, %dma_wait3A_455, %dma_wait3A_456] : memref<2880x2x112xi32, #tpu.memory_space<hbm>> -> memref<1x2x112xi32, #tpu.memory_space<hbm>>
        %dma_wait3A_458 = tpu.memref_squeeze %dma_wait3A_457 : memref<1x2x112xi32, #tpu.memory_space<hbm>> -> memref<2x112xi32, #tpu.memory_space<hbm>>
        tpu.wait_dma2 semaphore(%arg14 : memref<!tpu.dma_semaphore, #tpu.memory_space<semaphore_mem>>) src(%dma_wait3A_458 : memref<2x112xi32, #tpu.memory_space<hbm>>) dst(%arg6 : memref<2x112xi32, #tpu.memory_space<vmem>>)
        %dma_start3A_459 = arith.constant 0 : i32
        %dma_start3A_460 = arith.constant 0 : i32
        %dma_start3A_461 = tpu.memref_slice %arg6[%dma_start3A_459, %dma_start3A_460] : memref<2x112xi32, #tpu.memory_space<vmem>> -> memref<1x112xi32, #tpu.memory_space<vmem>>
        %dma_start3A_462 = tpu.memref_squeeze %dma_start3A_461 : memref<1x112xi32, #tpu.memory_space<vmem>> -> memref<112xi32, #tpu.memory_space<vmem>>
        %dma_start3A_463 = arith.constant 0 : i32
        %dma_start3A_464 = arith.constant 0 : i32
        %dma_start3A_465 = tpu.memref_slice %arg2[%dma_start3A_463, %dma_start3A_464] : memref<10240x128xf32, #tpu.memory_space<hbm>> -> memref<10240x128xf32, #tpu.memory_space<hbm>>
        tpu.enqueue_indirect_dma source(%dma_start3A_465 : memref<10240x128xf32, #tpu.memory_space<hbm>>) target(%arg10 : memref<112x128xf32, #tpu.memory_space<vmem>>) offsets(%dma_start3A_462 : memref<112xi32, #tpu.memory_space<vmem>>) semaphore(%arg18 : memref<!tpu.dma_semaphore, #tpu.memory_space<semaphore_mem>>)
      } else {
      }
      %lt3A_414 = arith.cmpi slt, %add3A_392, %add3A_9 : i32
      %convert_element_type3A_415 = arith.extui %lt3A_414 : i1 to i32
      %cond3A_416 = arith.constant 0 : i32
      %cond3A_417 = arith.cmpi ne, %convert_element_type3A_415, %cond3A_416 : i32
      scf.if %cond3A_417 {
        %dma_wait3A_448 = arith.constant 0 : i32
        %dma_wait3A_449 = arith.constant 0 : i32
        %dma_wait3A_450 = tpu.memref_slice %arg8[%dma_wait3A_448, %dma_wait3A_449] : memref<2x112xi32, #tpu.memory_space<vmem>> -> memref<1x112xi32, #tpu.memory_space<vmem>>
        %dma_wait3A_451 = tpu.memref_squeeze %dma_wait3A_450 : memref<1x112xi32, #tpu.memory_space<vmem>> -> memref<112xi32, #tpu.memory_space<vmem>>
        %dma_wait3A_452 = arith.constant 0 : i32
        %dma_wait3A_453 = arith.constant 0 : i32
        %dma_wait3A_454 = tpu.memref_slice %arg2[%dma_wait3A_452, %dma_wait3A_453] : memref<10240x128xf32, #tpu.memory_space<hbm>> -> memref<10240x128xf32, #tpu.memory_space<hbm>>
        tpu.wait_indirect_dma semaphore(%arg19 : memref<!tpu.dma_semaphore, #tpu.memory_space<semaphore_mem>>) src(%dma_wait3A_454 : memref<10240x128xf32, #tpu.memory_space<hbm>>) dst(%arg11 : memref<112x128xf32, #tpu.memory_space<vmem>>)
        %dma_start3A_455 = arith.constant 1 : i32
        %dma_start3A_456 = arith.constant 0 : i32
        %dma_start3A_457 = tpu.memref_slice %arg8[%dma_start3A_455, %dma_start3A_456] : memref<2x112xi32, #tpu.memory_space<vmem>> -> memref<1x112xi32, #tpu.memory_space<vmem>>
        %dma_start3A_458 = tpu.memref_squeeze %dma_start3A_457 : memref<1x112xi32, #tpu.memory_space<vmem>> -> memref<112xi32, #tpu.memory_space<vmem>>
        %dma_start3A_459 = arith.constant 0 : i32
        %dma_start3A_460 = arith.constant 0 : i32
        %dma_start3A_461 = tpu.memref_slice %arg13[%dma_start3A_459, %dma_start3A_460] : memref<10240x128xf32, #tpu.memory_space<vmem_shared>> -> memref<10240x128xf32, #tpu.memory_space<vmem_shared>>
        tpu.enqueue_indirect_dma source(%arg11 : memref<112x128xf32, #tpu.memory_space<vmem>>) target(%dma_start3A_461 : memref<10240x128xf32, #tpu.memory_space<vmem_shared>>) offsets(%dma_start3A_458 : memref<112xi32, #tpu.memory_space<vmem>>) semaphore(%arg22 : memref<!tpu.dma_semaphore, #tpu.memory_space<semaphore_mem>>) {add = true}
      } else {
      }
      %mul3A_418 = arith.constant 12 : i32
      %mul3A_419 = arith.muli %scan3A_102, %mul3A_418 : i32
      %add3A_420 = arith.constant 11 : i32
      %add3A_421 = arith.addi %mul3A_419, %add3A_420 : i32
      %add3A_422 = arith.constant 2 : i32
      %add3A_423 = arith.addi %add3A_421, %add3A_422 : i32
      %lt3A_424 = arith.cmpi slt, %add3A_423, %add3A_9 : i32
      %ge3A_425 = arith.constant 1 : i32
      %ge3A_426 = arith.cmpi sge, %add3A_421, %ge3A_425 : i32
      %and3A_427 = arith.andi %lt3A_424, %ge3A_426 : i1
      %convert_element_type3A_428 = arith.extui %and3A_427 : i1 to i32
      %cond3A_429 = arith.constant 0 : i32
      %cond3A_430 = arith.cmpi ne, %convert_element_type3A_428, %cond3A_429 : i32
      scf.if %cond3A_430 {
        %dma_wait3A_448 = arith.constant 1 : i32
        %dma_wait3A_449 = arith.constant 0 : i32
        %dma_wait3A_450 = tpu.memref_slice %arg8[%dma_wait3A_448, %dma_wait3A_449] : memref<2x112xi32, #tpu.memory_space<vmem>> -> memref<1x112xi32, #tpu.memory_space<vmem>>
        %dma_wait3A_451 = tpu.memref_squeeze %dma_wait3A_450 : memref<1x112xi32, #tpu.memory_space<vmem>> -> memref<112xi32, #tpu.memory_space<vmem>>
        %dma_wait3A_452 = arith.constant 0 : i32
        %dma_wait3A_453 = arith.constant 0 : i32
        %dma_wait3A_454 = tpu.memref_slice %arg13[%dma_wait3A_452, %dma_wait3A_453] : memref<10240x128xf32, #tpu.memory_space<vmem_shared>> -> memref<10240x128xf32, #tpu.memory_space<vmem_shared>>
        tpu.wait_indirect_dma semaphore(%arg22 : memref<!tpu.dma_semaphore, #tpu.memory_space<semaphore_mem>>) src(%arg11 : memref<112x128xf32, #tpu.memory_space<vmem>>) dst(%dma_wait3A_454 : memref<10240x128xf32, #tpu.memory_space<vmem_shared>>)
      } else {
      }
      %add3A_431 = arith.constant 3 : i32
      %add3A_432 = arith.addi %add3A_421, %add3A_431 : i32
      %lt3A_433 = arith.cmpi slt, %add3A_432, %add3A_9 : i32
      %convert_element_type3A_434 = arith.extui %lt3A_433 : i1 to i32
      %cond3A_435 = arith.constant 0 : i32
      %cond3A_436 = arith.cmpi ne, %convert_element_type3A_434, %cond3A_435 : i32
      scf.if %cond3A_436 {
        %add3A_448 = arith.constant 3 : i32
        %add3A_449 = arith.addi %add3A_421, %add3A_448 : i32
        %add3A_450 = arith.addi %add3A_5, %add3A_449 : i32
        %dma_start3A_451 = arith.constant 0 : i32
        %dma_start3A_452 = arith.constant 0 : i32
        %dma_start3A_453 = tpu.memref_slice %arg3[%add3A_450, %dma_start3A_451, %dma_start3A_452] : memref<2880x2x112xi32, #tpu.memory_space<hbm>> -> memref<1x2x112xi32, #tpu.memory_space<hbm>>
        %dma_start3A_454 = tpu.memref_squeeze %dma_start3A_453 : memref<1x2x112xi32, #tpu.memory_space<hbm>> -> memref<2x112xi32, #tpu.memory_space<hbm>>
        %dma_start3A_455 = arith.constant 0 : i32
        %dma_start3A_456 = arith.constant 0 : i32
        %dma_start3A_457 = tpu.memref_slice %arg3[%add3A_450, %dma_start3A_455, %dma_start3A_456] : memref<2880x2x112xi32, #tpu.memory_space<hbm>> -> memref<1x2x112xi32, #tpu.memory_space<hbm>>
        %dma_start3A_458 = tpu.memref_squeeze %dma_start3A_457 : memref<1x2x112xi32, #tpu.memory_space<hbm>> -> memref<2x112xi32, #tpu.memory_space<hbm>>
        tpu.enqueue_dma source(%dma_start3A_458 : memref<2x112xi32, #tpu.memory_space<hbm>>) target(%arg8 : memref<2x112xi32, #tpu.memory_space<vmem>>) target_semaphore(%arg16 : memref<!tpu.dma_semaphore, #tpu.memory_space<semaphore_mem>>)
      } else {
      }
      %add3A_437 = arith.constant 2 : i32
      %add3A_438 = arith.addi %add3A_421, %add3A_437 : i32
      %lt3A_439 = arith.cmpi slt, %add3A_438, %add3A_9 : i32
      %convert_element_type3A_440 = arith.extui %lt3A_439 : i1 to i32
      %cond3A_441 = arith.constant 0 : i32
      %cond3A_442 = arith.cmpi ne, %convert_element_type3A_440, %cond3A_441 : i32
      scf.if %cond3A_442 {
        %add3A_448 = arith.constant 2 : i32
        %add3A_449 = arith.addi %add3A_421, %add3A_448 : i32
        %add3A_450 = arith.addi %add3A_5, %add3A_449 : i32
        %dma_wait3A_451 = arith.constant 0 : i32
        %dma_wait3A_452 = arith.constant 0 : i32
        %dma_wait3A_453 = tpu.memref_slice %arg3[%add3A_450, %dma_wait3A_451, %dma_wait3A_452] : memref<2880x2x112xi32, #tpu.memory_space<hbm>> -> memref<1x2x112xi32, #tpu.memory_space<hbm>>
        %dma_wait3A_454 = tpu.memref_squeeze %dma_wait3A_453 : memref<1x2x112xi32, #tpu.memory_space<hbm>> -> memref<2x112xi32, #tpu.memory_space<hbm>>
        %dma_wait3A_455 = arith.constant 0 : i32
        %dma_wait3A_456 = arith.constant 0 : i32
        %dma_wait3A_457 = tpu.memref_slice %arg3[%add3A_450, %dma_wait3A_455, %dma_wait3A_456] : memref<2880x2x112xi32, #tpu.memory_space<hbm>> -> memref<1x2x112xi32, #tpu.memory_space<hbm>>
        %dma_wait3A_458 = tpu.memref_squeeze %dma_wait3A_457 : memref<1x2x112xi32, #tpu.memory_space<hbm>> -> memref<2x112xi32, #tpu.memory_space<hbm>>
        tpu.wait_dma2 semaphore(%arg15 : memref<!tpu.dma_semaphore, #tpu.memory_space<semaphore_mem>>) src(%dma_wait3A_458 : memref<2x112xi32, #tpu.memory_space<hbm>>) dst(%arg7 : memref<2x112xi32, #tpu.memory_space<vmem>>)
        %dma_start3A_459 = arith.constant 0 : i32
        %dma_start3A_460 = arith.constant 0 : i32
        %dma_start3A_461 = tpu.memref_slice %arg7[%dma_start3A_459, %dma_start3A_460] : memref<2x112xi32, #tpu.memory_space<vmem>> -> memref<1x112xi32, #tpu.memory_space<vmem>>
        %dma_start3A_462 = tpu.memref_squeeze %dma_start3A_461 : memref<1x112xi32, #tpu.memory_space<vmem>> -> memref<112xi32, #tpu.memory_space<vmem>>
        %dma_start3A_463 = arith.constant 0 : i32
        %dma_start3A_464 = arith.constant 0 : i32
        %dma_start3A_465 = tpu.memref_slice %arg2[%dma_start3A_463, %dma_start3A_464] : memref<10240x128xf32, #tpu.memory_space<hbm>> -> memref<10240x128xf32, #tpu.memory_space<hbm>>
        tpu.enqueue_indirect_dma source(%dma_start3A_465 : memref<10240x128xf32, #tpu.memory_space<hbm>>) target(%arg11 : memref<112x128xf32, #tpu.memory_space<vmem>>) offsets(%dma_start3A_462 : memref<112xi32, #tpu.memory_space<vmem>>) semaphore(%arg19 : memref<!tpu.dma_semaphore, #tpu.memory_space<semaphore_mem>>)
      } else {
      }
      %lt3A_443 = arith.cmpi slt, %add3A_421, %add3A_9 : i32
      %convert_element_type3A_444 = arith.extui %lt3A_443 : i1 to i32
      %cond3A_445 = arith.constant 0 : i32
      %cond3A_446 = arith.cmpi ne, %convert_element_type3A_444, %cond3A_445 : i32
      scf.if %cond3A_446 {
        %dma_wait3A_448 = arith.constant 0 : i32
        %dma_wait3A_449 = arith.constant 0 : i32
        %dma_wait3A_450 = tpu.memref_slice %arg9[%dma_wait3A_448, %dma_wait3A_449] : memref<2x112xi32, #tpu.memory_space<vmem>> -> memref<1x112xi32, #tpu.memory_space<vmem>>
        %dma_wait3A_451 = tpu.memref_squeeze %dma_wait3A_450 : memref<1x112xi32, #tpu.memory_space<vmem>> -> memref<112xi32, #tpu.memory_space<vmem>>
        %dma_wait3A_452 = arith.constant 0 : i32
        %dma_wait3A_453 = arith.constant 0 : i32
        %dma_wait3A_454 = tpu.memref_slice %arg2[%dma_wait3A_452, %dma_wait3A_453] : memref<10240x128xf32, #tpu.memory_space<hbm>> -> memref<10240x128xf32, #tpu.memory_space<hbm>>
        tpu.wait_indirect_dma semaphore(%arg20 : memref<!tpu.dma_semaphore, #tpu.memory_space<semaphore_mem>>) src(%dma_wait3A_454 : memref<10240x128xf32, #tpu.memory_space<hbm>>) dst(%arg12 : memref<112x128xf32, #tpu.memory_space<vmem>>)
        %dma_start3A_455 = arith.constant 1 : i32
        %dma_start3A_456 = arith.constant 0 : i32
        %dma_start3A_457 = tpu.memref_slice %arg9[%dma_start3A_455, %dma_start3A_456] : memref<2x112xi32, #tpu.memory_space<vmem>> -> memref<1x112xi32, #tpu.memory_space<vmem>>
        %dma_start3A_458 = tpu.memref_squeeze %dma_start3A_457 : memref<1x112xi32, #tpu.memory_space<vmem>> -> memref<112xi32, #tpu.memory_space<vmem>>
        %dma_start3A_459 = arith.constant 0 : i32
        %dma_start3A_460 = arith.constant 0 : i32
        %dma_start3A_461 = tpu.memref_slice %arg13[%dma_start3A_459, %dma_start3A_460] : memref<10240x128xf32, #tpu.memory_space<vmem_shared>> -> memref<10240x128xf32, #tpu.memory_space<vmem_shared>>
        tpu.enqueue_indirect_dma source(%arg12 : memref<112x128xf32, #tpu.memory_space<vmem>>) target(%dma_start3A_461 : memref<10240x128xf32, #tpu.memory_space<vmem_shared>>) offsets(%dma_start3A_458 : memref<112xi32, #tpu.memory_space<vmem>>) semaphore(%arg23 : memref<!tpu.dma_semaphore, #tpu.memory_space<semaphore_mem>>) {add = true}
      } else {
      }
      %scan3A_447 = arith.constant 0 : i32
      scf.yield %scan3A_447 : i32
    }
    %scan3A_79 = arith.constant 14 : i32
    %dma_wait3A_80 = arith.constant 1 : i32
    %dma_wait3A_81 = arith.constant 0 : i32
    %dma_wait3A_82 = tpu.memref_slice %arg6[%dma_wait3A_80, %dma_wait3A_81] : memref<2x112xi32, #tpu.memory_space<vmem>> -> memref<1x112xi32, #tpu.memory_space<vmem>>
    %dma_wait3A_83 = tpu.memref_squeeze %dma_wait3A_82 : memref<1x112xi32, #tpu.memory_space<vmem>> -> memref<112xi32, #tpu.memory_space<vmem>>
    %dma_wait3A_84 = arith.constant 0 : i32
    %dma_wait3A_85 = arith.constant 0 : i32
    %dma_wait3A_86 = tpu.memref_slice %arg13[%dma_wait3A_84, %dma_wait3A_85] : memref<10240x128xf32, #tpu.memory_space<vmem_shared>> -> memref<10240x128xf32, #tpu.memory_space<vmem_shared>>
    tpu.wait_indirect_dma semaphore(%arg21 : memref<!tpu.dma_semaphore, #tpu.memory_space<semaphore_mem>>) src(%arg10 : memref<112x128xf32, #tpu.memory_space<vmem>>) dst(%dma_wait3A_86 : memref<10240x128xf32, #tpu.memory_space<vmem_shared>>)
    %dma_wait3A_87 = arith.constant 1 : i32
    %dma_wait3A_88 = arith.constant 0 : i32
    %dma_wait3A_89 = tpu.memref_slice %arg7[%dma_wait3A_87, %dma_wait3A_88] : memref<2x112xi32, #tpu.memory_space<vmem>> -> memref<1x112xi32, #tpu.memory_space<vmem>>
    %dma_wait3A_90 = tpu.memref_squeeze %dma_wait3A_89 : memref<1x112xi32, #tpu.memory_space<vmem>> -> memref<112xi32, #tpu.memory_space<vmem>>
    %dma_wait3A_91 = arith.constant 0 : i32
    %dma_wait3A_92 = arith.constant 0 : i32
    %dma_wait3A_93 = tpu.memref_slice %arg13[%dma_wait3A_91, %dma_wait3A_92] : memref<10240x128xf32, #tpu.memory_space<vmem_shared>> -> memref<10240x128xf32, #tpu.memory_space<vmem_shared>>
    tpu.wait_indirect_dma semaphore(%arg22 : memref<!tpu.dma_semaphore, #tpu.memory_space<semaphore_mem>>) src(%arg11 : memref<112x128xf32, #tpu.memory_space<vmem>>) dst(%dma_wait3A_93 : memref<10240x128xf32, #tpu.memory_space<vmem_shared>>)
    %dma_wait3A_94 = arith.constant 1 : i32
    %dma_wait3A_95 = arith.constant 0 : i32
    %dma_wait3A_96 = tpu.memref_slice %arg8[%dma_wait3A_94, %dma_wait3A_95] : memref<2x112xi32, #tpu.memory_space<vmem>> -> memref<1x112xi32, #tpu.memory_space<vmem>>
    %dma_wait3A_97 = tpu.memref_squeeze %dma_wait3A_96 : memref<1x112xi32, #tpu.memory_space<vmem>> -> memref<112xi32, #tpu.memory_space<vmem>>
    %dma_wait3A_98 = arith.constant 0 : i32
    %dma_wait3A_99 = arith.constant 0 : i32
    %dma_wait3A_100 = tpu.memref_slice %arg13[%dma_wait3A_98, %dma_wait3A_99] : memref<10240x128xf32, #tpu.memory_space<vmem_shared>> -> memref<10240x128xf32, #tpu.memory_space<vmem_shared>>
    tpu.wait_indirect_dma semaphore(%arg23 : memref<!tpu.dma_semaphore, #tpu.memory_space<semaphore_mem>>) src(%arg12 : memref<112x128xf32, #tpu.memory_space<vmem>>) dst(%dma_wait3A_100 : memref<10240x128xf32, #tpu.memory_space<vmem_shared>>)
    %barrier3A_101 = arith.constant 0 : index
    tpu.barrier barrier_id(%barrier3A_101)
    "tpu.region"() ({
      %run_scoped3A = tpu.sem_alloc : memref<!tpu.dma_semaphore, #tpu.memory_space<semaphore_mem>>
      %dma_start3A_102 = arith.constant 0 : i32
      %dma_start3A_103 = tpu.memref_slice %arg5[%arg0, %mul3A_40, %dma_start3A_102] : memref<2x10240x128xf32, #tpu.memory_space<hbm>> -> memref<1x640x128xf32, #tpu.memory_space<hbm>>
      %dma_start3A_104 = tpu.memref_squeeze %dma_start3A_103 : memref<1x640x128xf32, #tpu.memory_space<hbm>> -> memref<640x128xf32, #tpu.memory_space<hbm>>
      %dma_start3A_105 = arith.constant 0 : i32
      %dma_start3A_106 = tpu.memref_slice %arg13[%mul3A_40, %dma_start3A_105] : memref<10240x128xf32, #tpu.memory_space<vmem_shared>> -> memref<640x128xf32, #tpu.memory_space<vmem_shared>>
      tpu.enqueue_dma source(%dma_start3A_106 : memref<640x128xf32, #tpu.memory_space<vmem_shared>>) target(%dma_start3A_104 : memref<640x128xf32, #tpu.memory_space<hbm>>) target_semaphore(%run_scoped3A : memref<!tpu.dma_semaphore, #tpu.memory_space<semaphore_mem>>)
      %dma_wait3A_107 = arith.constant 0 : i32
      %dma_wait3A_108 = tpu.memref_slice %arg5[%arg0, %mul3A_40, %dma_wait3A_107] : memref<2x10240x128xf32, #tpu.memory_space<hbm>> -> memref<1x640x128xf32, #tpu.memory_space<hbm>>
      %dma_wait3A_109 = tpu.memref_squeeze %dma_wait3A_108 : memref<1x640x128xf32, #tpu.memory_space<hbm>> -> memref<640x128xf32, #tpu.memory_space<hbm>>
      %dma_wait3A_110 = arith.constant 0 : i32
      %dma_wait3A_111 = tpu.memref_slice %arg13[%mul3A_40, %dma_wait3A_110] : memref<10240x128xf32, #tpu.memory_space<vmem_shared>> -> memref<640x128xf32, #tpu.memory_space<vmem_shared>>
      tpu.wait_dma2 semaphore(%run_scoped3A : memref<!tpu.dma_semaphore, #tpu.memory_space<semaphore_mem>>) src(%dma_wait3A_111 : memref<640x128xf32, #tpu.memory_space<vmem_shared>>) dst(%dma_wait3A_109 : memref<640x128xf32, #tpu.memory_space<hbm>>)
      tpu.yield
    }) : () -> ()
    return
  }
}

#map = affine_map<(d0, d1) -> (0, 0)>
#map1 = affine_map<(d0, d1) -> (0, 0, 0)>
module attributes {stable_mosaic.version = 14 : i64} {
  func.func @_sc_agg(%arg0: i32, %arg1: i32, %arg2: memref<10240x128xf32, #tpu.memory_space<hbm>>, %arg3: memref<2880x2x112xi32, #tpu.memory_space<hbm>>, %arg4: memref<640x128xf32, #tpu.memory_space<hbm>>, %arg5: memref<2x10240x128xf32, #tpu.memory_space<hbm>>, %arg6: memref<2x112xi32, #tpu.memory_space<vmem>>, %arg7: memref<2x112xi32, #tpu.memory_space<vmem>>, %arg8: memref<2x112xi32, #tpu.memory_space<vmem>>, %arg9: memref<2x112xi32, #tpu.memory_space<vmem>>, %arg10: memref<112x128xf32, #tpu.memory_space<vmem>>, %arg11: memref<112x128xf32, #tpu.memory_space<vmem>>, %arg12: memref<112x128xf32, #tpu.memory_space<vmem>>, %arg13: memref<10240x128xf32, #tpu.memory_space<vmem_shared>>, %arg14: memref<!tpu.dma_semaphore, #tpu.memory_space<semaphore_mem>>, %arg15: memref<!tpu.dma_semaphore, #tpu.memory_space<semaphore_mem>>, %arg16: memref<!tpu.dma_semaphore, #tpu.memory_space<semaphore_mem>>, %arg17: memref<!tpu.dma_semaphore, #tpu.memory_space<semaphore_mem>>, %arg18: memref<!tpu.dma_semaphore, #tpu.memory_space<semaphore_mem>>, %arg19: memref<!tpu.dma_semaphore, #tpu.memory_space<semaphore_mem>>, %arg20: memref<!tpu.dma_semaphore, #tpu.memory_space<semaphore_mem>>, %arg21: memref<!tpu.dma_semaphore, #tpu.memory_space<semaphore_mem>>, %arg22: memref<!tpu.dma_semaphore, #tpu.memory_space<semaphore_mem>>, %arg23: memref<!tpu.dma_semaphore, #tpu.memory_space<semaphore_mem>>) attributes {dimension_semantics = [#tpu.dimension_semantics<core_parallel>, #tpu.dimension_semantics<subcore_parallel>], iteration_bounds = array<i64: 2, 16>, scalar_prefetch = 0 : i64, scratch_operands = 18 : i64, tpu.core_type = #tpu.core_type<sc_vector_subcore>, window_params = [{transform_indices = #map}, {transform_indices = #map1}, {transform_indices = #map}, {transform_indices = #map1}]} {
    %mul3A = arith.constant 168 : i32
    %mul3A_0 = arith.muli %arg1, %mul3A : i32
    %mul3A_1 = arith.constant -156 : i32
    %mul3A_2 = arith.muli %arg1, %mul3A_1 : i32
    %add3A = arith.constant 2688 : i32
    %add3A_3 = arith.addi %add3A, %mul3A_2 : i32
    %mul3A_4 = arith.muli %arg0, %add3A_3 : i32
    %add3A_5 = arith.addi %mul3A_0, %mul3A_4 : i32
    %mul3A_6 = arith.constant -156 : i32
    %mul3A_7 = arith.muli %arg0, %mul3A_6 : i32
    %add3A_8 = arith.constant 168 : i32
    %add3A_9 = arith.addi %add3A_8, %mul3A_7 : i32
    %add3A_10 = arith.constant 0 : i32
    %add3A_11 = arith.addi %add3A_5, %add3A_10 : i32
    %dma_start3A = arith.constant 0 : i32
    %dma_start3A_12 = arith.constant 0 : i32
    %dma_start3A_13 = tpu.memref_slice %arg3[%add3A_11, %dma_start3A, %dma_start3A_12] : memref<2880x2x112xi32, #tpu.memory_space<hbm>> -> memref<1x2x112xi32, #tpu.memory_space<hbm>>
    %dma_start3A_14 = tpu.memref_squeeze %dma_start3A_13 : memref<1x2x112xi32, #tpu.memory_space<hbm>> -> memref<2x112xi32, #tpu.memory_space<hbm>>
    %dma_start3A_15 = arith.constant 0 : i32
    %dma_start3A_16 = arith.constant 0 : i32
    %dma_start3A_17 = tpu.memref_slice %arg3[%add3A_11, %dma_start3A_15, %dma_start3A_16] : memref<2880x2x112xi32, #tpu.memory_space<hbm>> -> memref<1x2x112xi32, #tpu.memory_space<hbm>>
    %dma_start3A_18 = tpu.memref_squeeze %dma_start3A_17 : memref<1x2x112xi32, #tpu.memory_space<hbm>> -> memref<2x112xi32, #tpu.memory_space<hbm>>
    tpu.enqueue_dma source(%dma_start3A_18 : memref<2x112xi32, #tpu.memory_space<hbm>>) target(%arg6 : memref<2x112xi32, #tpu.memory_space<vmem>>) target_semaphore(%arg14 : memref<!tpu.dma_semaphore, #tpu.memory_space<semaphore_mem>>)
    %add3A_19 = arith.constant 1 : i32
    %add3A_20 = arith.addi %add3A_5, %add3A_19 : i32
    %dma_start3A_21 = arith.constant 0 : i32
    %dma_start3A_22 = arith.constant 0 : i32
    %dma_start3A_23 = tpu.memref_slice %arg3[%add3A_20, %dma_start3A_21, %dma_start3A_22] : memref<2880x2x112xi32, #tpu.memory_space<hbm>> -> memref<1x2x112xi32, #tpu.memory_space<hbm>>
    %dma_start3A_24 = tpu.memref_squeeze %dma_start3A_23 : memref<1x2x112xi32, #tpu.memory_space<hbm>> -> memref<2x112xi32, #tpu.memory_space<hbm>>
    %dma_start3A_25 = arith.constant 0 : i32
    %dma_start3A_26 = arith.constant 0 : i32
    %dma_start3A_27 = tpu.memref_slice %arg3[%add3A_20, %dma_start3A_25, %dma_start3A_26] : memref<2880x2x112xi32, #tpu.memory_space<hbm>> -> memref<1x2x112xi32, #tpu.memory_space<hbm>>
    %dma_start3A_28 = tpu.memref_squeeze %dma_start3A_27 : memref<1x2x112xi32, #tpu.memory_space<hbm>> -> memref<2x112xi32, #tpu.memory_space<hbm>>
    tpu.enqueue_dma source(%dma_start3A_28 : memref<2x112xi32, #tpu.memory_space<hbm>>) target(%arg7 : memref<2x112xi32, #tpu.memory_space<vmem>>) target_semaphore(%arg15 : memref<!tpu.dma_semaphore, #tpu.memory_space<semaphore_mem>>)
    %add3A_29 = arith.constant 2 : i32
    %add3A_30 = arith.addi %add3A_5, %add3A_29 : i32
    %dma_start3A_31 = arith.constant 0 : i32
    %dma_start3A_32 = arith.constant 0 : i32
    %dma_start3A_33 = tpu.memref_slice %arg3[%add3A_30, %dma_start3A_31, %dma_start3A_32] : memref<2880x2x112xi32, #tpu.memory_space<hbm>> -> memref<1x2x112xi32, #tpu.memory_space<hbm>>
    %dma_start3A_34 = tpu.memref_squeeze %dma_start3A_33 : memref<1x2x112xi32, #tpu.memory_space<hbm>> -> memref<2x112xi32, #tpu.memory_space<hbm>>
    %dma_start3A_35 = arith.constant 0 : i32
    %dma_start3A_36 = arith.constant 0 : i32
    %dma_start3A_37 = tpu.memref_slice %arg3[%add3A_30, %dma_start3A_35, %dma_start3A_36] : memref<2880x2x112xi32, #tpu.memory_space<hbm>> -> memref<1x2x112xi32, #tpu.memory_space<hbm>>
    %dma_start3A_38 = tpu.memref_squeeze %dma_start3A_37 : memref<1x2x112xi32, #tpu.memory_space<hbm>> -> memref<2x112xi32, #tpu.memory_space<hbm>>
    tpu.enqueue_dma source(%dma_start3A_38 : memref<2x112xi32, #tpu.memory_space<hbm>>) target(%arg8 : memref<2x112xi32, #tpu.memory_space<vmem>>) target_semaphore(%arg16 : memref<!tpu.dma_semaphore, #tpu.memory_space<semaphore_mem>>)
    %mul3A_39 = arith.constant 640 : i32
    %mul3A_40 = arith.muli %arg1, %mul3A_39 : i32
    "tpu.region"() ({
      %run_scoped3A = tpu.sem_alloc : memref<!tpu.dma_semaphore, #tpu.memory_space<semaphore_mem>>
      %dma_start3A_102 = arith.constant 0 : i32
      %dma_start3A_103 = tpu.memref_slice %arg13[%mul3A_40, %dma_start3A_102] : memref<10240x128xf32, #tpu.memory_space<vmem_shared>> -> memref<640x128xf32, #tpu.memory_space<vmem_shared>>
      tpu.enqueue_dma source(%arg4 : memref<640x128xf32, #tpu.memory_space<hbm>>) target(%dma_start3A_103 : memref<640x128xf32, #tpu.memory_space<vmem_shared>>) target_semaphore(%run_scoped3A : memref<!tpu.dma_semaphore, #tpu.memory_space<semaphore_mem>>)
      %dma_wait3A_104 = arith.constant 0 : i32
      %dma_wait3A_105 = tpu.memref_slice %arg13[%mul3A_40, %dma_wait3A_104] : memref<10240x128xf32, #tpu.memory_space<vmem_shared>> -> memref<640x128xf32, #tpu.memory_space<vmem_shared>>
      tpu.wait_dma2 semaphore(%run_scoped3A : memref<!tpu.dma_semaphore, #tpu.memory_space<semaphore_mem>>) src(%arg4 : memref<640x128xf32, #tpu.memory_space<hbm>>) dst(%dma_wait3A_105 : memref<640x128xf32, #tpu.memory_space<vmem_shared>>)
      tpu.yield
    }) : () -> ()
    %add3A_41 = arith.constant 0 : i32
    %add3A_42 = arith.addi %add3A_5, %add3A_41 : i32
    %dma_wait3A = arith.constant 0 : i32
    %dma_wait3A_43 = arith.constant 0 : i32
    %dma_wait3A_44 = tpu.memref_slice %arg3[%add3A_42, %dma_wait3A, %dma_wait3A_43] : memref<2880x2x112xi32, #tpu.memory_space<hbm>> -> memref<1x2x112xi32, #tpu.memory_space<hbm>>
    %dma_wait3A_45 = tpu.memref_squeeze %dma_wait3A_44 : memref<1x2x112xi32, #tpu.memory_space<hbm>> -> memref<2x112xi32, #tpu.memory_space<hbm>>
    %dma_wait3A_46 = arith.constant 0 : i32
    %dma_wait3A_47 = arith.constant 0 : i32
    %dma_wait3A_48 = tpu.memref_slice %arg3[%add3A_42, %dma_wait3A_46, %dma_wait3A_47] : memref<2880x2x112xi32, #tpu.memory_space<hbm>> -> memref<1x2x112xi32, #tpu.memory_space<hbm>>
    %dma_wait3A_49 = tpu.memref_squeeze %dma_wait3A_48 : memref<1x2x112xi32, #tpu.memory_space<hbm>> -> memref<2x112xi32, #tpu.memory_space<hbm>>
    tpu.wait_dma2 semaphore(%arg14 : memref<!tpu.dma_semaphore, #tpu.memory_space<semaphore_mem>>) src(%dma_wait3A_49 : memref<2x112xi32, #tpu.memory_space<hbm>>) dst(%arg6 : memref<2x112xi32, #tpu.memory_space<vmem>>)
    %dma_start3A_50 = arith.constant 0 : i32
    %dma_start3A_51 = arith.constant 0 : i32
    %dma_start3A_52 = tpu.memref_slice %arg6[%dma_start3A_50, %dma_start3A_51] : memref<2x112xi32, #tpu.memory_space<vmem>> -> memref<1x112xi32, #tpu.memory_space<vmem>>
    %dma_start3A_53 = tpu.memref_squeeze %dma_start3A_52 : memref<1x112xi32, #tpu.memory_space<vmem>> -> memref<112xi32, #tpu.memory_space<vmem>>
    %dma_start3A_54 = arith.constant 0 : i32
    %dma_start3A_55 = arith.constant 0 : i32
    %dma_start3A_56 = tpu.memref_slice %arg2[%dma_start3A_54, %dma_start3A_55] : memref<10240x128xf32, #tpu.memory_space<hbm>> -> memref<10240x128xf32, #tpu.memory_space<hbm>>
    tpu.enqueue_indirect_dma source(%dma_start3A_56 : memref<10240x128xf32, #tpu.memory_space<hbm>>) target(%arg10 : memref<112x128xf32, #tpu.memory_space<vmem>>) offsets(%dma_start3A_53 : memref<112xi32, #tpu.memory_space<vmem>>) semaphore(%arg18 : memref<!tpu.dma_semaphore, #tpu.memory_space<semaphore_mem>>)
    %add3A_57 = arith.constant 1 : i32
    %add3A_58 = arith.addi %add3A_5, %add3A_57 : i32
    %dma_wait3A_59 = arith.constant 0 : i32
    %dma_wait3A_60 = arith.constant 0 : i32
    %dma_wait3A_61 = tpu.memref_slice %arg3[%add3A_58, %dma_wait3A_59, %dma_wait3A_60] : memref<2880x2x112xi32, #tpu.memory_space<hbm>> -> memref<1x2x112xi32, #tpu.memory_space<hbm>>
    %dma_wait3A_62 = tpu.memref_squeeze %dma_wait3A_61 : memref<1x2x112xi32, #tpu.memory_space<hbm>> -> memref<2x112xi32, #tpu.memory_space<hbm>>
    %dma_wait3A_63 = arith.constant 0 : i32
    %dma_wait3A_64 = arith.constant 0 : i32
    %dma_wait3A_65 = tpu.memref_slice %arg3[%add3A_58, %dma_wait3A_63, %dma_wait3A_64] : memref<2880x2x112xi32, #tpu.memory_space<hbm>> -> memref<1x2x112xi32, #tpu.memory_space<hbm>>
    %dma_wait3A_66 = tpu.memref_squeeze %dma_wait3A_65 : memref<1x2x112xi32, #tpu.memory_space<hbm>> -> memref<2x112xi32, #tpu.memory_space<hbm>>
    tpu.wait_dma2 semaphore(%arg15 : memref<!tpu.dma_semaphore, #tpu.memory_space<semaphore_mem>>) src(%dma_wait3A_66 : memref<2x112xi32, #tpu.memory_space<hbm>>) dst(%arg7 : memref<2x112xi32, #tpu.memory_space<vmem>>)
    %dma_start3A_67 = arith.constant 0 : i32
    %dma_start3A_68 = arith.constant 0 : i32
    %dma_start3A_69 = tpu.memref_slice %arg7[%dma_start3A_67, %dma_start3A_68] : memref<2x112xi32, #tpu.memory_space<vmem>> -> memref<1x112xi32, #tpu.memory_space<vmem>>
    %dma_start3A_70 = tpu.memref_squeeze %dma_start3A_69 : memref<1x112xi32, #tpu.memory_space<vmem>> -> memref<112xi32, #tpu.memory_space<vmem>>
    %dma_start3A_71 = arith.constant 0 : i32
    %dma_start3A_72 = arith.constant 0 : i32
    %dma_start3A_73 = tpu.memref_slice %arg2[%dma_start3A_71, %dma_start3A_72] : memref<10240x128xf32, #tpu.memory_space<hbm>> -> memref<10240x128xf32, #tpu.memory_space<hbm>>
    tpu.enqueue_indirect_dma source(%dma_start3A_73 : memref<10240x128xf32, #tpu.memory_space<hbm>>) target(%arg11 : memref<112x128xf32, #tpu.memory_space<vmem>>) offsets(%dma_start3A_70 : memref<112xi32, #tpu.memory_space<vmem>>) semaphore(%arg19 : memref<!tpu.dma_semaphore, #tpu.memory_space<semaphore_mem>>)
    %barrier3A = arith.constant 0 : index
    tpu.barrier barrier_id(%barrier3A)
    %scan3A = arith.constant 0 : i32
    %scan3A_74 = arith.constant 0 : i32
    %scan3A_75 = arith.constant 14 : i32
    %scan3A_76 = arith.addi %scan3A_74, %scan3A_75 : i32
    %scan3A_77 = arith.constant 1 : i32
    %scan3A_78 = scf.for %scan3A_102 = %scan3A_74 to %scan3A_76 step %scan3A_77 iter_args(%scan3A_103 = %scan3A) -> (i32)  : i32 {
      %mul3A_104 = arith.constant 12 : i32
      %mul3A_105 = arith.muli %scan3A_102, %mul3A_104 : i32
      %add3A_106 = arith.constant 0 : i32
      %add3A_107 = arith.addi %mul3A_105, %add3A_106 : i32
      %add3A_108 = arith.constant 2 : i32
      %add3A_109 = arith.addi %add3A_107, %add3A_108 : i32
      %lt3A = arith.cmpi slt, %add3A_109, %add3A_9 : i32
      %ge3A = arith.constant 1 : i32
      %ge3A_110 = arith.cmpi sge, %add3A_107, %ge3A : i32
      %and3A = arith.andi %lt3A, %ge3A_110 : i1
      %convert_element_type3A = arith.extui %and3A : i1 to i32
      %cond3A = arith.constant 0 : i32
      %cond3A_111 = arith.cmpi ne, %convert_element_type3A, %cond3A : i32
      scf.if %cond3A_111 {
        %dma_wait3A_448 = arith.constant 1 : i32
        %dma_wait3A_449 = arith.constant 0 : i32
        %dma_wait3A_450 = tpu.memref_slice %arg9[%dma_wait3A_448, %dma_wait3A_449] : memref<2x112xi32, #tpu.memory_space<vmem>> -> memref<1x112xi32, #tpu.memory_space<vmem>>
        %dma_wait3A_451 = tpu.memref_squeeze %dma_wait3A_450 : memref<1x112xi32, #tpu.memory_space<vmem>> -> memref<112xi32, #tpu.memory_space<vmem>>
        %dma_wait3A_452 = arith.constant 0 : i32
        %dma_wait3A_453 = arith.constant 0 : i32
        %dma_wait3A_454 = tpu.memref_slice %arg13[%dma_wait3A_452, %dma_wait3A_453] : memref<10240x128xf32, #tpu.memory_space<vmem_shared>> -> memref<10240x128xf32, #tpu.memory_space<vmem_shared>>
        tpu.wait_indirect_dma semaphore(%arg23 : memref<!tpu.dma_semaphore, #tpu.memory_space<semaphore_mem>>) src(%arg12 : memref<112x128xf32, #tpu.memory_space<vmem>>) dst(%dma_wait3A_454 : memref<10240x128xf32, #tpu.memory_space<vmem_shared>>)
      } else {
      }
      %add3A_112 = arith.constant 3 : i32
      %add3A_113 = arith.addi %add3A_107, %add3A_112 : i32
      %lt3A_114 = arith.cmpi slt, %add3A_113, %add3A_9 : i32
      %convert_element_type3A_115 = arith.extui %lt3A_114 : i1 to i32
      %cond3A_116 = arith.constant 0 : i32
      %cond3A_117 = arith.cmpi ne, %convert_element_type3A_115, %cond3A_116 : i32
      scf.if %cond3A_117 {
        %add3A_448 = arith.constant 3 : i32
        %add3A_449 = arith.addi %add3A_107, %add3A_448 : i32
        %add3A_450 = arith.addi %add3A_5, %add3A_449 : i32
        %dma_start3A_451 = arith.constant 0 : i32
        %dma_start3A_452 = arith.constant 0 : i32
        %dma_start3A_453 = tpu.memref_slice %arg3[%add3A_450, %dma_start3A_451, %dma_start3A_452] : memref<2880x2x112xi32, #tpu.memory_space<hbm>> -> memref<1x2x112xi32, #tpu.memory_space<hbm>>
        %dma_start3A_454 = tpu.memref_squeeze %dma_start3A_453 : memref<1x2x112xi32, #tpu.memory_space<hbm>> -> memref<2x112xi32, #tpu.memory_space<hbm>>
        %dma_start3A_455 = arith.constant 0 : i32
        %dma_start3A_456 = arith.constant 0 : i32
        %dma_start3A_457 = tpu.memref_slice %arg3[%add3A_450, %dma_start3A_455, %dma_start3A_456] : memref<2880x2x112xi32, #tpu.memory_space<hbm>> -> memref<1x2x112xi32, #tpu.memory_space<hbm>>
        %dma_start3A_458 = tpu.memref_squeeze %dma_start3A_457 : memref<1x2x112xi32, #tpu.memory_space<hbm>> -> memref<2x112xi32, #tpu.memory_space<hbm>>
        tpu.enqueue_dma source(%dma_start3A_458 : memref<2x112xi32, #tpu.memory_space<hbm>>) target(%arg9 : memref<2x112xi32, #tpu.memory_space<vmem>>) target_semaphore(%arg17 : memref<!tpu.dma_semaphore, #tpu.memory_space<semaphore_mem>>)
      } else {
      }
      %add3A_118 = arith.constant 2 : i32
      %add3A_119 = arith.addi %add3A_107, %add3A_118 : i32
      %lt3A_120 = arith.cmpi slt, %add3A_119, %add3A_9 : i32
      %convert_element_type3A_121 = arith.extui %lt3A_120 : i1 to i32
      %cond3A_122 = arith.constant 0 : i32
      %cond3A_123 = arith.cmpi ne, %convert_element_type3A_121, %cond3A_122 : i32
      scf.if %cond3A_123 {
        %add3A_448 = arith.constant 2 : i32
        %add3A_449 = arith.addi %add3A_107, %add3A_448 : i32
        %add3A_450 = arith.addi %add3A_5, %add3A_449 : i32
        %dma_wait3A_451 = arith.constant 0 : i32
        %dma_wait3A_452 = arith.constant 0 : i32
        %dma_wait3A_453 = tpu.memref_slice %arg3[%add3A_450, %dma_wait3A_451, %dma_wait3A_452] : memref<2880x2x112xi32, #tpu.memory_space<hbm>> -> memref<1x2x112xi32, #tpu.memory_space<hbm>>
        %dma_wait3A_454 = tpu.memref_squeeze %dma_wait3A_453 : memref<1x2x112xi32, #tpu.memory_space<hbm>> -> memref<2x112xi32, #tpu.memory_space<hbm>>
        %dma_wait3A_455 = arith.constant 0 : i32
        %dma_wait3A_456 = arith.constant 0 : i32
        %dma_wait3A_457 = tpu.memref_slice %arg3[%add3A_450, %dma_wait3A_455, %dma_wait3A_456] : memref<2880x2x112xi32, #tpu.memory_space<hbm>> -> memref<1x2x112xi32, #tpu.memory_space<hbm>>
        %dma_wait3A_458 = tpu.memref_squeeze %dma_wait3A_457 : memref<1x2x112xi32, #tpu.memory_space<hbm>> -> memref<2x112xi32, #tpu.memory_space<hbm>>
        tpu.wait_dma2 semaphore(%arg16 : memref<!tpu.dma_semaphore, #tpu.memory_space<semaphore_mem>>) src(%dma_wait3A_458 : memref<2x112xi32, #tpu.memory_space<hbm>>) dst(%arg8 : memref<2x112xi32, #tpu.memory_space<vmem>>)
        %dma_start3A_459 = arith.constant 0 : i32
        %dma_start3A_460 = arith.constant 0 : i32
        %dma_start3A_461 = tpu.memref_slice %arg8[%dma_start3A_459, %dma_start3A_460] : memref<2x112xi32, #tpu.memory_space<vmem>> -> memref<1x112xi32, #tpu.memory_space<vmem>>
        %dma_start3A_462 = tpu.memref_squeeze %dma_start3A_461 : memref<1x112xi32, #tpu.memory_space<vmem>> -> memref<112xi32, #tpu.memory_space<vmem>>
        %dma_start3A_463 = arith.constant 0 : i32
        %dma_start3A_464 = arith.constant 0 : i32
        %dma_start3A_465 = tpu.memref_slice %arg2[%dma_start3A_463, %dma_start3A_464] : memref<10240x128xf32, #tpu.memory_space<hbm>> -> memref<10240x128xf32, #tpu.memory_space<hbm>>
        tpu.enqueue_indirect_dma source(%dma_start3A_465 : memref<10240x128xf32, #tpu.memory_space<hbm>>) target(%arg12 : memref<112x128xf32, #tpu.memory_space<vmem>>) offsets(%dma_start3A_462 : memref<112xi32, #tpu.memory_space<vmem>>) semaphore(%arg20 : memref<!tpu.dma_semaphore, #tpu.memory_space<semaphore_mem>>)
      } else {
      }
      %lt3A_124 = arith.cmpi slt, %add3A_107, %add3A_9 : i32
      %convert_element_type3A_125 = arith.extui %lt3A_124 : i1 to i32
      %cond3A_126 = arith.constant 0 : i32
      %cond3A_127 = arith.cmpi ne, %convert_element_type3A_125, %cond3A_126 : i32
      scf.if %cond3A_127 {
        %dma_wait3A_448 = arith.constant 0 : i32
        %dma_wait3A_449 = arith.constant 0 : i32
        %dma_wait3A_450 = tpu.memref_slice %arg6[%dma_wait3A_448, %dma_wait3A_449] : memref<2x112xi32, #tpu.memory_space<vmem>> -> memref<1x112xi32, #tpu.memory_space<vmem>>
        %dma_wait3A_451 = tpu.memref_squeeze %dma_wait3A_450 : memref<1x112xi32, #tpu.memory_space<vmem>> -> memref<112xi32, #tpu.memory_space<vmem>>
        %dma_wait3A_452 = arith.constant 0 : i32
        %dma_wait3A_453 = arith.constant 0 : i32
        %dma_wait3A_454 = tpu.memref_slice %arg2[%dma_wait3A_452, %dma_wait3A_453] : memref<10240x128xf32, #tpu.memory_space<hbm>> -> memref<10240x128xf32, #tpu.memory_space<hbm>>
        tpu.wait_indirect_dma semaphore(%arg18 : memref<!tpu.dma_semaphore, #tpu.memory_space<semaphore_mem>>) src(%dma_wait3A_454 : memref<10240x128xf32, #tpu.memory_space<hbm>>) dst(%arg10 : memref<112x128xf32, #tpu.memory_space<vmem>>)
        %dma_start3A_455 = arith.constant 1 : i32
        %dma_start3A_456 = arith.constant 0 : i32
        %dma_start3A_457 = tpu.memref_slice %arg6[%dma_start3A_455, %dma_start3A_456] : memref<2x112xi32, #tpu.memory_space<vmem>> -> memref<1x112xi32, #tpu.memory_space<vmem>>
        %dma_start3A_458 = tpu.memref_squeeze %dma_start3A_457 : memref<1x112xi32, #tpu.memory_space<vmem>> -> memref<112xi32, #tpu.memory_space<vmem>>
        %dma_start3A_459 = arith.constant 0 : i32
        %dma_start3A_460 = arith.constant 0 : i32
        %dma_start3A_461 = tpu.memref_slice %arg13[%dma_start3A_459, %dma_start3A_460] : memref<10240x128xf32, #tpu.memory_space<vmem_shared>> -> memref<10240x128xf32, #tpu.memory_space<vmem_shared>>
        tpu.enqueue_indirect_dma source(%arg10 : memref<112x128xf32, #tpu.memory_space<vmem>>) target(%dma_start3A_461 : memref<10240x128xf32, #tpu.memory_space<vmem_shared>>) offsets(%dma_start3A_458 : memref<112xi32, #tpu.memory_space<vmem>>) semaphore(%arg21 : memref<!tpu.dma_semaphore, #tpu.memory_space<semaphore_mem>>) {add = true}
      } else {
      }
      %mul3A_128 = arith.constant 12 : i32
      %mul3A_129 = arith.muli %scan3A_102, %mul3A_128 : i32
      %add3A_130 = arith.constant 1 : i32
      %add3A_131 = arith.addi %mul3A_129, %add3A_130 : i32
      %add3A_132 = arith.constant 2 : i32
      %add3A_133 = arith.addi %add3A_131, %add3A_132 : i32
      %lt3A_134 = arith.cmpi slt, %add3A_133, %add3A_9 : i32
      %ge3A_135 = arith.constant 1 : i32
      %ge3A_136 = arith.cmpi sge, %add3A_131, %ge3A_135 : i32
      %and3A_137 = arith.andi %lt3A_134, %ge3A_136 : i1
      %convert_element_type3A_138 = arith.extui %and3A_137 : i1 to i32
      %cond3A_139 = arith.constant 0 : i32
      %cond3A_140 = arith.cmpi ne, %convert_element_type3A_138, %cond3A_139 : i32
      scf.if %cond3A_140 {
        %dma_wait3A_448 = arith.constant 1 : i32
        %dma_wait3A_449 = arith.constant 0 : i32
        %dma_wait3A_450 = tpu.memref_slice %arg6[%dma_wait3A_448, %dma_wait3A_449] : memref<2x112xi32, #tpu.memory_space<vmem>> -> memref<1x112xi32, #tpu.memory_space<vmem>>
        %dma_wait3A_451 = tpu.memref_squeeze %dma_wait3A_450 : memref<1x112xi32, #tpu.memory_space<vmem>> -> memref<112xi32, #tpu.memory_space<vmem>>
        %dma_wait3A_452 = arith.constant 0 : i32
        %dma_wait3A_453 = arith.constant 0 : i32
        %dma_wait3A_454 = tpu.memref_slice %arg13[%dma_wait3A_452, %dma_wait3A_453] : memref<10240x128xf32, #tpu.memory_space<vmem_shared>> -> memref<10240x128xf32, #tpu.memory_space<vmem_shared>>
        tpu.wait_indirect_dma semaphore(%arg21 : memref<!tpu.dma_semaphore, #tpu.memory_space<semaphore_mem>>) src(%arg10 : memref<112x128xf32, #tpu.memory_space<vmem>>) dst(%dma_wait3A_454 : memref<10240x128xf32, #tpu.memory_space<vmem_shared>>)
      } else {
      }
      %add3A_141 = arith.constant 3 : i32
      %add3A_142 = arith.addi %add3A_131, %add3A_141 : i32
      %lt3A_143 = arith.cmpi slt, %add3A_142, %add3A_9 : i32
      %convert_element_type3A_144 = arith.extui %lt3A_143 : i1 to i32
      %cond3A_145 = arith.constant 0 : i32
      %cond3A_146 = arith.cmpi ne, %convert_element_type3A_144, %cond3A_145 : i32
      scf.if %cond3A_146 {
        %add3A_448 = arith.constant 3 : i32
        %add3A_449 = arith.addi %add3A_131, %add3A_448 : i32
        %add3A_450 = arith.addi %add3A_5, %add3A_449 : i32
        %dma_start3A_451 = arith.constant 0 : i32
        %dma_start3A_452 = arith.constant 0 : i32
        %dma_start3A_453 = tpu.memref_slice %arg3[%add3A_450, %dma_start3A_451, %dma_start3A_452] : memref<2880x2x112xi32, #tpu.memory_space<hbm>> -> memref<1x2x112xi32, #tpu.memory_space<hbm>>
        %dma_start3A_454 = tpu.memref_squeeze %dma_start3A_453 : memref<1x2x112xi32, #tpu.memory_space<hbm>> -> memref<2x112xi32, #tpu.memory_space<hbm>>
        %dma_start3A_455 = arith.constant 0 : i32
        %dma_start3A_456 = arith.constant 0 : i32
        %dma_start3A_457 = tpu.memref_slice %arg3[%add3A_450, %dma_start3A_455, %dma_start3A_456] : memref<2880x2x112xi32, #tpu.memory_space<hbm>> -> memref<1x2x112xi32, #tpu.memory_space<hbm>>
        %dma_start3A_458 = tpu.memref_squeeze %dma_start3A_457 : memref<1x2x112xi32, #tpu.memory_space<hbm>> -> memref<2x112xi32, #tpu.memory_space<hbm>>
        tpu.enqueue_dma source(%dma_start3A_458 : memref<2x112xi32, #tpu.memory_space<hbm>>) target(%arg6 : memref<2x112xi32, #tpu.memory_space<vmem>>) target_semaphore(%arg14 : memref<!tpu.dma_semaphore, #tpu.memory_space<semaphore_mem>>)
      } else {
      }
      %add3A_147 = arith.constant 2 : i32
      %add3A_148 = arith.addi %add3A_131, %add3A_147 : i32
      %lt3A_149 = arith.cmpi slt, %add3A_148, %add3A_9 : i32
      %convert_element_type3A_150 = arith.extui %lt3A_149 : i1 to i32
      %cond3A_151 = arith.constant 0 : i32
      %cond3A_152 = arith.cmpi ne, %convert_element_type3A_150, %cond3A_151 : i32
      scf.if %cond3A_152 {
        %add3A_448 = arith.constant 2 : i32
        %add3A_449 = arith.addi %add3A_131, %add3A_448 : i32
        %add3A_450 = arith.addi %add3A_5, %add3A_449 : i32
        %dma_wait3A_451 = arith.constant 0 : i32
        %dma_wait3A_452 = arith.constant 0 : i32
        %dma_wait3A_453 = tpu.memref_slice %arg3[%add3A_450, %dma_wait3A_451, %dma_wait3A_452] : memref<2880x2x112xi32, #tpu.memory_space<hbm>> -> memref<1x2x112xi32, #tpu.memory_space<hbm>>
        %dma_wait3A_454 = tpu.memref_squeeze %dma_wait3A_453 : memref<1x2x112xi32, #tpu.memory_space<hbm>> -> memref<2x112xi32, #tpu.memory_space<hbm>>
        %dma_wait3A_455 = arith.constant 0 : i32
        %dma_wait3A_456 = arith.constant 0 : i32
        %dma_wait3A_457 = tpu.memref_slice %arg3[%add3A_450, %dma_wait3A_455, %dma_wait3A_456] : memref<2880x2x112xi32, #tpu.memory_space<hbm>> -> memref<1x2x112xi32, #tpu.memory_space<hbm>>
        %dma_wait3A_458 = tpu.memref_squeeze %dma_wait3A_457 : memref<1x2x112xi32, #tpu.memory_space<hbm>> -> memref<2x112xi32, #tpu.memory_space<hbm>>
        tpu.wait_dma2 semaphore(%arg17 : memref<!tpu.dma_semaphore, #tpu.memory_space<semaphore_mem>>) src(%dma_wait3A_458 : memref<2x112xi32, #tpu.memory_space<hbm>>) dst(%arg9 : memref<2x112xi32, #tpu.memory_space<vmem>>)
        %dma_start3A_459 = arith.constant 0 : i32
        %dma_start3A_460 = arith.constant 0 : i32
        %dma_start3A_461 = tpu.memref_slice %arg9[%dma_start3A_459, %dma_start3A_460] : memref<2x112xi32, #tpu.memory_space<vmem>> -> memref<1x112xi32, #tpu.memory_space<vmem>>
        %dma_start3A_462 = tpu.memref_squeeze %dma_start3A_461 : memref<1x112xi32, #tpu.memory_space<vmem>> -> memref<112xi32, #tpu.memory_space<vmem>>
        %dma_start3A_463 = arith.constant 0 : i32
        %dma_start3A_464 = arith.constant 0 : i32
        %dma_start3A_465 = tpu.memref_slice %arg2[%dma_start3A_463, %dma_start3A_464] : memref<10240x128xf32, #tpu.memory_space<hbm>> -> memref<10240x128xf32, #tpu.memory_space<hbm>>
        tpu.enqueue_indirect_dma source(%dma_start3A_465 : memref<10240x128xf32, #tpu.memory_space<hbm>>) target(%arg10 : memref<112x128xf32, #tpu.memory_space<vmem>>) offsets(%dma_start3A_462 : memref<112xi32, #tpu.memory_space<vmem>>) semaphore(%arg18 : memref<!tpu.dma_semaphore, #tpu.memory_space<semaphore_mem>>)
      } else {
      }
      %lt3A_153 = arith.cmpi slt, %add3A_131, %add3A_9 : i32
      %convert_element_type3A_154 = arith.extui %lt3A_153 : i1 to i32
      %cond3A_155 = arith.constant 0 : i32
      %cond3A_156 = arith.cmpi ne, %convert_element_type3A_154, %cond3A_155 : i32
      scf.if %cond3A_156 {
        %dma_wait3A_448 = arith.constant 0 : i32
        %dma_wait3A_449 = arith.constant 0 : i32
        %dma_wait3A_450 = tpu.memref_slice %arg7[%dma_wait3A_448, %dma_wait3A_449] : memref<2x112xi32, #tpu.memory_space<vmem>> -> memref<1x112xi32, #tpu.memory_space<vmem>>
        %dma_wait3A_451 = tpu.memref_squeeze %dma_wait3A_450 : memref<1x112xi32, #tpu.memory_space<vmem>> -> memref<112xi32, #tpu.memory_space<vmem>>
        %dma_wait3A_452 = arith.constant 0 : i32
        %dma_wait3A_453 = arith.constant 0 : i32
        %dma_wait3A_454 = tpu.memref_slice %arg2[%dma_wait3A_452, %dma_wait3A_453] : memref<10240x128xf32, #tpu.memory_space<hbm>> -> memref<10240x128xf32, #tpu.memory_space<hbm>>
        tpu.wait_indirect_dma semaphore(%arg19 : memref<!tpu.dma_semaphore, #tpu.memory_space<semaphore_mem>>) src(%dma_wait3A_454 : memref<10240x128xf32, #tpu.memory_space<hbm>>) dst(%arg11 : memref<112x128xf32, #tpu.memory_space<vmem>>)
        %dma_start3A_455 = arith.constant 1 : i32
        %dma_start3A_456 = arith.constant 0 : i32
        %dma_start3A_457 = tpu.memref_slice %arg7[%dma_start3A_455, %dma_start3A_456] : memref<2x112xi32, #tpu.memory_space<vmem>> -> memref<1x112xi32, #tpu.memory_space<vmem>>
        %dma_start3A_458 = tpu.memref_squeeze %dma_start3A_457 : memref<1x112xi32, #tpu.memory_space<vmem>> -> memref<112xi32, #tpu.memory_space<vmem>>
        %dma_start3A_459 = arith.constant 0 : i32
        %dma_start3A_460 = arith.constant 0 : i32
        %dma_start3A_461 = tpu.memref_slice %arg13[%dma_start3A_459, %dma_start3A_460] : memref<10240x128xf32, #tpu.memory_space<vmem_shared>> -> memref<10240x128xf32, #tpu.memory_space<vmem_shared>>
        tpu.enqueue_indirect_dma source(%arg11 : memref<112x128xf32, #tpu.memory_space<vmem>>) target(%dma_start3A_461 : memref<10240x128xf32, #tpu.memory_space<vmem_shared>>) offsets(%dma_start3A_458 : memref<112xi32, #tpu.memory_space<vmem>>) semaphore(%arg22 : memref<!tpu.dma_semaphore, #tpu.memory_space<semaphore_mem>>) {add = true}
      } else {
      }
      %mul3A_157 = arith.constant 12 : i32
      %mul3A_158 = arith.muli %scan3A_102, %mul3A_157 : i32
      %add3A_159 = arith.constant 2 : i32
      %add3A_160 = arith.addi %mul3A_158, %add3A_159 : i32
      %add3A_161 = arith.constant 2 : i32
      %add3A_162 = arith.addi %add3A_160, %add3A_161 : i32
      %lt3A_163 = arith.cmpi slt, %add3A_162, %add3A_9 : i32
      %ge3A_164 = arith.constant 1 : i32
      %ge3A_165 = arith.cmpi sge, %add3A_160, %ge3A_164 : i32
      %and3A_166 = arith.andi %lt3A_163, %ge3A_165 : i1
      %convert_element_type3A_167 = arith.extui %and3A_166 : i1 to i32
      %cond3A_168 = arith.constant 0 : i32
      %cond3A_169 = arith.cmpi ne, %convert_element_type3A_167, %cond3A_168 : i32
      scf.if %cond3A_169 {
        %dma_wait3A_448 = arith.constant 1 : i32
        %dma_wait3A_449 = arith.constant 0 : i32
        %dma_wait3A_450 = tpu.memref_slice %arg7[%dma_wait3A_448, %dma_wait3A_449] : memref<2x112xi32, #tpu.memory_space<vmem>> -> memref<1x112xi32, #tpu.memory_space<vmem>>
        %dma_wait3A_451 = tpu.memref_squeeze %dma_wait3A_450 : memref<1x112xi32, #tpu.memory_space<vmem>> -> memref<112xi32, #tpu.memory_space<vmem>>
        %dma_wait3A_452 = arith.constant 0 : i32
        %dma_wait3A_453 = arith.constant 0 : i32
        %dma_wait3A_454 = tpu.memref_slice %arg13[%dma_wait3A_452, %dma_wait3A_453] : memref<10240x128xf32, #tpu.memory_space<vmem_shared>> -> memref<10240x128xf32, #tpu.memory_space<vmem_shared>>
        tpu.wait_indirect_dma semaphore(%arg22 : memref<!tpu.dma_semaphore, #tpu.memory_space<semaphore_mem>>) src(%arg11 : memref<112x128xf32, #tpu.memory_space<vmem>>) dst(%dma_wait3A_454 : memref<10240x128xf32, #tpu.memory_space<vmem_shared>>)
      } else {
      }
      %add3A_170 = arith.constant 3 : i32
      %add3A_171 = arith.addi %add3A_160, %add3A_170 : i32
      %lt3A_172 = arith.cmpi slt, %add3A_171, %add3A_9 : i32
      %convert_element_type3A_173 = arith.extui %lt3A_172 : i1 to i32
      %cond3A_174 = arith.constant 0 : i32
      %cond3A_175 = arith.cmpi ne, %convert_element_type3A_173, %cond3A_174 : i32
      scf.if %cond3A_175 {
        %add3A_448 = arith.constant 3 : i32
        %add3A_449 = arith.addi %add3A_160, %add3A_448 : i32
        %add3A_450 = arith.addi %add3A_5, %add3A_449 : i32
        %dma_start3A_451 = arith.constant 0 : i32
        %dma_start3A_452 = arith.constant 0 : i32
        %dma_start3A_453 = tpu.memref_slice %arg3[%add3A_450, %dma_start3A_451, %dma_start3A_452] : memref<2880x2x112xi32, #tpu.memory_space<hbm>> -> memref<1x2x112xi32, #tpu.memory_space<hbm>>
        %dma_start3A_454 = tpu.memref_squeeze %dma_start3A_453 : memref<1x2x112xi32, #tpu.memory_space<hbm>> -> memref<2x112xi32, #tpu.memory_space<hbm>>
        %dma_start3A_455 = arith.constant 0 : i32
        %dma_start3A_456 = arith.constant 0 : i32
        %dma_start3A_457 = tpu.memref_slice %arg3[%add3A_450, %dma_start3A_455, %dma_start3A_456] : memref<2880x2x112xi32, #tpu.memory_space<hbm>> -> memref<1x2x112xi32, #tpu.memory_space<hbm>>
        %dma_start3A_458 = tpu.memref_squeeze %dma_start3A_457 : memref<1x2x112xi32, #tpu.memory_space<hbm>> -> memref<2x112xi32, #tpu.memory_space<hbm>>
        tpu.enqueue_dma source(%dma_start3A_458 : memref<2x112xi32, #tpu.memory_space<hbm>>) target(%arg7 : memref<2x112xi32, #tpu.memory_space<vmem>>) target_semaphore(%arg15 : memref<!tpu.dma_semaphore, #tpu.memory_space<semaphore_mem>>)
      } else {
      }
      %add3A_176 = arith.constant 2 : i32
      %add3A_177 = arith.addi %add3A_160, %add3A_176 : i32
      %lt3A_178 = arith.cmpi slt, %add3A_177, %add3A_9 : i32
      %convert_element_type3A_179 = arith.extui %lt3A_178 : i1 to i32
      %cond3A_180 = arith.constant 0 : i32
      %cond3A_181 = arith.cmpi ne, %convert_element_type3A_179, %cond3A_180 : i32
      scf.if %cond3A_181 {
        %add3A_448 = arith.constant 2 : i32
        %add3A_449 = arith.addi %add3A_160, %add3A_448 : i32
        %add3A_450 = arith.addi %add3A_5, %add3A_449 : i32
        %dma_wait3A_451 = arith.constant 0 : i32
        %dma_wait3A_452 = arith.constant 0 : i32
        %dma_wait3A_453 = tpu.memref_slice %arg3[%add3A_450, %dma_wait3A_451, %dma_wait3A_452] : memref<2880x2x112xi32, #tpu.memory_space<hbm>> -> memref<1x2x112xi32, #tpu.memory_space<hbm>>
        %dma_wait3A_454 = tpu.memref_squeeze %dma_wait3A_453 : memref<1x2x112xi32, #tpu.memory_space<hbm>> -> memref<2x112xi32, #tpu.memory_space<hbm>>
        %dma_wait3A_455 = arith.constant 0 : i32
        %dma_wait3A_456 = arith.constant 0 : i32
        %dma_wait3A_457 = tpu.memref_slice %arg3[%add3A_450, %dma_wait3A_455, %dma_wait3A_456] : memref<2880x2x112xi32, #tpu.memory_space<hbm>> -> memref<1x2x112xi32, #tpu.memory_space<hbm>>
        %dma_wait3A_458 = tpu.memref_squeeze %dma_wait3A_457 : memref<1x2x112xi32, #tpu.memory_space<hbm>> -> memref<2x112xi32, #tpu.memory_space<hbm>>
        tpu.wait_dma2 semaphore(%arg14 : memref<!tpu.dma_semaphore, #tpu.memory_space<semaphore_mem>>) src(%dma_wait3A_458 : memref<2x112xi32, #tpu.memory_space<hbm>>) dst(%arg6 : memref<2x112xi32, #tpu.memory_space<vmem>>)
        %dma_start3A_459 = arith.constant 0 : i32
        %dma_start3A_460 = arith.constant 0 : i32
        %dma_start3A_461 = tpu.memref_slice %arg6[%dma_start3A_459, %dma_start3A_460] : memref<2x112xi32, #tpu.memory_space<vmem>> -> memref<1x112xi32, #tpu.memory_space<vmem>>
        %dma_start3A_462 = tpu.memref_squeeze %dma_start3A_461 : memref<1x112xi32, #tpu.memory_space<vmem>> -> memref<112xi32, #tpu.memory_space<vmem>>
        %dma_start3A_463 = arith.constant 0 : i32
        %dma_start3A_464 = arith.constant 0 : i32
        %dma_start3A_465 = tpu.memref_slice %arg2[%dma_start3A_463, %dma_start3A_464] : memref<10240x128xf32, #tpu.memory_space<hbm>> -> memref<10240x128xf32, #tpu.memory_space<hbm>>
        tpu.enqueue_indirect_dma source(%dma_start3A_465 : memref<10240x128xf32, #tpu.memory_space<hbm>>) target(%arg11 : memref<112x128xf32, #tpu.memory_space<vmem>>) offsets(%dma_start3A_462 : memref<112xi32, #tpu.memory_space<vmem>>) semaphore(%arg19 : memref<!tpu.dma_semaphore, #tpu.memory_space<semaphore_mem>>)
      } else {
      }
      %lt3A_182 = arith.cmpi slt, %add3A_160, %add3A_9 : i32
      %convert_element_type3A_183 = arith.extui %lt3A_182 : i1 to i32
      %cond3A_184 = arith.constant 0 : i32
      %cond3A_185 = arith.cmpi ne, %convert_element_type3A_183, %cond3A_184 : i32
      scf.if %cond3A_185 {
        %dma_wait3A_448 = arith.constant 0 : i32
        %dma_wait3A_449 = arith.constant 0 : i32
        %dma_wait3A_450 = tpu.memref_slice %arg8[%dma_wait3A_448, %dma_wait3A_449] : memref<2x112xi32, #tpu.memory_space<vmem>> -> memref<1x112xi32, #tpu.memory_space<vmem>>
        %dma_wait3A_451 = tpu.memref_squeeze %dma_wait3A_450 : memref<1x112xi32, #tpu.memory_space<vmem>> -> memref<112xi32, #tpu.memory_space<vmem>>
        %dma_wait3A_452 = arith.constant 0 : i32
        %dma_wait3A_453 = arith.constant 0 : i32
        %dma_wait3A_454 = tpu.memref_slice %arg2[%dma_wait3A_452, %dma_wait3A_453] : memref<10240x128xf32, #tpu.memory_space<hbm>> -> memref<10240x128xf32, #tpu.memory_space<hbm>>
        tpu.wait_indirect_dma semaphore(%arg20 : memref<!tpu.dma_semaphore, #tpu.memory_space<semaphore_mem>>) src(%dma_wait3A_454 : memref<10240x128xf32, #tpu.memory_space<hbm>>) dst(%arg12 : memref<112x128xf32, #tpu.memory_space<vmem>>)
        %dma_start3A_455 = arith.constant 1 : i32
        %dma_start3A_456 = arith.constant 0 : i32
        %dma_start3A_457 = tpu.memref_slice %arg8[%dma_start3A_455, %dma_start3A_456] : memref<2x112xi32, #tpu.memory_space<vmem>> -> memref<1x112xi32, #tpu.memory_space<vmem>>
        %dma_start3A_458 = tpu.memref_squeeze %dma_start3A_457 : memref<1x112xi32, #tpu.memory_space<vmem>> -> memref<112xi32, #tpu.memory_space<vmem>>
        %dma_start3A_459 = arith.constant 0 : i32
        %dma_start3A_460 = arith.constant 0 : i32
        %dma_start3A_461 = tpu.memref_slice %arg13[%dma_start3A_459, %dma_start3A_460] : memref<10240x128xf32, #tpu.memory_space<vmem_shared>> -> memref<10240x128xf32, #tpu.memory_space<vmem_shared>>
        tpu.enqueue_indirect_dma source(%arg12 : memref<112x128xf32, #tpu.memory_space<vmem>>) target(%dma_start3A_461 : memref<10240x128xf32, #tpu.memory_space<vmem_shared>>) offsets(%dma_start3A_458 : memref<112xi32, #tpu.memory_space<vmem>>) semaphore(%arg23 : memref<!tpu.dma_semaphore, #tpu.memory_space<semaphore_mem>>) {add = true}
      } else {
      }
      %mul3A_186 = arith.constant 12 : i32
      %mul3A_187 = arith.muli %scan3A_102, %mul3A_186 : i32
      %add3A_188 = arith.constant 3 : i32
      %add3A_189 = arith.addi %mul3A_187, %add3A_188 : i32
      %add3A_190 = arith.constant 2 : i32
      %add3A_191 = arith.addi %add3A_189, %add3A_190 : i32
      %lt3A_192 = arith.cmpi slt, %add3A_191, %add3A_9 : i32
      %ge3A_193 = arith.constant 1 : i32
      %ge3A_194 = arith.cmpi sge, %add3A_189, %ge3A_193 : i32
      %and3A_195 = arith.andi %lt3A_192, %ge3A_194 : i1
      %convert_element_type3A_196 = arith.extui %and3A_195 : i1 to i32
      %cond3A_197 = arith.constant 0 : i32
      %cond3A_198 = arith.cmpi ne, %convert_element_type3A_196, %cond3A_197 : i32
      scf.if %cond3A_198 {
        %dma_wait3A_448 = arith.constant 1 : i32
        %dma_wait3A_449 = arith.constant 0 : i32
        %dma_wait3A_450 = tpu.memref_slice %arg8[%dma_wait3A_448, %dma_wait3A_449] : memref<2x112xi32, #tpu.memory_space<vmem>> -> memref<1x112xi32, #tpu.memory_space<vmem>>
        %dma_wait3A_451 = tpu.memref_squeeze %dma_wait3A_450 : memref<1x112xi32, #tpu.memory_space<vmem>> -> memref<112xi32, #tpu.memory_space<vmem>>
        %dma_wait3A_452 = arith.constant 0 : i32
        %dma_wait3A_453 = arith.constant 0 : i32
        %dma_wait3A_454 = tpu.memref_slice %arg13[%dma_wait3A_452, %dma_wait3A_453] : memref<10240x128xf32, #tpu.memory_space<vmem_shared>> -> memref<10240x128xf32, #tpu.memory_space<vmem_shared>>
        tpu.wait_indirect_dma semaphore(%arg23 : memref<!tpu.dma_semaphore, #tpu.memory_space<semaphore_mem>>) src(%arg12 : memref<112x128xf32, #tpu.memory_space<vmem>>) dst(%dma_wait3A_454 : memref<10240x128xf32, #tpu.memory_space<vmem_shared>>)
      } else {
      }
      %add3A_199 = arith.constant 3 : i32
      %add3A_200 = arith.addi %add3A_189, %add3A_199 : i32
      %lt3A_201 = arith.cmpi slt, %add3A_200, %add3A_9 : i32
      %convert_element_type3A_202 = arith.extui %lt3A_201 : i1 to i32
      %cond3A_203 = arith.constant 0 : i32
      %cond3A_204 = arith.cmpi ne, %convert_element_type3A_202, %cond3A_203 : i32
      scf.if %cond3A_204 {
        %add3A_448 = arith.constant 3 : i32
        %add3A_449 = arith.addi %add3A_189, %add3A_448 : i32
        %add3A_450 = arith.addi %add3A_5, %add3A_449 : i32
        %dma_start3A_451 = arith.constant 0 : i32
        %dma_start3A_452 = arith.constant 0 : i32
        %dma_start3A_453 = tpu.memref_slice %arg3[%add3A_450, %dma_start3A_451, %dma_start3A_452] : memref<2880x2x112xi32, #tpu.memory_space<hbm>> -> memref<1x2x112xi32, #tpu.memory_space<hbm>>
        %dma_start3A_454 = tpu.memref_squeeze %dma_start3A_453 : memref<1x2x112xi32, #tpu.memory_space<hbm>> -> memref<2x112xi32, #tpu.memory_space<hbm>>
        %dma_start3A_455 = arith.constant 0 : i32
        %dma_start3A_456 = arith.constant 0 : i32
        %dma_start3A_457 = tpu.memref_slice %arg3[%add3A_450, %dma_start3A_455, %dma_start3A_456] : memref<2880x2x112xi32, #tpu.memory_space<hbm>> -> memref<1x2x112xi32, #tpu.memory_space<hbm>>
        %dma_start3A_458 = tpu.memref_squeeze %dma_start3A_457 : memref<1x2x112xi32, #tpu.memory_space<hbm>> -> memref<2x112xi32, #tpu.memory_space<hbm>>
        tpu.enqueue_dma source(%dma_start3A_458 : memref<2x112xi32, #tpu.memory_space<hbm>>) target(%arg8 : memref<2x112xi32, #tpu.memory_space<vmem>>) target_semaphore(%arg16 : memref<!tpu.dma_semaphore, #tpu.memory_space<semaphore_mem>>)
      } else {
      }
      %add3A_205 = arith.constant 2 : i32
      %add3A_206 = arith.addi %add3A_189, %add3A_205 : i32
      %lt3A_207 = arith.cmpi slt, %add3A_206, %add3A_9 : i32
      %convert_element_type3A_208 = arith.extui %lt3A_207 : i1 to i32
      %cond3A_209 = arith.constant 0 : i32
      %cond3A_210 = arith.cmpi ne, %convert_element_type3A_208, %cond3A_209 : i32
      scf.if %cond3A_210 {
        %add3A_448 = arith.constant 2 : i32
        %add3A_449 = arith.addi %add3A_189, %add3A_448 : i32
        %add3A_450 = arith.addi %add3A_5, %add3A_449 : i32
        %dma_wait3A_451 = arith.constant 0 : i32
        %dma_wait3A_452 = arith.constant 0 : i32
        %dma_wait3A_453 = tpu.memref_slice %arg3[%add3A_450, %dma_wait3A_451, %dma_wait3A_452] : memref<2880x2x112xi32, #tpu.memory_space<hbm>> -> memref<1x2x112xi32, #tpu.memory_space<hbm>>
        %dma_wait3A_454 = tpu.memref_squeeze %dma_wait3A_453 : memref<1x2x112xi32, #tpu.memory_space<hbm>> -> memref<2x112xi32, #tpu.memory_space<hbm>>
        %dma_wait3A_455 = arith.constant 0 : i32
        %dma_wait3A_456 = arith.constant 0 : i32
        %dma_wait3A_457 = tpu.memref_slice %arg3[%add3A_450, %dma_wait3A_455, %dma_wait3A_456] : memref<2880x2x112xi32, #tpu.memory_space<hbm>> -> memref<1x2x112xi32, #tpu.memory_space<hbm>>
        %dma_wait3A_458 = tpu.memref_squeeze %dma_wait3A_457 : memref<1x2x112xi32, #tpu.memory_space<hbm>> -> memref<2x112xi32, #tpu.memory_space<hbm>>
        tpu.wait_dma2 semaphore(%arg15 : memref<!tpu.dma_semaphore, #tpu.memory_space<semaphore_mem>>) src(%dma_wait3A_458 : memref<2x112xi32, #tpu.memory_space<hbm>>) dst(%arg7 : memref<2x112xi32, #tpu.memory_space<vmem>>)
        %dma_start3A_459 = arith.constant 0 : i32
        %dma_start3A_460 = arith.constant 0 : i32
        %dma_start3A_461 = tpu.memref_slice %arg7[%dma_start3A_459, %dma_start3A_460] : memref<2x112xi32, #tpu.memory_space<vmem>> -> memref<1x112xi32, #tpu.memory_space<vmem>>
        %dma_start3A_462 = tpu.memref_squeeze %dma_start3A_461 : memref<1x112xi32, #tpu.memory_space<vmem>> -> memref<112xi32, #tpu.memory_space<vmem>>
        %dma_start3A_463 = arith.constant 0 : i32
        %dma_start3A_464 = arith.constant 0 : i32
        %dma_start3A_465 = tpu.memref_slice %arg2[%dma_start3A_463, %dma_start3A_464] : memref<10240x128xf32, #tpu.memory_space<hbm>> -> memref<10240x128xf32, #tpu.memory_space<hbm>>
        tpu.enqueue_indirect_dma source(%dma_start3A_465 : memref<10240x128xf32, #tpu.memory_space<hbm>>) target(%arg12 : memref<112x128xf32, #tpu.memory_space<vmem>>) offsets(%dma_start3A_462 : memref<112xi32, #tpu.memory_space<vmem>>) semaphore(%arg20 : memref<!tpu.dma_semaphore, #tpu.memory_space<semaphore_mem>>)
      } else {
      }
      %lt3A_211 = arith.cmpi slt, %add3A_189, %add3A_9 : i32
      %convert_element_type3A_212 = arith.extui %lt3A_211 : i1 to i32
      %cond3A_213 = arith.constant 0 : i32
      %cond3A_214 = arith.cmpi ne, %convert_element_type3A_212, %cond3A_213 : i32
      scf.if %cond3A_214 {
        %dma_wait3A_448 = arith.constant 0 : i32
        %dma_wait3A_449 = arith.constant 0 : i32
        %dma_wait3A_450 = tpu.memref_slice %arg9[%dma_wait3A_448, %dma_wait3A_449] : memref<2x112xi32, #tpu.memory_space<vmem>> -> memref<1x112xi32, #tpu.memory_space<vmem>>
        %dma_wait3A_451 = tpu.memref_squeeze %dma_wait3A_450 : memref<1x112xi32, #tpu.memory_space<vmem>> -> memref<112xi32, #tpu.memory_space<vmem>>
        %dma_wait3A_452 = arith.constant 0 : i32
        %dma_wait3A_453 = arith.constant 0 : i32
        %dma_wait3A_454 = tpu.memref_slice %arg2[%dma_wait3A_452, %dma_wait3A_453] : memref<10240x128xf32, #tpu.memory_space<hbm>> -> memref<10240x128xf32, #tpu.memory_space<hbm>>
        tpu.wait_indirect_dma semaphore(%arg18 : memref<!tpu.dma_semaphore, #tpu.memory_space<semaphore_mem>>) src(%dma_wait3A_454 : memref<10240x128xf32, #tpu.memory_space<hbm>>) dst(%arg10 : memref<112x128xf32, #tpu.memory_space<vmem>>)
        %dma_start3A_455 = arith.constant 1 : i32
        %dma_start3A_456 = arith.constant 0 : i32
        %dma_start3A_457 = tpu.memref_slice %arg9[%dma_start3A_455, %dma_start3A_456] : memref<2x112xi32, #tpu.memory_space<vmem>> -> memref<1x112xi32, #tpu.memory_space<vmem>>
        %dma_start3A_458 = tpu.memref_squeeze %dma_start3A_457 : memref<1x112xi32, #tpu.memory_space<vmem>> -> memref<112xi32, #tpu.memory_space<vmem>>
        %dma_start3A_459 = arith.constant 0 : i32
        %dma_start3A_460 = arith.constant 0 : i32
        %dma_start3A_461 = tpu.memref_slice %arg13[%dma_start3A_459, %dma_start3A_460] : memref<10240x128xf32, #tpu.memory_space<vmem_shared>> -> memref<10240x128xf32, #tpu.memory_space<vmem_shared>>
        tpu.enqueue_indirect_dma source(%arg10 : memref<112x128xf32, #tpu.memory_space<vmem>>) target(%dma_start3A_461 : memref<10240x128xf32, #tpu.memory_space<vmem_shared>>) offsets(%dma_start3A_458 : memref<112xi32, #tpu.memory_space<vmem>>) semaphore(%arg21 : memref<!tpu.dma_semaphore, #tpu.memory_space<semaphore_mem>>) {add = true}
      } else {
      }
      %mul3A_215 = arith.constant 12 : i32
      %mul3A_216 = arith.muli %scan3A_102, %mul3A_215 : i32
      %add3A_217 = arith.constant 4 : i32
      %add3A_218 = arith.addi %mul3A_216, %add3A_217 : i32
      %add3A_219 = arith.constant 2 : i32
      %add3A_220 = arith.addi %add3A_218, %add3A_219 : i32
      %lt3A_221 = arith.cmpi slt, %add3A_220, %add3A_9 : i32
      %ge3A_222 = arith.constant 1 : i32
      %ge3A_223 = arith.cmpi sge, %add3A_218, %ge3A_222 : i32
      %and3A_224 = arith.andi %lt3A_221, %ge3A_223 : i1
      %convert_element_type3A_225 = arith.extui %and3A_224 : i1 to i32
      %cond3A_226 = arith.constant 0 : i32
      %cond3A_227 = arith.cmpi ne, %convert_element_type3A_225, %cond3A_226 : i32
      scf.if %cond3A_227 {
        %dma_wait3A_448 = arith.constant 1 : i32
        %dma_wait3A_449 = arith.constant 0 : i32
        %dma_wait3A_450 = tpu.memref_slice %arg9[%dma_wait3A_448, %dma_wait3A_449] : memref<2x112xi32, #tpu.memory_space<vmem>> -> memref<1x112xi32, #tpu.memory_space<vmem>>
        %dma_wait3A_451 = tpu.memref_squeeze %dma_wait3A_450 : memref<1x112xi32, #tpu.memory_space<vmem>> -> memref<112xi32, #tpu.memory_space<vmem>>
        %dma_wait3A_452 = arith.constant 0 : i32
        %dma_wait3A_453 = arith.constant 0 : i32
        %dma_wait3A_454 = tpu.memref_slice %arg13[%dma_wait3A_452, %dma_wait3A_453] : memref<10240x128xf32, #tpu.memory_space<vmem_shared>> -> memref<10240x128xf32, #tpu.memory_space<vmem_shared>>
        tpu.wait_indirect_dma semaphore(%arg21 : memref<!tpu.dma_semaphore, #tpu.memory_space<semaphore_mem>>) src(%arg10 : memref<112x128xf32, #tpu.memory_space<vmem>>) dst(%dma_wait3A_454 : memref<10240x128xf32, #tpu.memory_space<vmem_shared>>)
      } else {
      }
      %add3A_228 = arith.constant 3 : i32
      %add3A_229 = arith.addi %add3A_218, %add3A_228 : i32
      %lt3A_230 = arith.cmpi slt, %add3A_229, %add3A_9 : i32
      %convert_element_type3A_231 = arith.extui %lt3A_230 : i1 to i32
      %cond3A_232 = arith.constant 0 : i32
      %cond3A_233 = arith.cmpi ne, %convert_element_type3A_231, %cond3A_232 : i32
      scf.if %cond3A_233 {
        %add3A_448 = arith.constant 3 : i32
        %add3A_449 = arith.addi %add3A_218, %add3A_448 : i32
        %add3A_450 = arith.addi %add3A_5, %add3A_449 : i32
        %dma_start3A_451 = arith.constant 0 : i32
        %dma_start3A_452 = arith.constant 0 : i32
        %dma_start3A_453 = tpu.memref_slice %arg3[%add3A_450, %dma_start3A_451, %dma_start3A_452] : memref<2880x2x112xi32, #tpu.memory_space<hbm>> -> memref<1x2x112xi32, #tpu.memory_space<hbm>>
        %dma_start3A_454 = tpu.memref_squeeze %dma_start3A_453 : memref<1x2x112xi32, #tpu.memory_space<hbm>> -> memref<2x112xi32, #tpu.memory_space<hbm>>
        %dma_start3A_455 = arith.constant 0 : i32
        %dma_start3A_456 = arith.constant 0 : i32
        %dma_start3A_457 = tpu.memref_slice %arg3[%add3A_450, %dma_start3A_455, %dma_start3A_456] : memref<2880x2x112xi32, #tpu.memory_space<hbm>> -> memref<1x2x112xi32, #tpu.memory_space<hbm>>
        %dma_start3A_458 = tpu.memref_squeeze %dma_start3A_457 : memref<1x2x112xi32, #tpu.memory_space<hbm>> -> memref<2x112xi32, #tpu.memory_space<hbm>>
        tpu.enqueue_dma source(%dma_start3A_458 : memref<2x112xi32, #tpu.memory_space<hbm>>) target(%arg9 : memref<2x112xi32, #tpu.memory_space<vmem>>) target_semaphore(%arg17 : memref<!tpu.dma_semaphore, #tpu.memory_space<semaphore_mem>>)
      } else {
      }
      %add3A_234 = arith.constant 2 : i32
      %add3A_235 = arith.addi %add3A_218, %add3A_234 : i32
      %lt3A_236 = arith.cmpi slt, %add3A_235, %add3A_9 : i32
      %convert_element_type3A_237 = arith.extui %lt3A_236 : i1 to i32
      %cond3A_238 = arith.constant 0 : i32
      %cond3A_239 = arith.cmpi ne, %convert_element_type3A_237, %cond3A_238 : i32
      scf.if %cond3A_239 {
        %add3A_448 = arith.constant 2 : i32
        %add3A_449 = arith.addi %add3A_218, %add3A_448 : i32
        %add3A_450 = arith.addi %add3A_5, %add3A_449 : i32
        %dma_wait3A_451 = arith.constant 0 : i32
        %dma_wait3A_452 = arith.constant 0 : i32
        %dma_wait3A_453 = tpu.memref_slice %arg3[%add3A_450, %dma_wait3A_451, %dma_wait3A_452] : memref<2880x2x112xi32, #tpu.memory_space<hbm>> -> memref<1x2x112xi32, #tpu.memory_space<hbm>>
        %dma_wait3A_454 = tpu.memref_squeeze %dma_wait3A_453 : memref<1x2x112xi32, #tpu.memory_space<hbm>> -> memref<2x112xi32, #tpu.memory_space<hbm>>
        %dma_wait3A_455 = arith.constant 0 : i32
        %dma_wait3A_456 = arith.constant 0 : i32
        %dma_wait3A_457 = tpu.memref_slice %arg3[%add3A_450, %dma_wait3A_455, %dma_wait3A_456] : memref<2880x2x112xi32, #tpu.memory_space<hbm>> -> memref<1x2x112xi32, #tpu.memory_space<hbm>>
        %dma_wait3A_458 = tpu.memref_squeeze %dma_wait3A_457 : memref<1x2x112xi32, #tpu.memory_space<hbm>> -> memref<2x112xi32, #tpu.memory_space<hbm>>
        tpu.wait_dma2 semaphore(%arg16 : memref<!tpu.dma_semaphore, #tpu.memory_space<semaphore_mem>>) src(%dma_wait3A_458 : memref<2x112xi32, #tpu.memory_space<hbm>>) dst(%arg8 : memref<2x112xi32, #tpu.memory_space<vmem>>)
        %dma_start3A_459 = arith.constant 0 : i32
        %dma_start3A_460 = arith.constant 0 : i32
        %dma_start3A_461 = tpu.memref_slice %arg8[%dma_start3A_459, %dma_start3A_460] : memref<2x112xi32, #tpu.memory_space<vmem>> -> memref<1x112xi32, #tpu.memory_space<vmem>>
        %dma_start3A_462 = tpu.memref_squeeze %dma_start3A_461 : memref<1x112xi32, #tpu.memory_space<vmem>> -> memref<112xi32, #tpu.memory_space<vmem>>
        %dma_start3A_463 = arith.constant 0 : i32
        %dma_start3A_464 = arith.constant 0 : i32
        %dma_start3A_465 = tpu.memref_slice %arg2[%dma_start3A_463, %dma_start3A_464] : memref<10240x128xf32, #tpu.memory_space<hbm>> -> memref<10240x128xf32, #tpu.memory_space<hbm>>
        tpu.enqueue_indirect_dma source(%dma_start3A_465 : memref<10240x128xf32, #tpu.memory_space<hbm>>) target(%arg10 : memref<112x128xf32, #tpu.memory_space<vmem>>) offsets(%dma_start3A_462 : memref<112xi32, #tpu.memory_space<vmem>>) semaphore(%arg18 : memref<!tpu.dma_semaphore, #tpu.memory_space<semaphore_mem>>)
      } else {
      }
      %lt3A_240 = arith.cmpi slt, %add3A_218, %add3A_9 : i32
      %convert_element_type3A_241 = arith.extui %lt3A_240 : i1 to i32
      %cond3A_242 = arith.constant 0 : i32
      %cond3A_243 = arith.cmpi ne, %convert_element_type3A_241, %cond3A_242 : i32
      scf.if %cond3A_243 {
        %dma_wait3A_448 = arith.constant 0 : i32
        %dma_wait3A_449 = arith.constant 0 : i32
        %dma_wait3A_450 = tpu.memref_slice %arg6[%dma_wait3A_448, %dma_wait3A_449] : memref<2x112xi32, #tpu.memory_space<vmem>> -> memref<1x112xi32, #tpu.memory_space<vmem>>
        %dma_wait3A_451 = tpu.memref_squeeze %dma_wait3A_450 : memref<1x112xi32, #tpu.memory_space<vmem>> -> memref<112xi32, #tpu.memory_space<vmem>>
        %dma_wait3A_452 = arith.constant 0 : i32
        %dma_wait3A_453 = arith.constant 0 : i32
        %dma_wait3A_454 = tpu.memref_slice %arg2[%dma_wait3A_452, %dma_wait3A_453] : memref<10240x128xf32, #tpu.memory_space<hbm>> -> memref<10240x128xf32, #tpu.memory_space<hbm>>
        tpu.wait_indirect_dma semaphore(%arg19 : memref<!tpu.dma_semaphore, #tpu.memory_space<semaphore_mem>>) src(%dma_wait3A_454 : memref<10240x128xf32, #tpu.memory_space<hbm>>) dst(%arg11 : memref<112x128xf32, #tpu.memory_space<vmem>>)
        %dma_start3A_455 = arith.constant 1 : i32
        %dma_start3A_456 = arith.constant 0 : i32
        %dma_start3A_457 = tpu.memref_slice %arg6[%dma_start3A_455, %dma_start3A_456] : memref<2x112xi32, #tpu.memory_space<vmem>> -> memref<1x112xi32, #tpu.memory_space<vmem>>
        %dma_start3A_458 = tpu.memref_squeeze %dma_start3A_457 : memref<1x112xi32, #tpu.memory_space<vmem>> -> memref<112xi32, #tpu.memory_space<vmem>>
        %dma_start3A_459 = arith.constant 0 : i32
        %dma_start3A_460 = arith.constant 0 : i32
        %dma_start3A_461 = tpu.memref_slice %arg13[%dma_start3A_459, %dma_start3A_460] : memref<10240x128xf32, #tpu.memory_space<vmem_shared>> -> memref<10240x128xf32, #tpu.memory_space<vmem_shared>>
        tpu.enqueue_indirect_dma source(%arg11 : memref<112x128xf32, #tpu.memory_space<vmem>>) target(%dma_start3A_461 : memref<10240x128xf32, #tpu.memory_space<vmem_shared>>) offsets(%dma_start3A_458 : memref<112xi32, #tpu.memory_space<vmem>>) semaphore(%arg22 : memref<!tpu.dma_semaphore, #tpu.memory_space<semaphore_mem>>) {add = true}
      } else {
      }
      %mul3A_244 = arith.constant 12 : i32
      %mul3A_245 = arith.muli %scan3A_102, %mul3A_244 : i32
      %add3A_246 = arith.constant 5 : i32
      %add3A_247 = arith.addi %mul3A_245, %add3A_246 : i32
      %add3A_248 = arith.constant 2 : i32
      %add3A_249 = arith.addi %add3A_247, %add3A_248 : i32
      %lt3A_250 = arith.cmpi slt, %add3A_249, %add3A_9 : i32
      %ge3A_251 = arith.constant 1 : i32
      %ge3A_252 = arith.cmpi sge, %add3A_247, %ge3A_251 : i32
      %and3A_253 = arith.andi %lt3A_250, %ge3A_252 : i1
      %convert_element_type3A_254 = arith.extui %and3A_253 : i1 to i32
      %cond3A_255 = arith.constant 0 : i32
      %cond3A_256 = arith.cmpi ne, %convert_element_type3A_254, %cond3A_255 : i32
      scf.if %cond3A_256 {
        %dma_wait3A_448 = arith.constant 1 : i32
        %dma_wait3A_449 = arith.constant 0 : i32
        %dma_wait3A_450 = tpu.memref_slice %arg6[%dma_wait3A_448, %dma_wait3A_449] : memref<2x112xi32, #tpu.memory_space<vmem>> -> memref<1x112xi32, #tpu.memory_space<vmem>>
        %dma_wait3A_451 = tpu.memref_squeeze %dma_wait3A_450 : memref<1x112xi32, #tpu.memory_space<vmem>> -> memref<112xi32, #tpu.memory_space<vmem>>
        %dma_wait3A_452 = arith.constant 0 : i32
        %dma_wait3A_453 = arith.constant 0 : i32
        %dma_wait3A_454 = tpu.memref_slice %arg13[%dma_wait3A_452, %dma_wait3A_453] : memref<10240x128xf32, #tpu.memory_space<vmem_shared>> -> memref<10240x128xf32, #tpu.memory_space<vmem_shared>>
        tpu.wait_indirect_dma semaphore(%arg22 : memref<!tpu.dma_semaphore, #tpu.memory_space<semaphore_mem>>) src(%arg11 : memref<112x128xf32, #tpu.memory_space<vmem>>) dst(%dma_wait3A_454 : memref<10240x128xf32, #tpu.memory_space<vmem_shared>>)
      } else {
      }
      %add3A_257 = arith.constant 3 : i32
      %add3A_258 = arith.addi %add3A_247, %add3A_257 : i32
      %lt3A_259 = arith.cmpi slt, %add3A_258, %add3A_9 : i32
      %convert_element_type3A_260 = arith.extui %lt3A_259 : i1 to i32
      %cond3A_261 = arith.constant 0 : i32
      %cond3A_262 = arith.cmpi ne, %convert_element_type3A_260, %cond3A_261 : i32
      scf.if %cond3A_262 {
        %add3A_448 = arith.constant 3 : i32
        %add3A_449 = arith.addi %add3A_247, %add3A_448 : i32
        %add3A_450 = arith.addi %add3A_5, %add3A_449 : i32
        %dma_start3A_451 = arith.constant 0 : i32
        %dma_start3A_452 = arith.constant 0 : i32
        %dma_start3A_453 = tpu.memref_slice %arg3[%add3A_450, %dma_start3A_451, %dma_start3A_452] : memref<2880x2x112xi32, #tpu.memory_space<hbm>> -> memref<1x2x112xi32, #tpu.memory_space<hbm>>
        %dma_start3A_454 = tpu.memref_squeeze %dma_start3A_453 : memref<1x2x112xi32, #tpu.memory_space<hbm>> -> memref<2x112xi32, #tpu.memory_space<hbm>>
        %dma_start3A_455 = arith.constant 0 : i32
        %dma_start3A_456 = arith.constant 0 : i32
        %dma_start3A_457 = tpu.memref_slice %arg3[%add3A_450, %dma_start3A_455, %dma_start3A_456] : memref<2880x2x112xi32, #tpu.memory_space<hbm>> -> memref<1x2x112xi32, #tpu.memory_space<hbm>>
        %dma_start3A_458 = tpu.memref_squeeze %dma_start3A_457 : memref<1x2x112xi32, #tpu.memory_space<hbm>> -> memref<2x112xi32, #tpu.memory_space<hbm>>
        tpu.enqueue_dma source(%dma_start3A_458 : memref<2x112xi32, #tpu.memory_space<hbm>>) target(%arg6 : memref<2x112xi32, #tpu.memory_space<vmem>>) target_semaphore(%arg14 : memref<!tpu.dma_semaphore, #tpu.memory_space<semaphore_mem>>)
      } else {
      }
      %add3A_263 = arith.constant 2 : i32
      %add3A_264 = arith.addi %add3A_247, %add3A_263 : i32
      %lt3A_265 = arith.cmpi slt, %add3A_264, %add3A_9 : i32
      %convert_element_type3A_266 = arith.extui %lt3A_265 : i1 to i32
      %cond3A_267 = arith.constant 0 : i32
      %cond3A_268 = arith.cmpi ne, %convert_element_type3A_266, %cond3A_267 : i32
      scf.if %cond3A_268 {
        %add3A_448 = arith.constant 2 : i32
        %add3A_449 = arith.addi %add3A_247, %add3A_448 : i32
        %add3A_450 = arith.addi %add3A_5, %add3A_449 : i32
        %dma_wait3A_451 = arith.constant 0 : i32
        %dma_wait3A_452 = arith.constant 0 : i32
        %dma_wait3A_453 = tpu.memref_slice %arg3[%add3A_450, %dma_wait3A_451, %dma_wait3A_452] : memref<2880x2x112xi32, #tpu.memory_space<hbm>> -> memref<1x2x112xi32, #tpu.memory_space<hbm>>
        %dma_wait3A_454 = tpu.memref_squeeze %dma_wait3A_453 : memref<1x2x112xi32, #tpu.memory_space<hbm>> -> memref<2x112xi32, #tpu.memory_space<hbm>>
        %dma_wait3A_455 = arith.constant 0 : i32
        %dma_wait3A_456 = arith.constant 0 : i32
        %dma_wait3A_457 = tpu.memref_slice %arg3[%add3A_450, %dma_wait3A_455, %dma_wait3A_456] : memref<2880x2x112xi32, #tpu.memory_space<hbm>> -> memref<1x2x112xi32, #tpu.memory_space<hbm>>
        %dma_wait3A_458 = tpu.memref_squeeze %dma_wait3A_457 : memref<1x2x112xi32, #tpu.memory_space<hbm>> -> memref<2x112xi32, #tpu.memory_space<hbm>>
        tpu.wait_dma2 semaphore(%arg17 : memref<!tpu.dma_semaphore, #tpu.memory_space<semaphore_mem>>) src(%dma_wait3A_458 : memref<2x112xi32, #tpu.memory_space<hbm>>) dst(%arg9 : memref<2x112xi32, #tpu.memory_space<vmem>>)
        %dma_start3A_459 = arith.constant 0 : i32
        %dma_start3A_460 = arith.constant 0 : i32
        %dma_start3A_461 = tpu.memref_slice %arg9[%dma_start3A_459, %dma_start3A_460] : memref<2x112xi32, #tpu.memory_space<vmem>> -> memref<1x112xi32, #tpu.memory_space<vmem>>
        %dma_start3A_462 = tpu.memref_squeeze %dma_start3A_461 : memref<1x112xi32, #tpu.memory_space<vmem>> -> memref<112xi32, #tpu.memory_space<vmem>>
        %dma_start3A_463 = arith.constant 0 : i32
        %dma_start3A_464 = arith.constant 0 : i32
        %dma_start3A_465 = tpu.memref_slice %arg2[%dma_start3A_463, %dma_start3A_464] : memref<10240x128xf32, #tpu.memory_space<hbm>> -> memref<10240x128xf32, #tpu.memory_space<hbm>>
        tpu.enqueue_indirect_dma source(%dma_start3A_465 : memref<10240x128xf32, #tpu.memory_space<hbm>>) target(%arg11 : memref<112x128xf32, #tpu.memory_space<vmem>>) offsets(%dma_start3A_462 : memref<112xi32, #tpu.memory_space<vmem>>) semaphore(%arg19 : memref<!tpu.dma_semaphore, #tpu.memory_space<semaphore_mem>>)
      } else {
      }
      %lt3A_269 = arith.cmpi slt, %add3A_247, %add3A_9 : i32
      %convert_element_type3A_270 = arith.extui %lt3A_269 : i1 to i32
      %cond3A_271 = arith.constant 0 : i32
      %cond3A_272 = arith.cmpi ne, %convert_element_type3A_270, %cond3A_271 : i32
      scf.if %cond3A_272 {
        %dma_wait3A_448 = arith.constant 0 : i32
        %dma_wait3A_449 = arith.constant 0 : i32
        %dma_wait3A_450 = tpu.memref_slice %arg7[%dma_wait3A_448, %dma_wait3A_449] : memref<2x112xi32, #tpu.memory_space<vmem>> -> memref<1x112xi32, #tpu.memory_space<vmem>>
        %dma_wait3A_451 = tpu.memref_squeeze %dma_wait3A_450 : memref<1x112xi32, #tpu.memory_space<vmem>> -> memref<112xi32, #tpu.memory_space<vmem>>
        %dma_wait3A_452 = arith.constant 0 : i32
        %dma_wait3A_453 = arith.constant 0 : i32
        %dma_wait3A_454 = tpu.memref_slice %arg2[%dma_wait3A_452, %dma_wait3A_453] : memref<10240x128xf32, #tpu.memory_space<hbm>> -> memref<10240x128xf32, #tpu.memory_space<hbm>>
        tpu.wait_indirect_dma semaphore(%arg20 : memref<!tpu.dma_semaphore, #tpu.memory_space<semaphore_mem>>) src(%dma_wait3A_454 : memref<10240x128xf32, #tpu.memory_space<hbm>>) dst(%arg12 : memref<112x128xf32, #tpu.memory_space<vmem>>)
        %dma_start3A_455 = arith.constant 1 : i32
        %dma_start3A_456 = arith.constant 0 : i32
        %dma_start3A_457 = tpu.memref_slice %arg7[%dma_start3A_455, %dma_start3A_456] : memref<2x112xi32, #tpu.memory_space<vmem>> -> memref<1x112xi32, #tpu.memory_space<vmem>>
        %dma_start3A_458 = tpu.memref_squeeze %dma_start3A_457 : memref<1x112xi32, #tpu.memory_space<vmem>> -> memref<112xi32, #tpu.memory_space<vmem>>
        %dma_start3A_459 = arith.constant 0 : i32
        %dma_start3A_460 = arith.constant 0 : i32
        %dma_start3A_461 = tpu.memref_slice %arg13[%dma_start3A_459, %dma_start3A_460] : memref<10240x128xf32, #tpu.memory_space<vmem_shared>> -> memref<10240x128xf32, #tpu.memory_space<vmem_shared>>
        tpu.enqueue_indirect_dma source(%arg12 : memref<112x128xf32, #tpu.memory_space<vmem>>) target(%dma_start3A_461 : memref<10240x128xf32, #tpu.memory_space<vmem_shared>>) offsets(%dma_start3A_458 : memref<112xi32, #tpu.memory_space<vmem>>) semaphore(%arg23 : memref<!tpu.dma_semaphore, #tpu.memory_space<semaphore_mem>>) {add = true}
      } else {
      }
      %mul3A_273 = arith.constant 12 : i32
      %mul3A_274 = arith.muli %scan3A_102, %mul3A_273 : i32
      %add3A_275 = arith.constant 6 : i32
      %add3A_276 = arith.addi %mul3A_274, %add3A_275 : i32
      %add3A_277 = arith.constant 2 : i32
      %add3A_278 = arith.addi %add3A_276, %add3A_277 : i32
      %lt3A_279 = arith.cmpi slt, %add3A_278, %add3A_9 : i32
      %ge3A_280 = arith.constant 1 : i32
      %ge3A_281 = arith.cmpi sge, %add3A_276, %ge3A_280 : i32
      %and3A_282 = arith.andi %lt3A_279, %ge3A_281 : i1
      %convert_element_type3A_283 = arith.extui %and3A_282 : i1 to i32
      %cond3A_284 = arith.constant 0 : i32
      %cond3A_285 = arith.cmpi ne, %convert_element_type3A_283, %cond3A_284 : i32
      scf.if %cond3A_285 {
        %dma_wait3A_448 = arith.constant 1 : i32
        %dma_wait3A_449 = arith.constant 0 : i32
        %dma_wait3A_450 = tpu.memref_slice %arg7[%dma_wait3A_448, %dma_wait3A_449] : memref<2x112xi32, #tpu.memory_space<vmem>> -> memref<1x112xi32, #tpu.memory_space<vmem>>
        %dma_wait3A_451 = tpu.memref_squeeze %dma_wait3A_450 : memref<1x112xi32, #tpu.memory_space<vmem>> -> memref<112xi32, #tpu.memory_space<vmem>>
        %dma_wait3A_452 = arith.constant 0 : i32
        %dma_wait3A_453 = arith.constant 0 : i32
        %dma_wait3A_454 = tpu.memref_slice %arg13[%dma_wait3A_452, %dma_wait3A_453] : memref<10240x128xf32, #tpu.memory_space<vmem_shared>> -> memref<10240x128xf32, #tpu.memory_space<vmem_shared>>
        tpu.wait_indirect_dma semaphore(%arg23 : memref<!tpu.dma_semaphore, #tpu.memory_space<semaphore_mem>>) src(%arg12 : memref<112x128xf32, #tpu.memory_space<vmem>>) dst(%dma_wait3A_454 : memref<10240x128xf32, #tpu.memory_space<vmem_shared>>)
      } else {
      }
      %add3A_286 = arith.constant 3 : i32
      %add3A_287 = arith.addi %add3A_276, %add3A_286 : i32
      %lt3A_288 = arith.cmpi slt, %add3A_287, %add3A_9 : i32
      %convert_element_type3A_289 = arith.extui %lt3A_288 : i1 to i32
      %cond3A_290 = arith.constant 0 : i32
      %cond3A_291 = arith.cmpi ne, %convert_element_type3A_289, %cond3A_290 : i32
      scf.if %cond3A_291 {
        %add3A_448 = arith.constant 3 : i32
        %add3A_449 = arith.addi %add3A_276, %add3A_448 : i32
        %add3A_450 = arith.addi %add3A_5, %add3A_449 : i32
        %dma_start3A_451 = arith.constant 0 : i32
        %dma_start3A_452 = arith.constant 0 : i32
        %dma_start3A_453 = tpu.memref_slice %arg3[%add3A_450, %dma_start3A_451, %dma_start3A_452] : memref<2880x2x112xi32, #tpu.memory_space<hbm>> -> memref<1x2x112xi32, #tpu.memory_space<hbm>>
        %dma_start3A_454 = tpu.memref_squeeze %dma_start3A_453 : memref<1x2x112xi32, #tpu.memory_space<hbm>> -> memref<2x112xi32, #tpu.memory_space<hbm>>
        %dma_start3A_455 = arith.constant 0 : i32
        %dma_start3A_456 = arith.constant 0 : i32
        %dma_start3A_457 = tpu.memref_slice %arg3[%add3A_450, %dma_start3A_455, %dma_start3A_456] : memref<2880x2x112xi32, #tpu.memory_space<hbm>> -> memref<1x2x112xi32, #tpu.memory_space<hbm>>
        %dma_start3A_458 = tpu.memref_squeeze %dma_start3A_457 : memref<1x2x112xi32, #tpu.memory_space<hbm>> -> memref<2x112xi32, #tpu.memory_space<hbm>>
        tpu.enqueue_dma source(%dma_start3A_458 : memref<2x112xi32, #tpu.memory_space<hbm>>) target(%arg7 : memref<2x112xi32, #tpu.memory_space<vmem>>) target_semaphore(%arg15 : memref<!tpu.dma_semaphore, #tpu.memory_space<semaphore_mem>>)
      } else {
      }
      %add3A_292 = arith.constant 2 : i32
      %add3A_293 = arith.addi %add3A_276, %add3A_292 : i32
      %lt3A_294 = arith.cmpi slt, %add3A_293, %add3A_9 : i32
      %convert_element_type3A_295 = arith.extui %lt3A_294 : i1 to i32
      %cond3A_296 = arith.constant 0 : i32
      %cond3A_297 = arith.cmpi ne, %convert_element_type3A_295, %cond3A_296 : i32
      scf.if %cond3A_297 {
        %add3A_448 = arith.constant 2 : i32
        %add3A_449 = arith.addi %add3A_276, %add3A_448 : i32
        %add3A_450 = arith.addi %add3A_5, %add3A_449 : i32
        %dma_wait3A_451 = arith.constant 0 : i32
        %dma_wait3A_452 = arith.constant 0 : i32
        %dma_wait3A_453 = tpu.memref_slice %arg3[%add3A_450, %dma_wait3A_451, %dma_wait3A_452] : memref<2880x2x112xi32, #tpu.memory_space<hbm>> -> memref<1x2x112xi32, #tpu.memory_space<hbm>>
        %dma_wait3A_454 = tpu.memref_squeeze %dma_wait3A_453 : memref<1x2x112xi32, #tpu.memory_space<hbm>> -> memref<2x112xi32, #tpu.memory_space<hbm>>
        %dma_wait3A_455 = arith.constant 0 : i32
        %dma_wait3A_456 = arith.constant 0 : i32
        %dma_wait3A_457 = tpu.memref_slice %arg3[%add3A_450, %dma_wait3A_455, %dma_wait3A_456] : memref<2880x2x112xi32, #tpu.memory_space<hbm>> -> memref<1x2x112xi32, #tpu.memory_space<hbm>>
        %dma_wait3A_458 = tpu.memref_squeeze %dma_wait3A_457 : memref<1x2x112xi32, #tpu.memory_space<hbm>> -> memref<2x112xi32, #tpu.memory_space<hbm>>
        tpu.wait_dma2 semaphore(%arg14 : memref<!tpu.dma_semaphore, #tpu.memory_space<semaphore_mem>>) src(%dma_wait3A_458 : memref<2x112xi32, #tpu.memory_space<hbm>>) dst(%arg6 : memref<2x112xi32, #tpu.memory_space<vmem>>)
        %dma_start3A_459 = arith.constant 0 : i32
        %dma_start3A_460 = arith.constant 0 : i32
        %dma_start3A_461 = tpu.memref_slice %arg6[%dma_start3A_459, %dma_start3A_460] : memref<2x112xi32, #tpu.memory_space<vmem>> -> memref<1x112xi32, #tpu.memory_space<vmem>>
        %dma_start3A_462 = tpu.memref_squeeze %dma_start3A_461 : memref<1x112xi32, #tpu.memory_space<vmem>> -> memref<112xi32, #tpu.memory_space<vmem>>
        %dma_start3A_463 = arith.constant 0 : i32
        %dma_start3A_464 = arith.constant 0 : i32
        %dma_start3A_465 = tpu.memref_slice %arg2[%dma_start3A_463, %dma_start3A_464] : memref<10240x128xf32, #tpu.memory_space<hbm>> -> memref<10240x128xf32, #tpu.memory_space<hbm>>
        tpu.enqueue_indirect_dma source(%dma_start3A_465 : memref<10240x128xf32, #tpu.memory_space<hbm>>) target(%arg12 : memref<112x128xf32, #tpu.memory_space<vmem>>) offsets(%dma_start3A_462 : memref<112xi32, #tpu.memory_space<vmem>>) semaphore(%arg20 : memref<!tpu.dma_semaphore, #tpu.memory_space<semaphore_mem>>)
      } else {
      }
      %lt3A_298 = arith.cmpi slt, %add3A_276, %add3A_9 : i32
      %convert_element_type3A_299 = arith.extui %lt3A_298 : i1 to i32
      %cond3A_300 = arith.constant 0 : i32
      %cond3A_301 = arith.cmpi ne, %convert_element_type3A_299, %cond3A_300 : i32
      scf.if %cond3A_301 {
        %dma_wait3A_448 = arith.constant 0 : i32
        %dma_wait3A_449 = arith.constant 0 : i32
        %dma_wait3A_450 = tpu.memref_slice %arg8[%dma_wait3A_448, %dma_wait3A_449] : memref<2x112xi32, #tpu.memory_space<vmem>> -> memref<1x112xi32, #tpu.memory_space<vmem>>
        %dma_wait3A_451 = tpu.memref_squeeze %dma_wait3A_450 : memref<1x112xi32, #tpu.memory_space<vmem>> -> memref<112xi32, #tpu.memory_space<vmem>>
        %dma_wait3A_452 = arith.constant 0 : i32
        %dma_wait3A_453 = arith.constant 0 : i32
        %dma_wait3A_454 = tpu.memref_slice %arg2[%dma_wait3A_452, %dma_wait3A_453] : memref<10240x128xf32, #tpu.memory_space<hbm>> -> memref<10240x128xf32, #tpu.memory_space<hbm>>
        tpu.wait_indirect_dma semaphore(%arg18 : memref<!tpu.dma_semaphore, #tpu.memory_space<semaphore_mem>>) src(%dma_wait3A_454 : memref<10240x128xf32, #tpu.memory_space<hbm>>) dst(%arg10 : memref<112x128xf32, #tpu.memory_space<vmem>>)
        %dma_start3A_455 = arith.constant 1 : i32
        %dma_start3A_456 = arith.constant 0 : i32
        %dma_start3A_457 = tpu.memref_slice %arg8[%dma_start3A_455, %dma_start3A_456] : memref<2x112xi32, #tpu.memory_space<vmem>> -> memref<1x112xi32, #tpu.memory_space<vmem>>
        %dma_start3A_458 = tpu.memref_squeeze %dma_start3A_457 : memref<1x112xi32, #tpu.memory_space<vmem>> -> memref<112xi32, #tpu.memory_space<vmem>>
        %dma_start3A_459 = arith.constant 0 : i32
        %dma_start3A_460 = arith.constant 0 : i32
        %dma_start3A_461 = tpu.memref_slice %arg13[%dma_start3A_459, %dma_start3A_460] : memref<10240x128xf32, #tpu.memory_space<vmem_shared>> -> memref<10240x128xf32, #tpu.memory_space<vmem_shared>>
        tpu.enqueue_indirect_dma source(%arg10 : memref<112x128xf32, #tpu.memory_space<vmem>>) target(%dma_start3A_461 : memref<10240x128xf32, #tpu.memory_space<vmem_shared>>) offsets(%dma_start3A_458 : memref<112xi32, #tpu.memory_space<vmem>>) semaphore(%arg21 : memref<!tpu.dma_semaphore, #tpu.memory_space<semaphore_mem>>) {add = true}
      } else {
      }
      %mul3A_302 = arith.constant 12 : i32
      %mul3A_303 = arith.muli %scan3A_102, %mul3A_302 : i32
      %add3A_304 = arith.constant 7 : i32
      %add3A_305 = arith.addi %mul3A_303, %add3A_304 : i32
      %add3A_306 = arith.constant 2 : i32
      %add3A_307 = arith.addi %add3A_305, %add3A_306 : i32
      %lt3A_308 = arith.cmpi slt, %add3A_307, %add3A_9 : i32
      %ge3A_309 = arith.constant 1 : i32
      %ge3A_310 = arith.cmpi sge, %add3A_305, %ge3A_309 : i32
      %and3A_311 = arith.andi %lt3A_308, %ge3A_310 : i1
      %convert_element_type3A_312 = arith.extui %and3A_311 : i1 to i32
      %cond3A_313 = arith.constant 0 : i32
      %cond3A_314 = arith.cmpi ne, %convert_element_type3A_312, %cond3A_313 : i32
      scf.if %cond3A_314 {
        %dma_wait3A_448 = arith.constant 1 : i32
        %dma_wait3A_449 = arith.constant 0 : i32
        %dma_wait3A_450 = tpu.memref_slice %arg8[%dma_wait3A_448, %dma_wait3A_449] : memref<2x112xi32, #tpu.memory_space<vmem>> -> memref<1x112xi32, #tpu.memory_space<vmem>>
        %dma_wait3A_451 = tpu.memref_squeeze %dma_wait3A_450 : memref<1x112xi32, #tpu.memory_space<vmem>> -> memref<112xi32, #tpu.memory_space<vmem>>
        %dma_wait3A_452 = arith.constant 0 : i32
        %dma_wait3A_453 = arith.constant 0 : i32
        %dma_wait3A_454 = tpu.memref_slice %arg13[%dma_wait3A_452, %dma_wait3A_453] : memref<10240x128xf32, #tpu.memory_space<vmem_shared>> -> memref<10240x128xf32, #tpu.memory_space<vmem_shared>>
        tpu.wait_indirect_dma semaphore(%arg21 : memref<!tpu.dma_semaphore, #tpu.memory_space<semaphore_mem>>) src(%arg10 : memref<112x128xf32, #tpu.memory_space<vmem>>) dst(%dma_wait3A_454 : memref<10240x128xf32, #tpu.memory_space<vmem_shared>>)
      } else {
      }
      %add3A_315 = arith.constant 3 : i32
      %add3A_316 = arith.addi %add3A_305, %add3A_315 : i32
      %lt3A_317 = arith.cmpi slt, %add3A_316, %add3A_9 : i32
      %convert_element_type3A_318 = arith.extui %lt3A_317 : i1 to i32
      %cond3A_319 = arith.constant 0 : i32
      %cond3A_320 = arith.cmpi ne, %convert_element_type3A_318, %cond3A_319 : i32
      scf.if %cond3A_320 {
        %add3A_448 = arith.constant 3 : i32
        %add3A_449 = arith.addi %add3A_305, %add3A_448 : i32
        %add3A_450 = arith.addi %add3A_5, %add3A_449 : i32
        %dma_start3A_451 = arith.constant 0 : i32
        %dma_start3A_452 = arith.constant 0 : i32
        %dma_start3A_453 = tpu.memref_slice %arg3[%add3A_450, %dma_start3A_451, %dma_start3A_452] : memref<2880x2x112xi32, #tpu.memory_space<hbm>> -> memref<1x2x112xi32, #tpu.memory_space<hbm>>
        %dma_start3A_454 = tpu.memref_squeeze %dma_start3A_453 : memref<1x2x112xi32, #tpu.memory_space<hbm>> -> memref<2x112xi32, #tpu.memory_space<hbm>>
        %dma_start3A_455 = arith.constant 0 : i32
        %dma_start3A_456 = arith.constant 0 : i32
        %dma_start3A_457 = tpu.memref_slice %arg3[%add3A_450, %dma_start3A_455, %dma_start3A_456] : memref<2880x2x112xi32, #tpu.memory_space<hbm>> -> memref<1x2x112xi32, #tpu.memory_space<hbm>>
        %dma_start3A_458 = tpu.memref_squeeze %dma_start3A_457 : memref<1x2x112xi32, #tpu.memory_space<hbm>> -> memref<2x112xi32, #tpu.memory_space<hbm>>
        tpu.enqueue_dma source(%dma_start3A_458 : memref<2x112xi32, #tpu.memory_space<hbm>>) target(%arg8 : memref<2x112xi32, #tpu.memory_space<vmem>>) target_semaphore(%arg16 : memref<!tpu.dma_semaphore, #tpu.memory_space<semaphore_mem>>)
      } else {
      }
      %add3A_321 = arith.constant 2 : i32
      %add3A_322 = arith.addi %add3A_305, %add3A_321 : i32
      %lt3A_323 = arith.cmpi slt, %add3A_322, %add3A_9 : i32
      %convert_element_type3A_324 = arith.extui %lt3A_323 : i1 to i32
      %cond3A_325 = arith.constant 0 : i32
      %cond3A_326 = arith.cmpi ne, %convert_element_type3A_324, %cond3A_325 : i32
      scf.if %cond3A_326 {
        %add3A_448 = arith.constant 2 : i32
        %add3A_449 = arith.addi %add3A_305, %add3A_448 : i32
        %add3A_450 = arith.addi %add3A_5, %add3A_449 : i32
        %dma_wait3A_451 = arith.constant 0 : i32
        %dma_wait3A_452 = arith.constant 0 : i32
        %dma_wait3A_453 = tpu.memref_slice %arg3[%add3A_450, %dma_wait3A_451, %dma_wait3A_452] : memref<2880x2x112xi32, #tpu.memory_space<hbm>> -> memref<1x2x112xi32, #tpu.memory_space<hbm>>
        %dma_wait3A_454 = tpu.memref_squeeze %dma_wait3A_453 : memref<1x2x112xi32, #tpu.memory_space<hbm>> -> memref<2x112xi32, #tpu.memory_space<hbm>>
        %dma_wait3A_455 = arith.constant 0 : i32
        %dma_wait3A_456 = arith.constant 0 : i32
        %dma_wait3A_457 = tpu.memref_slice %arg3[%add3A_450, %dma_wait3A_455, %dma_wait3A_456] : memref<2880x2x112xi32, #tpu.memory_space<hbm>> -> memref<1x2x112xi32, #tpu.memory_space<hbm>>
        %dma_wait3A_458 = tpu.memref_squeeze %dma_wait3A_457 : memref<1x2x112xi32, #tpu.memory_space<hbm>> -> memref<2x112xi32, #tpu.memory_space<hbm>>
        tpu.wait_dma2 semaphore(%arg15 : memref<!tpu.dma_semaphore, #tpu.memory_space<semaphore_mem>>) src(%dma_wait3A_458 : memref<2x112xi32, #tpu.memory_space<hbm>>) dst(%arg7 : memref<2x112xi32, #tpu.memory_space<vmem>>)
        %dma_start3A_459 = arith.constant 0 : i32
        %dma_start3A_460 = arith.constant 0 : i32
        %dma_start3A_461 = tpu.memref_slice %arg7[%dma_start3A_459, %dma_start3A_460] : memref<2x112xi32, #tpu.memory_space<vmem>> -> memref<1x112xi32, #tpu.memory_space<vmem>>
        %dma_start3A_462 = tpu.memref_squeeze %dma_start3A_461 : memref<1x112xi32, #tpu.memory_space<vmem>> -> memref<112xi32, #tpu.memory_space<vmem>>
        %dma_start3A_463 = arith.constant 0 : i32
        %dma_start3A_464 = arith.constant 0 : i32
        %dma_start3A_465 = tpu.memref_slice %arg2[%dma_start3A_463, %dma_start3A_464] : memref<10240x128xf32, #tpu.memory_space<hbm>> -> memref<10240x128xf32, #tpu.memory_space<hbm>>
        tpu.enqueue_indirect_dma source(%dma_start3A_465 : memref<10240x128xf32, #tpu.memory_space<hbm>>) target(%arg10 : memref<112x128xf32, #tpu.memory_space<vmem>>) offsets(%dma_start3A_462 : memref<112xi32, #tpu.memory_space<vmem>>) semaphore(%arg18 : memref<!tpu.dma_semaphore, #tpu.memory_space<semaphore_mem>>)
      } else {
      }
      %lt3A_327 = arith.cmpi slt, %add3A_305, %add3A_9 : i32
      %convert_element_type3A_328 = arith.extui %lt3A_327 : i1 to i32
      %cond3A_329 = arith.constant 0 : i32
      %cond3A_330 = arith.cmpi ne, %convert_element_type3A_328, %cond3A_329 : i32
      scf.if %cond3A_330 {
        %dma_wait3A_448 = arith.constant 0 : i32
        %dma_wait3A_449 = arith.constant 0 : i32
        %dma_wait3A_450 = tpu.memref_slice %arg9[%dma_wait3A_448, %dma_wait3A_449] : memref<2x112xi32, #tpu.memory_space<vmem>> -> memref<1x112xi32, #tpu.memory_space<vmem>>
        %dma_wait3A_451 = tpu.memref_squeeze %dma_wait3A_450 : memref<1x112xi32, #tpu.memory_space<vmem>> -> memref<112xi32, #tpu.memory_space<vmem>>
        %dma_wait3A_452 = arith.constant 0 : i32
        %dma_wait3A_453 = arith.constant 0 : i32
        %dma_wait3A_454 = tpu.memref_slice %arg2[%dma_wait3A_452, %dma_wait3A_453] : memref<10240x128xf32, #tpu.memory_space<hbm>> -> memref<10240x128xf32, #tpu.memory_space<hbm>>
        tpu.wait_indirect_dma semaphore(%arg19 : memref<!tpu.dma_semaphore, #tpu.memory_space<semaphore_mem>>) src(%dma_wait3A_454 : memref<10240x128xf32, #tpu.memory_space<hbm>>) dst(%arg11 : memref<112x128xf32, #tpu.memory_space<vmem>>)
        %dma_start3A_455 = arith.constant 1 : i32
        %dma_start3A_456 = arith.constant 0 : i32
        %dma_start3A_457 = tpu.memref_slice %arg9[%dma_start3A_455, %dma_start3A_456] : memref<2x112xi32, #tpu.memory_space<vmem>> -> memref<1x112xi32, #tpu.memory_space<vmem>>
        %dma_start3A_458 = tpu.memref_squeeze %dma_start3A_457 : memref<1x112xi32, #tpu.memory_space<vmem>> -> memref<112xi32, #tpu.memory_space<vmem>>
        %dma_start3A_459 = arith.constant 0 : i32
        %dma_start3A_460 = arith.constant 0 : i32
        %dma_start3A_461 = tpu.memref_slice %arg13[%dma_start3A_459, %dma_start3A_460] : memref<10240x128xf32, #tpu.memory_space<vmem_shared>> -> memref<10240x128xf32, #tpu.memory_space<vmem_shared>>
        tpu.enqueue_indirect_dma source(%arg11 : memref<112x128xf32, #tpu.memory_space<vmem>>) target(%dma_start3A_461 : memref<10240x128xf32, #tpu.memory_space<vmem_shared>>) offsets(%dma_start3A_458 : memref<112xi32, #tpu.memory_space<vmem>>) semaphore(%arg22 : memref<!tpu.dma_semaphore, #tpu.memory_space<semaphore_mem>>) {add = true}
      } else {
      }
      %mul3A_331 = arith.constant 12 : i32
      %mul3A_332 = arith.muli %scan3A_102, %mul3A_331 : i32
      %add3A_333 = arith.constant 8 : i32
      %add3A_334 = arith.addi %mul3A_332, %add3A_333 : i32
      %add3A_335 = arith.constant 2 : i32
      %add3A_336 = arith.addi %add3A_334, %add3A_335 : i32
      %lt3A_337 = arith.cmpi slt, %add3A_336, %add3A_9 : i32
      %ge3A_338 = arith.constant 1 : i32
      %ge3A_339 = arith.cmpi sge, %add3A_334, %ge3A_338 : i32
      %and3A_340 = arith.andi %lt3A_337, %ge3A_339 : i1
      %convert_element_type3A_341 = arith.extui %and3A_340 : i1 to i32
      %cond3A_342 = arith.constant 0 : i32
      %cond3A_343 = arith.cmpi ne, %convert_element_type3A_341, %cond3A_342 : i32
      scf.if %cond3A_343 {
        %dma_wait3A_448 = arith.constant 1 : i32
        %dma_wait3A_449 = arith.constant 0 : i32
        %dma_wait3A_450 = tpu.memref_slice %arg9[%dma_wait3A_448, %dma_wait3A_449] : memref<2x112xi32, #tpu.memory_space<vmem>> -> memref<1x112xi32, #tpu.memory_space<vmem>>
        %dma_wait3A_451 = tpu.memref_squeeze %dma_wait3A_450 : memref<1x112xi32, #tpu.memory_space<vmem>> -> memref<112xi32, #tpu.memory_space<vmem>>
        %dma_wait3A_452 = arith.constant 0 : i32
        %dma_wait3A_453 = arith.constant 0 : i32
        %dma_wait3A_454 = tpu.memref_slice %arg13[%dma_wait3A_452, %dma_wait3A_453] : memref<10240x128xf32, #tpu.memory_space<vmem_shared>> -> memref<10240x128xf32, #tpu.memory_space<vmem_shared>>
        tpu.wait_indirect_dma semaphore(%arg22 : memref<!tpu.dma_semaphore, #tpu.memory_space<semaphore_mem>>) src(%arg11 : memref<112x128xf32, #tpu.memory_space<vmem>>) dst(%dma_wait3A_454 : memref<10240x128xf32, #tpu.memory_space<vmem_shared>>)
      } else {
      }
      %add3A_344 = arith.constant 3 : i32
      %add3A_345 = arith.addi %add3A_334, %add3A_344 : i32
      %lt3A_346 = arith.cmpi slt, %add3A_345, %add3A_9 : i32
      %convert_element_type3A_347 = arith.extui %lt3A_346 : i1 to i32
      %cond3A_348 = arith.constant 0 : i32
      %cond3A_349 = arith.cmpi ne, %convert_element_type3A_347, %cond3A_348 : i32
      scf.if %cond3A_349 {
        %add3A_448 = arith.constant 3 : i32
        %add3A_449 = arith.addi %add3A_334, %add3A_448 : i32
        %add3A_450 = arith.addi %add3A_5, %add3A_449 : i32
        %dma_start3A_451 = arith.constant 0 : i32
        %dma_start3A_452 = arith.constant 0 : i32
        %dma_start3A_453 = tpu.memref_slice %arg3[%add3A_450, %dma_start3A_451, %dma_start3A_452] : memref<2880x2x112xi32, #tpu.memory_space<hbm>> -> memref<1x2x112xi32, #tpu.memory_space<hbm>>
        %dma_start3A_454 = tpu.memref_squeeze %dma_start3A_453 : memref<1x2x112xi32, #tpu.memory_space<hbm>> -> memref<2x112xi32, #tpu.memory_space<hbm>>
        %dma_start3A_455 = arith.constant 0 : i32
        %dma_start3A_456 = arith.constant 0 : i32
        %dma_start3A_457 = tpu.memref_slice %arg3[%add3A_450, %dma_start3A_455, %dma_start3A_456] : memref<2880x2x112xi32, #tpu.memory_space<hbm>> -> memref<1x2x112xi32, #tpu.memory_space<hbm>>
        %dma_start3A_458 = tpu.memref_squeeze %dma_start3A_457 : memref<1x2x112xi32, #tpu.memory_space<hbm>> -> memref<2x112xi32, #tpu.memory_space<hbm>>
        tpu.enqueue_dma source(%dma_start3A_458 : memref<2x112xi32, #tpu.memory_space<hbm>>) target(%arg9 : memref<2x112xi32, #tpu.memory_space<vmem>>) target_semaphore(%arg17 : memref<!tpu.dma_semaphore, #tpu.memory_space<semaphore_mem>>)
      } else {
      }
      %add3A_350 = arith.constant 2 : i32
      %add3A_351 = arith.addi %add3A_334, %add3A_350 : i32
      %lt3A_352 = arith.cmpi slt, %add3A_351, %add3A_9 : i32
      %convert_element_type3A_353 = arith.extui %lt3A_352 : i1 to i32
      %cond3A_354 = arith.constant 0 : i32
      %cond3A_355 = arith.cmpi ne, %convert_element_type3A_353, %cond3A_354 : i32
      scf.if %cond3A_355 {
        %add3A_448 = arith.constant 2 : i32
        %add3A_449 = arith.addi %add3A_334, %add3A_448 : i32
        %add3A_450 = arith.addi %add3A_5, %add3A_449 : i32
        %dma_wait3A_451 = arith.constant 0 : i32
        %dma_wait3A_452 = arith.constant 0 : i32
        %dma_wait3A_453 = tpu.memref_slice %arg3[%add3A_450, %dma_wait3A_451, %dma_wait3A_452] : memref<2880x2x112xi32, #tpu.memory_space<hbm>> -> memref<1x2x112xi32, #tpu.memory_space<hbm>>
        %dma_wait3A_454 = tpu.memref_squeeze %dma_wait3A_453 : memref<1x2x112xi32, #tpu.memory_space<hbm>> -> memref<2x112xi32, #tpu.memory_space<hbm>>
        %dma_wait3A_455 = arith.constant 0 : i32
        %dma_wait3A_456 = arith.constant 0 : i32
        %dma_wait3A_457 = tpu.memref_slice %arg3[%add3A_450, %dma_wait3A_455, %dma_wait3A_456] : memref<2880x2x112xi32, #tpu.memory_space<hbm>> -> memref<1x2x112xi32, #tpu.memory_space<hbm>>
        %dma_wait3A_458 = tpu.memref_squeeze %dma_wait3A_457 : memref<1x2x112xi32, #tpu.memory_space<hbm>> -> memref<2x112xi32, #tpu.memory_space<hbm>>
        tpu.wait_dma2 semaphore(%arg16 : memref<!tpu.dma_semaphore, #tpu.memory_space<semaphore_mem>>) src(%dma_wait3A_458 : memref<2x112xi32, #tpu.memory_space<hbm>>) dst(%arg8 : memref<2x112xi32, #tpu.memory_space<vmem>>)
        %dma_start3A_459 = arith.constant 0 : i32
        %dma_start3A_460 = arith.constant 0 : i32
        %dma_start3A_461 = tpu.memref_slice %arg8[%dma_start3A_459, %dma_start3A_460] : memref<2x112xi32, #tpu.memory_space<vmem>> -> memref<1x112xi32, #tpu.memory_space<vmem>>
        %dma_start3A_462 = tpu.memref_squeeze %dma_start3A_461 : memref<1x112xi32, #tpu.memory_space<vmem>> -> memref<112xi32, #tpu.memory_space<vmem>>
        %dma_start3A_463 = arith.constant 0 : i32
        %dma_start3A_464 = arith.constant 0 : i32
        %dma_start3A_465 = tpu.memref_slice %arg2[%dma_start3A_463, %dma_start3A_464] : memref<10240x128xf32, #tpu.memory_space<hbm>> -> memref<10240x128xf32, #tpu.memory_space<hbm>>
        tpu.enqueue_indirect_dma source(%dma_start3A_465 : memref<10240x128xf32, #tpu.memory_space<hbm>>) target(%arg11 : memref<112x128xf32, #tpu.memory_space<vmem>>) offsets(%dma_start3A_462 : memref<112xi32, #tpu.memory_space<vmem>>) semaphore(%arg19 : memref<!tpu.dma_semaphore, #tpu.memory_space<semaphore_mem>>)
      } else {
      }
      %lt3A_356 = arith.cmpi slt, %add3A_334, %add3A_9 : i32
      %convert_element_type3A_357 = arith.extui %lt3A_356 : i1 to i32
      %cond3A_358 = arith.constant 0 : i32
      %cond3A_359 = arith.cmpi ne, %convert_element_type3A_357, %cond3A_358 : i32
      scf.if %cond3A_359 {
        %dma_wait3A_448 = arith.constant 0 : i32
        %dma_wait3A_449 = arith.constant 0 : i32
        %dma_wait3A_450 = tpu.memref_slice %arg6[%dma_wait3A_448, %dma_wait3A_449] : memref<2x112xi32, #tpu.memory_space<vmem>> -> memref<1x112xi32, #tpu.memory_space<vmem>>
        %dma_wait3A_451 = tpu.memref_squeeze %dma_wait3A_450 : memref<1x112xi32, #tpu.memory_space<vmem>> -> memref<112xi32, #tpu.memory_space<vmem>>
        %dma_wait3A_452 = arith.constant 0 : i32
        %dma_wait3A_453 = arith.constant 0 : i32
        %dma_wait3A_454 = tpu.memref_slice %arg2[%dma_wait3A_452, %dma_wait3A_453] : memref<10240x128xf32, #tpu.memory_space<hbm>> -> memref<10240x128xf32, #tpu.memory_space<hbm>>
        tpu.wait_indirect_dma semaphore(%arg20 : memref<!tpu.dma_semaphore, #tpu.memory_space<semaphore_mem>>) src(%dma_wait3A_454 : memref<10240x128xf32, #tpu.memory_space<hbm>>) dst(%arg12 : memref<112x128xf32, #tpu.memory_space<vmem>>)
        %dma_start3A_455 = arith.constant 1 : i32
        %dma_start3A_456 = arith.constant 0 : i32
        %dma_start3A_457 = tpu.memref_slice %arg6[%dma_start3A_455, %dma_start3A_456] : memref<2x112xi32, #tpu.memory_space<vmem>> -> memref<1x112xi32, #tpu.memory_space<vmem>>
        %dma_start3A_458 = tpu.memref_squeeze %dma_start3A_457 : memref<1x112xi32, #tpu.memory_space<vmem>> -> memref<112xi32, #tpu.memory_space<vmem>>
        %dma_start3A_459 = arith.constant 0 : i32
        %dma_start3A_460 = arith.constant 0 : i32
        %dma_start3A_461 = tpu.memref_slice %arg13[%dma_start3A_459, %dma_start3A_460] : memref<10240x128xf32, #tpu.memory_space<vmem_shared>> -> memref<10240x128xf32, #tpu.memory_space<vmem_shared>>
        tpu.enqueue_indirect_dma source(%arg12 : memref<112x128xf32, #tpu.memory_space<vmem>>) target(%dma_start3A_461 : memref<10240x128xf32, #tpu.memory_space<vmem_shared>>) offsets(%dma_start3A_458 : memref<112xi32, #tpu.memory_space<vmem>>) semaphore(%arg23 : memref<!tpu.dma_semaphore, #tpu.memory_space<semaphore_mem>>) {add = true}
      } else {
      }
      %mul3A_360 = arith.constant 12 : i32
      %mul3A_361 = arith.muli %scan3A_102, %mul3A_360 : i32
      %add3A_362 = arith.constant 9 : i32
      %add3A_363 = arith.addi %mul3A_361, %add3A_362 : i32
      %add3A_364 = arith.constant 2 : i32
      %add3A_365 = arith.addi %add3A_363, %add3A_364 : i32
      %lt3A_366 = arith.cmpi slt, %add3A_365, %add3A_9 : i32
      %ge3A_367 = arith.constant 1 : i32
      %ge3A_368 = arith.cmpi sge, %add3A_363, %ge3A_367 : i32
      %and3A_369 = arith.andi %lt3A_366, %ge3A_368 : i1
      %convert_element_type3A_370 = arith.extui %and3A_369 : i1 to i32
      %cond3A_371 = arith.constant 0 : i32
      %cond3A_372 = arith.cmpi ne, %convert_element_type3A_370, %cond3A_371 : i32
      scf.if %cond3A_372 {
        %dma_wait3A_448 = arith.constant 1 : i32
        %dma_wait3A_449 = arith.constant 0 : i32
        %dma_wait3A_450 = tpu.memref_slice %arg6[%dma_wait3A_448, %dma_wait3A_449] : memref<2x112xi32, #tpu.memory_space<vmem>> -> memref<1x112xi32, #tpu.memory_space<vmem>>
        %dma_wait3A_451 = tpu.memref_squeeze %dma_wait3A_450 : memref<1x112xi32, #tpu.memory_space<vmem>> -> memref<112xi32, #tpu.memory_space<vmem>>
        %dma_wait3A_452 = arith.constant 0 : i32
        %dma_wait3A_453 = arith.constant 0 : i32
        %dma_wait3A_454 = tpu.memref_slice %arg13[%dma_wait3A_452, %dma_wait3A_453] : memref<10240x128xf32, #tpu.memory_space<vmem_shared>> -> memref<10240x128xf32, #tpu.memory_space<vmem_shared>>
        tpu.wait_indirect_dma semaphore(%arg23 : memref<!tpu.dma_semaphore, #tpu.memory_space<semaphore_mem>>) src(%arg12 : memref<112x128xf32, #tpu.memory_space<vmem>>) dst(%dma_wait3A_454 : memref<10240x128xf32, #tpu.memory_space<vmem_shared>>)
      } else {
      }
      %add3A_373 = arith.constant 3 : i32
      %add3A_374 = arith.addi %add3A_363, %add3A_373 : i32
      %lt3A_375 = arith.cmpi slt, %add3A_374, %add3A_9 : i32
      %convert_element_type3A_376 = arith.extui %lt3A_375 : i1 to i32
      %cond3A_377 = arith.constant 0 : i32
      %cond3A_378 = arith.cmpi ne, %convert_element_type3A_376, %cond3A_377 : i32
      scf.if %cond3A_378 {
        %add3A_448 = arith.constant 3 : i32
        %add3A_449 = arith.addi %add3A_363, %add3A_448 : i32
        %add3A_450 = arith.addi %add3A_5, %add3A_449 : i32
        %dma_start3A_451 = arith.constant 0 : i32
        %dma_start3A_452 = arith.constant 0 : i32
        %dma_start3A_453 = tpu.memref_slice %arg3[%add3A_450, %dma_start3A_451, %dma_start3A_452] : memref<2880x2x112xi32, #tpu.memory_space<hbm>> -> memref<1x2x112xi32, #tpu.memory_space<hbm>>
        %dma_start3A_454 = tpu.memref_squeeze %dma_start3A_453 : memref<1x2x112xi32, #tpu.memory_space<hbm>> -> memref<2x112xi32, #tpu.memory_space<hbm>>
        %dma_start3A_455 = arith.constant 0 : i32
        %dma_start3A_456 = arith.constant 0 : i32
        %dma_start3A_457 = tpu.memref_slice %arg3[%add3A_450, %dma_start3A_455, %dma_start3A_456] : memref<2880x2x112xi32, #tpu.memory_space<hbm>> -> memref<1x2x112xi32, #tpu.memory_space<hbm>>
        %dma_start3A_458 = tpu.memref_squeeze %dma_start3A_457 : memref<1x2x112xi32, #tpu.memory_space<hbm>> -> memref<2x112xi32, #tpu.memory_space<hbm>>
        tpu.enqueue_dma source(%dma_start3A_458 : memref<2x112xi32, #tpu.memory_space<hbm>>) target(%arg6 : memref<2x112xi32, #tpu.memory_space<vmem>>) target_semaphore(%arg14 : memref<!tpu.dma_semaphore, #tpu.memory_space<semaphore_mem>>)
      } else {
      }
      %add3A_379 = arith.constant 2 : i32
      %add3A_380 = arith.addi %add3A_363, %add3A_379 : i32
      %lt3A_381 = arith.cmpi slt, %add3A_380, %add3A_9 : i32
      %convert_element_type3A_382 = arith.extui %lt3A_381 : i1 to i32
      %cond3A_383 = arith.constant 0 : i32
      %cond3A_384 = arith.cmpi ne, %convert_element_type3A_382, %cond3A_383 : i32
      scf.if %cond3A_384 {
        %add3A_448 = arith.constant 2 : i32
        %add3A_449 = arith.addi %add3A_363, %add3A_448 : i32
        %add3A_450 = arith.addi %add3A_5, %add3A_449 : i32
        %dma_wait3A_451 = arith.constant 0 : i32
        %dma_wait3A_452 = arith.constant 0 : i32
        %dma_wait3A_453 = tpu.memref_slice %arg3[%add3A_450, %dma_wait3A_451, %dma_wait3A_452] : memref<2880x2x112xi32, #tpu.memory_space<hbm>> -> memref<1x2x112xi32, #tpu.memory_space<hbm>>
        %dma_wait3A_454 = tpu.memref_squeeze %dma_wait3A_453 : memref<1x2x112xi32, #tpu.memory_space<hbm>> -> memref<2x112xi32, #tpu.memory_space<hbm>>
        %dma_wait3A_455 = arith.constant 0 : i32
        %dma_wait3A_456 = arith.constant 0 : i32
        %dma_wait3A_457 = tpu.memref_slice %arg3[%add3A_450, %dma_wait3A_455, %dma_wait3A_456] : memref<2880x2x112xi32, #tpu.memory_space<hbm>> -> memref<1x2x112xi32, #tpu.memory_space<hbm>>
        %dma_wait3A_458 = tpu.memref_squeeze %dma_wait3A_457 : memref<1x2x112xi32, #tpu.memory_space<hbm>> -> memref<2x112xi32, #tpu.memory_space<hbm>>
        tpu.wait_dma2 semaphore(%arg17 : memref<!tpu.dma_semaphore, #tpu.memory_space<semaphore_mem>>) src(%dma_wait3A_458 : memref<2x112xi32, #tpu.memory_space<hbm>>) dst(%arg9 : memref<2x112xi32, #tpu.memory_space<vmem>>)
        %dma_start3A_459 = arith.constant 0 : i32
        %dma_start3A_460 = arith.constant 0 : i32
        %dma_start3A_461 = tpu.memref_slice %arg9[%dma_start3A_459, %dma_start3A_460] : memref<2x112xi32, #tpu.memory_space<vmem>> -> memref<1x112xi32, #tpu.memory_space<vmem>>
        %dma_start3A_462 = tpu.memref_squeeze %dma_start3A_461 : memref<1x112xi32, #tpu.memory_space<vmem>> -> memref<112xi32, #tpu.memory_space<vmem>>
        %dma_start3A_463 = arith.constant 0 : i32
        %dma_start3A_464 = arith.constant 0 : i32
        %dma_start3A_465 = tpu.memref_slice %arg2[%dma_start3A_463, %dma_start3A_464] : memref<10240x128xf32, #tpu.memory_space<hbm>> -> memref<10240x128xf32, #tpu.memory_space<hbm>>
        tpu.enqueue_indirect_dma source(%dma_start3A_465 : memref<10240x128xf32, #tpu.memory_space<hbm>>) target(%arg12 : memref<112x128xf32, #tpu.memory_space<vmem>>) offsets(%dma_start3A_462 : memref<112xi32, #tpu.memory_space<vmem>>) semaphore(%arg20 : memref<!tpu.dma_semaphore, #tpu.memory_space<semaphore_mem>>)
      } else {
      }
      %lt3A_385 = arith.cmpi slt, %add3A_363, %add3A_9 : i32
      %convert_element_type3A_386 = arith.extui %lt3A_385 : i1 to i32
      %cond3A_387 = arith.constant 0 : i32
      %cond3A_388 = arith.cmpi ne, %convert_element_type3A_386, %cond3A_387 : i32
      scf.if %cond3A_388 {
        %dma_wait3A_448 = arith.constant 0 : i32
        %dma_wait3A_449 = arith.constant 0 : i32
        %dma_wait3A_450 = tpu.memref_slice %arg7[%dma_wait3A_448, %dma_wait3A_449] : memref<2x112xi32, #tpu.memory_space<vmem>> -> memref<1x112xi32, #tpu.memory_space<vmem>>
        %dma_wait3A_451 = tpu.memref_squeeze %dma_wait3A_450 : memref<1x112xi32, #tpu.memory_space<vmem>> -> memref<112xi32, #tpu.memory_space<vmem>>
        %dma_wait3A_452 = arith.constant 0 : i32
        %dma_wait3A_453 = arith.constant 0 : i32
        %dma_wait3A_454 = tpu.memref_slice %arg2[%dma_wait3A_452, %dma_wait3A_453] : memref<10240x128xf32, #tpu.memory_space<hbm>> -> memref<10240x128xf32, #tpu.memory_space<hbm>>
        tpu.wait_indirect_dma semaphore(%arg18 : memref<!tpu.dma_semaphore, #tpu.memory_space<semaphore_mem>>) src(%dma_wait3A_454 : memref<10240x128xf32, #tpu.memory_space<hbm>>) dst(%arg10 : memref<112x128xf32, #tpu.memory_space<vmem>>)
        %dma_start3A_455 = arith.constant 1 : i32
        %dma_start3A_456 = arith.constant 0 : i32
        %dma_start3A_457 = tpu.memref_slice %arg7[%dma_start3A_455, %dma_start3A_456] : memref<2x112xi32, #tpu.memory_space<vmem>> -> memref<1x112xi32, #tpu.memory_space<vmem>>
        %dma_start3A_458 = tpu.memref_squeeze %dma_start3A_457 : memref<1x112xi32, #tpu.memory_space<vmem>> -> memref<112xi32, #tpu.memory_space<vmem>>
        %dma_start3A_459 = arith.constant 0 : i32
        %dma_start3A_460 = arith.constant 0 : i32
        %dma_start3A_461 = tpu.memref_slice %arg13[%dma_start3A_459, %dma_start3A_460] : memref<10240x128xf32, #tpu.memory_space<vmem_shared>> -> memref<10240x128xf32, #tpu.memory_space<vmem_shared>>
        tpu.enqueue_indirect_dma source(%arg10 : memref<112x128xf32, #tpu.memory_space<vmem>>) target(%dma_start3A_461 : memref<10240x128xf32, #tpu.memory_space<vmem_shared>>) offsets(%dma_start3A_458 : memref<112xi32, #tpu.memory_space<vmem>>) semaphore(%arg21 : memref<!tpu.dma_semaphore, #tpu.memory_space<semaphore_mem>>) {add = true}
      } else {
      }
      %mul3A_389 = arith.constant 12 : i32
      %mul3A_390 = arith.muli %scan3A_102, %mul3A_389 : i32
      %add3A_391 = arith.constant 10 : i32
      %add3A_392 = arith.addi %mul3A_390, %add3A_391 : i32
      %add3A_393 = arith.constant 2 : i32
      %add3A_394 = arith.addi %add3A_392, %add3A_393 : i32
      %lt3A_395 = arith.cmpi slt, %add3A_394, %add3A_9 : i32
      %ge3A_396 = arith.constant 1 : i32
      %ge3A_397 = arith.cmpi sge, %add3A_392, %ge3A_396 : i32
      %and3A_398 = arith.andi %lt3A_395, %ge3A_397 : i1
      %convert_element_type3A_399 = arith.extui %and3A_398 : i1 to i32
      %cond3A_400 = arith.constant 0 : i32
      %cond3A_401 = arith.cmpi ne, %convert_element_type3A_399, %cond3A_400 : i32
      scf.if %cond3A_401 {
        %dma_wait3A_448 = arith.constant 1 : i32
        %dma_wait3A_449 = arith.constant 0 : i32
        %dma_wait3A_450 = tpu.memref_slice %arg7[%dma_wait3A_448, %dma_wait3A_449] : memref<2x112xi32, #tpu.memory_space<vmem>> -> memref<1x112xi32, #tpu.memory_space<vmem>>
        %dma_wait3A_451 = tpu.memref_squeeze %dma_wait3A_450 : memref<1x112xi32, #tpu.memory_space<vmem>> -> memref<112xi32, #tpu.memory_space<vmem>>
        %dma_wait3A_452 = arith.constant 0 : i32
        %dma_wait3A_453 = arith.constant 0 : i32
        %dma_wait3A_454 = tpu.memref_slice %arg13[%dma_wait3A_452, %dma_wait3A_453] : memref<10240x128xf32, #tpu.memory_space<vmem_shared>> -> memref<10240x128xf32, #tpu.memory_space<vmem_shared>>
        tpu.wait_indirect_dma semaphore(%arg21 : memref<!tpu.dma_semaphore, #tpu.memory_space<semaphore_mem>>) src(%arg10 : memref<112x128xf32, #tpu.memory_space<vmem>>) dst(%dma_wait3A_454 : memref<10240x128xf32, #tpu.memory_space<vmem_shared>>)
      } else {
      }
      %add3A_402 = arith.constant 3 : i32
      %add3A_403 = arith.addi %add3A_392, %add3A_402 : i32
      %lt3A_404 = arith.cmpi slt, %add3A_403, %add3A_9 : i32
      %convert_element_type3A_405 = arith.extui %lt3A_404 : i1 to i32
      %cond3A_406 = arith.constant 0 : i32
      %cond3A_407 = arith.cmpi ne, %convert_element_type3A_405, %cond3A_406 : i32
      scf.if %cond3A_407 {
        %add3A_448 = arith.constant 3 : i32
        %add3A_449 = arith.addi %add3A_392, %add3A_448 : i32
        %add3A_450 = arith.addi %add3A_5, %add3A_449 : i32
        %dma_start3A_451 = arith.constant 0 : i32
        %dma_start3A_452 = arith.constant 0 : i32
        %dma_start3A_453 = tpu.memref_slice %arg3[%add3A_450, %dma_start3A_451, %dma_start3A_452] : memref<2880x2x112xi32, #tpu.memory_space<hbm>> -> memref<1x2x112xi32, #tpu.memory_space<hbm>>
        %dma_start3A_454 = tpu.memref_squeeze %dma_start3A_453 : memref<1x2x112xi32, #tpu.memory_space<hbm>> -> memref<2x112xi32, #tpu.memory_space<hbm>>
        %dma_start3A_455 = arith.constant 0 : i32
        %dma_start3A_456 = arith.constant 0 : i32
        %dma_start3A_457 = tpu.memref_slice %arg3[%add3A_450, %dma_start3A_455, %dma_start3A_456] : memref<2880x2x112xi32, #tpu.memory_space<hbm>> -> memref<1x2x112xi32, #tpu.memory_space<hbm>>
        %dma_start3A_458 = tpu.memref_squeeze %dma_start3A_457 : memref<1x2x112xi32, #tpu.memory_space<hbm>> -> memref<2x112xi32, #tpu.memory_space<hbm>>
        tpu.enqueue_dma source(%dma_start3A_458 : memref<2x112xi32, #tpu.memory_space<hbm>>) target(%arg7 : memref<2x112xi32, #tpu.memory_space<vmem>>) target_semaphore(%arg15 : memref<!tpu.dma_semaphore, #tpu.memory_space<semaphore_mem>>)
      } else {
      }
      %add3A_408 = arith.constant 2 : i32
      %add3A_409 = arith.addi %add3A_392, %add3A_408 : i32
      %lt3A_410 = arith.cmpi slt, %add3A_409, %add3A_9 : i32
      %convert_element_type3A_411 = arith.extui %lt3A_410 : i1 to i32
      %cond3A_412 = arith.constant 0 : i32
      %cond3A_413 = arith.cmpi ne, %convert_element_type3A_411, %cond3A_412 : i32
      scf.if %cond3A_413 {
        %add3A_448 = arith.constant 2 : i32
        %add3A_449 = arith.addi %add3A_392, %add3A_448 : i32
        %add3A_450 = arith.addi %add3A_5, %add3A_449 : i32
        %dma_wait3A_451 = arith.constant 0 : i32
        %dma_wait3A_452 = arith.constant 0 : i32
        %dma_wait3A_453 = tpu.memref_slice %arg3[%add3A_450, %dma_wait3A_451, %dma_wait3A_452] : memref<2880x2x112xi32, #tpu.memory_space<hbm>> -> memref<1x2x112xi32, #tpu.memory_space<hbm>>
        %dma_wait3A_454 = tpu.memref_squeeze %dma_wait3A_453 : memref<1x2x112xi32, #tpu.memory_space<hbm>> -> memref<2x112xi32, #tpu.memory_space<hbm>>
        %dma_wait3A_455 = arith.constant 0 : i32
        %dma_wait3A_456 = arith.constant 0 : i32
        %dma_wait3A_457 = tpu.memref_slice %arg3[%add3A_450, %dma_wait3A_455, %dma_wait3A_456] : memref<2880x2x112xi32, #tpu.memory_space<hbm>> -> memref<1x2x112xi32, #tpu.memory_space<hbm>>
        %dma_wait3A_458 = tpu.memref_squeeze %dma_wait3A_457 : memref<1x2x112xi32, #tpu.memory_space<hbm>> -> memref<2x112xi32, #tpu.memory_space<hbm>>
        tpu.wait_dma2 semaphore(%arg14 : memref<!tpu.dma_semaphore, #tpu.memory_space<semaphore_mem>>) src(%dma_wait3A_458 : memref<2x112xi32, #tpu.memory_space<hbm>>) dst(%arg6 : memref<2x112xi32, #tpu.memory_space<vmem>>)
        %dma_start3A_459 = arith.constant 0 : i32
        %dma_start3A_460 = arith.constant 0 : i32
        %dma_start3A_461 = tpu.memref_slice %arg6[%dma_start3A_459, %dma_start3A_460] : memref<2x112xi32, #tpu.memory_space<vmem>> -> memref<1x112xi32, #tpu.memory_space<vmem>>
        %dma_start3A_462 = tpu.memref_squeeze %dma_start3A_461 : memref<1x112xi32, #tpu.memory_space<vmem>> -> memref<112xi32, #tpu.memory_space<vmem>>
        %dma_start3A_463 = arith.constant 0 : i32
        %dma_start3A_464 = arith.constant 0 : i32
        %dma_start3A_465 = tpu.memref_slice %arg2[%dma_start3A_463, %dma_start3A_464] : memref<10240x128xf32, #tpu.memory_space<hbm>> -> memref<10240x128xf32, #tpu.memory_space<hbm>>
        tpu.enqueue_indirect_dma source(%dma_start3A_465 : memref<10240x128xf32, #tpu.memory_space<hbm>>) target(%arg10 : memref<112x128xf32, #tpu.memory_space<vmem>>) offsets(%dma_start3A_462 : memref<112xi32, #tpu.memory_space<vmem>>) semaphore(%arg18 : memref<!tpu.dma_semaphore, #tpu.memory_space<semaphore_mem>>)
      } else {
      }
      %lt3A_414 = arith.cmpi slt, %add3A_392, %add3A_9 : i32
      %convert_element_type3A_415 = arith.extui %lt3A_414 : i1 to i32
      %cond3A_416 = arith.constant 0 : i32
      %cond3A_417 = arith.cmpi ne, %convert_element_type3A_415, %cond3A_416 : i32
      scf.if %cond3A_417 {
        %dma_wait3A_448 = arith.constant 0 : i32
        %dma_wait3A_449 = arith.constant 0 : i32
        %dma_wait3A_450 = tpu.memref_slice %arg8[%dma_wait3A_448, %dma_wait3A_449] : memref<2x112xi32, #tpu.memory_space<vmem>> -> memref<1x112xi32, #tpu.memory_space<vmem>>
        %dma_wait3A_451 = tpu.memref_squeeze %dma_wait3A_450 : memref<1x112xi32, #tpu.memory_space<vmem>> -> memref<112xi32, #tpu.memory_space<vmem>>
        %dma_wait3A_452 = arith.constant 0 : i32
        %dma_wait3A_453 = arith.constant 0 : i32
        %dma_wait3A_454 = tpu.memref_slice %arg2[%dma_wait3A_452, %dma_wait3A_453] : memref<10240x128xf32, #tpu.memory_space<hbm>> -> memref<10240x128xf32, #tpu.memory_space<hbm>>
        tpu.wait_indirect_dma semaphore(%arg19 : memref<!tpu.dma_semaphore, #tpu.memory_space<semaphore_mem>>) src(%dma_wait3A_454 : memref<10240x128xf32, #tpu.memory_space<hbm>>) dst(%arg11 : memref<112x128xf32, #tpu.memory_space<vmem>>)
        %dma_start3A_455 = arith.constant 1 : i32
        %dma_start3A_456 = arith.constant 0 : i32
        %dma_start3A_457 = tpu.memref_slice %arg8[%dma_start3A_455, %dma_start3A_456] : memref<2x112xi32, #tpu.memory_space<vmem>> -> memref<1x112xi32, #tpu.memory_space<vmem>>
        %dma_start3A_458 = tpu.memref_squeeze %dma_start3A_457 : memref<1x112xi32, #tpu.memory_space<vmem>> -> memref<112xi32, #tpu.memory_space<vmem>>
        %dma_start3A_459 = arith.constant 0 : i32
        %dma_start3A_460 = arith.constant 0 : i32
        %dma_start3A_461 = tpu.memref_slice %arg13[%dma_start3A_459, %dma_start3A_460] : memref<10240x128xf32, #tpu.memory_space<vmem_shared>> -> memref<10240x128xf32, #tpu.memory_space<vmem_shared>>
        tpu.enqueue_indirect_dma source(%arg11 : memref<112x128xf32, #tpu.memory_space<vmem>>) target(%dma_start3A_461 : memref<10240x128xf32, #tpu.memory_space<vmem_shared>>) offsets(%dma_start3A_458 : memref<112xi32, #tpu.memory_space<vmem>>) semaphore(%arg22 : memref<!tpu.dma_semaphore, #tpu.memory_space<semaphore_mem>>) {add = true}
      } else {
      }
      %mul3A_418 = arith.constant 12 : i32
      %mul3A_419 = arith.muli %scan3A_102, %mul3A_418 : i32
      %add3A_420 = arith.constant 11 : i32
      %add3A_421 = arith.addi %mul3A_419, %add3A_420 : i32
      %add3A_422 = arith.constant 2 : i32
      %add3A_423 = arith.addi %add3A_421, %add3A_422 : i32
      %lt3A_424 = arith.cmpi slt, %add3A_423, %add3A_9 : i32
      %ge3A_425 = arith.constant 1 : i32
      %ge3A_426 = arith.cmpi sge, %add3A_421, %ge3A_425 : i32
      %and3A_427 = arith.andi %lt3A_424, %ge3A_426 : i1
      %convert_element_type3A_428 = arith.extui %and3A_427 : i1 to i32
      %cond3A_429 = arith.constant 0 : i32
      %cond3A_430 = arith.cmpi ne, %convert_element_type3A_428, %cond3A_429 : i32
      scf.if %cond3A_430 {
        %dma_wait3A_448 = arith.constant 1 : i32
        %dma_wait3A_449 = arith.constant 0 : i32
        %dma_wait3A_450 = tpu.memref_slice %arg8[%dma_wait3A_448, %dma_wait3A_449] : memref<2x112xi32, #tpu.memory_space<vmem>> -> memref<1x112xi32, #tpu.memory_space<vmem>>
        %dma_wait3A_451 = tpu.memref_squeeze %dma_wait3A_450 : memref<1x112xi32, #tpu.memory_space<vmem>> -> memref<112xi32, #tpu.memory_space<vmem>>
        %dma_wait3A_452 = arith.constant 0 : i32
        %dma_wait3A_453 = arith.constant 0 : i32
        %dma_wait3A_454 = tpu.memref_slice %arg13[%dma_wait3A_452, %dma_wait3A_453] : memref<10240x128xf32, #tpu.memory_space<vmem_shared>> -> memref<10240x128xf32, #tpu.memory_space<vmem_shared>>
        tpu.wait_indirect_dma semaphore(%arg22 : memref<!tpu.dma_semaphore, #tpu.memory_space<semaphore_mem>>) src(%arg11 : memref<112x128xf32, #tpu.memory_space<vmem>>) dst(%dma_wait3A_454 : memref<10240x128xf32, #tpu.memory_space<vmem_shared>>)
      } else {
      }
      %add3A_431 = arith.constant 3 : i32
      %add3A_432 = arith.addi %add3A_421, %add3A_431 : i32
      %lt3A_433 = arith.cmpi slt, %add3A_432, %add3A_9 : i32
      %convert_element_type3A_434 = arith.extui %lt3A_433 : i1 to i32
      %cond3A_435 = arith.constant 0 : i32
      %cond3A_436 = arith.cmpi ne, %convert_element_type3A_434, %cond3A_435 : i32
      scf.if %cond3A_436 {
        %add3A_448 = arith.constant 3 : i32
        %add3A_449 = arith.addi %add3A_421, %add3A_448 : i32
        %add3A_450 = arith.addi %add3A_5, %add3A_449 : i32
        %dma_start3A_451 = arith.constant 0 : i32
        %dma_start3A_452 = arith.constant 0 : i32
        %dma_start3A_453 = tpu.memref_slice %arg3[%add3A_450, %dma_start3A_451, %dma_start3A_452] : memref<2880x2x112xi32, #tpu.memory_space<hbm>> -> memref<1x2x112xi32, #tpu.memory_space<hbm>>
        %dma_start3A_454 = tpu.memref_squeeze %dma_start3A_453 : memref<1x2x112xi32, #tpu.memory_space<hbm>> -> memref<2x112xi32, #tpu.memory_space<hbm>>
        %dma_start3A_455 = arith.constant 0 : i32
        %dma_start3A_456 = arith.constant 0 : i32
        %dma_start3A_457 = tpu.memref_slice %arg3[%add3A_450, %dma_start3A_455, %dma_start3A_456] : memref<2880x2x112xi32, #tpu.memory_space<hbm>> -> memref<1x2x112xi32, #tpu.memory_space<hbm>>
        %dma_start3A_458 = tpu.memref_squeeze %dma_start3A_457 : memref<1x2x112xi32, #tpu.memory_space<hbm>> -> memref<2x112xi32, #tpu.memory_space<hbm>>
        tpu.enqueue_dma source(%dma_start3A_458 : memref<2x112xi32, #tpu.memory_space<hbm>>) target(%arg8 : memref<2x112xi32, #tpu.memory_space<vmem>>) target_semaphore(%arg16 : memref<!tpu.dma_semaphore, #tpu.memory_space<semaphore_mem>>)
      } else {
      }
      %add3A_437 = arith.constant 2 : i32
      %add3A_438 = arith.addi %add3A_421, %add3A_437 : i32
      %lt3A_439 = arith.cmpi slt, %add3A_438, %add3A_9 : i32
      %convert_element_type3A_440 = arith.extui %lt3A_439 : i1 to i32
      %cond3A_441 = arith.constant 0 : i32
      %cond3A_442 = arith.cmpi ne, %convert_element_type3A_440, %cond3A_441 : i32
      scf.if %cond3A_442 {
        %add3A_448 = arith.constant 2 : i32
        %add3A_449 = arith.addi %add3A_421, %add3A_448 : i32
        %add3A_450 = arith.addi %add3A_5, %add3A_449 : i32
        %dma_wait3A_451 = arith.constant 0 : i32
        %dma_wait3A_452 = arith.constant 0 : i32
        %dma_wait3A_453 = tpu.memref_slice %arg3[%add3A_450, %dma_wait3A_451, %dma_wait3A_452] : memref<2880x2x112xi32, #tpu.memory_space<hbm>> -> memref<1x2x112xi32, #tpu.memory_space<hbm>>
        %dma_wait3A_454 = tpu.memref_squeeze %dma_wait3A_453 : memref<1x2x112xi32, #tpu.memory_space<hbm>> -> memref<2x112xi32, #tpu.memory_space<hbm>>
        %dma_wait3A_455 = arith.constant 0 : i32
        %dma_wait3A_456 = arith.constant 0 : i32
        %dma_wait3A_457 = tpu.memref_slice %arg3[%add3A_450, %dma_wait3A_455, %dma_wait3A_456] : memref<2880x2x112xi32, #tpu.memory_space<hbm>> -> memref<1x2x112xi32, #tpu.memory_space<hbm>>
        %dma_wait3A_458 = tpu.memref_squeeze %dma_wait3A_457 : memref<1x2x112xi32, #tpu.memory_space<hbm>> -> memref<2x112xi32, #tpu.memory_space<hbm>>
        tpu.wait_dma2 semaphore(%arg15 : memref<!tpu.dma_semaphore, #tpu.memory_space<semaphore_mem>>) src(%dma_wait3A_458 : memref<2x112xi32, #tpu.memory_space<hbm>>) dst(%arg7 : memref<2x112xi32, #tpu.memory_space<vmem>>)
        %dma_start3A_459 = arith.constant 0 : i32
        %dma_start3A_460 = arith.constant 0 : i32
        %dma_start3A_461 = tpu.memref_slice %arg7[%dma_start3A_459, %dma_start3A_460] : memref<2x112xi32, #tpu.memory_space<vmem>> -> memref<1x112xi32, #tpu.memory_space<vmem>>
        %dma_start3A_462 = tpu.memref_squeeze %dma_start3A_461 : memref<1x112xi32, #tpu.memory_space<vmem>> -> memref<112xi32, #tpu.memory_space<vmem>>
        %dma_start3A_463 = arith.constant 0 : i32
        %dma_start3A_464 = arith.constant 0 : i32
        %dma_start3A_465 = tpu.memref_slice %arg2[%dma_start3A_463, %dma_start3A_464] : memref<10240x128xf32, #tpu.memory_space<hbm>> -> memref<10240x128xf32, #tpu.memory_space<hbm>>
        tpu.enqueue_indirect_dma source(%dma_start3A_465 : memref<10240x128xf32, #tpu.memory_space<hbm>>) target(%arg11 : memref<112x128xf32, #tpu.memory_space<vmem>>) offsets(%dma_start3A_462 : memref<112xi32, #tpu.memory_space<vmem>>) semaphore(%arg19 : memref<!tpu.dma_semaphore, #tpu.memory_space<semaphore_mem>>)
      } else {
      }
      %lt3A_443 = arith.cmpi slt, %add3A_421, %add3A_9 : i32
      %convert_element_type3A_444 = arith.extui %lt3A_443 : i1 to i32
      %cond3A_445 = arith.constant 0 : i32
      %cond3A_446 = arith.cmpi ne, %convert_element_type3A_444, %cond3A_445 : i32
      scf.if %cond3A_446 {
        %dma_wait3A_448 = arith.constant 0 : i32
        %dma_wait3A_449 = arith.constant 0 : i32
        %dma_wait3A_450 = tpu.memref_slice %arg9[%dma_wait3A_448, %dma_wait3A_449] : memref<2x112xi32, #tpu.memory_space<vmem>> -> memref<1x112xi32, #tpu.memory_space<vmem>>
        %dma_wait3A_451 = tpu.memref_squeeze %dma_wait3A_450 : memref<1x112xi32, #tpu.memory_space<vmem>> -> memref<112xi32, #tpu.memory_space<vmem>>
        %dma_wait3A_452 = arith.constant 0 : i32
        %dma_wait3A_453 = arith.constant 0 : i32
        %dma_wait3A_454 = tpu.memref_slice %arg2[%dma_wait3A_452, %dma_wait3A_453] : memref<10240x128xf32, #tpu.memory_space<hbm>> -> memref<10240x128xf32, #tpu.memory_space<hbm>>
        tpu.wait_indirect_dma semaphore(%arg20 : memref<!tpu.dma_semaphore, #tpu.memory_space<semaphore_mem>>) src(%dma_wait3A_454 : memref<10240x128xf32, #tpu.memory_space<hbm>>) dst(%arg12 : memref<112x128xf32, #tpu.memory_space<vmem>>)
        %dma_start3A_455 = arith.constant 1 : i32
        %dma_start3A_456 = arith.constant 0 : i32
        %dma_start3A_457 = tpu.memref_slice %arg9[%dma_start3A_455, %dma_start3A_456] : memref<2x112xi32, #tpu.memory_space<vmem>> -> memref<1x112xi32, #tpu.memory_space<vmem>>
        %dma_start3A_458 = tpu.memref_squeeze %dma_start3A_457 : memref<1x112xi32, #tpu.memory_space<vmem>> -> memref<112xi32, #tpu.memory_space<vmem>>
        %dma_start3A_459 = arith.constant 0 : i32
        %dma_start3A_460 = arith.constant 0 : i32
        %dma_start3A_461 = tpu.memref_slice %arg13[%dma_start3A_459, %dma_start3A_460] : memref<10240x128xf32, #tpu.memory_space<vmem_shared>> -> memref<10240x128xf32, #tpu.memory_space<vmem_shared>>
        tpu.enqueue_indirect_dma source(%arg12 : memref<112x128xf32, #tpu.memory_space<vmem>>) target(%dma_start3A_461 : memref<10240x128xf32, #tpu.memory_space<vmem_shared>>) offsets(%dma_start3A_458 : memref<112xi32, #tpu.memory_space<vmem>>) semaphore(%arg23 : memref<!tpu.dma_semaphore, #tpu.memory_space<semaphore_mem>>) {add = true}
      } else {
      }
      %scan3A_447 = arith.constant 0 : i32
      scf.yield %scan3A_447 : i32
    }
    %scan3A_79 = arith.constant 14 : i32
    %dma_wait3A_80 = arith.constant 1 : i32
    %dma_wait3A_81 = arith.constant 0 : i32
    %dma_wait3A_82 = tpu.memref_slice %arg6[%dma_wait3A_80, %dma_wait3A_81] : memref<2x112xi32, #tpu.memory_space<vmem>> -> memref<1x112xi32, #tpu.memory_space<vmem>>
    %dma_wait3A_83 = tpu.memref_squeeze %dma_wait3A_82 : memref<1x112xi32, #tpu.memory_space<vmem>> -> memref<112xi32, #tpu.memory_space<vmem>>
    %dma_wait3A_84 = arith.constant 0 : i32
    %dma_wait3A_85 = arith.constant 0 : i32
    %dma_wait3A_86 = tpu.memref_slice %arg13[%dma_wait3A_84, %dma_wait3A_85] : memref<10240x128xf32, #tpu.memory_space<vmem_shared>> -> memref<10240x128xf32, #tpu.memory_space<vmem_shared>>
    tpu.wait_indirect_dma semaphore(%arg21 : memref<!tpu.dma_semaphore, #tpu.memory_space<semaphore_mem>>) src(%arg10 : memref<112x128xf32, #tpu.memory_space<vmem>>) dst(%dma_wait3A_86 : memref<10240x128xf32, #tpu.memory_space<vmem_shared>>)
    %dma_wait3A_87 = arith.constant 1 : i32
    %dma_wait3A_88 = arith.constant 0 : i32
    %dma_wait3A_89 = tpu.memref_slice %arg7[%dma_wait3A_87, %dma_wait3A_88] : memref<2x112xi32, #tpu.memory_space<vmem>> -> memref<1x112xi32, #tpu.memory_space<vmem>>
    %dma_wait3A_90 = tpu.memref_squeeze %dma_wait3A_89 : memref<1x112xi32, #tpu.memory_space<vmem>> -> memref<112xi32, #tpu.memory_space<vmem>>
    %dma_wait3A_91 = arith.constant 0 : i32
    %dma_wait3A_92 = arith.constant 0 : i32
    %dma_wait3A_93 = tpu.memref_slice %arg13[%dma_wait3A_91, %dma_wait3A_92] : memref<10240x128xf32, #tpu.memory_space<vmem_shared>> -> memref<10240x128xf32, #tpu.memory_space<vmem_shared>>
    tpu.wait_indirect_dma semaphore(%arg22 : memref<!tpu.dma_semaphore, #tpu.memory_space<semaphore_mem>>) src(%arg11 : memref<112x128xf32, #tpu.memory_space<vmem>>) dst(%dma_wait3A_93 : memref<10240x128xf32, #tpu.memory_space<vmem_shared>>)
    %dma_wait3A_94 = arith.constant 1 : i32
    %dma_wait3A_95 = arith.constant 0 : i32
    %dma_wait3A_96 = tpu.memref_slice %arg8[%dma_wait3A_94, %dma_wait3A_95] : memref<2x112xi32, #tpu.memory_space<vmem>> -> memref<1x112xi32, #tpu.memory_space<vmem>>
    %dma_wait3A_97 = tpu.memref_squeeze %dma_wait3A_96 : memref<1x112xi32, #tpu.memory_space<vmem>> -> memref<112xi32, #tpu.memory_space<vmem>>
    %dma_wait3A_98 = arith.constant 0 : i32
    %dma_wait3A_99 = arith.constant 0 : i32
    %dma_wait3A_100 = tpu.memref_slice %arg13[%dma_wait3A_98, %dma_wait3A_99] : memref<10240x128xf32, #tpu.memory_space<vmem_shared>> -> memref<10240x128xf32, #tpu.memory_space<vmem_shared>>
    tpu.wait_indirect_dma semaphore(%arg23 : memref<!tpu.dma_semaphore, #tpu.memory_space<semaphore_mem>>) src(%arg12 : memref<112x128xf32, #tpu.memory_space<vmem>>) dst(%dma_wait3A_100 : memref<10240x128xf32, #tpu.memory_space<vmem_shared>>)
    %barrier3A_101 = arith.constant 0 : index
    tpu.barrier barrier_id(%barrier3A_101)
    "tpu.region"() ({
      %run_scoped3A = tpu.sem_alloc : memref<!tpu.dma_semaphore, #tpu.memory_space<semaphore_mem>>
      %dma_start3A_102 = arith.constant 0 : i32
      %dma_start3A_103 = tpu.memref_slice %arg5[%arg0, %mul3A_40, %dma_start3A_102] : memref<2x10240x128xf32, #tpu.memory_space<hbm>> -> memref<1x640x128xf32, #tpu.memory_space<hbm>>
      %dma_start3A_104 = tpu.memref_squeeze %dma_start3A_103 : memref<1x640x128xf32, #tpu.memory_space<hbm>> -> memref<640x128xf32, #tpu.memory_space<hbm>>
      %dma_start3A_105 = arith.constant 0 : i32
      %dma_start3A_106 = tpu.memref_slice %arg13[%mul3A_40, %dma_start3A_105] : memref<10240x128xf32, #tpu.memory_space<vmem_shared>> -> memref<640x128xf32, #tpu.memory_space<vmem_shared>>
      tpu.enqueue_dma source(%dma_start3A_106 : memref<640x128xf32, #tpu.memory_space<vmem_shared>>) target(%dma_start3A_104 : memref<640x128xf32, #tpu.memory_space<hbm>>) target_semaphore(%run_scoped3A : memref<!tpu.dma_semaphore, #tpu.memory_space<semaphore_mem>>)
      %dma_wait3A_107 = arith.constant 0 : i32
      %dma_wait3A_108 = tpu.memref_slice %arg5[%arg0, %mul3A_40, %dma_wait3A_107] : memref<2x10240x128xf32, #tpu.memory_space<hbm>> -> memref<1x640x128xf32, #tpu.memory_space<hbm>>
      %dma_wait3A_109 = tpu.memref_squeeze %dma_wait3A_108 : memref<1x640x128xf32, #tpu.memory_space<hbm>> -> memref<640x128xf32, #tpu.memory_space<hbm>>
      %dma_wait3A_110 = arith.constant 0 : i32
      %dma_wait3A_111 = tpu.memref_slice %arg13[%mul3A_40, %dma_wait3A_110] : memref<10240x128xf32, #tpu.memory_space<vmem_shared>> -> memref<640x128xf32, #tpu.memory_space<vmem_shared>>
      tpu.wait_dma2 semaphore(%run_scoped3A : memref<!tpu.dma_semaphore, #tpu.memory_space<semaphore_mem>>) src(%dma_wait3A_111 : memref<640x128xf32, #tpu.memory_space<vmem_shared>>) dst(%dma_wait3A_109 : memref<640x128xf32, #tpu.memory_space<hbm>>)
      tpu.yield
    }) : () -> ()
    return
  }
}

#map = affine_map<(d0, d1) -> (0)>
#map1 = affine_map<(d0, d1) -> (0, 0, 0)>
module attributes {stable_mosaic.version = 14 : i64} {
  func.func @_sc_degrees(%arg0: i32, %arg1: i32, %arg2: memref<320000xi32, #tpu.memory_space<hbm>>, %arg3: memref<320000xi32, #tpu.memory_space<hbm>>, %arg4: memref<32x2x10240xf32, #tpu.memory_space<hbm>>, %arg5: memref<10000xi32, #tpu.memory_space<vmem>>, %arg6: memref<10000xi32, #tpu.memory_space<vmem>>, %arg7: memref<10240xf32, #tpu.memory_space<vmem>>, %arg8: memref<10240xf32, #tpu.memory_space<vmem>>) attributes {dimension_semantics = [#tpu.dimension_semantics<core_parallel>, #tpu.dimension_semantics<subcore_parallel>], iteration_bounds = array<i64: 2, 16>, scalar_prefetch = 0 : i64, scratch_operands = 4 : i64, tpu.core_type = #tpu.core_type<sc_vector_subcore>, window_params = [{transform_indices = #map}, {transform_indices = #map}, {transform_indices = #map1}]} {
    %mul3A = arith.constant 2 : i32
    %mul3A_0 = arith.muli %arg1, %mul3A : i32
    %add3A = arith.addi %mul3A_0, %arg0 : i32
    %broadcast_in_dim3A = arith.constant 0.000000e+00 : f32
    %broadcast_in_dim3A_1 = vector.broadcast %broadcast_in_dim3A : f32 to vector<16xf32>
    %broadcast_in_dim3A_2 = arith.constant 1.000000e+00 : f32
    %broadcast_in_dim3A_3 = vector.broadcast %broadcast_in_dim3A_2 : f32 to vector<16xf32>
    %scan3A = arith.constant 0 : i32
    %scan3A_4 = arith.constant 0 : i32
    %scan3A_5 = arith.constant 640 : i32
    %scan3A_6 = arith.addi %scan3A_4, %scan3A_5 : i32
    %scan3A_7 = arith.constant 1 : i32
    %scan3A_8 = scf.for %scan3A_20 = %scan3A_4 to %scan3A_6 step %scan3A_7 iter_args(%scan3A_21 = %scan3A) -> (i32)  : i32 {
      %mul3A_22 = arith.constant 16 : i32
      %mul3A_23 = arith.muli %scan3A_20, %mul3A_22 : i32
      %swap3A = arith.index_cast %mul3A_23 : i32 to index
      %swap3A_24 = tpu.vector_load %arg7[%swap3A] {strides = array<i32>} : memref<10240xf32, #tpu.memory_space<vmem>>, vector<16xf32>,
      tpu.vector_store %arg7[%swap3A], %broadcast_in_dim3A_1 {strides = array<i32>} : memref<10240xf32, #tpu.memory_space<vmem>>, vector<16xf32>,
      %mul3A_25 = arith.constant 16 : i32
      %mul3A_26 = arith.muli %scan3A_20, %mul3A_25 : i32
      %swap3A_27 = arith.index_cast %mul3A_26 : i32 to index
      %swap3A_28 = tpu.vector_load %arg8[%swap3A_27] {strides = array<i32>} : memref<10240xf32, #tpu.memory_space<vmem>>, vector<16xf32>,
      tpu.vector_store %arg8[%swap3A_27], %broadcast_in_dim3A_1 {strides = array<i32>} : memref<10240xf32, #tpu.memory_space<vmem>>, vector<16xf32>,
      %scan3A_29 = arith.constant 0 : i32
      scf.yield %scan3A_29 : i32
    }
    %scan3A_9 = arith.constant 640 : i32
    %mul3A_10 = arith.constant 10000 : i32
    %mul3A_11 = arith.muli %add3A, %mul3A_10 : i32
    "tpu.region"() ({
      %run_scoped3A_20 = tpu.sem_alloc : memref<!tpu.dma_semaphore, #tpu.memory_space<semaphore_mem>>
      %dma_start3A = tpu.memref_slice %arg2[%mul3A_11] : memref<320000xi32, #tpu.memory_space<hbm>> -> memref<10000xi32, #tpu.memory_space<hbm>>
      %dma_start3A_21 = tpu.memref_slice %arg2[%mul3A_11] : memref<320000xi32, #tpu.memory_space<hbm>> -> memref<10000xi32, #tpu.memory_space<hbm>>
      tpu.enqueue_dma source(%dma_start3A_21 : memref<10000xi32, #tpu.memory_space<hbm>>) target(%arg5 : memref<10000xi32, #tpu.memory_space<vmem>>) target_semaphore(%run_scoped3A_20 : memref<!tpu.dma_semaphore, #tpu.memory_space<semaphore_mem>>)
      %dma_wait3A = tpu.memref_slice %arg2[%mul3A_11] : memref<320000xi32, #tpu.memory_space<hbm>> -> memref<10000xi32, #tpu.memory_space<hbm>>
      %dma_wait3A_22 = tpu.memref_slice %arg2[%mul3A_11] : memref<320000xi32, #tpu.memory_space<hbm>> -> memref<10000xi32, #tpu.memory_space<hbm>>
      tpu.wait_dma2 semaphore(%run_scoped3A_20 : memref<!tpu.dma_semaphore, #tpu.memory_space<semaphore_mem>>) src(%dma_wait3A_22 : memref<10000xi32, #tpu.memory_space<hbm>>) dst(%arg5 : memref<10000xi32, #tpu.memory_space<vmem>>)
      tpu.yield
    }) : () -> ()
    "tpu.region"() ({
      %run_scoped3A_20 = tpu.sem_alloc : memref<!tpu.dma_semaphore, #tpu.memory_space<semaphore_mem>>
      %dma_start3A = tpu.memref_slice %arg3[%mul3A_11] : memref<320000xi32, #tpu.memory_space<hbm>> -> memref<10000xi32, #tpu.memory_space<hbm>>
      %dma_start3A_21 = tpu.memref_slice %arg3[%mul3A_11] : memref<320000xi32, #tpu.memory_space<hbm>> -> memref<10000xi32, #tpu.memory_space<hbm>>
      tpu.enqueue_dma source(%dma_start3A_21 : memref<10000xi32, #tpu.memory_space<hbm>>) target(%arg6 : memref<10000xi32, #tpu.memory_space<vmem>>) target_semaphore(%run_scoped3A_20 : memref<!tpu.dma_semaphore, #tpu.memory_space<semaphore_mem>>)
      %dma_wait3A = tpu.memref_slice %arg3[%mul3A_11] : memref<320000xi32, #tpu.memory_space<hbm>> -> memref<10000xi32, #tpu.memory_space<hbm>>
      %dma_wait3A_22 = tpu.memref_slice %arg3[%mul3A_11] : memref<320000xi32, #tpu.memory_space<hbm>> -> memref<10000xi32, #tpu.memory_space<hbm>>
      tpu.wait_dma2 semaphore(%run_scoped3A_20 : memref<!tpu.dma_semaphore, #tpu.memory_space<semaphore_mem>>) src(%dma_wait3A_22 : memref<10000xi32, #tpu.memory_space<hbm>>) dst(%arg6 : memref<10000xi32, #tpu.memory_space<vmem>>)
      tpu.yield
    }) : () -> ()
    %scan3A_12 = arith.constant 0 : i32
    %scan3A_13 = arith.constant 0 : i32
    %scan3A_14 = arith.constant 625 : i32
    %scan3A_15 = arith.addi %scan3A_13, %scan3A_14 : i32
    %scan3A_16 = arith.constant 1 : i32
    %scan3A_17 = scf.for %scan3A_20 = %scan3A_13 to %scan3A_15 step %scan3A_16 iter_args(%scan3A_21 = %scan3A_12) -> (i32)  : i32 {
      %mul3A_22 = arith.constant 16 : i32
      %mul3A_23 = arith.muli %scan3A_20, %mul3A_22 : i32
      %get3A = arith.index_cast %mul3A_23 : i32 to index
      %get3A_24 = tpu.vector_load %arg5[%get3A] {strides = array<i32>} : memref<10000xi32, #tpu.memory_space<vmem>>, vector<16xi32>,
      %mul3A_25 = arith.constant 16 : i32
      %mul3A_26 = arith.muli %scan3A_20, %mul3A_25 : i32
      %get3A_27 = arith.index_cast %mul3A_26 : i32 to index
      %get3A_28 = tpu.vector_load %arg6[%get3A_27] {strides = array<i32>} : memref<10000xi32, #tpu.memory_space<vmem>>, vector<16xi32>,
      tpu.vector_store_idx %arg7[%get3A_24], %broadcast_in_dim3A_3 {add = true} : memref<10240xf32, #tpu.memory_space<vmem>>[vector<16xi32>], vector<16xf32>,
      tpu.vector_store_idx %arg8[%get3A_28], %broadcast_in_dim3A_3 {add = true} : memref<10240xf32, #tpu.memory_space<vmem>>[vector<16xi32>], vector<16xf32>,
      %scan3A_29 = arith.constant 0 : i32
      scf.yield %scan3A_29 : i32
    }
    %scan3A_18 = arith.constant 625 : i32
    %run_scoped3A = arith.constant 0 : i32
    "tpu.region"() ({
      %run_scoped3A_20 = tpu.sem_alloc : memref<!tpu.dma_semaphore, #tpu.memory_space<semaphore_mem>>
      %dma_start3A = arith.constant 0 : i32
      %dma_start3A_21 = tpu.memref_slice %arg4[%add3A, %run_scoped3A, %dma_start3A] : memref<32x2x10240xf32, #tpu.memory_space<hbm>> -> memref<1x1x10240xf32, #tpu.memory_space<hbm>>
      %dma_start3A_22 = tpu.memref_squeeze %dma_start3A_21 : memref<1x1x10240xf32, #tpu.memory_space<hbm>> -> memref<10240xf32, #tpu.memory_space<hbm>>
      %dma_start3A_23 = arith.constant 0 : i32
      %dma_start3A_24 = tpu.memref_slice %arg4[%add3A, %run_scoped3A, %dma_start3A_23] : memref<32x2x10240xf32, #tpu.memory_space<hbm>> -> memref<1x1x10240xf32, #tpu.memory_space<hbm>>
      %dma_start3A_25 = tpu.memref_squeeze %dma_start3A_24 : memref<1x1x10240xf32, #tpu.memory_space<hbm>> -> memref<10240xf32, #tpu.memory_space<hbm>>
      tpu.enqueue_dma source(%arg7 : memref<10240xf32, #tpu.memory_space<vmem>>) target(%dma_start3A_25 : memref<10240xf32, #tpu.memory_space<hbm>>) target_semaphore(%run_scoped3A_20 : memref<!tpu.dma_semaphore, #tpu.memory_space<semaphore_mem>>)
      %dma_wait3A = arith.constant 0 : i32
      %dma_wait3A_26 = tpu.memref_slice %arg4[%add3A, %run_scoped3A, %dma_wait3A] : memref<32x2x10240xf32, #tpu.memory_space<hbm>> -> memref<1x1x10240xf32, #tpu.memory_space<hbm>>
      %dma_wait3A_27 = tpu.memref_squeeze %dma_wait3A_26 : memref<1x1x10240xf32, #tpu.memory_space<hbm>> -> memref<10240xf32, #tpu.memory_space<hbm>>
      %dma_wait3A_28 = arith.constant 0 : i32
      %dma_wait3A_29 = tpu.memref_slice %arg4[%add3A, %run_scoped3A, %dma_wait3A_28] : memref<32x2x10240xf32, #tpu.memory_space<hbm>> -> memref<1x1x10240xf32, #tpu.memory_space<hbm>>
      %dma_wait3A_30 = tpu.memref_squeeze %dma_wait3A_29 : memref<1x1x10240xf32, #tpu.memory_space<hbm>> -> memref<10240xf32, #tpu.memory_space<hbm>>
      tpu.wait_dma2 semaphore(%run_scoped3A_20 : memref<!tpu.dma_semaphore, #tpu.memory_space<semaphore_mem>>) src(%arg7 : memref<10240xf32, #tpu.memory_space<vmem>>) dst(%dma_wait3A_30 : memref<10240xf32, #tpu.memory_space<hbm>>)
      tpu.yield
    }) : () -> ()
    %run_scoped3A_19 = arith.constant 1 : i32
    "tpu.region"() ({
      %run_scoped3A_20 = tpu.sem_alloc : memref<!tpu.dma_semaphore, #tpu.memory_space<semaphore_mem>>
      %dma_start3A = arith.constant 0 : i32
      %dma_start3A_21 = tpu.memref_slice %arg4[%add3A, %run_scoped3A_19, %dma_start3A] : memref<32x2x10240xf32, #tpu.memory_space<hbm>> -> memref<1x1x10240xf32, #tpu.memory_space<hbm>>
      %dma_start3A_22 = tpu.memref_squeeze %dma_start3A_21 : memref<1x1x10240xf32, #tpu.memory_space<hbm>> -> memref<10240xf32, #tpu.memory_space<hbm>>
      %dma_start3A_23 = arith.constant 0 : i32
      %dma_start3A_24 = tpu.memref_slice %arg4[%add3A, %run_scoped3A_19, %dma_start3A_23] : memref<32x2x10240xf32, #tpu.memory_space<hbm>> -> memref<1x1x10240xf32, #tpu.memory_space<hbm>>
      %dma_start3A_25 = tpu.memref_squeeze %dma_start3A_24 : memref<1x1x10240xf32, #tpu.memory_space<hbm>> -> memref<10240xf32, #tpu.memory_space<hbm>>
      tpu.enqueue_dma source(%arg8 : memref<10240xf32, #tpu.memory_space<vmem>>) target(%dma_start3A_25 : memref<10240xf32, #tpu.memory_space<hbm>>) target_semaphore(%run_scoped3A_20 : memref<!tpu.dma_semaphore, #tpu.memory_space<semaphore_mem>>)
      %dma_wait3A = arith.constant 0 : i32
      %dma_wait3A_26 = tpu.memref_slice %arg4[%add3A, %run_scoped3A_19, %dma_wait3A] : memref<32x2x10240xf32, #tpu.memory_space<hbm>> -> memref<1x1x10240xf32, #tpu.memory_space<hbm>>
      %dma_wait3A_27 = tpu.memref_squeeze %dma_wait3A_26 : memref<1x1x10240xf32, #tpu.memory_space<hbm>> -> memref<10240xf32, #tpu.memory_space<hbm>>
      %dma_wait3A_28 = arith.constant 0 : i32
      %dma_wait3A_29 = tpu.memref_slice %arg4[%add3A, %run_scoped3A_19, %dma_wait3A_28] : memref<32x2x10240xf32, #tpu.memory_space<hbm>> -> memref<1x1x10240xf32, #tpu.memory_space<hbm>>
      %dma_wait3A_30 = tpu.memref_squeeze %dma_wait3A_29 : memref<1x1x10240xf32, #tpu.memory_space<hbm>> -> memref<10240xf32, #tpu.memory_space<hbm>>
      tpu.wait_dma2 semaphore(%run_scoped3A_20 : memref<!tpu.dma_semaphore, #tpu.memory_space<semaphore_mem>>) src(%arg8 : memref<10240xf32, #tpu.memory_space<vmem>>) dst(%dma_wait3A_30 : memref<10240xf32, #tpu.memory_space<hbm>>)
      tpu.yield
    }) : () -> ()
    return
  }
}

module attributes {stable_mosaic.version = 14 : i64} {
  func.func @_tc_prep_body(%arg0: i32, %arg1: memref<32x2x1280xf32, #tpu.memory_space<vmem>>, %arg2: memref<1280x128xf32, #tpu.memory_space<vmem>>, %arg3: memref<1280x128xf32, #tpu.memory_space<vmem>>, %arg4: memref<2x1280xf32, #tpu.memory_space<vmem>>) attributes {dimension_semantics = [#tpu.dimension_semantics<arbitrary>], iteration_bounds = array<i64: 8>, scalar_prefetch = 0 : i64, scratch_operands = 0 : i64, tpu.core_type = #tpu.core_type<tc>, window_params = [{transform_indices = @transform_0, window_bounds = array<i64: 32, 2, 1280>}, {transform_indices = @transform_1, window_bounds = array<i64: 1280, 128>}, {transform_indices = @transform_2, window_bounds = array<i64: 1280, 128>}, {transform_indices = @transform_3, window_bounds = array<i64: 2, 1280>}]} {
    %get3A = arith.constant 0 : index
    %get3A_0 = arith.constant 0 : index
    %get3A_1 = arith.constant 0 : index
    %get3A_2 = vector.load %arg1[%get3A, %get3A_0, %get3A_1] : memref<32x2x1280xf32, #tpu.memory_space<vmem>>, vector<32x2x1280xf32>
    %reduce_sum3A = arith.constant dense<0.000000e+00> : vector<2x1280xf32>
    %reduce_sum3A_3 = vector.multi_reduction <add>, %get3A_2, %reduce_sum3A [0] : vector<32x2x1280xf32> to vector<2x1280xf32>
    %max3A = arith.constant 1.000000e+00 : f32
    %max3A_4 = vector.broadcast %max3A : f32 to vector<2x1280xf32>
    %max3A_5 = arith.maximumf %reduce_sum3A_3, %max3A_4 : vector<2x1280xf32>
    %rsqrt3A = math.rsqrt %max3A_5 : vector<2x1280xf32>
    %swap3A = arith.constant 0 : index
    %swap3A_6 = arith.constant 0 : index
    %swap3A_7 = vector.load %arg4[%swap3A, %swap3A_6] : memref<2x1280xf32, #tpu.memory_space<vmem>>, vector<2x1280xf32>
    tpu.vector_store %arg4[%swap3A, %swap3A_6], %rsqrt3A {strides = array<i32>} : memref<2x1280xf32, #tpu.memory_space<vmem>>, vector<2x1280xf32>,
    %get3A_8 = arith.constant 0 : index
    %get3A_9 = arith.constant 0 : index
    %get3A_10 = vector.load %arg2[%get3A_8, %get3A_9] : memref<1280x128xf32, #tpu.memory_space<vmem>>, vector<1280x128xf32>
    %slice3A = vector.extract_strided_slice %rsqrt3A {offsets = [0, 0], sizes = [1, 1280], strides = [1, 1]} : vector<2x1280xf32> to vector<1x1280xf32>
    %squeeze3A = vector.shape_cast %slice3A : vector<1x1280xf32> to vector<1280xf32>
    %broadcast_in_dim3A = vector.shape_cast %squeeze3A : vector<1280xf32> to vector<1280x1xf32>
    %mul3A = vector.broadcast %broadcast_in_dim3A : vector<1280x1xf32> to vector<1280x128xf32>
    %mul3A_11 = arith.mulf %get3A_10, %mul3A : vector<1280x128xf32>
    %swap3A_12 = arith.constant 0 : index
    %swap3A_13 = arith.constant 0 : index
    %swap3A_14 = vector.load %arg3[%swap3A_12, %swap3A_13] : memref<1280x128xf32, #tpu.memory_space<vmem>>, vector<1280x128xf32>
    tpu.vector_store %arg3[%swap3A_12, %swap3A_13], %mul3A_11 {strides = array<i32>} : memref<1280x128xf32, #tpu.memory_space<vmem>>, vector<1280x128xf32>,
    return
  }
  func.func @transform_0(%arg0: i32) -> (i32, i32, i32) {
    %c0_i32 = arith.constant 0 : i32
    %c0_i32_0 = arith.constant 0 : i32
    %c0_i32_1 = arith.constant 0 : i32
    return %c0_i32, %c0_i32_0, %arg0 : i32, i32, i32
  }
  func.func @transform_1(%arg0: i32) -> (i32, i32) {
    %c0_i32 = arith.constant 0 : i32
    %c0_i32_0 = arith.constant 0 : i32
    return %arg0, %c0_i32 : i32, i32
  }
  func.func @transform_2(%arg0: i32) -> (i32, i32) {
    %c0_i32 = arith.constant 0 : i32
    %c0_i32_0 = arith.constant 0 : i32
    return %arg0, %c0_i32 : i32, i32
  }
  func.func @transform_3(%arg0: i32) -> (i32, i32) {
    %c0_i32 = arith.constant 0 : i32
    %c0_i32_0 = arith.constant 0 : i32
    return %c0_i32, %arg0 : i32, i32
  }
}

module attributes {stable_mosaic.version = 14 : i64} {
  func.func @_tc_layer_body(%arg0: i32, %arg1: memref<2x1280x128xf32, #tpu.memory_space<vmem>>, %arg2: memref<2x1280xf32, #tpu.memory_space<vmem>>, %arg3: memref<128x128xf32, #tpu.memory_space<vmem>>, %arg4: memref<1x128xf32, #tpu.memory_space<vmem>>, %arg5: memref<1280x128xf32, #tpu.memory_space<vmem>>) attributes {dimension_semantics = [#tpu.dimension_semantics<arbitrary>], iteration_bounds = array<i64: 8>, scalar_prefetch = 0 : i64, scratch_operands = 0 : i64, tpu.core_type = #tpu.core_type<tc>, window_params = [{transform_indices = @transform_0, window_bounds = array<i64: 2, 1280, 128>}, {transform_indices = @transform_1, window_bounds = array<i64: 2, 1280>}, {pipeline_mode = #tpu.pipeline_mode<synchronous>, transform_indices = @transform_2, window_bounds = array<i64: 128, 128>}, {pipeline_mode = #tpu.pipeline_mode<synchronous>, transform_indices = @transform_3, window_bounds = array<i64: 1, 128>}, {transform_indices = @transform_4, window_bounds = array<i64: 1280, 128>}]} {
    %get3A = arith.constant 0 : index
    %get3A_0 = arith.constant 0 : index
    %get3A_1 = arith.constant 0 : index
    %get3A_2 = vector.load %arg1[%get3A, %get3A_0, %get3A_1] : memref<2x1280x128xf32, #tpu.memory_space<vmem>>, vector<1x1280x128xf32>
    %get3A_3 = vector.shape_cast %get3A_2 : vector<1x1280x128xf32> to vector<1280x128xf32>
    %get3A_4 = arith.constant 1 : index
    %get3A_5 = arith.constant 0 : index
    %get3A_6 = arith.constant 0 : index
    %get3A_7 = vector.load %arg1[%get3A_4, %get3A_5, %get3A_6] : memref<2x1280x128xf32, #tpu.memory_space<vmem>>, vector<1x1280x128xf32>
    %get3A_8 = vector.shape_cast %get3A_7 : vector<1x1280x128xf32> to vector<1280x128xf32>
    %add3A = arith.addf %get3A_3, %get3A_8 : vector<1280x128xf32>
    %get3A_9 = arith.constant 1 : index
    %get3A_10 = arith.constant 0 : index
    %get3A_11 = vector.load %arg2[%get3A_9, %get3A_10] : memref<2x1280xf32, #tpu.memory_space<vmem>>, vector<1x1280xf32>
    %get3A_12 = vector.shape_cast %get3A_11 : vector<1x1280xf32> to vector<1280xf32>
    %broadcast_in_dim3A = vector.shape_cast %get3A_12 : vector<1280xf32> to vector<1280x1xf32>
    %mul3A = vector.broadcast %broadcast_in_dim3A : vector<1280x1xf32> to vector<1280x128xf32>
    %mul3A_13 = arith.mulf %add3A, %mul3A : vector<1280x128xf32>
    %get3A_14 = arith.constant 0 : index
    %get3A_15 = arith.constant 0 : index
    %get3A_16 = vector.load %arg3[%get3A_14, %get3A_15] : memref<128x128xf32, #tpu.memory_space<vmem>>, vector<128x128xf32>
    %dot_general3A = arith.constant dense<0.000000e+00> : vector<1280x128xf32>
    %dot_general3A_17 = tpu.matmul %mul3A_13, %get3A_16, %dot_general3A {dimension_numbers = #tpu.dot_dimension_numbers<[1], [0], [0], [1], [0, 0, 1, 1], [], []>, precision = #tpu.contract_precision<fp32>, transpose_lhs_hint = false} : vector<1280x128xf32>, vector<128x128xf32>, vector<1280x128xf32> -> vector<1280x128xf32>
    %get3A_18 = arith.constant 0 : index
    %get3A_19 = arith.constant 0 : index
    %get3A_20 = vector.load %arg4[%get3A_18, %get3A_19] : memref<1x128xf32, #tpu.memory_space<vmem>>, vector<1x128xf32>
    %add3A_21 = vector.broadcast %get3A_20 : vector<1x128xf32> to vector<1280x128xf32>
    %add3A_22 = arith.addf %dot_general3A_17, %add3A_21 : vector<1280x128xf32>
    %max3A = arith.constant 0.000000e+00 : f32
    %max3A_23 = vector.broadcast %max3A : f32 to vector<1280x128xf32>
    %max3A_24 = arith.maximumf %add3A_22, %max3A_23 : vector<1280x128xf32>
    %get3A_25 = arith.constant 0 : index
    %get3A_26 = arith.constant 0 : index
    %get3A_27 = vector.load %arg2[%get3A_25, %get3A_26] : memref<2x1280xf32, #tpu.memory_space<vmem>>, vector<1x1280xf32>
    %get3A_28 = vector.shape_cast %get3A_27 : vector<1x1280xf32> to vector<1280xf32>
    %broadcast_in_dim3A_29 = vector.shape_cast %get3A_28 : vector<1280xf32> to vector<1280x1xf32>
    %mul3A_30 = vector.broadcast %broadcast_in_dim3A_29 : vector<1280x1xf32> to vector<1280x128xf32>
    %mul3A_31 = arith.mulf %max3A_24, %mul3A_30 : vector<1280x128xf32>
    %mul3A_32 = arith.constant 1280 : i32
    %mul3A_33 = arith.muli %arg0, %mul3A_32 : i32
    %iota3A = tpu.iota {dimensions = array<i32: 0>} : vector<1280x1xi32>
    %add3A_34 = vector.broadcast %mul3A_33 : i32 to vector<1280x1xi32>
    %add3A_35 = arith.addi %add3A_34, %iota3A : vector<1280x1xi32>
    %lt3A = arith.constant 10000 : i32
    %lt3A_36 = vector.broadcast %lt3A : i32 to vector<1280x1xi32>
    %lt3A_37 = arith.cmpi slt, %add3A_35, %lt3A_36 : vector<1280x1xi32>
    %jit3A = arith.constant 0.000000e+00 : f32
    %broadcast_in_dim3A_38 = vector.shape_cast %lt3A_37 : vector<1280x1xi1> to vector<1280x1xi1>
    %broadcast_in_dim3A_39 = vector.broadcast %broadcast_in_dim3A_38 : vector<1280x1xi1> to vector<1280x128xi1>
    %broadcast_in_dim3A_40 = vector.broadcast %jit3A : f32 to vector<1280x128xf32>
    %select_n3A = arith.select %broadcast_in_dim3A_39, %mul3A_31, %broadcast_in_dim3A_40 : vector<1280x128xi1>, vector<1280x128xf32>
    %swap3A = arith.constant 0 : index
    %swap3A_41 = arith.constant 0 : index
    %swap3A_42 = vector.load %arg5[%swap3A, %swap3A_41] : memref<1280x128xf32, #tpu.memory_space<vmem>>, vector<1280x128xf32>
    tpu.vector_store %arg5[%swap3A, %swap3A_41], %select_n3A {strides = array<i32>} : memref<1280x128xf32, #tpu.memory_space<vmem>>, vector<1280x128xf32>,
    return
  }
  func.func @transform_0(%arg0: i32) -> (i32, i32, i32) {
    %c0_i32 = arith.constant 0 : i32
    %c0_i32_0 = arith.constant 0 : i32
    %c0_i32_1 = arith.constant 0 : i32
    return %c0_i32, %arg0, %c0_i32_0 : i32, i32, i32
  }
  func.func @transform_1(%arg0: i32) -> (i32, i32) {
    %c0_i32 = arith.constant 0 : i32
    %c0_i32_0 = arith.constant 0 : i32
    return %c0_i32, %arg0 : i32, i32
  }
  func.func @transform_2(%arg0: i32) -> (i32, i32) {
    %c0_i32 = arith.constant 0 : i32
    %c0_i32_0 = arith.constant 0 : i32
    %c0_i32_1 = arith.constant 0 : i32
    return %c0_i32, %c0_i32_0 : i32, i32
  }
  func.func @transform_3(%arg0: i32) -> (i32, i32) {
    %c0_i32 = arith.constant 0 : i32
    %c0_i32_0 = arith.constant 0 : i32
    %c0_i32_1 = arith.constant 0 : i32
    return %c0_i32, %c0_i32_0 : i32, i32
  }
  func.func @transform_4(%arg0: i32) -> (i32, i32) {
    %c0_i32 = arith.constant 0 : i32
    %c0_i32_0 = arith.constant 0 : i32
    return %arg0, %c0_i32 : i32, i32
  }
}

module attributes {stable_mosaic.version = 14 : i64} {
  func.func @_tc_final_body(%arg0: i32, %arg1: memref<2x1280x128xf32, #tpu.memory_space<vmem>>, %arg2: memref<2x1280xf32, #tpu.memory_space<vmem>>, %arg3: memref<128x128xf32, #tpu.memory_space<vmem>>, %arg4: memref<1x128xf32, #tpu.memory_space<vmem>>, %arg5: memref<128x64xf32, #tpu.memory_space<vmem>>, %arg6: memref<1x64xf32, #tpu.memory_space<vmem>>, %arg7: memref<1x64xf32, #tpu.memory_space<vmem>>, %arg8: memref<1x128xf32, #tpu.memory_space<vmem>>) attributes {dimension_semantics = [#tpu.dimension_semantics<arbitrary>], iteration_bounds = array<i64: 8>, scalar_prefetch = 0 : i64, scratch_operands = 1 : i64, tpu.core_type = #tpu.core_type<tc>, window_params = [{transform_indices = @transform_0, window_bounds = array<i64: 2, 1280, 128>}, {transform_indices = @transform_1, window_bounds = array<i64: 2, 1280>}, {pipeline_mode = #tpu.pipeline_mode<synchronous>, transform_indices = @transform_2, window_bounds = array<i64: 128, 128>}, {pipeline_mode = #tpu.pipeline_mode<synchronous>, transform_indices = @transform_3, window_bounds = array<i64: 1, 128>}, {pipeline_mode = #tpu.pipeline_mode<synchronous>, transform_indices = @transform_4, window_bounds = array<i64: 128, 64>}, {pipeline_mode = #tpu.pipeline_mode<synchronous>, transform_indices = @transform_5, window_bounds = array<i64: 1, 64>}, {pipeline_mode = #tpu.pipeline_mode<synchronous>, transform_indices = @transform_6, window_bounds = array<i64: 1, 64>}]} {
    %get3A = arith.constant 0 : index
    %get3A_0 = arith.constant 0 : index
    %get3A_1 = arith.constant 0 : index
    %get3A_2 = vector.load %arg1[%get3A, %get3A_0, %get3A_1] : memref<2x1280x128xf32, #tpu.memory_space<vmem>>, vector<1x1280x128xf32>
    %get3A_3 = vector.shape_cast %get3A_2 : vector<1x1280x128xf32> to vector<1280x128xf32>
    %get3A_4 = arith.constant 1 : index
    %get3A_5 = arith.constant 0 : index
    %get3A_6 = arith.constant 0 : index
    %get3A_7 = vector.load %arg1[%get3A_4, %get3A_5, %get3A_6] : memref<2x1280x128xf32, #tpu.memory_space<vmem>>, vector<1x1280x128xf32>
    %get3A_8 = vector.shape_cast %get3A_7 : vector<1x1280x128xf32> to vector<1280x128xf32>
    %add3A = arith.addf %get3A_3, %get3A_8 : vector<1280x128xf32>
    %get3A_9 = arith.constant 1 : index
    %get3A_10 = arith.constant 0 : index
    %get3A_11 = vector.load %arg2[%get3A_9, %get3A_10] : memref<2x1280xf32, #tpu.memory_space<vmem>>, vector<1x1280xf32>
    %get3A_12 = vector.shape_cast %get3A_11 : vector<1x1280xf32> to vector<1280xf32>
    %broadcast_in_dim3A = vector.shape_cast %get3A_12 : vector<1280xf32> to vector<1280x1xf32>
    %mul3A = vector.broadcast %broadcast_in_dim3A : vector<1280x1xf32> to vector<1280x128xf32>
    %mul3A_13 = arith.mulf %add3A, %mul3A : vector<1280x128xf32>
    %get3A_14 = arith.constant 0 : index
    %get3A_15 = arith.constant 0 : index
    %get3A_16 = vector.load %arg3[%get3A_14, %get3A_15] : memref<128x128xf32, #tpu.memory_space<vmem>>, vector<128x128xf32>
    %dot_general3A = arith.constant dense<0.000000e+00> : vector<1280x128xf32>
    %dot_general3A_17 = tpu.matmul %mul3A_13, %get3A_16, %dot_general3A {dimension_numbers = #tpu.dot_dimension_numbers<[1], [0], [0], [1], [0, 0, 1, 1], [], []>, precision = #tpu.contract_precision<fp32>, transpose_lhs_hint = false} : vector<1280x128xf32>, vector<128x128xf32>, vector<1280x128xf32> -> vector<1280x128xf32>
    %get3A_18 = arith.constant 0 : index
    %get3A_19 = arith.constant 0 : index
    %get3A_20 = vector.load %arg4[%get3A_18, %get3A_19] : memref<1x128xf32, #tpu.memory_space<vmem>>, vector<1x128xf32>
    %add3A_21 = vector.broadcast %get3A_20 : vector<1x128xf32> to vector<1280x128xf32>
    %add3A_22 = arith.addf %dot_general3A_17, %add3A_21 : vector<1280x128xf32>
    %max3A = arith.constant 0.000000e+00 : f32
    %max3A_23 = vector.broadcast %max3A : f32 to vector<1280x128xf32>
    %max3A_24 = arith.maximumf %add3A_22, %max3A_23 : vector<1280x128xf32>
    %mul3A_25 = arith.constant 1280 : i32
    %mul3A_26 = arith.muli %arg0, %mul3A_25 : i32
    %iota3A = tpu.iota {dimensions = array<i32: 0>} : vector<1280x1xi32>
    %add3A_27 = vector.broadcast %mul3A_26 : i32 to vector<1280x1xi32>
    %add3A_28 = arith.addi %add3A_27, %iota3A : vector<1280x1xi32>
    %lt3A = arith.constant 10000 : i32
    %lt3A_29 = vector.broadcast %lt3A : i32 to vector<1280x1xi32>
    %lt3A_30 = arith.cmpi slt, %add3A_28, %lt3A_29 : vector<1280x1xi32>
    %jit3A = arith.constant 0.000000e+00 : f32
    %broadcast_in_dim3A_31 = vector.shape_cast %lt3A_30 : vector<1280x1xi1> to vector<1280x1xi1>
    %broadcast_in_dim3A_32 = vector.broadcast %broadcast_in_dim3A_31 : vector<1280x1xi1> to vector<1280x128xi1>
    %broadcast_in_dim3A_33 = vector.broadcast %jit3A : f32 to vector<1280x128xf32>
    %select_n3A = arith.select %broadcast_in_dim3A_32, %max3A_24, %broadcast_in_dim3A_33 : vector<1280x128xi1>, vector<1280x128xf32>
    %reduce_sum3A = arith.constant dense<0.000000e+00> : vector<128xf32>
    %reduce_sum3A_34 = vector.multi_reduction <add>, %select_n3A, %reduce_sum3A [0] : vector<1280x128xf32> to vector<128xf32>
    %broadcast_in_dim3A_35 = vector.shape_cast %reduce_sum3A_34 : vector<128xf32> to vector<1x128xf32>
    %eq3A = arith.constant 0 : i32
    %eq3A_36 = arith.cmpi eq, %arg0, %eq3A : i32
    %convert_element_type3A = arith.extui %eq3A_36 : i1 to i32
    %cond3A = arith.constant 0 : i32
    %cond3A_37 = arith.cmpi ne, %convert_element_type3A, %cond3A : i32
    scf.if %cond3A_37 {
      %broadcast_in_dim3A_49 = arith.constant 0.000000e+00 : f32
      %broadcast_in_dim3A_50 = vector.broadcast %broadcast_in_dim3A_49 : f32 to vector<1x128xf32>
      %swap3A_51 = arith.constant 0 : index
      %swap3A_52 = arith.constant 0 : index
      %swap3A_53 = vector.load %arg8[%swap3A_51, %swap3A_52] : memref<1x128xf32, #tpu.memory_space<vmem>>, vector<1x128xf32>
      tpu.vector_store %arg8[%swap3A_51, %swap3A_52], %broadcast_in_dim3A_50 {strides = array<i32>} : memref<1x128xf32, #tpu.memory_space<vmem>>, vector<1x128xf32>,
    } else {
    }
    %get3A_38 = arith.constant 0 : index
    %get3A_39 = arith.constant 0 : index
    %get3A_40 = vector.load %arg8[%get3A_38, %get3A_39] : memref<1x128xf32, #tpu.memory_space<vmem>>, vector<1x128xf32>
    %add3A_41 = arith.addf %get3A_40, %broadcast_in_dim3A_35 : vector<1x128xf32>
    %swap3A = arith.constant 0 : index
    %swap3A_42 = arith.constant 0 : index
    %swap3A_43 = vector.load %arg8[%swap3A, %swap3A_42] : memref<1x128xf32, #tpu.memory_space<vmem>>, vector<1x128xf32>
    tpu.vector_store %arg8[%swap3A, %swap3A_42], %add3A_41 {strides = array<i32>} : memref<1x128xf32, #tpu.memory_space<vmem>>, vector<1x128xf32>,
    %eq3A_44 = arith.constant 7 : i32
    %eq3A_45 = arith.cmpi eq, %arg0, %eq3A_44 : i32
    %convert_element_type3A_46 = arith.extui %eq3A_45 : i1 to i32
    %cond3A_47 = arith.constant 0 : i32
    %cond3A_48 = arith.cmpi ne, %convert_element_type3A_46, %cond3A_47 : i32
    scf.if %cond3A_48 {
      %get3A_49 = arith.constant 0 : index
      %get3A_50 = arith.constant 0 : index
      %get3A_51 = vector.load %arg8[%get3A_49, %get3A_50] : memref<1x128xf32, #tpu.memory_space<vmem>>, vector<1x128xf32>
      %mul3A_52 = arith.constant 9.99999974E-5 : f32
      %mul3A_53 = vector.broadcast %mul3A_52 : f32 to vector<1x128xf32>
      %mul3A_54 = arith.mulf %get3A_51, %mul3A_53 : vector<1x128xf32>
      %get3A_55 = arith.constant 0 : index
      %get3A_56 = arith.constant 0 : index
      %get3A_57 = vector.load %arg5[%get3A_55, %get3A_56] : memref<128x64xf32, #tpu.memory_space<vmem>>, vector<128x64xf32>
      %dot_general3A_58 = arith.constant dense<0.000000e+00> : vector<1x64xf32>
      %dot_general3A_59 = tpu.matmul %mul3A_54, %get3A_57, %dot_general3A_58 {dimension_numbers = #tpu.dot_dimension_numbers<[1], [0], [0], [1], [0, 0, 1, 1], [], []>, precision = #tpu.contract_precision<fp32>, transpose_lhs_hint = false} : vector<1x128xf32>, vector<128x64xf32>, vector<1x64xf32> -> vector<1x64xf32>
      %get3A_60 = arith.constant 0 : index
      %get3A_61 = arith.constant 0 : index
      %get3A_62 = vector.load %arg6[%get3A_60, %get3A_61] : memref<1x64xf32, #tpu.memory_space<vmem>>, vector<1x64xf32>
      %add3A_63 = arith.addf %dot_general3A_59, %get3A_62 : vector<1x64xf32>
      %swap3A_64 = arith.constant 0 : index
      %swap3A_65 = arith.constant 0 : index
      %swap3A_66 = vector.load %arg7[%swap3A_64, %swap3A_65] : memref<1x64xf32, #tpu.memory_space<vmem>>, vector<1x64xf32>
      tpu.vector_store %arg7[%swap3A_64, %swap3A_65], %add3A_63 {strides = array<i32>} : memref<1x64xf32, #tpu.memory_space<vmem>>, vector<1x64xf32>,
    } else {
    }
    return
  }
  func.func @transform_0(%arg0: i32) -> (i32, i32, i32) {
    %c0_i32 = arith.constant 0 : i32
    %c0_i32_0 = arith.constant 0 : i32
    %c0_i32_1 = arith.constant 0 : i32
    return %c0_i32, %arg0, %c0_i32_0 : i32, i32, i32
  }
  func.func @transform_1(%arg0: i32) -> (i32, i32) {
    %c0_i32 = arith.constant 0 : i32
    %c0_i32_0 = arith.constant 0 : i32
    return %c0_i32, %arg0 : i32, i32
  }
  func.func @transform_2(%arg0: i32) -> (i32, i32) {
    %c0_i32 = arith.constant 0 : i32
    %c0_i32_0 = arith.constant 0 : i32
    %c0_i32_1 = arith.constant 0 : i32
    return %c0_i32, %c0_i32_0 : i32, i32
  }
  func.func @transform_3(%arg0: i32) -> (i32, i32) {
    %c0_i32 = arith.constant 0 : i32
    %c0_i32_0 = arith.constant 0 : i32
    %c0_i32_1 = arith.constant 0 : i32
    return %c0_i32, %c0_i32_0 : i32, i32
  }
  func.func @transform_4(%arg0: i32) -> (i32, i32) {
    %c0_i32 = arith.constant 0 : i32
    %c0_i32_0 = arith.constant 0 : i32
    %c0_i32_1 = arith.constant 0 : i32
    return %c0_i32, %c0_i32_0 : i32, i32
  }
  func.func @transform_5(%arg0: i32) -> (i32, i32) {
    %c0_i32 = arith.constant 0 : i32
    %c0_i32_0 = arith.constant 0 : i32
    %c0_i32_1 = arith.constant 0 : i32
    return %c0_i32, %c0_i32_0 : i32, i32
  }
  func.func @transform_6(%arg0: i32) -> (i32, i32) {
    %c0_i32 = arith.constant 0 : i32
    %c0_i32_0 = arith.constant 0 : i32
    %c0_i32_1 = arith.constant 0 : i32
    return %c0_i32, %c0_i32_0 : i32, i32
  }
}

</mosaic_0001>

<sc_bundles>
// kernel: kernel.11.cloned.1.call-start
scs
__scs_entry_jumppad:
0x0: {  	(pc) =	sbr.rel $0x88, $3  }
0x1: {  	(tag) =	ssettag $0x0;
	lr =	simm.s32 $0x1  }
0x2: {  	[smem:$0x3F9B] =	sst lr;
	_ =	strace $0xD0000000  }
0x3: {  	_ = 	snop  }
0x4: {  	_ = 	snop  }
0x5: {  	_ = 	snop  }
0x6: {  	_ = 	snop  }
0x7: {  	_ = 	snop  }
__scs_overlays_trampoline_lowered:
0x8: {  	[smem:$0x3FAA] =	sst s0  }
0x9: {  	[smem:$0x3FAB] =	sst s1  }
0xa: {  	[smem:$0x3FAC] =	sst s2  }
0xb: {  	[smem:$0x3FAD] =	sst s3  }
0xc: {  	[smem:$0x3FAE] =	sst s4  }
0xd: {  	[smem:$0x3FAF] =	sst s5  }
0xe: {  	[smem:$0x3FB0] =	sst s6  }
0xf: {  	[smem:$0x3FB1] =	sst s7  }
0x10: {  	[smem:$0x3FB2] =	sst s8  }
0x11: {  	[smem:$0x3FB3] =	sst s9;
	s0 =	simm.s32 @!p0 $0x0  }
0x12: {  	s1 =	sld [smem:$0x3F99];
	s0 =	simm.s32 @p0 $0x1  }
0x13: {  	[smem:$0x3FB4] =	sst s0;
	s0 =	simm.s32 @!p1 $0x0  }
0x14: {  	s2 =	sld [smem:$0x3F98];
	s0 =	simm.s32 @p1 $0x1  }
0x15: {  	[smem:$0x3FB5] =	sst s0;
	s0 =	simm.s32 @!p2 $0x0  }
0x16: {  	s3 =	sld [smem:$0x3FDB];
	s0 =	simm.s32 @p2 $0x1  }
0x17: {  	s4 =	simm.s32 $0x1BF5;
	[smem:$0x3FB7] =	sst s0  }
0x18: {  	s0 =	sld [smem:$0x3F9A];
	_ =	swait.ge [sflag:s4], $0x0  }
0x19: {  	s7 =	sld [smem:$0x3F9B]  }
0x1a: {  	s8 =	sadd.s32 $0xFFFFE003, lr  }
0x1b: {  	s9 =	sadd.s32 $0xFFFFFEF7, lr;
	s5 =	simm.s32 $0xFFFFFFFF;
	p2 =	slt.u32 s8, $0xFFFFF086  }
0x1c: {  	p1 =	slt.u32 s9, $0xF7A;
	s5 =	simm.s32 @!p2 $0x0  }
0x1d: {  	s5 =	simm.s32 @p1 $0x1;
	p0 =	seq.s32 s7, s2  }
0x1e: {  	s7 =	smul.u32 @!p0 $0xF7A, s2;
	p2 =	seq.s32 @!p0 s5, $0x0  }
0x1f: {  	s9 =	smul.u32 $0xF7A, s1;
	s8 =	simm.s32 @!p0 $0x1BF5;
	p2 =	por !p2, p0  }
0x20: {  	[sflag:s8] =	ssyncset.s32 @!p0 $0xFFFFF086;
	s6 =	sadd.s32 @!p0 s3, s7;
	s7 =	simm.s32 @!p0 $0x108  }
0x21: {  	s3 =	sadd.s32 s3, s9;
	s6 =	sadd.s32 @!p0 $0x88, s6;
	s7 =	simm.s32 @p2 $0x1082  }
0x22: {  	[simem:s7], [sflag:s8] =	dma.local @!p0 [hbm:s6], $0xF7A  }
0x23: {  	s9 =	sor.u32 $0xD0000000, s2;
	s6 =	simm.s32 $0x108;
	_ =	swait.ge @!p0 [sflag:s8], $0x0  }
0x24: {  	s3 =	sadd.s32 $0x88, s3;
	s6 =	simm.s32 @!p1 $0x1082;
	[sflag:s4] =	ssyncset.s32 $0xFFFFF086  }
0x25: {  	[simem:s6], [sflag:s4] =	dma.local [hbm:s3], $0xF7A  }
0x26: {  	[smem:$0x3F9B] =	sst s1;
	(tag) =	ssettag s2;
	_ =	strace s9  }
0x27: {  	s1 =	sld [smem:$0x3FAB]  }
0x28: {  	s2 =	sld [smem:$0x3FAC]  }
0x29: {  	s4 =	sld [smem:$0x3FAE]  }
0x2a: {  	p0 =	seq.s32 s5, $0x0;
	s5 =	sld [smem:$0x3FAF]  }
0x2b: {  	s6 =	sld [smem:$0x3FB0]  }
0x2c: {  	s7 =	sld [smem:$0x3FB1]  }
0x2d: {  	s3 =	simm.s32 $0x108;
	s8 =	sld [smem:$0x3FB2]  }
0x2e: {  	s3 =	simm.s32 @!p0 $0x1082;
	s9 =	sld [smem:$0x3FB3]  }
0x2f: {  	lr =	sadd.s32 s0, s3;
	s0 =	sld [smem:$0x3FAA]  }
0x30: {  	s3 =	sld [smem:$0x3FAD]  }
0x31: {  	[smem:$0x3FB6] =	sst s10  }
0x32: {  	s10 =	sld [smem:$0x3FB4];
	_ =	sdelay $0x3  }
0x33: {  	p0 =	seq.s32 s10, $0x1;
	s10 =	sld [smem:$0x3FB6];
	_ =	sdelay $0x3  }
0x34: {  	[smem:$0x3FB6] =	sst s10  }
0x35: {  	s10 =	sld [smem:$0x3FB5];
	_ =	sdelay $0x3  }
0x36: {  	p1 =	seq.s32 s10, $0x1;
	s10 =	sld [smem:$0x3FB6];
	_ =	sdelay $0x3  }
0x37: {  	[smem:$0x3FB6] =	sst s10  }
0x38: {  	s10 =	sld [smem:$0x3FB7]  }
0x39: {  	_ = 	snop;
	(pc) =	sbr.ind lr, $3  }
0x3a: {  	_ = 	snop  }
0x3b: {  	_ = 	snop  }
0x3c: {  	p2 =	seq.s32 s10, $0x1;
	s10 =	sld [smem:$0x3FB6]  }
0x3d: {  	_ =	shalt  }
0x3e: {  	_ =	shalt  }
0x3f: {  	_ =	shalt  }
0x40: {  	_ =	shalt  }
0x41: {  	_ =	shalt  }
0x42: {  	_ =	shalt  }
0x43: {  	_ =	shalt  }
0x44: {  	_ =	shalt  }
0x45: {  	_ =	shalt  }
0x46: {  	_ =	shalt  }
0x47: {  	_ =	shalt  }
0x48: {  	_ =	shalt  }
0x49: {  	_ =	shalt  }
0x4a: {  	_ =	shalt  }
0x4b: {  	_ =	shalt  }
0x4c: {  	_ =	shalt  }
0x4d: {  	_ =	shalt  }
0x4e: {  	_ =	shalt  }
0x4f: {  	_ =	shalt  }
0x50: {  	_ =	shalt  }
0x51: {  	_ =	shalt  }
0x52: {  	_ =	shalt  }
0x53: {  	_ =	shalt  }
0x54: {  	_ =	shalt  }
0x55: {  	_ =	shalt  }
0x56: {  	_ =	shalt  }
0x57: {  	_ =	shalt  }
0x58: {  	_ =	shalt  }
0x59: {  	_ =	shalt  }
0x5a: {  	_ =	shalt  }
0x5b: {  	_ =	shalt  }
0x5c: {  	_ =	shalt  }
0x5d: {  	_ =	shalt  }
0x5e: {  	_ =	shalt  }
0x5f: {  	_ =	shalt  }
0x60: {  	_ =	shalt  }
0x61: {  	_ =	shalt  }
0x62: {  	_ =	shalt  }
0x63: {  	_ =	shalt  }
0x64: {  	_ =	shalt  }
0x65: {  	_ =	shalt  }
0x66: {  	_ =	shalt  }
0x67: {  	_ =	shalt  }
0x68: {  	_ =	shalt  }
0x69: {  	_ =	shalt  }
0x6a: {  	_ =	shalt  }
0x6b: {  	_ =	shalt  }
0x6c: {  	_ =	shalt  }
0x6d: {  	_ =	shalt  }
0x6e: {  	_ =	shalt  }
0x6f: {  	_ =	shalt  }
0x70: {  	_ =	shalt  }
0x71: {  	_ =	shalt  }
0x72: {  	_ =	shalt  }
0x73: {  	_ =	shalt  }
0x74: {  	_ =	shalt  }
0x75: {  	_ =	shalt  }
0x76: {  	_ =	shalt  }
0x77: {  	_ =	shalt  }
0x78: {  	_ =	shalt  }
0x79: {  	_ =	shalt  }
0x7a: {  	_ =	shalt  }
0x7b: {  	_ =	shalt  }
0x7c: {  	_ =	shalt  }
0x7d: {  	_ =	shalt  }
0x7e: {  	_ =	shalt  }
0x7f: {  	_ =	shalt  }
0x80: {  	_ =	shalt  }
0x81: {  	_ =	shalt  }
0x82: {  	_ =	shalt  }
0x83: {  	_ =	shalt  }
0x84: {  	_ =	shalt  }
0x85: {  	_ =	shalt  }
0x86: {  	_ =	shalt  }
0x87: {  	_ =	shalt  }
.Lfunc_end0:
.L_simem_size_0:
called_computation.1_lowered:
.L_overlay_start_0:
0x88: {  	s2 =	sld [smem:$0x3FD9]  }
0x89: {  	s3 =	sld [smem:$0x3FFE];
	_ =	sdelay $0x1  }
0x8a: {  	s1 =	srdreg.scid  }
0x8b: {  	s0 =	sand.u32 $0x1, s1  }
0x8c: {  	s16 =	sshll.u32 s0, $0xA;
	s2 =	sadd.s32 s3, s2  }
0x8d: {  	s2 =	sadd.s32 s2, s16  }
0x8e: {  	[smem:$0x3FC2] =	sst s2  }
0x8f: {  	_ = 	snop  }
0x90: {  	(tm) =	ssettm $0x1  }
0x91: {  	s17 =	sld [smem:$0x3FFB];
	_ =	sdelay $0x3  }
0x92: {  	_ =	strace s17  }
0x93: {  	s2 =	sld [smem:$0x3FFC];
	_ =	sdelay $0x3  }
0x94: {  	_ =	strace s2  }
0x95: {  	s2 =	sld [smem:$0x3FFD];
	_ =	sdelay $0x3  }
0x96: {  	_ =	strace s2  }
0x97: {  	_ =	strace $0x8FFFFFFF  }
0x98: {  	s18 =	sld [smem:$0x3FDB];
	_ =	sdelay $0x1  }
0x99: {  	s19 =	simm.s32 $_scs_section_size  }
0x9a: {  	s4 =	simm.s32 $_size__tile_overlayer_lowered;
	s5 =	simm.s32 $_tile_overlayer_lowered  }
0x9b: {  	s22 =	simm.s32 $0x1BFF;
	s21 =	sshll.u32 s5, $0x1;
	s2 =	sadd.s32 s19, s18  }
0x9c: {  	s6 =	simm.s32 $0x0;
	s20 =	sshll.u32 s4, $0x1;
	s4 =	sadd.s32 s21, s2  }
0x9d: {  	[timem:s6], [sflag:s22] =	dma.local [hbm:s4], s20  }
0x9e: {  	_ =	swait.ge [sflag:s22], s20  }
0x9f: {  	s3 =	ssub.s32 $0x0, s20;
	[sflag:s22] =	ssyncset.done $0x0  }
0xa0: {  	[sflag:s22] =	ssyncadd.s32 s3;
	_ =	sdelay $0x1  }
0xa1: {  	s23 =	simm.s32 $0x1B8B  }
0xa2: {  	_ =	swait.ge [sflag:s23], $0x1  }
0xa3: {  	[sflag:s23] =	ssyncset.done $0x0  }
0xa4: {  	s25 =	simm.s32 $0x1B8E;
	s24 =	sld [smem:$0x3FFE];
	[sflag:s23] =	ssyncadd.s32 $0xFFFFFFFF  }
0xa5: {  	s26 =	simm.s32 $execute0_lowered;
	[smem:$0x3FD2] =	sst s25  }
0xa6: {  	s4 =	sshll.u32 s26, $0x1;
	_ =	strace $0x80000049;
	[dreg:$0x1] =	wrdreg $0xFFFFFFFF  }
0xa7: {  	s28 =	simm.s32 $_size_execute0_lowered;
	s2 =	sadd.s32 s2, s4;
	[dreg:$0x0] =	wrdreg $0x0  }
0xa8: {  	s4 =	sshll.u32 s28, $0x1;
	[dreg:$0x2] =	wrdreg s2  }
0xa9: {  	[dreg:$0x3] =	wrdreg s4  }
0xaa: {  	[dreg:$0x4] =	wrdreg $0xC0  }
0xab: {  	_ =	task [dreg:s6], $0x5FFFF  }
0xac: {  	[dreg:$0x1] =	wrdreg $0xFFFFFFFF  }
0xad: {  	[dreg:$0x0] =	wrdreg $0x60  }
0xae: {  	[dreg:$0x2] =	wrdreg s24  }
0xaf: {  	[dreg:$0x3] =	wrdreg $0xAC000  }
0xb0: {  	[dreg:$0x4] =	wrdreg $0x9  }
0xb1: {  	_ =	task.clear_ibuf [dreg:s6], $0x5FFFF;
	_ =	strace $0x90000049  }
0xb2: {  	s29 =	simm.s32 $0x9;
	_ =	strace $0x8000004B  }
0xb3: {  	_ =	swait.ge [sflag:s29], $0x1  }
0xb4: {  	[sflag:s29] =	ssyncadd.s32 $0xFFFFFFFF  }
0xb5: {  	_ =	strace $0x9000004B  }
0xb6: {  	_ =	sfence  }
0xb7: {  	s30 =	sld [smem:$0x0];
	_ =	sdelay $0x2  }
0xb8: {  	s31 =	sshll.u32 s1, $0xD;
	s1 =	sshrl.u32 s1, $0x2  }
0xb9: {  	s3 =	sand.u32 $0x4000, s31;
	s1 =	sadd.s32 s1, s30  }
0xba: {  	s0 =	sor.u32 s3, s0;
	s1 =	sshll.u32 s1, $0x11  }
0xbb: {  	s0 =	sor.u32 s1, s0  }
0xbc: {  	s0 =	sadd.s32 $0x8F2B, s0  }
0xbd: {  	[sflag:s0] =	ssyncadd.remote.s32 $0x1  }
0xbe: {  	_ =	sfence.sel $0xFFFF  }
0xbf: {  	[dreg:$0x0] =	wrdreg $0xFFFFFFFF;
	(pc) =	sbr.abs _section_cstart, $3  }
0xc0: {  	[dreg:$0x1] =	wrdreg $0xFFFFFFFF  }
0xc1: {  	_ =	task.clear_ibuf [dreg:s6], $0x2FFFF;
	_ =	strace $0x9FFFFFFF  }
0xc2: {  	(tm) =	ssettm $0x7FFFFFFF  }
0xc3: {  	_ =	shalt  }
tec
execute0_lowered:
.L_overlay_start_1:
0x0: {  	(tag) =	ssettag $0x1  }
0x1: {  	s0 =	srdreg.scid;
	s12 =	stileid.u32  }
0x2: {  	s1 =	rddreg [dreg:$0x0];
	s4 =	smul.u32 $0xFFFFFF64, s12  }
0x3: {  	s2 =	rddreg [dreg:$0x1];
	s3 =	simm.s32 $0x0;
	s7 =	smul.u32 $0x14000, s12  }
0x4: {  	s28 =	simm.s32 $0x0;
	s0 =	sand.u32 $0x1, s0;
	s8 =	smul.u32 $0xA8, s12  }
0x5: {  	[smem:$0x7FF] =	sst s3;
	s5 =	sadd.s32 $0x2A000, s1;
	s11 =	smul.u32 $0x50000, s12  }
0x6: {  	s13 =	sadd.s32 $0x2400, s1;
	s19 =	sshll.u32 s12, $0x6;
	s6 =	smul.u32 $0x140000, s0  }
0x7: {  	_ =	strace $0x8000004A;
	[dreg:$0x10] =	wrdreg s13;
	s14 =	ssub.s32 $0x2, s0  }
0x8: {  	s12 =	sor.u32 $0x1C0B, s19;
	s4 =	sadd.s32 $0xA80, s4;
	s10 =	sshrl.u32 s14, $0x1  }
0x9: {  	s17 =	sshrl.u32 s11, $0x2;
	s9 =	smul.u32 s0, s4;
	s4 =	sadd.s32 $0x40800, s1  }
0xa: {  	s6 =	sadd.s32 s7, s6;
	s0 =	smul.u32 $0xFFFFFF64, s0;
	s18 =	sadd.s32 s17, s2  }
0xb: {  	s6 =	sshrl.u32 s6, $0x3;
	[dreg:$0x14] =	wrdreg s18;
	s9 =	sadd.s32 s8, s9  }
0xc: {  	s1 =	sadd.s32 s6, s1;
	s6 =	ssub.s32 s14, s10;
	s20 =	sadd.s32 $0xA7, s0  }
0xd: {  	s8 =	sshll.u32 s9, $0x5;
	s21 =	sor.u32 $0x3, s9;
	[dreg:$0x3] =	wrdreg s20  }
0xe: {  	s23 =	sadd.s32 $0xE, s9;
	s13 =	sadd.s32 $0xD, s9;
	s29 =	sadd.s32 $0xC, s9  }
0xf: {  	s31 =	sadd.s32 $0xB, s9;
	s17 =	sadd.s32 $0x9, s9;
	s1 =	sadd.s32 $0x68800, s1  }
0x10: {  	s19 =	sadd.s32 $0x8, s9;
	s8 =	sand.u32 $0x1FFFFF80, s8;
	s22 =	sand.u32 $0xFFFFFF, s21  }
0x11: {  	s20 =	sadd.s32 $0x7, s9;
	s11 =	sand.u32 $0xFFFFFE, s23;
	s30 =	sand.u32 $0xFFFFFC, s29  }
0x12: {  	s25 =	sand.u32 $0xFFFFFD, s13;
	s18 =	sand.u32 $0xFFFFFD, s17;
	s13 =	sadd.s32 $0xA6, s0  }
0x13: {  	[dreg:$0x15] =	wrdreg s1;
	s15 =	sadd.s32 s5, s8;
	s8 =	sadd.s32 $0xA8, s0  }
0x14: {  	s10 =	sshll.u32 s22, $0x5;
	s24 =	sshll.u32 s11, $0x5;
	[dreg:$0x11] =	wrdreg s15  }
0x15: {  	s26 =	sshll.u32 s25, $0x5;
	s11 =	sand.u32 $0xFFFFFF, s31;
	[dreg:$0x4] =	wrdreg s10  }
0x16: {  	s22 =	sand.u32 $0xFFFFFF, s20;
	s31 =	smax.u32 s6, $0x1;
	[dreg:$0x5] =	wrdreg s24  }
0x17: {  	s16 =	sadd.s32 $0x20, s15;
	s7 =	sadd.s32 $0x40, s15;
	[dreg:$0x6] =	wrdreg s26  }
0x18: {  	s10 =	sshll.u32 s30, $0x5;
	s14 =	sshll.u32 s11, $0x5;
	[dreg:$0x16] =	wrdreg s31  }
0x19: {  	s11 =	sand.u32 $0xFFFFFC, s19;
	s23 =	sshll.u32 s22, $0x5;
	[dreg:$0x12] =	wrdreg s16  }
0x1a: {  	s24 =	sadd.s32 $0x6, s9;
	s26 =	sadd.s32 $0x5, s9;
	[dreg:$0x13] =	wrdreg s7  }
0x1b: {  	s19 =	simm.s32 $0x1;
	s22 =	simm.s32 $0x2;
	[dreg:$0x7] =	wrdreg s10  }
0x1c: {  	s7 =	sadd.s32 $0xA, s9;
	[dreg:$0x8] =	wrdreg s14;
	s10 =	sshll.u32 s18, $0x5  }
0x1d: {  	s21 =	sshll.u32 s11, $0x5;
	[dreg:$0xc] =	wrdreg s23;
	s25 =	sand.u32 $0xFFFFFE, s24  }
0x1e: {  	s11 =	sand.u32 $0xFFFFFD, s26;
	s9 =	sadd.s32 $0x4, s9;
	[dreg:$0xa] =	wrdreg s10  }
0x1f: {  	s18 =	simm.s32 $0xB;
	[dreg:$0xb] =	wrdreg s21;
	s10 =	sshll.u32 s25, $0x5  }
0x20: {  	s15 =	sand.u32 $0xFFFFFE, s7;
	s29 =	sshll.u32 s11, $0x5;
	[dreg:$0xd] =	wrdreg s10  }
0x21: {  	s9 =	sand.u32 $0xFFFFFC, s9;
	s16 =	sshll.u32 s15, $0x5;
	[dreg:$0xe] =	wrdreg s29  }
0x22: {  	s24 =	simm.s32 $0x8;
	s30 =	sshll.u32 s9, $0x5;
	[dreg:$0x9] =	wrdreg s16  }
0x23: {  	s26 =	simm.s32 $0xA;
	s25 =	simm.s32 $0x9;
	[dreg:$0xf] =	wrdreg s30  }
.LBB2_1:
0x24: {  	s0 =	rddreg [dreg:$0x11]  }
0x25: {  	s11 =	rddreg [dreg:$0x12]  }
0x26: {  	s14 =	rddreg [dreg:$0x13]  }
0x27: {  	[tilespmem:s3], [sflag:$0x1] =	stream.linear.gather [hbm4b:s0+s3], $0x100, $0x38;
	[tilespmem:$0x1EC00] =	vst v63  }
0x28: {  	s1 =	simm.s32 $0x100;
	s15 =	rddreg [dreg:$0x14]  }
0x29: {  	[tilespmem:s1], [sflag:$0x2] =	stream.linear.gather [hbm4b:s11+s3], $0x100, $0x38;
	[tilespmem:$0x1EC00] =	vst v63  }
0x2a: {  	s6 =	simm.s32 $0x200;
	s16 =	rddreg [dreg:$0x10];
	s29 =	sshrl.u32 s15, $0x3  }
0x2b: {  	[tilespmem:s6], [sflag:$0x3] =	stream.linear.gather [hbm4b:s14+s3], $0x100, $0x38;
	[tilespmem:$0x1EC00] =	vst v63  }
0x2c: {  	[spmem:s29], [sflag:s12] =	dma.local [hbm:s16], $0x2800  }
0x2d: {  	_ =	swait.ge [sflag:s18], $0x2800  }
0x2e: {  	[sflag:s18] =	ssyncset.done $0x0  }
0x2f: {  	[sflag:s18] =	ssyncadd.s32 $0xFFFFD800  }
0x30: {  	_ =	swait.ge [sflag:s19], $0x100  }
0x31: {  	[sflag:s19] =	ssyncset.done $0x0  }
0x32: {  	s17 =	simm.s32 $0x70;
	s20 =	simm.s32 $0x400;
	[sflag:s19] =	ssyncadd.s32 $0xFFFFFF00  }
0x33: {  	[tilespmem:s20], [sflag:$0x5] =	stream.indirect.gather [hbm4b:s4+s17], $0x80, s3, s17, $0xb8;
	[tilespmem:$0x1EC00] =	vst v63  }
0x34: {  	p0 =	por $0x1, $0x1;
	_ =	swait.ge [sflag:s22], $0x100  }
0x35: {  	p1 =	sle.u32 @!p0 s13, $0x0;
	[sflag:s22] =	ssyncset.done $0x0  }
0x36: {  	s21 =	simm.s32 $0x3C00;
	p1 =	por p1, p0;
	[sflag:s22] =	ssyncadd.s32 $0xFFFFFF00  }
0x37: {  	[tilespmem:s21], [sflag:$0x6] =	stream.indirect.gather [hbm4b:s4+s17], $0x80, s1, s17, $0xb8;
	[tilespmem:$0x1EC00] =	vst v63  }
0x38: {  	p3 =	sle.u32 s13, $0x0;
	s0 =	simm.s32 @!p1 $0xA;
	[bflag:$0x0] =	sbarrier.arrive $0xFFFF  }
0x39: {  	s9 =	simm.s32 @!p3 $0x3;
	p0 =	sle.u32 s8, $0x3;
	_ =	swait.ge @!p1 [sflag:s0], $0x3800  }
0x3a: {  	s6 =	simm.s32 @!p0 $0x300;
	s1 =	rddreg [dreg:$0x4];
	[sflag:s0] =	ssyncset.done @!p1 $0x0  }
0x3b: {  	[sflag:s0] =	ssyncadd.s32 @!p1 $0xFFFFC800;
	s0 =	simm.s32 @!p0 $0x0;
	s1 =	sadd.s32 @!p0 s5, s1  }
0x3c: {  	[tilespmem:s6], [sflag:$0x4] =	stream.linear.gather @!p0 [hbm4b:s1+s0], $0x100, $0x38;
	[tilespmem:$0x1EC00] =	vst v63  }
0x3d: {  	s10 =	simm.s32 @!p3 $0x200;
	_ =	swait.ge @!p3 [sflag:s9], $0x100  }
0x3e: {  	p1 =	sle.u32 s8, $0x0;
	s0 =	simm.s32 @!p3 $0x7400;
	[sflag:s9] =	ssyncset.done @!p3 $0x0  }
0x3f: {  	s1 =	simm.s32 @!p3 $0x70;
	[sflag:s9] =	ssyncadd.s32 @!p3 $0xFFFFFF00;
	s9 =	simm.s32 @!p1 $0x5  }
0x40: {  	[tilespmem:s0], [sflag:$0x7] =	stream.indirect.gather @!p3 [hbm4b:s4+s1], $0x80, s10, s1, $0xb8;
	[tilespmem:$0x1EC00] =	vst v63  }
0x41: {  	_ =	swait.ge @!p1 [sflag:s9], $0x3800  }
0x42: {  	s11 =	simm.s32 @!p1 $0x70;
	s14 =	simm.s32 @!p1 $0x80;
	[sflag:s9] =	ssyncset.done @!p1 $0x0  }
0x43: {  	s10 =	simm.s32 @!p1 $0x400;
	[sflag:s9] =	ssyncadd.s32 @!p1 $0xFFFFC800;
	s9 =	simm.s32 @!p0 $0x8  }
0x44: {  	[spmem:s2] =	stream.indirect.scatter.add.f32 @!p1 [tilespmem:s10], [sflag:$0x8], $0x80, s14, s11, $0xb8;
	[tilespmem:$0x1EC00] =	vst v63  }
0x45: {  	p1 =	sle.u32 s8, $0x4;
	_ =	swait.ge @!p0 [sflag:s9], $0x3800  }
0x46: {  	s11 =	simm.s32 @!p0 $0x4;
	s10 =	rddreg [dreg:$0xf];
	[sflag:s9] =	ssyncset.done @!p0 $0x0  }
0x47: {  	[sflag:s9] =	ssyncadd.s32 @!p0 $0xFFFFC800;
	s9 =	simm.s32 @!p1 $0x0;
	s10 =	sadd.s32 @!p1 s5, s10  }
0x48: {  	[tilespmem:s9], [sflag:$0x1] =	stream.linear.gather @!p1 [hbm4b:s10+s9], $0x100, $0x38;
	[tilespmem:$0x1EC00] =	vst v63  }
0x49: {  	_ =	swait.ge @!p0 [sflag:s11], $0x100  }
0x4a: {  	s14 =	simm.s32 @!p0 $0x400;
	[sflag:s11] =	ssyncset.done @!p0 $0x0;
	s23 =	rddreg [dreg:$0x3]  }
0x4b: {  	[sflag:s11] =	ssyncadd.s32 @!p0 $0xFFFFFF00;
	s11 =	simm.s32 @!p0 $0x70;
	p2 =	sle.u32 s23, $0x0  }
0x4c: {  	[tilespmem:s14], [sflag:$0x5] =	stream.indirect.gather @!p0 [hbm4b:s4+s11], $0x80, s6, s11, $0xb8;
	[tilespmem:$0x1EC00] =	vst v63  }
0x4d: {  	s6 =	simm.s32 @!p2 $0x6  }
0x4e: {  	_ =	swait.ge @!p2 [sflag:s6], $0x3800  }
0x4f: {  	s10 =	simm.s32 @!p2 $0x3C00;
	[sflag:s6] =	ssyncset.done @!p2 $0x0  }
0x50: {  	s16 =	simm.s32 @!p2 $0x70;
	[sflag:s6] =	ssyncadd.s32 @!p2 $0xFFFFC800;
	s6 =	simm.s32 @!p2 $0x180  }
0x51: {  	[spmem:s2] =	stream.indirect.scatter.add.f32 @!p2 [tilespmem:s10], [sflag:$0x9], $0x80, s6, s16, $0xb8;
	[tilespmem:$0x1EC00] =	vst v63  }
0x52: {  	s6 =	simm.s32 @!p1 $0x9  }
0x53: {  	p2 =	sle.u32 s8, $0x5;
	_ =	swait.ge @!p1 [sflag:s6], $0x3800  }
0x54: {  	s16 =	simm.s32 @!p2 $0x100;
	s10 =	rddreg [dreg:$0xe];
	[sflag:s6] =	ssyncset.done @!p1 $0x0  }
0x55: {  	[sflag:s6] =	ssyncadd.s32 @!p1 $0xFFFFC800;
	s6 =	simm.s32 @!p2 $0x0;
	s10 =	sadd.s32 @!p2 s5, s10  }
0x56: {  	[tilespmem:s16], [sflag:$0x2] =	stream.linear.gather @!p2 [hbm4b:s10+s6], $0x100, $0x38;
	[tilespmem:$0x1EC00] =	vst v63  }
0x57: {  	s6 =	simm.s32 @!p1 $0x1  }
0x58: {  	_ =	swait.ge @!p1 [sflag:s6], $0x100  }
0x59: {  	[sflag:s6] =	ssyncset.done @!p1 $0x0  }
0x5a: {  	s10 =	simm.s32 @!p1 $0x70;
	[sflag:s6] =	ssyncadd.s32 @!p1 $0xFFFFFF00;
	s6 =	simm.s32 @!p1 $0x3C00  }
0x5b: {  	[tilespmem:s6], [sflag:$0x6] =	stream.indirect.gather @!p1 [hbm4b:s4+s10], $0x80, s9, s10, $0xb8;
	[tilespmem:$0x1EC00] =	vst v63  }
0x5c: {  	s9 =	simm.s32 @!p3 $0x7  }
0x5d: {  	_ =	swait.ge @!p3 [sflag:s9], $0x3800  }
0x5e: {  	[sflag:s9] =	ssyncset.done @!p3 $0x0  }
0x5f: {  	[sflag:s9] =	ssyncadd.s32 @!p3 $0xFFFFC800;
	s9 =	simm.s32 @!p3 $0x280  }
0x60: {  	[spmem:s2] =	stream.indirect.scatter.add.f32 @!p3 [tilespmem:s0], [sflag:$0xA], $0x80, s9, s1, $0xb8;
	[tilespmem:$0x1EC00] =	vst v63  }
0x61: {  	s0 =	simm.s32 @!p2 $0xA  }
0x62: {  	p3 =	sle.u32 s8, $0x6;
	_ =	swait.ge @!p2 [sflag:s0], $0x3800  }
0x63: {  	s9 =	simm.s32 @!p3 $0x200;
	s1 =	rddreg [dreg:$0xd];
	[sflag:s0] =	ssyncset.done @!p2 $0x0  }
0x64: {  	[sflag:s0] =	ssyncadd.s32 @!p2 $0xFFFFC800;
	s0 =	simm.s32 @!p3 $0x0;
	s1 =	sadd.s32 @!p3 s5, s1  }
0x65: {  	[tilespmem:s9], [sflag:$0x3] =	stream.linear.gather @!p3 [hbm4b:s1+s0], $0x100, $0x38;
	[tilespmem:$0x1EC00] =	vst v63  }
0x66: {  	s0 =	simm.s32 @!p2 $0x2  }
0x67: {  	_ =	swait.ge @!p2 [sflag:s0], $0x100  }
0x68: {  	[sflag:s0] =	ssyncset.done @!p2 $0x0  }
0x69: {  	s1 =	simm.s32 @!p2 $0x70;
	[sflag:s0] =	ssyncadd.s32 @!p2 $0xFFFFFF00;
	s0 =	simm.s32 @!p2 $0x7400  }
0x6a: {  	[tilespmem:s0], [sflag:$0x7] =	stream.indirect.gather @!p2 [hbm4b:s4+s1], $0x80, s16, s1, $0xb8;
	[tilespmem:$0x1EC00] =	vst v63  }
0x6b: {  	s16 =	simm.s32 @!p0 $0x5  }
0x6c: {  	_ =	swait.ge @!p0 [sflag:s16], $0x3800  }
0x6d: {  	[sflag:s16] =	ssyncset.done @!p0 $0x0  }
0x6e: {  	[sflag:s16] =	ssyncadd.s32 @!p0 $0xFFFFC800;
	s16 =	simm.s32 @!p0 $0x380  }
0x6f: {  	[spmem:s2] =	stream.indirect.scatter.add.f32 @!p0 [tilespmem:s14], [sflag:$0x8], $0x80, s16, s11, $0xb8;
	[tilespmem:$0x1EC00] =	vst v63  }
0x70: {  	s11 =	simm.s32 @!p3 $0x8  }
0x71: {  	p4 =	sle.u32 s8, $0x7;
	_ =	swait.ge @!p3 [sflag:s11], $0x3800  }
0x72: {  	s16 =	simm.s32 @!p4 $0x300;
	s14 =	rddreg [dreg:$0xc];
	[sflag:s11] =	ssyncset.done @!p3 $0x0  }
0x73: {  	[sflag:s11] =	ssyncadd.s32 @!p3 $0xFFFFC800;
	s11 =	simm.s32 @!p4 $0x0;
	s14 =	sadd.s32 @!p4 s5, s14  }
0x74: {  	[tilespmem:s16], [sflag:$0x4] =	stream.linear.gather @!p4 [hbm4b:s14+s11], $0x100, $0x38;
	[tilespmem:$0x1EC00] =	vst v63  }
0x75: {  	s11 =	simm.s32 @!p3 $0x3  }
0x76: {  	_ =	swait.ge @!p3 [sflag:s11], $0x100  }
0x77: {  	[sflag:s11] =	ssyncset.done @!p3 $0x0  }
0x78: {  	s14 =	simm.s32 @!p3 $0x70;
	[sflag:s11] =	ssyncadd.s32 @!p3 $0xFFFFFF00;
	s11 =	simm.s32 @!p3 $0x400  }
0x79: {  	[tilespmem:s11], [sflag:$0x5] =	stream.indirect.gather @!p3 [hbm4b:s4+s14], $0x80, s9, s14, $0xb8;
	[tilespmem:$0x1EC00] =	vst v63  }
0x7a: {  	s9 =	simm.s32 @!p1 $0x6  }
0x7b: {  	_ =	swait.ge @!p1 [sflag:s9], $0x3800  }
0x7c: {  	[sflag:s9] =	ssyncset.done @!p1 $0x0  }
0x7d: {  	[sflag:s9] =	ssyncadd.s32 @!p1 $0xFFFFC800;
	s9 =	simm.s32 @!p1 $0x80  }
0x7e: {  	[spmem:s2] =	stream.indirect.scatter.add.f32 @!p1 [tilespmem:s6], [sflag:$0x9], $0x80, s9, s10, $0xb8;
	[tilespmem:$0x1EC00] =	vst v63  }
0x7f: {  	s6 =	simm.s32 @!p4 $0x9  }
0x80: {  	p5 =	sle.u32 s8, $0x8;
	_ =	swait.ge @!p4 [sflag:s6], $0x3800  }
0x81: {  	s10 =	simm.s32 @!p4 $0x4;
	s9 =	rddreg [dreg:$0xb];
	[sflag:s6] =	ssyncset.done @!p4 $0x0  }
0x82: {  	[sflag:s6] =	ssyncadd.s32 @!p4 $0xFFFFC800;
	s6 =	simm.s32 @!p5 $0x0;
	s9 =	sadd.s32 @!p5 s5, s9  }
0x83: {  	[tilespmem:s6], [sflag:$0x1] =	stream.linear.gather @!p5 [hbm4b:s9+s6], $0x100, $0x38;
	[tilespmem:$0x1EC00] =	vst v63  }
0x84: {  	_ =	swait.ge @!p4 [sflag:s10], $0x100  }
0x85: {  	[sflag:s10] =	ssyncset.done @!p4 $0x0  }
0x86: {  	s9 =	simm.s32 @!p4 $0x70;
	[sflag:s10] =	ssyncadd.s32 @!p4 $0xFFFFFF00;
	s10 =	simm.s32 @!p4 $0x3C00  }
0x87: {  	[tilespmem:s10], [sflag:$0x6] =	stream.indirect.gather @!p4 [hbm4b:s4+s9], $0x80, s16, s9, $0xb8;
	[tilespmem:$0x1EC00] =	vst v63  }
0x88: {  	s16 =	simm.s32 @!p2 $0x7  }
0x89: {  	_ =	swait.ge @!p2 [sflag:s16], $0x3800  }
0x8a: {  	[sflag:s16] =	ssyncset.done @!p2 $0x0  }
0x8b: {  	[sflag:s16] =	ssyncadd.s32 @!p2 $0xFFFFC800;
	s16 =	simm.s32 @!p2 $0x180  }
0x8c: {  	[spmem:s2] =	stream.indirect.scatter.add.f32 @!p2 [tilespmem:s0], [sflag:$0xA], $0x80, s16, s1, $0xb8;
	[tilespmem:$0x1EC00] =	vst v63  }
0x8d: {  	s0 =	simm.s32 @!p5 $0xA  }
0x8e: {  	p2 =	sle.u32 s8, $0x9;
	_ =	swait.ge @!p5 [sflag:s0], $0x3800  }
0x8f: {  	s16 =	simm.s32 @!p2 $0x100;
	s1 =	rddreg [dreg:$0xa];
	[sflag:s0] =	ssyncset.done @!p5 $0x0  }
0x90: {  	[sflag:s0] =	ssyncadd.s32 @!p5 $0xFFFFC800;
	s0 =	simm.s32 @!p2 $0x0;
	s1 =	sadd.s32 @!p2 s5, s1  }
0x91: {  	[tilespmem:s16], [sflag:$0x2] =	stream.linear.gather @!p2 [hbm4b:s1+s0], $0x100, $0x38;
	[tilespmem:$0x1EC00] =	vst v63  }
0x92: {  	s0 =	simm.s32 @!p5 $0x1  }
0x93: {  	_ =	swait.ge @!p5 [sflag:s0], $0x100  }
0x94: {  	[sflag:s0] =	ssyncset.done @!p5 $0x0  }
0x95: {  	s1 =	simm.s32 @!p5 $0x70;
	[sflag:s0] =	ssyncadd.s32 @!p5 $0xFFFFFF00;
	s0 =	simm.s32 @!p5 $0x7400  }
0x96: {  	[tilespmem:s0], [sflag:$0x7] =	stream.indirect.gather @!p5 [hbm4b:s4+s1], $0x80, s6, s1, $0xb8;
	[tilespmem:$0x1EC00] =	vst v63  }
0x97: {  	s6 =	simm.s32 @!p3 $0x5  }
0x98: {  	_ =	swait.ge @!p3 [sflag:s6], $0x3800  }
0x99: {  	[sflag:s6] =	ssyncset.done @!p3 $0x0  }
0x9a: {  	[sflag:s6] =	ssyncadd.s32 @!p3 $0xFFFFC800;
	s6 =	simm.s32 @!p3 $0x280  }
0x9b: {  	[spmem:s2] =	stream.indirect.scatter.add.f32 @!p3 [tilespmem:s11], [sflag:$0x8], $0x80, s6, s14, $0xb8;
	[tilespmem:$0x1EC00] =	vst v63  }
0x9c: {  	s6 =	simm.s32 @!p2 $0x8  }
0x9d: {  	p0 =	sle.u32 s8, $0xA;
	_ =	swait.ge @!p2 [sflag:s6], $0x3800  }
0x9e: {  	s14 =	simm.s32 @!p0 $0x200;
	s11 =	rddreg [dreg:$0x9];
	[sflag:s6] =	ssyncset.done @!p2 $0x0  }
0x9f: {  	[sflag:s6] =	ssyncadd.s32 @!p2 $0xFFFFC800;
	s6 =	simm.s32 @!p0 $0x0;
	s11 =	sadd.s32 @!p0 s5, s11  }
0xa0: {  	[tilespmem:s14], [sflag:$0x3] =	stream.linear.gather @!p0 [hbm4b:s11+s6], $0x100, $0x38;
	[tilespmem:$0x1EC00] =	vst v63  }
0xa1: {  	s6 =	simm.s32 @!p2 $0x2  }
0xa2: {  	_ =	swait.ge @!p2 [sflag:s6], $0x100  }
0xa3: {  	[sflag:s6] =	ssyncset.done @!p2 $0x0  }
0xa4: {  	s11 =	simm.s32 @!p2 $0x70;
	[sflag:s6] =	ssyncadd.s32 @!p2 $0xFFFFFF00;
	s6 =	simm.s32 @!p2 $0x400  }
0xa5: {  	[tilespmem:s6], [sflag:$0x5] =	stream.indirect.gather @!p2 [hbm4b:s4+s11], $0x80, s16, s11, $0xb8;
	[tilespmem:$0x1EC00] =	vst v63  }
0xa6: {  	s16 =	simm.s32 @!p4 $0x6  }
0xa7: {  	_ =	swait.ge @!p4 [sflag:s16], $0x3800  }
0xa8: {  	[sflag:s16] =	ssyncset.done @!p4 $0x0  }
0xa9: {  	[sflag:s16] =	ssyncadd.s32 @!p4 $0xFFFFC800;
	s16 =	simm.s32 @!p4 $0x380  }
0xaa: {  	[spmem:s2] =	stream.indirect.scatter.add.f32 @!p4 [tilespmem:s10], [sflag:$0x9], $0x80, s16, s9, $0xb8;
	[tilespmem:$0x1EC00] =	vst v63  }
0xab: {  	s9 =	simm.s32 @!p0 $0x9  }
0xac: {  	p1 =	sle.u32 s8, $0xB;
	_ =	swait.ge @!p0 [sflag:s9], $0x3800  }
0xad: {  	s16 =	simm.s32 @!p1 $0x300;
	s10 =	rddreg [dreg:$0x8];
	[sflag:s9] =	ssyncset.done @!p0 $0x0  }
0xae: {  	[sflag:s9] =	ssyncadd.s32 @!p0 $0xFFFFC800;
	s9 =	simm.s32 @!p1 $0x0;
	s10 =	sadd.s32 @!p1 s5, s10  }
0xaf: {  	[tilespmem:s16], [sflag:$0x4] =	stream.linear.gather @!p1 [hbm4b:s10+s9], $0x100, $0x38;
	[tilespmem:$0x1EC00] =	vst v63  }
0xb0: {  	s9 =	simm.s32 @!p0 $0x3  }
0xb1: {  	_ =	swait.ge @!p0 [sflag:s9], $0x100  }
0xb2: {  	[sflag:s9] =	ssyncset.done @!p0 $0x0  }
0xb3: {  	s10 =	simm.s32 @!p0 $0x70;
	[sflag:s9] =	ssyncadd.s32 @!p0 $0xFFFFFF00;
	s9 =	simm.s32 @!p0 $0x3C00  }
0xb4: {  	[tilespmem:s9], [sflag:$0x6] =	stream.indirect.gather @!p0 [hbm4b:s4+s10], $0x80, s14, s10, $0xb8;
	[tilespmem:$0x1EC00] =	vst v63  }
0xb5: {  	s14 =	simm.s32 @!p5 $0x7  }
0xb6: {  	_ =	swait.ge @!p5 [sflag:s14], $0x3800  }
0xb7: {  	[sflag:s14] =	ssyncset.done @!p5 $0x0  }
0xb8: {  	[sflag:s14] =	ssyncadd.s32 @!p5 $0xFFFFC800;
	s14 =	simm.s32 @!p5 $0x80  }
0xb9: {  	[spmem:s2] =	stream.indirect.scatter.add.f32 @!p5 [tilespmem:s0], [sflag:$0xA], $0x80, s14, s1, $0xb8;
	[tilespmem:$0x1EC00] =	vst v63  }
0xba: {  	s0 =	simm.s32 @!p1 $0xA  }
0xbb: {  	p3 =	sle.u32 s8, $0xC;
	_ =	swait.ge @!p1 [sflag:s0], $0x3800  }
0xbc: {  	s14 =	simm.s32 @!p1 $0x4;
	s1 =	rddreg [dreg:$0x7];
	[sflag:s0] =	ssyncset.done @!p1 $0x0  }
0xbd: {  	[sflag:s0] =	ssyncadd.s32 @!p1 $0xFFFFC800;
	s0 =	simm.s32 @!p3 $0x0;
	s1 =	sadd.s32 @!p3 s5, s1  }
0xbe: {  	[tilespmem:s0], [sflag:$0x1] =	stream.linear.gather @!p3 [hbm4b:s1+s0], $0x100, $0x38;
	[tilespmem:$0x1EC00] =	vst v63  }
0xbf: {  	_ =	swait.ge @!p1 [sflag:s14], $0x100  }
0xc0: {  	s21 =	simm.s32 @!p1 $0x70;
	[sflag:s14] =	ssyncset.done @!p1 $0x0  }
0xc1: {  	s23 =	simm.s32 @!p1 $0x7400;
	s1 =	simm.s32 @!p2 $0x5;
	[sflag:s14] =	ssyncadd.s32 @!p1 $0xFFFFFF00  }
0xc2: {  	[tilespmem:s23], [sflag:$0x7] =	stream.indirect.gather @!p1 [hbm4b:s4+s21], $0x80, s16, s21, $0xb8;
	[tilespmem:$0x1EC00] =	vst v63  }
0xc3: {  	_ =	swait.ge @!p2 [sflag:s1], $0x3800  }
0xc4: {  	[sflag:s1] =	ssyncset.done @!p2 $0x0  }
0xc5: {  	[sflag:s1] =	ssyncadd.s32 @!p2 $0xFFFFC800;
	s1 =	simm.s32 @!p2 $0x180  }
0xc6: {  	[spmem:s2] =	stream.indirect.scatter.add.f32 @!p2 [tilespmem:s6], [sflag:$0x8], $0x80, s1, s11, $0xb8;
	[tilespmem:$0x1EC00] =	vst v63  }
0xc7: {  	s1 =	simm.s32 @!p3 $0x8  }
0xc8: {  	p2 =	sle.u32 s8, $0xD;
	_ =	swait.ge @!p3 [sflag:s1], $0x3800  }
0xc9: {  	s11 =	simm.s32 @!p2 $0x100;
	s6 =	rddreg [dreg:$0x6];
	[sflag:s1] =	ssyncset.done @!p3 $0x0  }
0xca: {  	[sflag:s1] =	ssyncadd.s32 @!p3 $0xFFFFC800;
	s1 =	simm.s32 @!p2 $0x0;
	s6 =	sadd.s32 @!p2 s5, s6  }
0xcb: {  	[tilespmem:s11], [sflag:$0x2] =	stream.linear.gather @!p2 [hbm4b:s6+s1], $0x100, $0x38;
	[tilespmem:$0x1EC00] =	vst v63  }
0xcc: {  	s1 =	simm.s32 @!p3 $0x1  }
0xcd: {  	_ =	swait.ge @!p3 [sflag:s1], $0x100  }
0xce: {  	[sflag:s1] =	ssyncset.done @!p3 $0x0  }
0xcf: {  	s6 =	simm.s32 @!p3 $0x70;
	[sflag:s1] =	ssyncadd.s32 @!p3 $0xFFFFFF00;
	s1 =	simm.s32 @!p3 $0x400  }
0xd0: {  	[tilespmem:s1], [sflag:$0x5] =	stream.indirect.gather @!p3 [hbm4b:s4+s6], $0x80, s0, s6, $0xb8;
	[tilespmem:$0x1EC00] =	vst v63  }
0xd1: {  	s0 =	simm.s32 @!p0 $0x6  }
0xd2: {  	_ =	swait.ge @!p0 [sflag:s0], $0x3800  }
0xd3: {  	[sflag:s0] =	ssyncset.done @!p0 $0x0  }
0xd4: {  	s1 =	simm.s32 @!p0 $0x280;
	[sflag:s0] =	ssyncadd.s32 @!p0 $0xFFFFC800;
	s0 =	simm.s32 @!p2 $0x9  }
0xd5: {  	[spmem:s2] =	stream.indirect.scatter.add.f32 @!p0 [tilespmem:s9], [sflag:$0x9], $0x80, s1, s10, $0xb8;
	[tilespmem:$0x1EC00] =	vst v63  }
0xd6: {  	p0 =	sle.u32 s8, $0xE;
	s9 =	simm.s32 @!p2 $0x2;
	_ =	swait.ge @!p2 [sflag:s0], $0x3800  }
0xd7: {  	s6 =	simm.s32 @!p0 $0x200;
	s1 =	rddreg [dreg:$0x5];
	[sflag:s0] =	ssyncset.done @!p2 $0x0  }
0xd8: {  	[sflag:s0] =	ssyncadd.s32 @!p2 $0xFFFFC800;
	s0 =	simm.s32 @!p0 $0x0;
	s1 =	sadd.s32 @!p0 s5, s1  }
0xd9: {  	[tilespmem:s6], [sflag:$0x3] =	stream.linear.gather @!p0 [hbm4b:s1+s0], $0x100, $0x38;
	[tilespmem:$0x1EC00] =	vst v63  }
0xda: {  	s30 =	simm.s32 $0xC;
	s31 =	sadd.s32 $0x180, s5;
	_ =	swait.ge @!p2 [sflag:s9], $0x100  }
0xdb: {  	s0 =	simm.s32 $0x18;
	s1 =	simm.s32 @!p2 $0x3C00;
	[sflag:s9] =	ssyncset.done @!p2 $0x0  }
0xdc: {  	p0 =	por $0x0, $0x0;
	s6 =	simm.s32 @!p2 $0x70;
	[sflag:s9] =	ssyncadd.s32 @!p2 $0xFFFFFF00  }
0xdd: {  	[tilespmem:s1], [sflag:$0x6] =	stream.indirect.gather @!p2 [hbm4b:s4+s6], $0x80, s11, s6, $0xb8;
	[tilespmem:$0x1EC00] =	vst v63  }
0xde: {  	p3 =	sle.u32 @!p0 s13, $0xC;
	s9 =	simm.s32 @!p1 $0x7;
	s6 =	simm.s32 @!p1 $0x380  }
0xdf: {  	p2 =	por p3, p0;
	s1 =	simm.s32 $0x18;
	_ =	swait.ge @!p1 [sflag:s9], $0x3800  }
.LBB2_2:
0xe0: {  	[sflag:s9] =	ssyncset.done @!p1 $0x0  }
0xe1: {  	[sflag:s9] =	ssyncadd.s32 @!p1 $0xFFFFC800  }
0xe2: {  	[spmem:s2] =	stream.indirect.scatter.add.f32 @!p1 [tilespmem:s23], [sflag:$0xA], $0x80, s6, s21, $0xb8;
	[tilespmem:$0x1EC00] =	vst v63  }
0xe3: {  	s10 =	simm.s32 @!p2 $0xA;
	p4 =	sge.u32 s30, s13;
	s23 =	sadd.s32 $0x3, s30  }
0xe4: {  	s11 =	simm.s32 @!p4 $0x3;
	_ =	swait.ge @!p2 [sflag:s10], $0x3800;
	p1 =	sge.u32 s23, s8  }
0xe5: {  	[sflag:s10] =	ssyncset.done @!p2 $0x0;
	s9 =	rddreg [dreg:$0x4];
	s6 =	simm.s32 @!p1 $0x0  }
0xe6: {  	[sflag:s10] =	ssyncadd.s32 @!p2 $0xFFFFC800;
	s10 =	simm.s32 @!p1 $0x300;
	s9 =	sadd.s32 @!p1 s31, s9  }
0xe7: {  	[tilespmem:s10], [sflag:$0x4] =	stream.linear.gather @!p1 [hbm4b:s9+s6], $0x100, $0x38;
	[tilespmem:$0x1EC00] =	vst v63  }
0xe8: {  	s21 =	simm.s32 @!p4 $0x70;
	_ =	swait.ge @!p4 [sflag:s11], $0x100  }
0xe9: {  	p2 =	sge.u32 s30, s8;
	s6 =	simm.s32 @!p4 $0x7400;
	[sflag:s11] =	ssyncset.done @!p4 $0x0  }
0xea: {  	s9 =	simm.s32 @!p4 $0x200;
	[sflag:s11] =	ssyncadd.s32 @!p4 $0xFFFFFF00;
	s11 =	simm.s32 @!p2 $0x5  }
0xeb: {  	[tilespmem:s6], [sflag:$0x7] =	stream.indirect.gather @!p4 [hbm4b:s4+s21], $0x80, s9, s21, $0xb8;
	[tilespmem:$0x1EC00] =	vst v63  }
0xec: {  	s7 =	sadd.s32 $0x4, s30;
	_ =	swait.ge @!p2 [sflag:s11], $0x3800  }
0xed: {  	s14 =	simm.s32 @!p2 $0x70;
	s16 =	simm.s32 @!p2 $0x80;
	[sflag:s11] =	ssyncset.done @!p2 $0x0  }
0xee: {  	s9 =	simm.s32 @!p2 $0x400;
	[sflag:s11] =	ssyncadd.s32 @!p2 $0xFFFFC800;
	s11 =	simm.s32 @!p1 $0x8  }
0xef: {  	[spmem:s2] =	stream.indirect.scatter.add.f32 @!p2 [tilespmem:s9], [sflag:$0x8], $0x80, s16, s14, $0xb8;
	[tilespmem:$0x1EC00] =	vst v63  }
0xf0: {  	p2 =	sge.u32 s7, s8;
	_ =	swait.ge @!p1 [sflag:s11], $0x3800  }
0xf1: {  	s16 =	simm.s32 @!p2 $0x0;
	[sflag:s11] =	ssyncset.done @!p1 $0x0;
	s14 =	rddreg [dreg:$0xf]  }
0xf2: {  	[sflag:s11] =	ssyncadd.s32 @!p1 $0xFFFFC800;
	s9 =	sadd.s32 @!p2 s31, s14;
	s11 =	simm.s32 @!p1 $0x4  }
0xf3: {  	[tilespmem:s16], [sflag:$0x1] =	stream.linear.gather @!p2 [hbm4b:s9+s16], $0x100, $0x38;
	[tilespmem:$0x1EC00] =	vst v63  }
0xf4: {  	_ =	swait.ge @!p1 [sflag:s11], $0x100  }
0xf5: {  	s23 =	simm.s32 @!p1 $0x70;
	[sflag:s11] =	ssyncset.done @!p1 $0x0;
	s15 =	rddreg [dreg:$0x3]  }
0xf6: {  	s9 =	simm.s32 @!p1 $0x400;
	[sflag:s11] =	ssyncadd.s32 @!p1 $0xFFFFFF00;
	p3 =	sge.u32 s30, s15  }
0xf7: {  	[tilespmem:s9], [sflag:$0x5] =	stream.indirect.gather @!p1 [hbm4b:s4+s23], $0x80, s10, s23, $0xb8;
	[tilespmem:$0x1EC00] =	vst v63  }
0xf8: {  	s10 =	simm.s32 @!p3 $0x6  }
0xf9: {  	_ =	swait.ge @!p3 [sflag:s10], $0x3800  }
0xfa: {  	s11 =	simm.s32 @!p3 $0x3C00;
	s14 =	simm.s32 @!p3 $0x70;
	[sflag:s10] =	ssyncset.done @!p3 $0x0  }
0xfb: {  	s20 =	simm.s32 @!p3 $0x180;
	[sflag:s10] =	ssyncadd.s32 @!p3 $0xFFFFC800;
	s10 =	simm.s32 @!p2 $0x9  }
0xfc: {  	[spmem:s2] =	stream.indirect.scatter.add.f32 @!p3 [tilespmem:s11], [sflag:$0x9], $0x80, s20, s14, $0xb8;
	[tilespmem:$0x1EC00] =	vst v63  }
0xfd: {  	s20 =	sadd.s32 $0x5, s30;
	_ =	swait.ge @!p2 [sflag:s10], $0x3800  }
0xfe: {  	p3 =	sge.u32 s20, s8;
	[sflag:s10] =	ssyncset.done @!p2 $0x0  }
0xff: {  	s14 =	rddreg [dreg:$0xe];
	s15 =	simm.s32 @!p3 $0x100;
	[sflag:s10] =	ssyncadd.s32 @!p2 $0xFFFFC800  }
0x100: {  	s10 =	simm.s32 @!p3 $0x0;
	s11 =	sadd.s32 @!p3 s31, s14;
	s14 =	simm.s32 @!p2 $0x1  }
0x101: {  	[tilespmem:s15], [sflag:$0x2] =	stream.linear.gather @!p3 [hbm4b:s11+s10], $0x100, $0x38;
	[tilespmem:$0x1EC00] =	vst v63  }
0x102: {  	_ =	swait.ge @!p2 [sflag:s14], $0x100  }
0x103: {  	s10 =	simm.s32 @!p2 $0x70;
	[sflag:s14] =	ssyncset.done @!p2 $0x0  }
0x104: {  	s11 =	simm.s32 @!p2 $0x3C00;
	[sflag:s14] =	ssyncadd.s32 @!p2 $0xFFFFFF00;
	s14 =	simm.s32 @!p4 $0x7  }
0x105: {  	[tilespmem:s11], [sflag:$0x6] =	stream.indirect.gather @!p2 [hbm4b:s4+s10], $0x80, s16, s10, $0xb8;
	[tilespmem:$0x1EC00] =	vst v63  }
0x106: {  	_ =	swait.ge @!p4 [sflag:s14], $0x3800  }
0x107: {  	[sflag:s14] =	ssyncset.done @!p4 $0x0  }
0x108: {  	s7 =	sadd.s32 $0x6, s30;
	s16 =	simm.s32 @!p4 $0x280;
	[sflag:s14] =	ssyncadd.s32 @!p4 $0xFFFFC800  }
0x109: {  	[spmem:s2] =	stream.indirect.scatter.add.f32 @!p4 [tilespmem:s6], [sflag:$0xA], $0x80, s16, s21, $0xb8;
	[tilespmem:$0x1EC00] =	vst v63  }
0x10a: {  	s14 =	simm.s32 @!p3 $0xA;
	p4 =	sge.u32 s7, s8  }
0x10b: {  	_ =	swait.ge @!p3 [sflag:s14], $0x3800;
	s6 =	simm.s32 @!p4 $0x0  }
0x10c: {  	s7 =	simm.s32 @!p4 $0x200;
	s16 =	rddreg [dreg:$0xd];
	[sflag:s14] =	ssyncset.done @!p3 $0x0  }
0x10d: {  	[sflag:s14] =	ssyncadd.s32 @!p3 $0xFFFFC800;
	s14 =	sadd.s32 @!p4 s31, s16;
	s16 =	simm.s32 @!p3 $0x2  }
0x10e: {  	[tilespmem:s7], [sflag:$0x3] =	stream.linear.gather @!p4 [hbm4b:s14+s6], $0x100, $0x38;
	[tilespmem:$0x1EC00] =	vst v63  }
0x10f: {  	_ =	swait.ge @!p3 [sflag:s16], $0x100  }
0x110: {  	s20 =	simm.s32 @!p3 $0x7400;
	[sflag:s16] =	ssyncset.done @!p3 $0x0  }
0x111: {  	s21 =	simm.s32 @!p3 $0x70;
	s6 =	simm.s32 @!p1 $0x5;
	[sflag:s16] =	ssyncadd.s32 @!p3 $0xFFFFFF00  }
0x112: {  	[tilespmem:s20], [sflag:$0x7] =	stream.indirect.gather @!p3 [hbm4b:s4+s21], $0x80, s15, s21, $0xb8;
	[tilespmem:$0x1EC00] =	vst v63  }
0x113: {  	_ =	swait.ge @!p1 [sflag:s6], $0x3800  }
0x114: {  	s14 =	simm.s32 @!p1 $0x380;
	[sflag:s6] =	ssyncset.done @!p1 $0x0  }
0x115: {  	s15 =	sadd.s32 $0x7, s30;
	[sflag:s6] =	ssyncadd.s32 @!p1 $0xFFFFC800;
	s6 =	simm.s32 @!p4 $0x8  }
0x116: {  	[spmem:s2] =	stream.indirect.scatter.add.f32 @!p1 [tilespmem:s9], [sflag:$0x8], $0x80, s14, s23, $0xb8;
	[tilespmem:$0x1EC00] =	vst v63  }
0x117: {  	p1 =	sge.u32 s15, s8;
	s15 =	simm.s32 @!p4 $0x3;
	_ =	swait.ge @!p4 [sflag:s6], $0x3800  }
0x118: {  	s9 =	simm.s32 @!p1 $0x300;
	s14 =	rddreg [dreg:$0xc];
	[sflag:s6] =	ssyncset.done @!p4 $0x0  }
0x119: {  	[sflag:s6] =	ssyncadd.s32 @!p4 $0xFFFFC800;
	s6 =	simm.s32 @!p1 $0x0;
	s14 =	sadd.s32 @!p1 s31, s14  }
0x11a: {  	[tilespmem:s9], [sflag:$0x4] =	stream.linear.gather @!p1 [hbm4b:s14+s6], $0x100, $0x38;
	[tilespmem:$0x1EC00] =	vst v63  }
0x11b: {  	_ =	swait.ge @!p4 [sflag:s15], $0x100  }
0x11c: {  	s23 =	simm.s32 @!p4 $0x70;
	[sflag:s15] =	ssyncset.done @!p4 $0x0  }
0x11d: {  	s14 =	simm.s32 @!p4 $0x400;
	s6 =	simm.s32 @!p2 $0x6;
	[sflag:s15] =	ssyncadd.s32 @!p4 $0xFFFFFF00  }
0x11e: {  	[tilespmem:s14], [sflag:$0x5] =	stream.indirect.gather @!p4 [hbm4b:s4+s23], $0x80, s7, s23, $0xb8;
	[tilespmem:$0x1EC00] =	vst v63  }
0x11f: {  	_ =	swait.ge @!p2 [sflag:s6], $0x3800  }
0x120: {  	s16 =	sadd.s32 $0x8, s30;
	[sflag:s6] =	ssyncset.done @!p2 $0x0  }
0x121: {  	s7 =	simm.s32 @!p2 $0x80;
	[sflag:s6] =	ssyncadd.s32 @!p2 $0xFFFFC800;
	s6 =	simm.s32 @!p1 $0x9  }
0x122: {  	[spmem:s2] =	stream.indirect.scatter.add.f32 @!p2 [tilespmem:s11], [sflag:$0x9], $0x80, s7, s10, $0xb8;
	[tilespmem:$0x1EC00] =	vst v63  }
0x123: {  	p2 =	sge.u32 s16, s8;
	_ =	swait.ge @!p1 [sflag:s6], $0x3800  }
0x124: {  	s7 =	simm.s32 @!p2 $0x0;
	s10 =	rddreg [dreg:$0xb];
	[sflag:s6] =	ssyncset.done @!p1 $0x0  }
0x125: {  	[sflag:s6] =	ssyncadd.s32 @!p1 $0xFFFFC800;
	s6 =	sadd.s32 @!p2 s31, s10;
	s10 =	simm.s32 @!p1 $0x4  }
0x126: {  	[tilespmem:s7], [sflag:$0x1] =	stream.linear.gather @!p2 [hbm4b:s6+s7], $0x100, $0x38;
	[tilespmem:$0x1EC00] =	vst v63  }
0x127: {  	_ =	swait.ge @!p1 [sflag:s10], $0x100  }
0x128: {  	s16 =	simm.s32 @!p1 $0x3C00;
	[sflag:s10] =	ssyncset.done @!p1 $0x0  }
0x129: {  	s6 =	simm.s32 @!p1 $0x70;
	[sflag:s10] =	ssyncadd.s32 @!p1 $0xFFFFFF00;
	s10 =	simm.s32 @!p3 $0x7  }
0x12a: {  	[tilespmem:s16], [sflag:$0x6] =	stream.indirect.gather @!p1 [hbm4b:s4+s6], $0x80, s9, s6, $0xb8;
	[tilespmem:$0x1EC00] =	vst v63  }
0x12b: {  	_ =	swait.ge @!p3 [sflag:s10], $0x3800  }
0x12c: {  	[sflag:s10] =	ssyncset.done @!p3 $0x0  }
0x12d: {  	s9 =	simm.s32 @!p3 $0x180;
	[sflag:s10] =	ssyncadd.s32 @!p3 $0xFFFFC800;
	s10 =	simm.s32 @!p2 $0xA  }
0x12e: {  	[spmem:s2] =	stream.indirect.scatter.add.f32 @!p3 [tilespmem:s20], [sflag:$0xA], $0x80, s9, s21, $0xb8;
	[tilespmem:$0x1EC00] =	vst v63  }
0x12f: {  	s20 =	sadd.s32 $0x9, s30;
	_ =	swait.ge @!p2 [sflag:s10], $0x3800  }
0x130: {  	p3 =	sge.u32 s20, s8;
	s11 =	rddreg [dreg:$0xa]  }
0x131: {  	[sflag:s10] =	ssyncset.done @!p2 $0x0;
	s9 =	simm.s32 @!p3 $0x0;
	s15 =	simm.s32 @!p3 $0x100  }
0x132: {  	[sflag:s10] =	ssyncadd.s32 @!p2 $0xFFFFC800;
	s10 =	sadd.s32 @!p3 s31, s11;
	s11 =	simm.s32 @!p2 $0x1  }
0x133: {  	[tilespmem:s15], [sflag:$0x2] =	stream.linear.gather @!p3 [hbm4b:s10+s9], $0x100, $0x38;
	[tilespmem:$0x1EC00] =	vst v63  }
0x134: {  	_ =	swait.ge @!p2 [sflag:s11], $0x100  }
0x135: {  	s9 =	simm.s32 @!p2 $0x70;
	[sflag:s11] =	ssyncset.done @!p2 $0x0  }
0x136: {  	s10 =	simm.s32 @!p2 $0x7400;
	[sflag:s11] =	ssyncadd.s32 @!p2 $0xFFFFFF00;
	s11 =	simm.s32 @!p4 $0x5  }
0x137: {  	[tilespmem:s10], [sflag:$0x7] =	stream.indirect.gather @!p2 [hbm4b:s4+s9], $0x80, s7, s9, $0xb8;
	[tilespmem:$0x1EC00] =	vst v63  }
0x138: {  	_ =	swait.ge @!p4 [sflag:s11], $0x3800  }
0x139: {  	[sflag:s11] =	ssyncset.done @!p4 $0x0  }
0x13a: {  	s21 =	sadd.s32 $0xA, s30;
	s7 =	simm.s32 @!p4 $0x280;
	[sflag:s11] =	ssyncadd.s32 @!p4 $0xFFFFC800  }
0x13b: {  	[spmem:s2] =	stream.indirect.scatter.add.f32 @!p4 [tilespmem:s14], [sflag:$0x8], $0x80, s7, s23, $0xb8;
	[tilespmem:$0x1EC00] =	vst v63  }
0x13c: {  	s11 =	simm.s32 @!p3 $0x8;
	p4 =	sge.u32 s21, s8  }
0x13d: {  	_ =	swait.ge @!p3 [sflag:s11], $0x3800;
	s7 =	simm.s32 @!p4 $0x0  }
0x13e: {  	s21 =	simm.s32 @!p4 $0x200;
	s14 =	rddreg [dreg:$0x9];
	[sflag:s11] =	ssyncset.done @!p3 $0x0  }
0x13f: {  	[sflag:s11] =	ssyncadd.s32 @!p3 $0xFFFFC800;
	s11 =	sadd.s32 @!p4 s31, s14;
	s14 =	simm.s32 @!p3 $0x2  }
0x140: {  	[tilespmem:s21], [sflag:$0x3] =	stream.linear.gather @!p4 [hbm4b:s11+s7], $0x100, $0x38;
	[tilespmem:$0x1EC00] =	vst v63  }
0x141: {  	_ =	swait.ge @!p3 [sflag:s14], $0x100  }
0x142: {  	s20 =	simm.s32 @!p3 $0x400;
	[sflag:s14] =	ssyncset.done @!p3 $0x0  }
0x143: {  	s11 =	simm.s32 @!p3 $0x70;
	s7 =	simm.s32 @!p1 $0x6;
	[sflag:s14] =	ssyncadd.s32 @!p3 $0xFFFFFF00  }
0x144: {  	[tilespmem:s20], [sflag:$0x5] =	stream.indirect.gather @!p3 [hbm4b:s4+s11], $0x80, s15, s11, $0xb8;
	[tilespmem:$0x1EC00] =	vst v63  }
0x145: {  	_ =	swait.ge @!p1 [sflag:s7], $0x3800  }
0x146: {  	s23 =	sadd.s32 $0xB, s30;
	[sflag:s7] =	ssyncset.done @!p1 $0x0  }
0x147: {  	s14 =	simm.s32 @!p1 $0x380;
	[sflag:s7] =	ssyncadd.s32 @!p1 $0xFFFFC800;
	s7 =	simm.s32 @!p4 $0x9  }
0x148: {  	[spmem:s2] =	stream.indirect.scatter.add.f32 @!p1 [tilespmem:s16], [sflag:$0x9], $0x80, s14, s6, $0xb8;
	[tilespmem:$0x1EC00] =	vst v63  }
0x149: {  	p1 =	sge.u32 s23, s8;
	s23 =	simm.s32 @!p4 $0x3;
	_ =	swait.ge @!p4 [sflag:s7], $0x3800  }
0x14a: {  	s15 =	simm.s32 @!p1 $0x300;
	s14 =	rddreg [dreg:$0x8];
	[sflag:s7] =	ssyncset.done @!p4 $0x0  }
0x14b: {  	[sflag:s7] =	ssyncadd.s32 @!p4 $0xFFFFC800;
	s7 =	simm.s32 @!p1 $0x0;
	s14 =	sadd.s32 @!p1 s31, s14  }
0x14c: {  	[tilespmem:s15], [sflag:$0x4] =	stream.linear.gather @!p1 [hbm4b:s14+s7], $0x100, $0x38;
	[tilespmem:$0x1EC00] =	vst v63  }
0x14d: {  	_ =	swait.ge @!p4 [sflag:s23], $0x100  }
0x14e: {  	s16 =	simm.s32 @!p4 $0x70;
	[sflag:s23] =	ssyncset.done @!p4 $0x0  }
0x14f: {  	s14 =	simm.s32 @!p4 $0x3C00;
	s7 =	simm.s32 @!p2 $0x7;
	[sflag:s23] =	ssyncadd.s32 @!p4 $0xFFFFFF00  }
0x150: {  	[tilespmem:s14], [sflag:$0x6] =	stream.indirect.gather @!p4 [hbm4b:s4+s16], $0x80, s21, s16, $0xb8;
	[tilespmem:$0x1EC00] =	vst v63  }
0x151: {  	_ =	swait.ge @!p2 [sflag:s7], $0x3800  }
0x152: {  	[sflag:s7] =	ssyncset.done @!p2 $0x0  }
0x153: {  	s21 =	simm.s32 @!p2 $0x80;
	[sflag:s7] =	ssyncadd.s32 @!p2 $0xFFFFC800;
	s7 =	simm.s32 @!p1 $0xA  }
0x154: {  	[spmem:s2] =	stream.indirect.scatter.add.f32 @!p2 [tilespmem:s10], [sflag:$0xA], $0x80, s21, s9, $0xb8;
	[tilespmem:$0x1EC00] =	vst v63  }
0x155: {  	p5 =	sge.u32 s1, s8;
	_ =	swait.ge @!p1 [sflag:s7], $0x3800  }
0x156: {  	s10 =	simm.s32 @!p1 $0x4;
	s9 =	rddreg [dreg:$0x7];
	[sflag:s7] =	ssyncset.done @!p1 $0x0  }
0x157: {  	[sflag:s7] =	ssyncadd.s32 @!p1 $0xFFFFC800;
	s7 =	simm.s32 @!p5 $0x0;
	s9 =	sadd.s32 @!p5 s31, s9  }
0x158: {  	[tilespmem:s7], [sflag:$0x1] =	stream.linear.gather @!p5 [hbm4b:s9+s7], $0x100, $0x38;
	[tilespmem:$0x1EC00] =	vst v63  }
0x159: {  	_ =	swait.ge @!p1 [sflag:s10], $0x100  }
0x15a: {  	s23 =	simm.s32 @!p1 $0x7400;
	[sflag:s10] =	ssyncset.done @!p1 $0x0  }
0x15b: {  	s21 =	simm.s32 @!p1 $0x70;
	s9 =	simm.s32 @!p3 $0x5;
	[sflag:s10] =	ssyncadd.s32 @!p1 $0xFFFFFF00  }
0x15c: {  	[tilespmem:s23], [sflag:$0x7] =	stream.indirect.gather @!p1 [hbm4b:s4+s21], $0x80, s15, s21, $0xb8;
	[tilespmem:$0x1EC00] =	vst v63  }
0x15d: {  	_ =	swait.ge @!p3 [sflag:s9], $0x3800  }
0x15e: {  	s10 =	simm.s32 @!p3 $0x180;
	[sflag:s9] =	ssyncset.done @!p3 $0x0  }
0x15f: {  	s15 =	sadd.s32 $0xD, s30;
	[sflag:s9] =	ssyncadd.s32 @!p3 $0xFFFFC800;
	s9 =	simm.s32 @!p5 $0x8  }
0x160: {  	[spmem:s2] =	stream.indirect.scatter.add.f32 @!p3 [tilespmem:s20], [sflag:$0x8], $0x80, s10, s11, $0xb8;
	[tilespmem:$0x1EC00] =	vst v63  }
0x161: {  	p2 =	sge.u32 s15, s8;
	s15 =	simm.s32 @!p5 $0x1;
	_ =	swait.ge @!p5 [sflag:s9], $0x3800  }
0x162: {  	s10 =	simm.s32 @!p2 $0x100;
	s11 =	rddreg [dreg:$0x6];
	[sflag:s9] =	ssyncset.done @!p5 $0x0  }
0x163: {  	[sflag:s9] =	ssyncadd.s32 @!p5 $0xFFFFC800;
	s9 =	simm.s32 @!p2 $0x0;
	s11 =	sadd.s32 @!p2 s31, s11  }
0x164: {  	[tilespmem:s10], [sflag:$0x2] =	stream.linear.gather @!p2 [hbm4b:s11+s9], $0x100, $0x38;
	[tilespmem:$0x1EC00] =	vst v63  }
0x165: {  	s17 =	smov.u32 s0;
	s0 =	sadd.s32 $0xC, s0;
	_ =	swait.ge @!p5 [sflag:s15], $0x100  }
0x166: {  	p0 =	sne.s32 s0, $0xA8;
	s9 =	simm.s32 @!p5 $0x70;
	[sflag:s15] =	ssyncset.done @!p5 $0x0  }
0x167: {  	s11 =	simm.s32 @!p5 $0x400;
	[sflag:s15] =	ssyncadd.s32 @!p5 $0xFFFFFF00;
	s15 =	simm.s32 @!p4 $0x6  }
0x168: {  	[tilespmem:s11], [sflag:$0x5] =	stream.indirect.gather @!p5 [hbm4b:s4+s9], $0x80, s7, s9, $0xb8;
	[tilespmem:$0x1EC00] =	vst v63  }
0x169: {  	s1 =	smov.u32 s0;
	s20 =	sadd.s32 $0xE, s30;
	_ =	swait.ge @!p4 [sflag:s15], $0x3800  }
0x16a: {  	s6 =	simm.s32 @!p1 $0x380;
	p3 =	sge.u32 s20, s8;
	[sflag:s15] =	ssyncset.done @!p4 $0x0  }
0x16b: {  	s7 =	simm.s32 @!p4 $0x280;
	s9 =	simm.s32 @!p2 $0x9;
	[sflag:s15] =	ssyncadd.s32 @!p4 $0xFFFFC800  }
0x16c: {  	[spmem:s2] =	stream.indirect.scatter.add.f32 @!p4 [tilespmem:s14], [sflag:$0x9], $0x80, s7, s16, $0xb8;
	[tilespmem:$0x1EC00] =	vst v63  }
0x16d: {  	s30 =	smov.u32 s17;
	s7 =	simm.s32 @!p3 $0x0;
	_ =	swait.ge @!p2 [sflag:s9], $0x3800  }
0x16e: {  	s14 =	simm.s32 @!p2 $0x2;
	s11 =	rddreg [dreg:$0x5];
	[sflag:s9] =	ssyncset.done @!p2 $0x0  }
0x16f: {  	[sflag:s9] =	ssyncadd.s32 @!p2 $0xFFFFC800;
	s9 =	simm.s32 @!p3 $0x200;
	s11 =	sadd.s32 @!p3 s31, s11  }
0x170: {  	[tilespmem:s9], [sflag:$0x3] =	stream.linear.gather @!p3 [hbm4b:s11+s7], $0x100, $0x38;
	[tilespmem:$0x1EC00] =	vst v63  }
.Ltmp0:
0x171: {  	s7 =	simm.s32 @!p2 $0x3C00;
	_ =	swait.ge @!p2 [sflag:s14], $0x100;
	(pc) =	sbr.rel @p0 .LBB2_2-.Ltmp0, $4  }
0x172: {  	p3 =	seq.s32 s30, $0x0;
	s11 =	simm.s32 @!p2 $0x70;
	[sflag:s14] =	ssyncset.done @!p2 $0x0  }
0x173: {  	s9 =	simm.s32 @!p1 $0x7;
	p4 =	sge.u32 @!p3 s30, s13;
	[sflag:s14] =	ssyncadd.s32 @!p2 $0xFFFFFF00  }
0x174: {  	[tilespmem:s7], [sflag:$0x6] =	stream.indirect.gather @!p2 [hbm4b:s4+s11], $0x80, s10, s11, $0xb8;
	[tilespmem:$0x1EC00] =	vst v63  }
0x175: {  	s31 =	sadd.s32 $0x180, s31;
	p2 =	por p4, p3;
	_ =	swait.ge @!p1 [sflag:s9], $0x3800  }
0x176: {  	[sflag:s9] =	ssyncset.done @!p1 $0x0  }
0x177: {  	s0 =	simm.s32 @!p2 $0xA;
	[sflag:s9] =	ssyncadd.s32 @!p1 $0xFFFFC800  }
0x178: {  	[spmem:s2] =	stream.indirect.scatter.add.f32 @!p1 [tilespmem:s23], [sflag:$0xA], $0x80, s6, s21, $0xb8;
	[tilespmem:$0x1EC00] =	vst v63  }
0x179: {  	s14 =	sadd.s32 $0x3, s30;
	_ =	swait.ge @!p2 [sflag:s0], $0x3800  }
0x17a: {  	p3 =	sge.u32 s30, s13;
	p0 =	sge.u32 s14, s8;
	[sflag:s0] =	ssyncset.done @!p2 $0x0  }
0x17b: {  	s9 =	simm.s32 @!p0 $0x300;
	s7 =	rddreg [dreg:$0x4];
	[sflag:s0] =	ssyncadd.s32 @!p2 $0xFFFFC800  }
0x17c: {  	s0 =	simm.s32 @!p0 $0x0;
	s6 =	sadd.s32 @!p0 s31, s7;
	s7 =	simm.s32 @!p3 $0x3  }
0x17d: {  	[tilespmem:s9], [sflag:$0x4] =	stream.linear.gather @!p0 [hbm4b:s6+s0], $0x100, $0x38;
	[tilespmem:$0x1EC00] =	vst v63  }
0x17e: {  	s10 =	simm.s32 @!p3 $0x200;
	_ =	swait.ge @!p3 [sflag:s7], $0x100  }
0x17f: {  	p1 =	sge.u32 s30, s8;
	s0 =	simm.s32 @!p3 $0x7400;
	[sflag:s7] =	ssyncset.done @!p3 $0x0  }
0x180: {  	s6 =	simm.s32 @!p3 $0x70;
	[sflag:s7] =	ssyncadd.s32 @!p3 $0xFFFFFF00;
	s7 =	simm.s32 @!p1 $0x5  }
0x181: {  	[tilespmem:s0], [sflag:$0x7] =	stream.indirect.gather @!p3 [hbm4b:s4+s6], $0x80, s10, s6, $0xb8;
	[tilespmem:$0x1EC00] =	vst v63  }
0x182: {  	s15 =	sadd.s32 $0x4, s30;
	_ =	swait.ge @!p1 [sflag:s7], $0x3800  }
0x183: {  	s11 =	simm.s32 @!p1 $0x70;
	s14 =	simm.s32 @!p1 $0x80;
	[sflag:s7] =	ssyncset.done @!p1 $0x0  }
0x184: {  	s10 =	simm.s32 @!p1 $0x400;
	[sflag:s7] =	ssyncadd.s32 @!p1 $0xFFFFC800;
	s7 =	simm.s32 @!p0 $0x8  }
0x185: {  	[spmem:s2] =	stream.indirect.scatter.add.f32 @!p1 [tilespmem:s10], [sflag:$0x8], $0x80, s14, s11, $0xb8;
	[tilespmem:$0x1EC00] =	vst v63  }
0x186: {  	p1 =	sge.u32 s15, s8;
	_ =	swait.ge @!p0 [sflag:s7], $0x3800  }
0x187: {  	s11 =	simm.s32 @!p0 $0x4;
	s10 =	rddreg [dreg:$0xf];
	[sflag:s7] =	ssyncset.done @!p0 $0x0  }
0x188: {  	[sflag:s7] =	ssyncadd.s32 @!p0 $0xFFFFC800;
	s7 =	simm.s32 @!p1 $0x0;
	s10 =	sadd.s32 @!p1 s31, s10  }
0x189: {  	[tilespmem:s7], [sflag:$0x1] =	stream.linear.gather @!p1 [hbm4b:s10+s7], $0x100, $0x38;
	[tilespmem:$0x1EC00] =	vst v63  }
0x18a: {  	_ =	swait.ge @!p0 [sflag:s11], $0x100  }
0x18b: {  	s14 =	simm.s32 @!p0 $0x400;
	[sflag:s11] =	ssyncset.done @!p0 $0x0;
	s16 =	rddreg [dreg:$0x3]  }
0x18c: {  	[sflag:s11] =	ssyncadd.s32 @!p0 $0xFFFFFF00;
	s11 =	simm.s32 @!p0 $0x70;
	p2 =	sge.u32 s30, s16  }
0x18d: {  	[tilespmem:s14], [sflag:$0x5] =	stream.indirect.gather @!p0 [hbm4b:s4+s11], $0x80, s9, s11, $0xb8;
	[tilespmem:$0x1EC00] =	vst v63  }
0x18e: {  	s9 =	simm.s32 @!p2 $0x6  }
0x18f: {  	s17 =	sadd.s32 $0x5, s30;
	_ =	swait.ge @!p2 [sflag:s9], $0x3800  }
0x190: {  	s10 =	simm.s32 @!p2 $0x3C00;
	s15 =	simm.s32 @!p2 $0x70;
	[sflag:s9] =	ssyncset.done @!p2 $0x0  }
0x191: {  	s16 =	simm.s32 @!p2 $0x180;
	[sflag:s9] =	ssyncadd.s32 @!p2 $0xFFFFC800;
	s9 =	simm.s32 @!p1 $0x9  }
0x192: {  	[spmem:s2] =	stream.indirect.scatter.add.f32 @!p2 [tilespmem:s10], [sflag:$0x9], $0x80, s16, s15, $0xb8;
	[tilespmem:$0x1EC00] =	vst v63  }
0x193: {  	p2 =	sge.u32 s17, s8;
	s16 =	simm.s32 @!p1 $0x1;
	_ =	swait.ge @!p1 [sflag:s9], $0x3800  }
0x194: {  	s10 =	simm.s32 @!p2 $0x100;
	s15 =	rddreg [dreg:$0xe];
	[sflag:s9] =	ssyncset.done @!p1 $0x0  }
0x195: {  	[sflag:s9] =	ssyncadd.s32 @!p1 $0xFFFFC800;
	s9 =	simm.s32 @!p2 $0x0;
	s15 =	sadd.s32 @!p2 s31, s15  }
0x196: {  	[tilespmem:s10], [sflag:$0x2] =	stream.linear.gather @!p2 [hbm4b:s15+s9], $0x100, $0x38;
	[tilespmem:$0x1EC00] =	vst v63  }
0x197: {  	_ =	swait.ge @!p1 [sflag:s16], $0x100  }
0x198: {  	s9 =	simm.s32 @!p1 $0x70;
	[sflag:s16] =	ssyncset.done @!p1 $0x0  }
0x199: {  	s15 =	simm.s32 @!p1 $0x3C00;
	[sflag:s16] =	ssyncadd.s32 @!p1 $0xFFFFFF00;
	s16 =	simm.s32 @!p3 $0x7  }
0x19a: {  	[tilespmem:s15], [sflag:$0x6] =	stream.indirect.gather @!p1 [hbm4b:s4+s9], $0x80, s7, s9, $0xb8;
	[tilespmem:$0x1EC00] =	vst v63  }
0x19b: {  	_ =	swait.ge @!p3 [sflag:s16], $0x3800  }
0x19c: {  	[sflag:s16] =	ssyncset.done @!p3 $0x0  }
0x19d: {  	s20 =	sadd.s32 $0x6, s30;
	s7 =	simm.s32 @!p3 $0x280;
	[sflag:s16] =	ssyncadd.s32 @!p3 $0xFFFFC800  }
0x19e: {  	[spmem:s2] =	stream.indirect.scatter.add.f32 @!p3 [tilespmem:s0], [sflag:$0xA], $0x80, s7, s6, $0xb8;
	[tilespmem:$0x1EC00] =	vst v63  }
0x19f: {  	s16 =	simm.s32 @!p2 $0xA;
	p3 =	sge.u32 s20, s8  }
0x1a0: {  	_ =	swait.ge @!p2 [sflag:s16], $0x3800;
	s0 =	simm.s32 @!p3 $0x0  }
0x1a1: {  	s7 =	simm.s32 @!p3 $0x200;
	s6 =	rddreg [dreg:$0xd];
	[sflag:s16] =	ssyncset.done @!p2 $0x0  }
0x1a2: {  	[sflag:s16] =	ssyncadd.s32 @!p2 $0xFFFFC800;
	s6 =	sadd.s32 @!p3 s31, s6;
	s16 =	simm.s32 @!p2 $0x2  }
0x1a3: {  	[tilespmem:s7], [sflag:$0x3] =	stream.linear.gather @!p3 [hbm4b:s6+s0], $0x100, $0x38;
	[tilespmem:$0x1EC00] =	vst v63  }
0x1a4: {  	_ =	swait.ge @!p2 [sflag:s16], $0x100  }
0x1a5: {  	s0 =	simm.s32 @!p2 $0x70;
	[sflag:s16] =	ssyncset.done @!p2 $0x0  }
0x1a6: {  	s6 =	simm.s32 @!p2 $0x7400;
	[sflag:s16] =	ssyncadd.s32 @!p2 $0xFFFFFF00;
	s16 =	simm.s32 @!p0 $0x5  }
0x1a7: {  	[tilespmem:s6], [sflag:$0x7] =	stream.indirect.gather @!p2 [hbm4b:s4+s0], $0x80, s10, s0, $0xb8;
	[tilespmem:$0x1EC00] =	vst v63  }
0x1a8: {  	_ =	swait.ge @!p0 [sflag:s16], $0x3800  }
0x1a9: {  	[sflag:s16] =	ssyncset.done @!p0 $0x0  }
0x1aa: {  	s21 =	sadd.s32 $0x7, s30;
	s10 =	simm.s32 @!p0 $0x380;
	[sflag:s16] =	ssyncadd.s32 @!p0 $0xFFFFC800  }
0x1ab: {  	[spmem:s2] =	stream.indirect.scatter.add.f32 @!p0 [tilespmem:s14], [sflag:$0x8], $0x80, s10, s11, $0xb8;
	[tilespmem:$0x1EC00] =	vst v63  }
0x1ac: {  	s16 =	simm.s32 @!p3 $0x8;
	p0 =	sge.u32 s21, s8  }
0x1ad: {  	_ =	swait.ge @!p3 [sflag:s16], $0x3800;
	s10 =	simm.s32 @!p0 $0x0  }
0x1ae: {  	s14 =	simm.s32 @!p0 $0x300;
	s11 =	rddreg [dreg:$0xc];
	[sflag:s16] =	ssyncset.done @!p3 $0x0  }
0x1af: {  	[sflag:s16] =	ssyncadd.s32 @!p3 $0xFFFFC800;
	s11 =	sadd.s32 @!p0 s31, s11;
	s16 =	simm.s32 @!p3 $0x3  }
0x1b0: {  	[tilespmem:s14], [sflag:$0x4] =	stream.linear.gather @!p0 [hbm4b:s11+s10], $0x100, $0x38;
	[tilespmem:$0x1EC00] =	vst v63  }
0x1b1: {  	_ =	swait.ge @!p3 [sflag:s16], $0x100  }
0x1b2: {  	s10 =	simm.s32 @!p3 $0x70;
	[sflag:s16] =	ssyncset.done @!p3 $0x0  }
0x1b3: {  	s11 =	simm.s32 @!p3 $0x400;
	[sflag:s16] =	ssyncadd.s32 @!p3 $0xFFFFFF00;
	s16 =	simm.s32 @!p1 $0x6  }
0x1b4: {  	[tilespmem:s11], [sflag:$0x5] =	stream.indirect.gather @!p3 [hbm4b:s4+s10], $0x80, s7, s10, $0xb8;
	[tilespmem:$0x1EC00] =	vst v63  }
0x1b5: {  	_ =	swait.ge @!p1 [sflag:s16], $0x3800  }
0x1b6: {  	s23 =	sadd.s32 $0x8, s30;
	[sflag:s16] =	ssyncset.done @!p1 $0x0  }
0x1b7: {  	s7 =	simm.s32 @!p1 $0x80;
	[sflag:s16] =	ssyncadd.s32 @!p1 $0xFFFFC800;
	s16 =	simm.s32 @!p0 $0x9  }
0x1b8: {  	[spmem:s2] =	stream.indirect.scatter.add.f32 @!p1 [tilespmem:s15], [sflag:$0x9], $0x80, s7, s9, $0xb8;
	[tilespmem:$0x1EC00] =	vst v63  }
0x1b9: {  	p1 =	sge.u32 s23, s8;
	_ =	swait.ge @!p0 [sflag:s16], $0x3800  }
0x1ba: {  	s15 =	simm.s32 @!p0 $0x4;
	s7 =	rddreg [dreg:$0xb];
	[sflag:s16] =	ssyncset.done @!p0 $0x0  }
0x1bb: {  	s9 =	simm.s32 @!p1 $0x0;
	[sflag:s16] =	ssyncadd.s32 @!p0 $0xFFFFC800;
	s7 =	sadd.s32 @!p1 s31, s7  }
0x1bc: {  	[tilespmem:s9], [sflag:$0x1] =	stream.linear.gather @!p1 [hbm4b:s7+s9], $0x100, $0x38;
	[tilespmem:$0x1EC00] =	vst v63  }
0x1bd: {  	_ =	swait.ge @!p0 [sflag:s15], $0x100  }
0x1be: {  	s16 =	simm.s32 @!p0 $0x3C00;
	[sflag:s15] =	ssyncset.done @!p0 $0x0  }
0x1bf: {  	s7 =	simm.s32 @!p0 $0x70;
	[sflag:s15] =	ssyncadd.s32 @!p0 $0xFFFFFF00;
	s15 =	simm.s32 @!p2 $0x7  }
0x1c0: {  	[tilespmem:s16], [sflag:$0x6] =	stream.indirect.gather @!p0 [hbm4b:s4+s7], $0x80, s14, s7, $0xb8;
	[tilespmem:$0x1EC00] =	vst v63  }
0x1c1: {  	_ =	swait.ge @!p2 [sflag:s15], $0x3800  }
0x1c2: {  	[sflag:s15] =	ssyncset.done @!p2 $0x0  }
0x1c3: {  	s14 =	simm.s32 @!p2 $0x180;
	[sflag:s15] =	ssyncadd.s32 @!p2 $0xFFFFC800;
	s15 =	simm.s32 @!p1 $0xA  }
0x1c4: {  	[spmem:s2] =	stream.indirect.scatter.add.f32 @!p2 [tilespmem:s6], [sflag:$0xA], $0x80, s14, s0, $0xb8;
	[tilespmem:$0x1EC00] =	vst v63  }
0x1c5: {  	s14 =	sadd.s32 $0x9, s30;
	_ =	swait.ge @!p1 [sflag:s15], $0x3800  }
0x1c6: {  	p2 =	sge.u32 s14, s8;
	s6 =	rddreg [dreg:$0xa]  }
0x1c7: {  	[sflag:s15] =	ssyncset.done @!p1 $0x0;
	s0 =	simm.s32 @!p2 $0x0;
	s14 =	simm.s32 @!p2 $0x100  }
0x1c8: {  	[sflag:s15] =	ssyncadd.s32 @!p1 $0xFFFFC800;
	s6 =	sadd.s32 @!p2 s31, s6;
	s15 =	simm.s32 @!p1 $0x1  }
0x1c9: {  	[tilespmem:s14], [sflag:$0x2] =	stream.linear.gather @!p2 [hbm4b:s6+s0], $0x100, $0x38;
	[tilespmem:$0x1EC00] =	vst v63  }
0x1ca: {  	_ =	swait.ge @!p1 [sflag:s15], $0x100  }
0x1cb: {  	s0 =	simm.s32 @!p1 $0x70;
	[sflag:s15] =	ssyncset.done @!p1 $0x0  }
0x1cc: {  	s6 =	simm.s32 @!p1 $0x7400;
	[sflag:s15] =	ssyncadd.s32 @!p1 $0xFFFFFF00;
	s15 =	simm.s32 @!p3 $0x5  }
0x1cd: {  	[tilespmem:s6], [sflag:$0x7] =	stream.indirect.gather @!p1 [hbm4b:s4+s0], $0x80, s9, s0, $0xb8;
	[tilespmem:$0x1EC00] =	vst v63  }
0x1ce: {  	_ =	swait.ge @!p3 [sflag:s15], $0x3800  }
0x1cf: {  	[sflag:s15] =	ssyncset.done @!p3 $0x0  }
0x1d0: {  	s17 =	sadd.s32 $0xA, s30;
	s9 =	simm.s32 @!p3 $0x280;
	[sflag:s15] =	ssyncadd.s32 @!p3 $0xFFFFC800  }
0x1d1: {  	[spmem:s2] =	stream.indirect.scatter.add.f32 @!p3 [tilespmem:s11], [sflag:$0x8], $0x80, s9, s10, $0xb8;
	[tilespmem:$0x1EC00] =	vst v63  }
0x1d2: {  	s15 =	simm.s32 @!p2 $0x8;
	p3 =	sge.u32 s17, s8  }
0x1d3: {  	_ =	swait.ge @!p2 [sflag:s15], $0x3800;
	s9 =	simm.s32 @!p3 $0x0  }
0x1d4: {  	s11 =	simm.s32 @!p3 $0x200;
	s10 =	rddreg [dreg:$0x9];
	[sflag:s15] =	ssyncset.done @!p2 $0x0  }
0x1d5: {  	[sflag:s15] =	ssyncadd.s32 @!p2 $0xFFFFC800;
	s10 =	sadd.s32 @!p3 s31, s10;
	s15 =	simm.s32 @!p2 $0x2  }
0x1d6: {  	[tilespmem:s11], [sflag:$0x3] =	stream.linear.gather @!p3 [hbm4b:s10+s9], $0x100, $0x38;
	[tilespmem:$0x1EC00] =	vst v63  }
0x1d7: {  	_ =	swait.ge @!p2 [sflag:s15], $0x100  }
0x1d8: {  	s9 =	simm.s32 @!p2 $0x70;
	[sflag:s15] =	ssyncset.done @!p2 $0x0  }
0x1d9: {  	s10 =	simm.s32 @!p2 $0x400;
	[sflag:s15] =	ssyncadd.s32 @!p2 $0xFFFFFF00;
	s15 =	simm.s32 @!p0 $0x6  }
0x1da: {  	[tilespmem:s10], [sflag:$0x5] =	stream.indirect.gather @!p2 [hbm4b:s4+s9], $0x80, s14, s9, $0xb8;
	[tilespmem:$0x1EC00] =	vst v63  }
0x1db: {  	_ =	swait.ge @!p0 [sflag:s15], $0x3800  }
0x1dc: {  	s20 =	sadd.s32 $0xB, s30;
	[sflag:s15] =	ssyncset.done @!p0 $0x0  }
0x1dd: {  	s14 =	simm.s32 @!p0 $0x380;
	[sflag:s15] =	ssyncadd.s32 @!p0 $0xFFFFC800;
	s15 =	simm.s32 @!p3 $0x9  }
0x1de: {  	[spmem:s2] =	stream.indirect.scatter.add.f32 @!p0 [tilespmem:s16], [sflag:$0x9], $0x80, s14, s7, $0xb8;
	[tilespmem:$0x1EC00] =	vst v63  }
0x1df: {  	p0 =	sge.u32 s20, s8;
	s16 =	simm.s32 @!p3 $0x3;
	_ =	swait.ge @!p3 [sflag:s15], $0x3800  }
0x1e0: {  	s7 =	simm.s32 @!p0 $0x0;
	s14 =	rddreg [dreg:$0x8];
	[sflag:s15] =	ssyncset.done @!p3 $0x0  }
0x1e1: {  	[sflag:s15] =	ssyncadd.s32 @!p3 $0xFFFFC800;
	s15 =	simm.s32 @!p0 $0x300;
	s14 =	sadd.s32 @!p0 s31, s14  }
0x1e2: {  	[tilespmem:s15], [sflag:$0x4] =	stream.linear.gather @!p0 [hbm4b:s14+s7], $0x100, $0x38;
	[tilespmem:$0x1EC00] =	vst v63  }
0x1e3: {  	_ =	swait.ge @!p3 [sflag:s16], $0x100  }
0x1e4: {  	s7 =	simm.s32 @!p3 $0x70;
	[sflag:s16] =	ssyncset.done @!p3 $0x0  }
0x1e5: {  	s14 =	simm.s32 @!p3 $0x3C00;
	[sflag:s16] =	ssyncadd.s32 @!p3 $0xFFFFFF00;
	s16 =	simm.s32 @!p1 $0x7  }
0x1e6: {  	[tilespmem:s14], [sflag:$0x6] =	stream.indirect.gather @!p3 [hbm4b:s4+s7], $0x80, s11, s7, $0xb8;
	[tilespmem:$0x1EC00] =	vst v63  }
0x1e7: {  	_ =	swait.ge @!p1 [sflag:s16], $0x3800  }
0x1e8: {  	[sflag:s16] =	ssyncset.done @!p1 $0x0  }
0x1e9: {  	s11 =	simm.s32 @!p1 $0x80;
	[sflag:s16] =	ssyncadd.s32 @!p1 $0xFFFFC800;
	s16 =	simm.s32 @!p0 $0xA  }
0x1ea: {  	[spmem:s2] =	stream.indirect.scatter.add.f32 @!p1 [tilespmem:s6], [sflag:$0xA], $0x80, s11, s0, $0xb8;
	[tilespmem:$0x1EC00] =	vst v63  }
0x1eb: {  	p4 =	sge.u32 s1, s8;
	_ =	swait.ge @!p0 [sflag:s16], $0x3800  }
0x1ec: {  	s1 =	simm.s32 @!p4 $0x0;
	s0 =	rddreg [dreg:$0x7];
	[sflag:s16] =	ssyncset.done @!p0 $0x0  }
0x1ed: {  	s6 =	simm.s32 @!p0 $0x4;
	[sflag:s16] =	ssyncadd.s32 @!p0 $0xFFFFC800;
	s0 =	sadd.s32 @!p4 s31, s0  }
0x1ee: {  	[tilespmem:s1], [sflag:$0x1] =	stream.linear.gather @!p4 [hbm4b:s0+s1], $0x100, $0x38;
	[tilespmem:$0x1EC00] =	vst v63  }
0x1ef: {  	_ =	swait.ge @!p0 [sflag:s6], $0x100  }
0x1f0: {  	s11 =	simm.s32 @!p0 $0x7400;
	[sflag:s6] =	ssyncset.done @!p0 $0x0  }
0x1f1: {  	s0 =	simm.s32 @!p0 $0x70;
	[sflag:s6] =	ssyncadd.s32 @!p0 $0xFFFFFF00;
	s6 =	simm.s32 @!p2 $0x5  }
0x1f2: {  	[tilespmem:s11], [sflag:$0x7] =	stream.indirect.gather @!p0 [hbm4b:s4+s0], $0x80, s15, s0, $0xb8;
	[tilespmem:$0x1EC00] =	vst v63  }
0x1f3: {  	s21 =	sadd.s32 $0xD, s30;
	_ =	swait.ge @!p2 [sflag:s6], $0x3800  }
0x1f4: {  	p1 =	sge.u32 s21, s8;
	[sflag:s6] =	ssyncset.done @!p2 $0x0  }
0x1f5: {  	s15 =	simm.s32 @!p2 $0x180;
	[sflag:s6] =	ssyncadd.s32 @!p2 $0xFFFFC800;
	s6 =	simm.s32 @!p4 $0x8  }
0x1f6: {  	[spmem:s2] =	stream.indirect.scatter.add.f32 @!p2 [tilespmem:s10], [sflag:$0x8], $0x80, s15, s9, $0xb8;
	[tilespmem:$0x1EC00] =	vst v63  }
0x1f7: {  	s9 =	simm.s32 @!p1 $0x100;
	_ =	swait.ge @!p4 [sflag:s6], $0x3800  }
0x1f8: {  	s15 =	simm.s32 @!p4 $0x1;
	s10 =	rddreg [dreg:$0x6];
	[sflag:s6] =	ssyncset.done @!p4 $0x0  }
0x1f9: {  	[sflag:s6] =	ssyncadd.s32 @!p4 $0xFFFFC800;
	s6 =	simm.s32 @!p1 $0x0;
	s10 =	sadd.s32 @!p1 s31, s10  }
0x1fa: {  	[tilespmem:s9], [sflag:$0x2] =	stream.linear.gather @!p1 [hbm4b:s10+s6], $0x100, $0x38;
	[tilespmem:$0x1EC00] =	vst v63  }
0x1fb: {  	_ =	swait.ge @!p4 [sflag:s15], $0x100  }
0x1fc: {  	s6 =	simm.s32 @!p4 $0x70;
	[sflag:s15] =	ssyncset.done @!p4 $0x0  }
0x1fd: {  	s10 =	simm.s32 @!p4 $0x400;
	[sflag:s15] =	ssyncadd.s32 @!p4 $0xFFFFFF00;
	s15 =	simm.s32 @!p3 $0x6  }
0x1fe: {  	[tilespmem:s10], [sflag:$0x5] =	stream.indirect.gather @!p4 [hbm4b:s4+s6], $0x80, s1, s6, $0xb8;
	[tilespmem:$0x1EC00] =	vst v63  }
0x1ff: {  	_ =	swait.ge @!p3 [sflag:s15], $0x3800  }
0x200: {  	s23 =	sadd.s32 $0xE, s30;
	[sflag:s15] =	ssyncset.done @!p3 $0x0  }
0x201: {  	s1 =	simm.s32 @!p3 $0x280;
	s6 =	simm.s32 @!p1 $0x9;
	[sflag:s15] =	ssyncadd.s32 @!p3 $0xFFFFC800  }
0x202: {  	[spmem:s2] =	stream.indirect.scatter.add.f32 @!p3 [tilespmem:s14], [sflag:$0x9], $0x80, s1, s7, $0xb8;
	[tilespmem:$0x1EC00] =	vst v63  }
0x203: {  	p2 =	sge.u32 s23, s8;
	s10 =	simm.s32 @!p1 $0x2;
	_ =	swait.ge @!p1 [sflag:s6], $0x3800  }
0x204: {  	s1 =	simm.s32 @!p2 $0x0;
	s7 =	rddreg [dreg:$0x5];
	[sflag:s6] =	ssyncset.done @!p1 $0x0  }
0x205: {  	[sflag:s6] =	ssyncadd.s32 @!p1 $0xFFFFC800;
	s6 =	simm.s32 @!p2 $0x200;
	s7 =	sadd.s32 @!p2 s31, s7  }
0x206: {  	[tilespmem:s6], [sflag:$0x3] =	stream.linear.gather @!p2 [hbm4b:s7+s1], $0x100, $0x38;
	[tilespmem:$0x1EC00] =	vst v63  }
0x207: {  	_ =	swait.ge @!p1 [sflag:s10], $0x100  }
0x208: {  	s1 =	simm.s32 @!p1 $0x3C00;
	[sflag:s10] =	ssyncset.done @!p1 $0x0  }
0x209: {  	s6 =	simm.s32 @!p1 $0x70;
	s7 =	simm.s32 @!p0 $0x7;
	[sflag:s10] =	ssyncadd.s32 @!p1 $0xFFFFFF00  }
0x20a: {  	[tilespmem:s1], [sflag:$0x6] =	stream.indirect.gather @!p1 [hbm4b:s4+s6], $0x80, s9, s6, $0xb8;
	[tilespmem:$0x1EC00] =	vst v63  }
0x20b: {  	_ =	swait.ge @!p0 [sflag:s7], $0x3800  }
0x20c: {  	[sflag:s7] =	ssyncset.done @!p0 $0x0  }
0x20d: {  	s1 =	simm.s32 @!p0 $0x380;
	[sflag:s7] =	ssyncadd.s32 @!p0 $0xFFFFC800  }
0x20e: {  	[spmem:s2] =	stream.indirect.scatter.add.f32 @!p0 [tilespmem:s11], [sflag:$0xA], $0x80, s1, s0, $0xb8;
	[tilespmem:$0x1EC00] =	vst v63  }
0x20f: {  	_ =	swait.ge [sflag:s24], $0x3800  }
0x210: {  	[sflag:s24] =	ssyncset.done $0x0  }
0x211: {  	[sflag:s24] =	ssyncadd.s32 $0xFFFFC800  }
0x212: {  	_ =	swait.ge [sflag:s25], $0x3800  }
0x213: {  	[sflag:s25] =	ssyncset.done $0x0  }
0x214: {  	[sflag:s25] =	ssyncadd.s32 $0xFFFFC800  }
0x215: {  	_ =	swait.ge [sflag:s26], $0x3800  }
0x216: {  	[sflag:s26] =	ssyncset.done $0x0  }
0x217: {  	[sflag:s26] =	ssyncadd.s32 $0xFFFFC800  }
0x218: {  	[bflag:$0x0] =	sbarrier.arrive $0xFFFF  }
0x219: {  	s30 =	rddreg [dreg:$0x15]  }
0x21a: {  	[hbm:s30], [sflag:s12] =	dma.local [spmem:s29], $0x2800  }
0x21b: {  	_ =	swait.ge [sflag:s18], $0x2800  }
0x21c: {  	s28 =	sadd.s32 $0x1, s28;
	s31 =	rddreg [dreg:$0x16]  }
0x21d: {  	p0 =	sne.s32 s28, s31  }
.Ltmp1:
0x21e: {  	_ = 	snop;
	(pc) =	sbr.rel @p0 .LBB2_1-.Ltmp1, $3  }
0x21f: {  	_ =	sdelay $0x1  }
0x220: {  	[sflag:s18] =	ssyncset.done $0x0  }
0x221: {  	[sflag:s18] =	ssyncadd.s32 $0xFFFFD800  }
0x222: {  	_ =	sfence.sel $0x180000  }
0x223: {  	[bflag:$0x0] =	sbarrier.arrive $0xFFFF  }
0x224: {  	_ =	strace $0x9000004A  }
0x225: {  	s0 =	stileid.u32;
	[bflag:$0x2] =	sbarrier.arrive $0xFFFF  }
0x226: {  	p0 =	sne.s32 s0, $0x0;
	s0 =	rddreg [dreg:$0x2]  }
0x227: {  	s0 =	sadd.s32 @!p0 $0x100000, s0  }
0x228: {  	[sflag:s0] =	ssyncadd.tile.s32 @!p0 $0x1;
	_ =	shalt  }
.Lfunc_end2:
_tile_overlayer_lowered:
.L_overlay_start_2:
0x229: {  	(tag) =	ssettag $0x2  }
0x22a: {  	s0 =	rddreg [dreg:$0x0];
	s2 =	stileid.u32  }
0x22b: {  	s1 =	rddreg [dreg:$0x1];
	p0 =	sne.s32 s2, $0x0  }
0x22c: {  	s3 =	rddreg [dreg:$0x2];
	[bflag:$0x3] =	sbarrier.arrive $0xFFFF;
	s2 =	simm.s32 @!p0 $0x1C0B  }
0x22d: {  	[timem:s3], [sflag:s2] =	dma.local @!p0 [hbm:s0], s1  }
0x22e: {  	s0 =	simm.s32 @!p0 $0xB  }
0x22f: {  	_ =	swait.ge @!p0 [sflag:s0], s1  }
0x230: {  	s1 =	ssub.s32 @!p0 $0x0, s1;
	[sflag:s0] =	ssyncset.done @!p0 $0x0  }
0x231: {  	[sflag:s0] =	ssyncadd.s32 @!p0 s1  }
0x232: {  	[bflag:$0x3] =	sbarrier.arrive $0xFFFF  }
0x233: {  	_ =	shalt  }

// kernel: kernel.14.cloned.1.call-start
scs
__scs_entry_jumppad:
0x0: {  	(pc) =	sbr.rel $0x88, $3  }
0x1: {  	(tag) =	ssettag $0x0;
	lr =	simm.s32 $0x1  }
0x2: {  	[smem:$0x3F9B] =	sst lr;
	_ =	strace $0xD0000000  }
0x3: {  	_ = 	snop  }
0x4: {  	_ = 	snop  }
0x5: {  	_ = 	snop  }
0x6: {  	_ = 	snop  }
0x7: {  	_ = 	snop  }
__scs_overlays_trampoline_lowered:
0x8: {  	[smem:$0x3FAA] =	sst s0  }
0x9: {  	[smem:$0x3FAB] =	sst s1  }
0xa: {  	[smem:$0x3FAC] =	sst s2  }
0xb: {  	[smem:$0x3FAD] =	sst s3  }
0xc: {  	[smem:$0x3FAE] =	sst s4  }
0xd: {  	[smem:$0x3FAF] =	sst s5  }
0xe: {  	[smem:$0x3FB0] =	sst s6  }
0xf: {  	[smem:$0x3FB1] =	sst s7  }
0x10: {  	[smem:$0x3FB2] =	sst s8  }
0x11: {  	[smem:$0x3FB3] =	sst s9;
	s0 =	simm.s32 @!p0 $0x0  }
0x12: {  	s1 =	sld [smem:$0x3F99];
	s0 =	simm.s32 @p0 $0x1  }
0x13: {  	[smem:$0x3FB4] =	sst s0;
	s0 =	simm.s32 @!p1 $0x0  }
0x14: {  	s2 =	sld [smem:$0x3F98];
	s0 =	simm.s32 @p1 $0x1  }
0x15: {  	[smem:$0x3FB5] =	sst s0;
	s0 =	simm.s32 @!p2 $0x0  }
0x16: {  	s3 =	sld [smem:$0x3FDB];
	s0 =	simm.s32 @p2 $0x1  }
0x17: {  	s4 =	simm.s32 $0x1BF5;
	[smem:$0x3FB7] =	sst s0  }
0x18: {  	s0 =	sld [smem:$0x3F9A];
	_ =	swait.ge [sflag:s4], $0x0  }
0x19: {  	s7 =	sld [smem:$0x3F9B]  }
0x1a: {  	s8 =	sadd.s32 $0xFFFFE003, lr  }
0x1b: {  	s9 =	sadd.s32 $0xFFFFFEF7, lr;
	s5 =	simm.s32 $0xFFFFFFFF;
	p2 =	slt.u32 s8, $0xFFFFF086  }
0x1c: {  	p1 =	slt.u32 s9, $0xF7A;
	s5 =	simm.s32 @!p2 $0x0  }
0x1d: {  	s5 =	simm.s32 @p1 $0x1;
	p0 =	seq.s32 s7, s2  }
0x1e: {  	s7 =	smul.u32 @!p0 $0xF7A, s2;
	p2 =	seq.s32 @!p0 s5, $0x0  }
0x1f: {  	s9 =	smul.u32 $0xF7A, s1;
	s8 =	simm.s32 @!p0 $0x1BF5;
	p2 =	por !p2, p0  }
0x20: {  	[sflag:s8] =	ssyncset.s32 @!p0 $0xFFFFF086;
	s6 =	sadd.s32 @!p0 s3, s7;
	s7 =	simm.s32 @!p0 $0x108  }
0x21: {  	s3 =	sadd.s32 s3, s9;
	s6 =	sadd.s32 @!p0 $0x88, s6;
	s7 =	simm.s32 @p2 $0x1082  }
0x22: {  	[simem:s7], [sflag:s8] =	dma.local @!p0 [hbm:s6], $0xF7A  }
0x23: {  	s9 =	sor.u32 $0xD0000000, s2;
	s6 =	simm.s32 $0x108;
	_ =	swait.ge @!p0 [sflag:s8], $0x0  }
0x24: {  	s3 =	sadd.s32 $0x88, s3;
	s6 =	simm.s32 @!p1 $0x1082;
	[sflag:s4] =	ssyncset.s32 $0xFFFFF086  }
0x25: {  	[simem:s6], [sflag:s4] =	dma.local [hbm:s3], $0xF7A  }
0x26: {  	[smem:$0x3F9B] =	sst s1;
	(tag) =	ssettag s2;
	_ =	strace s9  }
0x27: {  	s1 =	sld [smem:$0x3FAB]  }
0x28: {  	s2 =	sld [smem:$0x3FAC]  }
0x29: {  	s4 =	sld [smem:$0x3FAE]  }
0x2a: {  	p0 =	seq.s32 s5, $0x0;
	s5 =	sld [smem:$0x3FAF]  }
0x2b: {  	s6 =	sld [smem:$0x3FB0]  }
0x2c: {  	s7 =	sld [smem:$0x3FB1]  }
0x2d: {  	s3 =	simm.s32 $0x108;
	s8 =	sld [smem:$0x3FB2]  }
0x2e: {  	s3 =	simm.s32 @!p0 $0x1082;
	s9 =	sld [smem:$0x3FB3]  }
0x2f: {  	lr =	sadd.s32 s0, s3;
	s0 =	sld [smem:$0x3FAA]  }
0x30: {  	s3 =	sld [smem:$0x3FAD]  }
0x31: {  	[smem:$0x3FB6] =	sst s10  }
0x32: {  	s10 =	sld [smem:$0x3FB4];
	_ =	sdelay $0x3  }
0x33: {  	p0 =	seq.s32 s10, $0x1;
	s10 =	sld [smem:$0x3FB6];
	_ =	sdelay $0x3  }
0x34: {  	[smem:$0x3FB6] =	sst s10  }
0x35: {  	s10 =	sld [smem:$0x3FB5];
	_ =	sdelay $0x3  }
0x36: {  	p1 =	seq.s32 s10, $0x1;
	s10 =	sld [smem:$0x3FB6];
	_ =	sdelay $0x3  }
0x37: {  	[smem:$0x3FB6] =	sst s10  }
0x38: {  	s10 =	sld [smem:$0x3FB7]  }
0x39: {  	_ = 	snop;
	(pc) =	sbr.ind lr, $3  }
0x3a: {  	_ = 	snop  }
0x3b: {  	_ = 	snop  }
0x3c: {  	p2 =	seq.s32 s10, $0x1;
	s10 =	sld [smem:$0x3FB6]  }
0x3d: {  	_ =	shalt  }
0x3e: {  	_ =	shalt  }
0x3f: {  	_ =	shalt  }
0x40: {  	_ =	shalt  }
0x41: {  	_ =	shalt  }
0x42: {  	_ =	shalt  }
0x43: {  	_ =	shalt  }
0x44: {  	_ =	shalt  }
0x45: {  	_ =	shalt  }
0x46: {  	_ =	shalt  }
0x47: {  	_ =	shalt  }
0x48: {  	_ =	shalt  }
0x49: {  	_ =	shalt  }
0x4a: {  	_ =	shalt  }
0x4b: {  	_ =	shalt  }
0x4c: {  	_ =	shalt  }
0x4d: {  	_ =	shalt  }
0x4e: {  	_ =	shalt  }
0x4f: {  	_ =	shalt  }
0x50: {  	_ =	shalt  }
0x51: {  	_ =	shalt  }
0x52: {  	_ =	shalt  }
0x53: {  	_ =	shalt  }
0x54: {  	_ =	shalt  }
0x55: {  	_ =	shalt  }
0x56: {  	_ =	shalt  }
0x57: {  	_ =	shalt  }
0x58: {  	_ =	shalt  }
0x59: {  	_ =	shalt  }
0x5a: {  	_ =	shalt  }
0x5b: {  	_ =	shalt  }
0x5c: {  	_ =	shalt  }
0x5d: {  	_ =	shalt  }
0x5e: {  	_ =	shalt  }
0x5f: {  	_ =	shalt  }
0x60: {  	_ =	shalt  }
0x61: {  	_ =	shalt  }
0x62: {  	_ =	shalt  }
0x63: {  	_ =	shalt  }
0x64: {  	_ =	shalt  }
0x65: {  	_ =	shalt  }
0x66: {  	_ =	shalt  }
0x67: {  	_ =	shalt  }
0x68: {  	_ =	shalt  }
0x69: {  	_ =	shalt  }
0x6a: {  	_ =	shalt  }
0x6b: {  	_ =	shalt  }
0x6c: {  	_ =	shalt  }
0x6d: {  	_ =	shalt  }
0x6e: {  	_ =	shalt  }
0x6f: {  	_ =	shalt  }
0x70: {  	_ =	shalt  }
0x71: {  	_ =	shalt  }
0x72: {  	_ =	shalt  }
0x73: {  	_ =	shalt  }
0x74: {  	_ =	shalt  }
0x75: {  	_ =	shalt  }
0x76: {  	_ =	shalt  }
0x77: {  	_ =	shalt  }
0x78: {  	_ =	shalt  }
0x79: {  	_ =	shalt  }
0x7a: {  	_ =	shalt  }
0x7b: {  	_ =	shalt  }
0x7c: {  	_ =	shalt  }
0x7d: {  	_ =	shalt  }
0x7e: {  	_ =	shalt  }
0x7f: {  	_ =	shalt  }
0x80: {  	_ =	shalt  }
0x81: {  	_ =	shalt  }
0x82: {  	_ =	shalt  }
0x83: {  	_ =	shalt  }
0x84: {  	_ =	shalt  }
0x85: {  	_ =	shalt  }
0x86: {  	_ =	shalt  }
0x87: {  	_ =	shalt  }
.Lfunc_end0:
.L_simem_size_0:
called_computation.2_lowered:
.L_overlay_start_0:
0x88: {  	s2 =	sld [smem:$0x3FD9]  }
0x89: {  	s3 =	sld [smem:$0x3FFE];
	_ =	sdelay $0x1  }
0x8a: {  	s1 =	srdreg.scid  }
0x8b: {  	s0 =	sand.u32 $0x1, s1  }
0x8c: {  	s16 =	sshll.u32 s0, $0xA;
	s2 =	sadd.s32 s3, s2  }
0x8d: {  	s2 =	sadd.s32 s2, s16  }
0x8e: {  	[smem:$0x3FC2] =	sst s2  }
0x8f: {  	_ = 	snop  }
0x90: {  	(tm) =	ssettm $0x1  }
0x91: {  	s17 =	sld [smem:$0x3FFB];
	_ =	sdelay $0x3  }
0x92: {  	_ =	strace s17  }
0x93: {  	s2 =	sld [smem:$0x3FFC];
	_ =	sdelay $0x3  }
0x94: {  	_ =	strace s2  }
0x95: {  	s2 =	sld [smem:$0x3FFD];
	_ =	sdelay $0x3  }
0x96: {  	_ =	strace s2  }
0x97: {  	_ =	strace $0x8FFFFFFF  }
0x98: {  	s18 =	sld [smem:$0x3FDB];
	_ =	sdelay $0x1  }
0x99: {  	s19 =	simm.s32 $_scs_section_size  }
0x9a: {  	s4 =	simm.s32 $_size__tile_overlayer_lowered;
	s5 =	simm.s32 $_tile_overlayer_lowered  }
0x9b: {  	s22 =	simm.s32 $0x1BFF;
	s21 =	sshll.u32 s5, $0x1;
	s2 =	sadd.s32 s19, s18  }
0x9c: {  	s6 =	simm.s32 $0x0;
	s20 =	sshll.u32 s4, $0x1;
	s4 =	sadd.s32 s21, s2  }
0x9d: {  	[timem:s6], [sflag:s22] =	dma.local [hbm:s4], s20  }
0x9e: {  	_ =	swait.ge [sflag:s22], s20  }
0x9f: {  	s3 =	ssub.s32 $0x0, s20;
	[sflag:s22] =	ssyncset.done $0x0  }
0xa0: {  	[sflag:s22] =	ssyncadd.s32 s3;
	_ =	sdelay $0x1  }
0xa1: {  	s23 =	simm.s32 $0x1B8B  }
0xa2: {  	_ =	swait.ge [sflag:s23], $0x1  }
0xa3: {  	[sflag:s23] =	ssyncset.done $0x0  }
0xa4: {  	s25 =	simm.s32 $0x1B8E;
	s24 =	sld [smem:$0x3FFE];
	[sflag:s23] =	ssyncadd.s32 $0xFFFFFFFF  }
0xa5: {  	s26 =	simm.s32 $execute0_lowered;
	[smem:$0x3FD2] =	sst s25  }
0xa6: {  	s4 =	sshll.u32 s26, $0x1;
	_ =	strace $0x8000004C;
	[dreg:$0x1] =	wrdreg $0xFFFFFFFF  }
0xa7: {  	s28 =	simm.s32 $_size_execute0_lowered;
	s2 =	sadd.s32 s2, s4;
	[dreg:$0x0] =	wrdreg $0x0  }
0xa8: {  	s4 =	sshll.u32 s28, $0x1;
	[dreg:$0x2] =	wrdreg s2  }
0xa9: {  	[dreg:$0x3] =	wrdreg s4  }
0xaa: {  	[dreg:$0x4] =	wrdreg $0xC0  }
0xab: {  	_ =	task [dreg:s6], $0x5FFFF  }
0xac: {  	[dreg:$0x1] =	wrdreg $0xFFFFFFFF  }
0xad: {  	[dreg:$0x0] =	wrdreg $0x60  }
0xae: {  	[dreg:$0x2] =	wrdreg s24  }
0xaf: {  	[dreg:$0x3] =	wrdreg $0xAC000  }
0xb0: {  	[dreg:$0x4] =	wrdreg $0x9  }
0xb1: {  	_ =	task.clear_ibuf [dreg:s6], $0x5FFFF;
	_ =	strace $0x9000004C  }
0xb2: {  	s29 =	simm.s32 $0x9;
	_ =	strace $0x8000004E  }
0xb3: {  	_ =	swait.ge [sflag:s29], $0x1  }
0xb4: {  	[sflag:s29] =	ssyncadd.s32 $0xFFFFFFFF  }
0xb5: {  	_ =	strace $0x9000004E  }
0xb6: {  	_ =	sfence  }
0xb7: {  	s30 =	sld [smem:$0x0];
	_ =	sdelay $0x2  }
0xb8: {  	s31 =	sshll.u32 s1, $0xD;
	s1 =	sshrl.u32 s1, $0x2  }
0xb9: {  	s3 =	sand.u32 $0x4000, s31;
	s1 =	sadd.s32 s1, s30  }
0xba: {  	s0 =	sor.u32 s3, s0;
	s1 =	sshll.u32 s1, $0x11  }
0xbb: {  	s0 =	sor.u32 s1, s0  }
0xbc: {  	s0 =	sadd.s32 $0x8F2B, s0  }
0xbd: {  	[sflag:s0] =	ssyncadd.remote.s32 $0x1  }
0xbe: {  	_ =	sfence.sel $0xFFFF  }
0xbf: {  	[dreg:$0x0] =	wrdreg $0xFFFFFFFF;
	(pc) =	sbr.abs _section_cstart, $3  }
0xc0: {  	[dreg:$0x1] =	wrdreg $0xFFFFFFFF  }
0xc1: {  	_ =	task.clear_ibuf [dreg:s6], $0x2FFFF;
	_ =	strace $0x9FFFFFFF  }
0xc2: {  	(tm) =	ssettm $0x7FFFFFFF  }
0xc3: {  	_ =	shalt  }
tec
execute0_lowered:
.L_overlay_start_1:
0x0: {  	(tag) =	ssettag $0x1  }
0x1: {  	s0 =	srdreg.scid;
	s12 =	stileid.u32  }
0x2: {  	s1 =	rddreg [dreg:$0x0];
	s4 =	smul.u32 $0xFFFFFF64, s12  }
0x3: {  	s2 =	rddreg [dreg:$0x1];
	s3 =	simm.s32 $0x0;
	s7 =	smul.u32 $0x14000, s12  }
0x4: {  	s28 =	simm.s32 $0x0;
	s0 =	sand.u32 $0x1, s0;
	s8 =	smul.u32 $0xA8, s12  }
0x5: {  	[smem:$0x7FF] =	sst s3;
	s5 =	sadd.s32 $0x2A000, s1;
	s11 =	smul.u32 $0x50000, s12  }
0x6: {  	s13 =	sadd.s32 $0x2400, s1;
	s19 =	sshll.u32 s12, $0x6;
	s6 =	smul.u32 $0x140000, s0  }
0x7: {  	_ =	strace $0x8000004D;
	[dreg:$0x10] =	wrdreg s13;
	s14 =	ssub.s32 $0x2, s0  }
0x8: {  	s12 =	sor.u32 $0x1C0B, s19;
	s4 =	sadd.s32 $0xA80, s4;
	s10 =	sshrl.u32 s14, $0x1  }
0x9: {  	s17 =	sshrl.u32 s11, $0x2;
	s9 =	smul.u32 s0, s4;
	s4 =	sadd.s32 $0x40800, s1  }
0xa: {  	s6 =	sadd.s32 s7, s6;
	s0 =	smul.u32 $0xFFFFFF64, s0;
	s18 =	sadd.s32 s17, s2  }
0xb: {  	s6 =	sshrl.u32 s6, $0x3;
	[dreg:$0x14] =	wrdreg s18;
	s9 =	sadd.s32 s8, s9  }
0xc: {  	s1 =	sadd.s32 s6, s1;
	s6 =	ssub.s32 s14, s10;
	s20 =	sadd.s32 $0xA7, s0  }
0xd: {  	s8 =	sshll.u32 s9, $0x5;
	s21 =	sor.u32 $0x3, s9;
	[dreg:$0x3] =	wrdreg s20  }
0xe: {  	s23 =	sadd.s32 $0xE, s9;
	s13 =	sadd.s32 $0xD, s9;
	s29 =	sadd.s32 $0xC, s9  }
0xf: {  	s31 =	sadd.s32 $0xB, s9;
	s17 =	sadd.s32 $0x9, s9;
	s1 =	sadd.s32 $0x68800, s1  }
0x10: {  	s19 =	sadd.s32 $0x8, s9;
	s8 =	sand.u32 $0x1FFFFF80, s8;
	s22 =	sand.u32 $0xFFFFFF, s21  }
0x11: {  	s20 =	sadd.s32 $0x7, s9;
	s11 =	sand.u32 $0xFFFFFE, s23;
	s30 =	sand.u32 $0xFFFFFC, s29  }
0x12: {  	s25 =	sand.u32 $0xFFFFFD, s13;
	s18 =	sand.u32 $0xFFFFFD, s17;
	s13 =	sadd.s32 $0xA6, s0  }
0x13: {  	[dreg:$0x15] =	wrdreg s1;
	s15 =	sadd.s32 s5, s8;
	s8 =	sadd.s32 $0xA8, s0  }
0x14: {  	s10 =	sshll.u32 s22, $0x5;
	s24 =	sshll.u32 s11, $0x5;
	[dreg:$0x11] =	wrdreg s15  }
0x15: {  	s26 =	sshll.u32 s25, $0x5;
	s11 =	sand.u32 $0xFFFFFF, s31;
	[dreg:$0x4] =	wrdreg s10  }
0x16: {  	s22 =	sand.u32 $0xFFFFFF, s20;
	s31 =	smax.u32 s6, $0x1;
	[dreg:$0x5] =	wrdreg s24  }
0x17: {  	s16 =	sadd.s32 $0x20, s15;
	s7 =	sadd.s32 $0x40, s15;
	[dreg:$0x6] =	wrdreg s26  }
0x18: {  	s10 =	sshll.u32 s30, $0x5;
	s14 =	sshll.u32 s11, $0x5;
	[dreg:$0x16] =	wrdreg s31  }
0x19: {  	s11 =	sand.u32 $0xFFFFFC, s19;
	s23 =	sshll.u32 s22, $0x5;
	[dreg:$0x12] =	wrdreg s16  }
0x1a: {  	s24 =	sadd.s32 $0x6, s9;
	s26 =	sadd.s32 $0x5, s9;
	[dreg:$0x13] =	wrdreg s7  }
0x1b: {  	s19 =	simm.s32 $0x1;
	s22 =	simm.s32 $0x2;
	[dreg:$0x7] =	wrdreg s10  }
0x1c: {  	s7 =	sadd.s32 $0xA, s9;
	[dreg:$0x8] =	wrdreg s14;
	s10 =	sshll.u32 s18, $0x5  }
0x1d: {  	s21 =	sshll.u32 s11, $0x5;
	[dreg:$0xc] =	wrdreg s23;
	s25 =	sand.u32 $0xFFFFFE, s24  }
0x1e: {  	s11 =	sand.u32 $0xFFFFFD, s26;
	s9 =	sadd.s32 $0x4, s9;
	[dreg:$0xa] =	wrdreg s10  }
0x1f: {  	s18 =	simm.s32 $0xB;
	[dreg:$0xb] =	wrdreg s21;
	s10 =	sshll.u32 s25, $0x5  }
0x20: {  	s15 =	sand.u32 $0xFFFFFE, s7;
	s29 =	sshll.u32 s11, $0x5;
	[dreg:$0xd] =	wrdreg s10  }
0x21: {  	s9 =	sand.u32 $0xFFFFFC, s9;
	s16 =	sshll.u32 s15, $0x5;
	[dreg:$0xe] =	wrdreg s29  }
0x22: {  	s24 =	simm.s32 $0x8;
	s30 =	sshll.u32 s9, $0x5;
	[dreg:$0x9] =	wrdreg s16  }
0x23: {  	s26 =	simm.s32 $0xA;
	s25 =	simm.s32 $0x9;
	[dreg:$0xf] =	wrdreg s30  }
.LBB2_1:
0x24: {  	s0 =	rddreg [dreg:$0x11]  }
0x25: {  	s11 =	rddreg [dreg:$0x12]  }
0x26: {  	s14 =	rddreg [dreg:$0x13]  }
0x27: {  	[tilespmem:s3], [sflag:$0x1] =	stream.linear.gather [hbm4b:s0+s3], $0x100, $0x38;
	[tilespmem:$0x1EC00] =	vst v63  }
0x28: {  	s1 =	simm.s32 $0x100;
	s15 =	rddreg [dreg:$0x14]  }
0x29: {  	[tilespmem:s1], [sflag:$0x2] =	stream.linear.gather [hbm4b:s11+s3], $0x100, $0x38;
	[tilespmem:$0x1EC00] =	vst v63  }
0x2a: {  	s6 =	simm.s32 $0x200;
	s16 =	rddreg [dreg:$0x10];
	s29 =	sshrl.u32 s15, $0x3  }
0x2b: {  	[tilespmem:s6], [sflag:$0x3] =	stream.linear.gather [hbm4b:s14+s3], $0x100, $0x38;
	[tilespmem:$0x1EC00] =	vst v63  }
0x2c: {  	[spmem:s29], [sflag:s12] =	dma.local [hbm:s16], $0x2800  }
0x2d: {  	_ =	swait.ge [sflag:s18], $0x2800  }
0x2e: {  	[sflag:s18] =	ssyncset.done $0x0  }
0x2f: {  	[sflag:s18] =	ssyncadd.s32 $0xFFFFD800  }
0x30: {  	_ =	swait.ge [sflag:s19], $0x100  }
0x31: {  	[sflag:s19] =	ssyncset.done $0x0  }
0x32: {  	s17 =	simm.s32 $0x70;
	s20 =	simm.s32 $0x400;
	[sflag:s19] =	ssyncadd.s32 $0xFFFFFF00  }
0x33: {  	[tilespmem:s20], [sflag:$0x5] =	stream.indirect.gather [hbm4b:s4+s17], $0x80, s3, s17, $0xb8;
	[tilespmem:$0x1EC00] =	vst v63  }
0x34: {  	p0 =	por $0x1, $0x1;
	_ =	swait.ge [sflag:s22], $0x100  }
0x35: {  	p1 =	sle.u32 @!p0 s13, $0x0;
	[sflag:s22] =	ssyncset.done $0x0  }
0x36: {  	s21 =	simm.s32 $0x3C00;
	p1 =	por p1, p0;
	[sflag:s22] =	ssyncadd.s32 $0xFFFFFF00  }
0x37: {  	[tilespmem:s21], [sflag:$0x6] =	stream.indirect.gather [hbm4b:s4+s17], $0x80, s1, s17, $0xb8;
	[tilespmem:$0x1EC00] =	vst v63  }
0x38: {  	p3 =	sle.u32 s13, $0x0;
	s0 =	simm.s32 @!p1 $0xA;
	[bflag:$0x0] =	sbarrier.arrive $0xFFFF  }
0x39: {  	s9 =	simm.s32 @!p3 $0x3;
	p0 =	sle.u32 s8, $0x3;
	_ =	swait.ge @!p1 [sflag:s0], $0x3800  }
0x3a: {  	s6 =	simm.s32 @!p0 $0x300;
	s1 =	rddreg [dreg:$0x4];
	[sflag:s0] =	ssyncset.done @!p1 $0x0  }
0x3b: {  	[sflag:s0] =	ssyncadd.s32 @!p1 $0xFFFFC800;
	s0 =	simm.s32 @!p0 $0x0;
	s1 =	sadd.s32 @!p0 s5, s1  }
0x3c: {  	[tilespmem:s6], [sflag:$0x4] =	stream.linear.gather @!p0 [hbm4b:s1+s0], $0x100, $0x38;
	[tilespmem:$0x1EC00] =	vst v63  }
0x3d: {  	s10 =	simm.s32 @!p3 $0x200;
	_ =	swait.ge @!p3 [sflag:s9], $0x100  }
0x3e: {  	p1 =	sle.u32 s8, $0x0;
	s0 =	simm.s32 @!p3 $0x7400;
	[sflag:s9] =	ssyncset.done @!p3 $0x0  }
0x3f: {  	s1 =	simm.s32 @!p3 $0x70;
	[sflag:s9] =	ssyncadd.s32 @!p3 $0xFFFFFF00;
	s9 =	simm.s32 @!p1 $0x5  }
0x40: {  	[tilespmem:s0], [sflag:$0x7] =	stream.indirect.gather @!p3 [hbm4b:s4+s1], $0x80, s10, s1, $0xb8;
	[tilespmem:$0x1EC00] =	vst v63  }
0x41: {  	_ =	swait.ge @!p1 [sflag:s9], $0x3800  }
0x42: {  	s11 =	simm.s32 @!p1 $0x70;
	s14 =	simm.s32 @!p1 $0x80;
	[sflag:s9] =	ssyncset.done @!p1 $0x0  }
0x43: {  	s10 =	simm.s32 @!p1 $0x400;
	[sflag:s9] =	ssyncadd.s32 @!p1 $0xFFFFC800;
	s9 =	simm.s32 @!p0 $0x8  }
0x44: {  	[spmem:s2] =	stream.indirect.scatter.add.f32 @!p1 [tilespmem:s10], [sflag:$0x8], $0x80, s14, s11, $0xb8;
	[tilespmem:$0x1EC00] =	vst v63  }
0x45: {  	p1 =	sle.u32 s8, $0x4;
	_ =	swait.ge @!p0 [sflag:s9], $0x3800  }
0x46: {  	s11 =	simm.s32 @!p0 $0x4;
	s10 =	rddreg [dreg:$0xf];
	[sflag:s9] =	ssyncset.done @!p0 $0x0  }
0x47: {  	[sflag:s9] =	ssyncadd.s32 @!p0 $0xFFFFC800;
	s9 =	simm.s32 @!p1 $0x0;
	s10 =	sadd.s32 @!p1 s5, s10  }
0x48: {  	[tilespmem:s9], [sflag:$0x1] =	stream.linear.gather @!p1 [hbm4b:s10+s9], $0x100, $0x38;
	[tilespmem:$0x1EC00] =	vst v63  }
0x49: {  	_ =	swait.ge @!p0 [sflag:s11], $0x100  }
0x4a: {  	s14 =	simm.s32 @!p0 $0x400;
	[sflag:s11] =	ssyncset.done @!p0 $0x0;
	s23 =	rddreg [dreg:$0x3]  }
0x4b: {  	[sflag:s11] =	ssyncadd.s32 @!p0 $0xFFFFFF00;
	s11 =	simm.s32 @!p0 $0x70;
	p2 =	sle.u32 s23, $0x0  }
0x4c: {  	[tilespmem:s14], [sflag:$0x5] =	stream.indirect.gather @!p0 [hbm4b:s4+s11], $0x80, s6, s11, $0xb8;
	[tilespmem:$0x1EC00] =	vst v63  }
0x4d: {  	s6 =	simm.s32 @!p2 $0x6  }
0x4e: {  	_ =	swait.ge @!p2 [sflag:s6], $0x3800  }
0x4f: {  	s10 =	simm.s32 @!p2 $0x3C00;
	[sflag:s6] =	ssyncset.done @!p2 $0x0  }
0x50: {  	s16 =	simm.s32 @!p2 $0x70;
	[sflag:s6] =	ssyncadd.s32 @!p2 $0xFFFFC800;
	s6 =	simm.s32 @!p2 $0x180  }
0x51: {  	[spmem:s2] =	stream.indirect.scatter.add.f32 @!p2 [tilespmem:s10], [sflag:$0x9], $0x80, s6, s16, $0xb8;
	[tilespmem:$0x1EC00] =	vst v63  }
0x52: {  	s6 =	simm.s32 @!p1 $0x9  }
0x53: {  	p2 =	sle.u32 s8, $0x5;
	_ =	swait.ge @!p1 [sflag:s6], $0x3800  }
0x54: {  	s16 =	simm.s32 @!p2 $0x100;
	s10 =	rddreg [dreg:$0xe];
	[sflag:s6] =	ssyncset.done @!p1 $0x0  }
0x55: {  	[sflag:s6] =	ssyncadd.s32 @!p1 $0xFFFFC800;
	s6 =	simm.s32 @!p2 $0x0;
	s10 =	sadd.s32 @!p2 s5, s10  }
0x56: {  	[tilespmem:s16], [sflag:$0x2] =	stream.linear.gather @!p2 [hbm4b:s10+s6], $0x100, $0x38;
	[tilespmem:$0x1EC00] =	vst v63  }
0x57: {  	s6 =	simm.s32 @!p1 $0x1  }
0x58: {  	_ =	swait.ge @!p1 [sflag:s6], $0x100  }
0x59: {  	[sflag:s6] =	ssyncset.done @!p1 $0x0  }
0x5a: {  	s10 =	simm.s32 @!p1 $0x70;
	[sflag:s6] =	ssyncadd.s32 @!p1 $0xFFFFFF00;
	s6 =	simm.s32 @!p1 $0x3C00  }
0x5b: {  	[tilespmem:s6], [sflag:$0x6] =	stream.indirect.gather @!p1 [hbm4b:s4+s10], $0x80, s9, s10, $0xb8;
	[tilespmem:$0x1EC00] =	vst v63  }
0x5c: {  	s9 =	simm.s32 @!p3 $0x7  }
0x5d: {  	_ =	swait.ge @!p3 [sflag:s9], $0x3800  }
0x5e: {  	[sflag:s9] =	ssyncset.done @!p3 $0x0  }
0x5f: {  	[sflag:s9] =	ssyncadd.s32 @!p3 $0xFFFFC800;
	s9 =	simm.s32 @!p3 $0x280  }
0x60: {  	[spmem:s2] =	stream.indirect.scatter.add.f32 @!p3 [tilespmem:s0], [sflag:$0xA], $0x80, s9, s1, $0xb8;
	[tilespmem:$0x1EC00] =	vst v63  }
0x61: {  	s0 =	simm.s32 @!p2 $0xA  }
0x62: {  	p3 =	sle.u32 s8, $0x6;
	_ =	swait.ge @!p2 [sflag:s0], $0x3800  }
0x63: {  	s9 =	simm.s32 @!p3 $0x200;
	s1 =	rddreg [dreg:$0xd];
	[sflag:s0] =	ssyncset.done @!p2 $0x0  }
0x64: {  	[sflag:s0] =	ssyncadd.s32 @!p2 $0xFFFFC800;
	s0 =	simm.s32 @!p3 $0x0;
	s1 =	sadd.s32 @!p3 s5, s1  }
0x65: {  	[tilespmem:s9], [sflag:$0x3] =	stream.linear.gather @!p3 [hbm4b:s1+s0], $0x100, $0x38;
	[tilespmem:$0x1EC00] =	vst v63  }
0x66: {  	s0 =	simm.s32 @!p2 $0x2  }
0x67: {  	_ =	swait.ge @!p2 [sflag:s0], $0x100  }
0x68: {  	[sflag:s0] =	ssyncset.done @!p2 $0x0  }
0x69: {  	s1 =	simm.s32 @!p2 $0x70;
	[sflag:s0] =	ssyncadd.s32 @!p2 $0xFFFFFF00;
	s0 =	simm.s32 @!p2 $0x7400  }
0x6a: {  	[tilespmem:s0], [sflag:$0x7] =	stream.indirect.gather @!p2 [hbm4b:s4+s1], $0x80, s16, s1, $0xb8;
	[tilespmem:$0x1EC00] =	vst v63  }
0x6b: {  	s16 =	simm.s32 @!p0 $0x5  }
0x6c: {  	_ =	swait.ge @!p0 [sflag:s16], $0x3800  }
0x6d: {  	[sflag:s16] =	ssyncset.done @!p0 $0x0  }
0x6e: {  	[sflag:s16] =	ssyncadd.s32 @!p0 $0xFFFFC800;
	s16 =	simm.s32 @!p0 $0x380  }
0x6f: {  	[spmem:s2] =	stream.indirect.scatter.add.f32 @!p0 [tilespmem:s14], [sflag:$0x8], $0x80, s16, s11, $0xb8;
	[tilespmem:$0x1EC00] =	vst v63  }
0x70: {  	s11 =	simm.s32 @!p3 $0x8  }
0x71: {  	p4 =	sle.u32 s8, $0x7;
	_ =	swait.ge @!p3 [sflag:s11], $0x3800  }
0x72: {  	s16 =	simm.s32 @!p4 $0x300;
	s14 =	rddreg [dreg:$0xc];
	[sflag:s11] =	ssyncset.done @!p3 $0x0  }
0x73: {  	[sflag:s11] =	ssyncadd.s32 @!p3 $0xFFFFC800;
	s11 =	simm.s32 @!p4 $0x0;
	s14 =	sadd.s32 @!p4 s5, s14  }
0x74: {  	[tilespmem:s16], [sflag:$0x4] =	stream.linear.gather @!p4 [hbm4b:s14+s11], $0x100, $0x38;
	[tilespmem:$0x1EC00] =	vst v63  }
0x75: {  	s11 =	simm.s32 @!p3 $0x3  }
0x76: {  	_ =	swait.ge @!p3 [sflag:s11], $0x100  }
0x77: {  	[sflag:s11] =	ssyncset.done @!p3 $0x0  }
0x78: {  	s14 =	simm.s32 @!p3 $0x70;
	[sflag:s11] =	ssyncadd.s32 @!p3 $0xFFFFFF00;
	s11 =	simm.s32 @!p3 $0x400  }
0x79: {  	[tilespmem:s11], [sflag:$0x5] =	stream.indirect.gather @!p3 [hbm4b:s4+s14], $0x80, s9, s14, $0xb8;
	[tilespmem:$0x1EC00] =	vst v63  }
0x7a: {  	s9 =	simm.s32 @!p1 $0x6  }
0x7b: {  	_ =	swait.ge @!p1 [sflag:s9], $0x3800  }
0x7c: {  	[sflag:s9] =	ssyncset.done @!p1 $0x0  }
0x7d: {  	[sflag:s9] =	ssyncadd.s32 @!p1 $0xFFFFC800;
	s9 =	simm.s32 @!p1 $0x80  }
0x7e: {  	[spmem:s2] =	stream.indirect.scatter.add.f32 @!p1 [tilespmem:s6], [sflag:$0x9], $0x80, s9, s10, $0xb8;
	[tilespmem:$0x1EC00] =	vst v63  }
0x7f: {  	s6 =	simm.s32 @!p4 $0x9  }
0x80: {  	p5 =	sle.u32 s8, $0x8;
	_ =	swait.ge @!p4 [sflag:s6], $0x3800  }
0x81: {  	s10 =	simm.s32 @!p4 $0x4;
	s9 =	rddreg [dreg:$0xb];
	[sflag:s6] =	ssyncset.done @!p4 $0x0  }
0x82: {  	[sflag:s6] =	ssyncadd.s32 @!p4 $0xFFFFC800;
	s6 =	simm.s32 @!p5 $0x0;
	s9 =	sadd.s32 @!p5 s5, s9  }
0x83: {  	[tilespmem:s6], [sflag:$0x1] =	stream.linear.gather @!p5 [hbm4b:s9+s6], $0x100, $0x38;
	[tilespmem:$0x1EC00] =	vst v63  }
0x84: {  	_ =	swait.ge @!p4 [sflag:s10], $0x100  }
0x85: {  	[sflag:s10] =	ssyncset.done @!p4 $0x0  }
0x86: {  	s9 =	simm.s32 @!p4 $0x70;
	[sflag:s10] =	ssyncadd.s32 @!p4 $0xFFFFFF00;
	s10 =	simm.s32 @!p4 $0x3C00  }
0x87: {  	[tilespmem:s10], [sflag:$0x6] =	stream.indirect.gather @!p4 [hbm4b:s4+s9], $0x80, s16, s9, $0xb8;
	[tilespmem:$0x1EC00] =	vst v63  }
0x88: {  	s16 =	simm.s32 @!p2 $0x7  }
0x89: {  	_ =	swait.ge @!p2 [sflag:s16], $0x3800  }
0x8a: {  	[sflag:s16] =	ssyncset.done @!p2 $0x0  }
0x8b: {  	[sflag:s16] =	ssyncadd.s32 @!p2 $0xFFFFC800;
	s16 =	simm.s32 @!p2 $0x180  }
0x8c: {  	[spmem:s2] =	stream.indirect.scatter.add.f32 @!p2 [tilespmem:s0], [sflag:$0xA], $0x80, s16, s1, $0xb8;
	[tilespmem:$0x1EC00] =	vst v63  }
0x8d: {  	s0 =	simm.s32 @!p5 $0xA  }
0x8e: {  	p2 =	sle.u32 s8, $0x9;
	_ =	swait.ge @!p5 [sflag:s0], $0x3800  }
0x8f: {  	s16 =	simm.s32 @!p2 $0x100;
	s1 =	rddreg [dreg:$0xa];
	[sflag:s0] =	ssyncset.done @!p5 $0x0  }
0x90: {  	[sflag:s0] =	ssyncadd.s32 @!p5 $0xFFFFC800;
	s0 =	simm.s32 @!p2 $0x0;
	s1 =	sadd.s32 @!p2 s5, s1  }
0x91: {  	[tilespmem:s16], [sflag:$0x2] =	stream.linear.gather @!p2 [hbm4b:s1+s0], $0x100, $0x38;
	[tilespmem:$0x1EC00] =	vst v63  }
0x92: {  	s0 =	simm.s32 @!p5 $0x1  }
0x93: {  	_ =	swait.ge @!p5 [sflag:s0], $0x100  }
0x94: {  	[sflag:s0] =	ssyncset.done @!p5 $0x0  }
0x95: {  	s1 =	simm.s32 @!p5 $0x70;
	[sflag:s0] =	ssyncadd.s32 @!p5 $0xFFFFFF00;
	s0 =	simm.s32 @!p5 $0x7400  }
0x96: {  	[tilespmem:s0], [sflag:$0x7] =	stream.indirect.gather @!p5 [hbm4b:s4+s1], $0x80, s6, s1, $0xb8;
	[tilespmem:$0x1EC00] =	vst v63  }
0x97: {  	s6 =	simm.s32 @!p3 $0x5  }
0x98: {  	_ =	swait.ge @!p3 [sflag:s6], $0x3800  }
0x99: {  	[sflag:s6] =	ssyncset.done @!p3 $0x0  }
0x9a: {  	[sflag:s6] =	ssyncadd.s32 @!p3 $0xFFFFC800;
	s6 =	simm.s32 @!p3 $0x280  }
0x9b: {  	[spmem:s2] =	stream.indirect.scatter.add.f32 @!p3 [tilespmem:s11], [sflag:$0x8], $0x80, s6, s14, $0xb8;
	[tilespmem:$0x1EC00] =	vst v63  }
0x9c: {  	s6 =	simm.s32 @!p2 $0x8  }
0x9d: {  	p0 =	sle.u32 s8, $0xA;
	_ =	swait.ge @!p2 [sflag:s6], $0x3800  }
0x9e: {  	s14 =	simm.s32 @!p0 $0x200;
	s11 =	rddreg [dreg:$0x9];
	[sflag:s6] =	ssyncset.done @!p2 $0x0  }
0x9f: {  	[sflag:s6] =	ssyncadd.s32 @!p2 $0xFFFFC800;
	s6 =	simm.s32 @!p0 $0x0;
	s11 =	sadd.s32 @!p0 s5, s11  }
0xa0: {  	[tilespmem:s14], [sflag:$0x3] =	stream.linear.gather @!p0 [hbm4b:s11+s6], $0x100, $0x38;
	[tilespmem:$0x1EC00] =	vst v63  }
0xa1: {  	s6 =	simm.s32 @!p2 $0x2  }
0xa2: {  	_ =	swait.ge @!p2 [sflag:s6], $0x100  }
0xa3: {  	[sflag:s6] =	ssyncset.done @!p2 $0x0  }
0xa4: {  	s11 =	simm.s32 @!p2 $0x70;
	[sflag:s6] =	ssyncadd.s32 @!p2 $0xFFFFFF00;
	s6 =	simm.s32 @!p2 $0x400  }
0xa5: {  	[tilespmem:s6], [sflag:$0x5] =	stream.indirect.gather @!p2 [hbm4b:s4+s11], $0x80, s16, s11, $0xb8;
	[tilespmem:$0x1EC00] =	vst v63  }
0xa6: {  	s16 =	simm.s32 @!p4 $0x6  }
0xa7: {  	_ =	swait.ge @!p4 [sflag:s16], $0x3800  }
0xa8: {  	[sflag:s16] =	ssyncset.done @!p4 $0x0  }
0xa9: {  	[sflag:s16] =	ssyncadd.s32 @!p4 $0xFFFFC800;
	s16 =	simm.s32 @!p4 $0x380  }
0xaa: {  	[spmem:s2] =	stream.indirect.scatter.add.f32 @!p4 [tilespmem:s10], [sflag:$0x9], $0x80, s16, s9, $0xb8;
	[tilespmem:$0x1EC00] =	vst v63  }
0xab: {  	s9 =	simm.s32 @!p0 $0x9  }
0xac: {  	p1 =	sle.u32 s8, $0xB;
	_ =	swait.ge @!p0 [sflag:s9], $0x3800  }
0xad: {  	s16 =	simm.s32 @!p1 $0x300;
	s10 =	rddreg [dreg:$0x8];
	[sflag:s9] =	ssyncset.done @!p0 $0x0  }
0xae: {  	[sflag:s9] =	ssyncadd.s32 @!p0 $0xFFFFC800;
	s9 =	simm.s32 @!p1 $0x0;
	s10 =	sadd.s32 @!p1 s5, s10  }
0xaf: {  	[tilespmem:s16], [sflag:$0x4] =	stream.linear.gather @!p1 [hbm4b:s10+s9], $0x100, $0x38;
	[tilespmem:$0x1EC00] =	vst v63  }
0xb0: {  	s9 =	simm.s32 @!p0 $0x3  }
0xb1: {  	_ =	swait.ge @!p0 [sflag:s9], $0x100  }
0xb2: {  	[sflag:s9] =	ssyncset.done @!p0 $0x0  }
0xb3: {  	s10 =	simm.s32 @!p0 $0x70;
	[sflag:s9] =	ssyncadd.s32 @!p0 $0xFFFFFF00;
	s9 =	simm.s32 @!p0 $0x3C00  }
0xb4: {  	[tilespmem:s9], [sflag:$0x6] =	stream.indirect.gather @!p0 [hbm4b:s4+s10], $0x80, s14, s10, $0xb8;
	[tilespmem:$0x1EC00] =	vst v63  }
0xb5: {  	s14 =	simm.s32 @!p5 $0x7  }
0xb6: {  	_ =	swait.ge @!p5 [sflag:s14], $0x3800  }
0xb7: {  	[sflag:s14] =	ssyncset.done @!p5 $0x0  }
0xb8: {  	[sflag:s14] =	ssyncadd.s32 @!p5 $0xFFFFC800;
	s14 =	simm.s32 @!p5 $0x80  }
0xb9: {  	[spmem:s2] =	stream.indirect.scatter.add.f32 @!p5 [tilespmem:s0], [sflag:$0xA], $0x80, s14, s1, $0xb8;
	[tilespmem:$0x1EC00] =	vst v63  }
0xba: {  	s0 =	simm.s32 @!p1 $0xA  }
0xbb: {  	p3 =	sle.u32 s8, $0xC;
	_ =	swait.ge @!p1 [sflag:s0], $0x3800  }
0xbc: {  	s14 =	simm.s32 @!p1 $0x4;
	s1 =	rddreg [dreg:$0x7];
	[sflag:s0] =	ssyncset.done @!p1 $0x0  }
0xbd: {  	[sflag:s0] =	ssyncadd.s32 @!p1 $0xFFFFC800;
	s0 =	simm.s32 @!p3 $0x0;
	s1 =	sadd.s32 @!p3 s5, s1  }
0xbe: {  	[tilespmem:s0], [sflag:$0x1] =	stream.linear.gather @!p3 [hbm4b:s1+s0], $0x100, $0x38;
	[tilespmem:$0x1EC00] =	vst v63  }
0xbf: {  	_ =	swait.ge @!p1 [sflag:s14], $0x100  }
0xc0: {  	s21 =	simm.s32 @!p1 $0x70;
	[sflag:s14] =	ssyncset.done @!p1 $0x0  }
0xc1: {  	s23 =	simm.s32 @!p1 $0x7400;
	s1 =	simm.s32 @!p2 $0x5;
	[sflag:s14] =	ssyncadd.s32 @!p1 $0xFFFFFF00  }
0xc2: {  	[tilespmem:s23], [sflag:$0x7] =	stream.indirect.gather @!p1 [hbm4b:s4+s21], $0x80, s16, s21, $0xb8;
	[tilespmem:$0x1EC00] =	vst v63  }
0xc3: {  	_ =	swait.ge @!p2 [sflag:s1], $0x3800  }
0xc4: {  	[sflag:s1] =	ssyncset.done @!p2 $0x0  }
0xc5: {  	[sflag:s1] =	ssyncadd.s32 @!p2 $0xFFFFC800;
	s1 =	simm.s32 @!p2 $0x180  }
0xc6: {  	[spmem:s2] =	stream.indirect.scatter.add.f32 @!p2 [tilespmem:s6], [sflag:$0x8], $0x80, s1, s11, $0xb8;
	[tilespmem:$0x1EC00] =	vst v63  }
0xc7: {  	s1 =	simm.s32 @!p3 $0x8  }
0xc8: {  	p2 =	sle.u32 s8, $0xD;
	_ =	swait.ge @!p3 [sflag:s1], $0x3800  }
0xc9: {  	s11 =	simm.s32 @!p2 $0x100;
	s6 =	rddreg [dreg:$0x6];
	[sflag:s1] =	ssyncset.done @!p3 $0x0  }
0xca: {  	[sflag:s1] =	ssyncadd.s32 @!p3 $0xFFFFC800;
	s1 =	simm.s32 @!p2 $0x0;
	s6 =	sadd.s32 @!p2 s5, s6  }
0xcb: {  	[tilespmem:s11], [sflag:$0x2] =	stream.linear.gather @!p2 [hbm4b:s6+s1], $0x100, $0x38;
	[tilespmem:$0x1EC00] =	vst v63  }
0xcc: {  	s1 =	simm.s32 @!p3 $0x1  }
0xcd: {  	_ =	swait.ge @!p3 [sflag:s1], $0x100  }
0xce: {  	[sflag:s1] =	ssyncset.done @!p3 $0x0  }
0xcf: {  	s6 =	simm.s32 @!p3 $0x70;
	[sflag:s1] =	ssyncadd.s32 @!p3 $0xFFFFFF00;
	s1 =	simm.s32 @!p3 $0x400  }
0xd0: {  	[tilespmem:s1], [sflag:$0x5] =	stream.indirect.gather @!p3 [hbm4b:s4+s6], $0x80, s0, s6, $0xb8;
	[tilespmem:$0x1EC00] =	vst v63  }
0xd1: {  	s0 =	simm.s32 @!p0 $0x6  }
0xd2: {  	_ =	swait.ge @!p0 [sflag:s0], $0x3800  }
0xd3: {  	[sflag:s0] =	ssyncset.done @!p0 $0x0  }
0xd4: {  	s1 =	simm.s32 @!p0 $0x280;
	[sflag:s0] =	ssyncadd.s32 @!p0 $0xFFFFC800;
	s0 =	simm.s32 @!p2 $0x9  }
0xd5: {  	[spmem:s2] =	stream.indirect.scatter.add.f32 @!p0 [tilespmem:s9], [sflag:$0x9], $0x80, s1, s10, $0xb8;
	[tilespmem:$0x1EC00] =	vst v63  }
0xd6: {  	p0 =	sle.u32 s8, $0xE;
	s9 =	simm.s32 @!p2 $0x2;
	_ =	swait.ge @!p2 [sflag:s0], $0x3800  }
0xd7: {  	s6 =	simm.s32 @!p0 $0x200;
	s1 =	rddreg [dreg:$0x5];
	[sflag:s0] =	ssyncset.done @!p2 $0x0  }
0xd8: {  	[sflag:s0] =	ssyncadd.s32 @!p2 $0xFFFFC800;
	s0 =	simm.s32 @!p0 $0x0;
	s1 =	sadd.s32 @!p0 s5, s1  }
0xd9: {  	[tilespmem:s6], [sflag:$0x3] =	stream.linear.gather @!p0 [hbm4b:s1+s0], $0x100, $0x38;
	[tilespmem:$0x1EC00] =	vst v63  }
0xda: {  	s30 =	simm.s32 $0xC;
	s31 =	sadd.s32 $0x180, s5;
	_ =	swait.ge @!p2 [sflag:s9], $0x100  }
0xdb: {  	s0 =	simm.s32 $0x18;
	s1 =	simm.s32 @!p2 $0x3C00;
	[sflag:s9] =	ssyncset.done @!p2 $0x0  }
0xdc: {  	p0 =	por $0x0, $0x0;
	s6 =	simm.s32 @!p2 $0x70;
	[sflag:s9] =	ssyncadd.s32 @!p2 $0xFFFFFF00  }
0xdd: {  	[tilespmem:s1], [sflag:$0x6] =	stream.indirect.gather @!p2 [hbm4b:s4+s6], $0x80, s11, s6, $0xb8;
	[tilespmem:$0x1EC00] =	vst v63  }
0xde: {  	p3 =	sle.u32 @!p0 s13, $0xC;
	s9 =	simm.s32 @!p1 $0x7;
	s6 =	simm.s32 @!p1 $0x380  }
0xdf: {  	p2 =	por p3, p0;
	s1 =	simm.s32 $0x18;
	_ =	swait.ge @!p1 [sflag:s9], $0x3800  }
.LBB2_2:
0xe0: {  	[sflag:s9] =	ssyncset.done @!p1 $0x0  }
0xe1: {  	[sflag:s9] =	ssyncadd.s32 @!p1 $0xFFFFC800  }
0xe2: {  	[spmem:s2] =	stream.indirect.scatter.add.f32 @!p1 [tilespmem:s23], [sflag:$0xA], $0x80, s6, s21, $0xb8;
	[tilespmem:$0x1EC00] =	vst v63  }
0xe3: {  	s10 =	simm.s32 @!p2 $0xA;
	p4 =	sge.u32 s30, s13;
	s23 =	sadd.s32 $0x3, s30  }
0xe4: {  	s11 =	simm.s32 @!p4 $0x3;
	_ =	swait.ge @!p2 [sflag:s10], $0x3800;
	p1 =	sge.u32 s23, s8  }
0xe5: {  	[sflag:s10] =	ssyncset.done @!p2 $0x0;
	s9 =	rddreg [dreg:$0x4];
	s6 =	simm.s32 @!p1 $0x0  }
0xe6: {  	[sflag:s10] =	ssyncadd.s32 @!p2 $0xFFFFC800;
	s10 =	simm.s32 @!p1 $0x300;
	s9 =	sadd.s32 @!p1 s31, s9  }
0xe7: {  	[tilespmem:s10], [sflag:$0x4] =	stream.linear.gather @!p1 [hbm4b:s9+s6], $0x100, $0x38;
	[tilespmem:$0x1EC00] =	vst v63  }
0xe8: {  	s21 =	simm.s32 @!p4 $0x70;
	_ =	swait.ge @!p4 [sflag:s11], $0x100  }
0xe9: {  	p2 =	sge.u32 s30, s8;
	s6 =	simm.s32 @!p4 $0x7400;
	[sflag:s11] =	ssyncset.done @!p4 $0x0  }
0xea: {  	s9 =	simm.s32 @!p4 $0x200;
	[sflag:s11] =	ssyncadd.s32 @!p4 $0xFFFFFF00;
	s11 =	simm.s32 @!p2 $0x5  }
0xeb: {  	[tilespmem:s6], [sflag:$0x7] =	stream.indirect.gather @!p4 [hbm4b:s4+s21], $0x80, s9, s21, $0xb8;
	[tilespmem:$0x1EC00] =	vst v63  }
0xec: {  	s7 =	sadd.s32 $0x4, s30;
	_ =	swait.ge @!p2 [sflag:s11], $0x3800  }
0xed: {  	s14 =	simm.s32 @!p2 $0x70;
	s16 =	simm.s32 @!p2 $0x80;
	[sflag:s11] =	ssyncset.done @!p2 $0x0  }
0xee: {  	s9 =	simm.s32 @!p2 $0x400;
	[sflag:s11] =	ssyncadd.s32 @!p2 $0xFFFFC800;
	s11 =	simm.s32 @!p1 $0x8  }
0xef: {  	[spmem:s2] =	stream.indirect.scatter.add.f32 @!p2 [tilespmem:s9], [sflag:$0x8], $0x80, s16, s14, $0xb8;
	[tilespmem:$0x1EC00] =	vst v63  }
0xf0: {  	p2 =	sge.u32 s7, s8;
	_ =	swait.ge @!p1 [sflag:s11], $0x3800  }
0xf1: {  	s16 =	simm.s32 @!p2 $0x0;
	[sflag:s11] =	ssyncset.done @!p1 $0x0;
	s14 =	rddreg [dreg:$0xf]  }
0xf2: {  	[sflag:s11] =	ssyncadd.s32 @!p1 $0xFFFFC800;
	s9 =	sadd.s32 @!p2 s31, s14;
	s11 =	simm.s32 @!p1 $0x4  }
0xf3: {  	[tilespmem:s16], [sflag:$0x1] =	stream.linear.gather @!p2 [hbm4b:s9+s16], $0x100, $0x38;
	[tilespmem:$0x1EC00] =	vst v63  }
0xf4: {  	_ =	swait.ge @!p1 [sflag:s11], $0x100  }
0xf5: {  	s23 =	simm.s32 @!p1 $0x70;
	[sflag:s11] =	ssyncset.done @!p1 $0x0;
	s15 =	rddreg [dreg:$0x3]  }
0xf6: {  	s9 =	simm.s32 @!p1 $0x400;
	[sflag:s11] =	ssyncadd.s32 @!p1 $0xFFFFFF00;
	p3 =	sge.u32 s30, s15  }
0xf7: {  	[tilespmem:s9], [sflag:$0x5] =	stream.indirect.gather @!p1 [hbm4b:s4+s23], $0x80, s10, s23, $0xb8;
	[tilespmem:$0x1EC00] =	vst v63  }
0xf8: {  	s10 =	simm.s32 @!p3 $0x6  }
0xf9: {  	_ =	swait.ge @!p3 [sflag:s10], $0x3800  }
0xfa: {  	s11 =	simm.s32 @!p3 $0x3C00;
	s14 =	simm.s32 @!p3 $0x70;
	[sflag:s10] =	ssyncset.done @!p3 $0x0  }
0xfb: {  	s20 =	simm.s32 @!p3 $0x180;
	[sflag:s10] =	ssyncadd.s32 @!p3 $0xFFFFC800;
	s10 =	simm.s32 @!p2 $0x9  }
0xfc: {  	[spmem:s2] =	stream.indirect.scatter.add.f32 @!p3 [tilespmem:s11], [sflag:$0x9], $0x80, s20, s14, $0xb8;
	[tilespmem:$0x1EC00] =	vst v63  }
0xfd: {  	s20 =	sadd.s32 $0x5, s30;
	_ =	swait.ge @!p2 [sflag:s10], $0x3800  }
0xfe: {  	p3 =	sge.u32 s20, s8;
	[sflag:s10] =	ssyncset.done @!p2 $0x0  }
0xff: {  	s14 =	rddreg [dreg:$0xe];
	s15 =	simm.s32 @!p3 $0x100;
	[sflag:s10] =	ssyncadd.s32 @!p2 $0xFFFFC800  }
0x100: {  	s10 =	simm.s32 @!p3 $0x0;
	s11 =	sadd.s32 @!p3 s31, s14;
	s14 =	simm.s32 @!p2 $0x1  }
0x101: {  	[tilespmem:s15], [sflag:$0x2] =	stream.linear.gather @!p3 [hbm4b:s11+s10], $0x100, $0x38;
	[tilespmem:$0x1EC00] =	vst v63  }
0x102: {  	_ =	swait.ge @!p2 [sflag:s14], $0x100  }
0x103: {  	s10 =	simm.s32 @!p2 $0x70;
	[sflag:s14] =	ssyncset.done @!p2 $0x0  }
0x104: {  	s11 =	simm.s32 @!p2 $0x3C00;
	[sflag:s14] =	ssyncadd.s32 @!p2 $0xFFFFFF00;
	s14 =	simm.s32 @!p4 $0x7  }
0x105: {  	[tilespmem:s11], [sflag:$0x6] =	stream.indirect.gather @!p2 [hbm4b:s4+s10], $0x80, s16, s10, $0xb8;
	[tilespmem:$0x1EC00] =	vst v63  }
0x106: {  	_ =	swait.ge @!p4 [sflag:s14], $0x3800  }
0x107: {  	[sflag:s14] =	ssyncset.done @!p4 $0x0  }
0x108: {  	s7 =	sadd.s32 $0x6, s30;
	s16 =	simm.s32 @!p4 $0x280;
	[sflag:s14] =	ssyncadd.s32 @!p4 $0xFFFFC800  }
0x109: {  	[spmem:s2] =	stream.indirect.scatter.add.f32 @!p4 [tilespmem:s6], [sflag:$0xA], $0x80, s16, s21, $0xb8;
	[tilespmem:$0x1EC00] =	vst v63  }
0x10a: {  	s14 =	simm.s32 @!p3 $0xA;
	p4 =	sge.u32 s7, s8  }
0x10b: {  	_ =	swait.ge @!p3 [sflag:s14], $0x3800;
	s6 =	simm.s32 @!p4 $0x0  }
0x10c: {  	s7 =	simm.s32 @!p4 $0x200;
	s16 =	rddreg [dreg:$0xd];
	[sflag:s14] =	ssyncset.done @!p3 $0x0  }
0x10d: {  	[sflag:s14] =	ssyncadd.s32 @!p3 $0xFFFFC800;
	s14 =	sadd.s32 @!p4 s31, s16;
	s16 =	simm.s32 @!p3 $0x2  }
0x10e: {  	[tilespmem:s7], [sflag:$0x3] =	stream.linear.gather @!p4 [hbm4b:s14+s6], $0x100, $0x38;
	[tilespmem:$0x1EC00] =	vst v63  }
0x10f: {  	_ =	swait.ge @!p3 [sflag:s16], $0x100  }
0x110: {  	s20 =	simm.s32 @!p3 $0x7400;
	[sflag:s16] =	ssyncset.done @!p3 $0x0  }
0x111: {  	s21 =	simm.s32 @!p3 $0x70;
	s6 =	simm.s32 @!p1 $0x5;
	[sflag:s16] =	ssyncadd.s32 @!p3 $0xFFFFFF00  }
0x112: {  	[tilespmem:s20], [sflag:$0x7] =	stream.indirect.gather @!p3 [hbm4b:s4+s21], $0x80, s15, s21, $0xb8;
	[tilespmem:$0x1EC00] =	vst v63  }
0x113: {  	_ =	swait.ge @!p1 [sflag:s6], $0x3800  }
0x114: {  	s14 =	simm.s32 @!p1 $0x380;
	[sflag:s6] =	ssyncset.done @!p1 $0x0  }
0x115: {  	s15 =	sadd.s32 $0x7, s30;
	[sflag:s6] =	ssyncadd.s32 @!p1 $0xFFFFC800;
	s6 =	simm.s32 @!p4 $0x8  }
0x116: {  	[spmem:s2] =	stream.indirect.scatter.add.f32 @!p1 [tilespmem:s9], [sflag:$0x8], $0x80, s14, s23, $0xb8;
	[tilespmem:$0x1EC00] =	vst v63  }
0x117: {  	p1 =	sge.u32 s15, s8;
	s15 =	simm.s32 @!p4 $0x3;
	_ =	swait.ge @!p4 [sflag:s6], $0x3800  }
0x118: {  	s9 =	simm.s32 @!p1 $0x300;
	s14 =	rddreg [dreg:$0xc];
	[sflag:s6] =	ssyncset.done @!p4 $0x0  }
0x119: {  	[sflag:s6] =	ssyncadd.s32 @!p4 $0xFFFFC800;
	s6 =	simm.s32 @!p1 $0x0;
	s14 =	sadd.s32 @!p1 s31, s14  }
0x11a: {  	[tilespmem:s9], [sflag:$0x4] =	stream.linear.gather @!p1 [hbm4b:s14+s6], $0x100, $0x38;
	[tilespmem:$0x1EC00] =	vst v63  }
0x11b: {  	_ =	swait.ge @!p4 [sflag:s15], $0x100  }
0x11c: {  	s23 =	simm.s32 @!p4 $0x70;
	[sflag:s15] =	ssyncset.done @!p4 $0x0  }
0x11d: {  	s14 =	simm.s32 @!p4 $0x400;
	s6 =	simm.s32 @!p2 $0x6;
	[sflag:s15] =	ssyncadd.s32 @!p4 $0xFFFFFF00  }
0x11e: {  	[tilespmem:s14], [sflag:$0x5] =	stream.indirect.gather @!p4 [hbm4b:s4+s23], $0x80, s7, s23, $0xb8;
	[tilespmem:$0x1EC00] =	vst v63  }
0x11f: {  	_ =	swait.ge @!p2 [sflag:s6], $0x3800  }
0x120: {  	s16 =	sadd.s32 $0x8, s30;
	[sflag:s6] =	ssyncset.done @!p2 $0x0  }
0x121: {  	s7 =	simm.s32 @!p2 $0x80;
	[sflag:s6] =	ssyncadd.s32 @!p2 $0xFFFFC800;
	s6 =	simm.s32 @!p1 $0x9  }
0x122: {  	[spmem:s2] =	stream.indirect.scatter.add.f32 @!p2 [tilespmem:s11], [sflag:$0x9], $0x80, s7, s10, $0xb8;
	[tilespmem:$0x1EC00] =	vst v63  }
0x123: {  	p2 =	sge.u32 s16, s8;
	_ =	swait.ge @!p1 [sflag:s6], $0x3800  }
0x124: {  	s7 =	simm.s32 @!p2 $0x0;
	s10 =	rddreg [dreg:$0xb];
	[sflag:s6] =	ssyncset.done @!p1 $0x0  }
0x125: {  	[sflag:s6] =	ssyncadd.s32 @!p1 $0xFFFFC800;
	s6 =	sadd.s32 @!p2 s31, s10;
	s10 =	simm.s32 @!p1 $0x4  }
0x126: {  	[tilespmem:s7], [sflag:$0x1] =	stream.linear.gather @!p2 [hbm4b:s6+s7], $0x100, $0x38;
	[tilespmem:$0x1EC00] =	vst v63  }
0x127: {  	_ =	swait.ge @!p1 [sflag:s10], $0x100  }
0x128: {  	s16 =	simm.s32 @!p1 $0x3C00;
	[sflag:s10] =	ssyncset.done @!p1 $0x0  }
0x129: {  	s6 =	simm.s32 @!p1 $0x70;
	[sflag:s10] =	ssyncadd.s32 @!p1 $0xFFFFFF00;
	s10 =	simm.s32 @!p3 $0x7  }
0x12a: {  	[tilespmem:s16], [sflag:$0x6] =	stream.indirect.gather @!p1 [hbm4b:s4+s6], $0x80, s9, s6, $0xb8;
	[tilespmem:$0x1EC00] =	vst v63  }
0x12b: {  	_ =	swait.ge @!p3 [sflag:s10], $0x3800  }
0x12c: {  	[sflag:s10] =	ssyncset.done @!p3 $0x0  }
0x12d: {  	s9 =	simm.s32 @!p3 $0x180;
	[sflag:s10] =	ssyncadd.s32 @!p3 $0xFFFFC800;
	s10 =	simm.s32 @!p2 $0xA  }
0x12e: {  	[spmem:s2] =	stream.indirect.scatter.add.f32 @!p3 [tilespmem:s20], [sflag:$0xA], $0x80, s9, s21, $0xb8;
	[tilespmem:$0x1EC00] =	vst v63  }
0x12f: {  	s20 =	sadd.s32 $0x9, s30;
	_ =	swait.ge @!p2 [sflag:s10], $0x3800  }
0x130: {  	p3 =	sge.u32 s20, s8;
	s11 =	rddreg [dreg:$0xa]  }
0x131: {  	[sflag:s10] =	ssyncset.done @!p2 $0x0;
	s9 =	simm.s32 @!p3 $0x0;
	s15 =	simm.s32 @!p3 $0x100  }
0x132: {  	[sflag:s10] =	ssyncadd.s32 @!p2 $0xFFFFC800;
	s10 =	sadd.s32 @!p3 s31, s11;
	s11 =	simm.s32 @!p2 $0x1  }
0x133: {  	[tilespmem:s15], [sflag:$0x2] =	stream.linear.gather @!p3 [hbm4b:s10+s9], $0x100, $0x38;
	[tilespmem:$0x1EC00] =	vst v63  }
0x134: {  	_ =	swait.ge @!p2 [sflag:s11], $0x100  }
0x135: {  	s9 =	simm.s32 @!p2 $0x70;
	[sflag:s11] =	ssyncset.done @!p2 $0x0  }
0x136: {  	s10 =	simm.s32 @!p2 $0x7400;
	[sflag:s11] =	ssyncadd.s32 @!p2 $0xFFFFFF00;
	s11 =	simm.s32 @!p4 $0x5  }
0x137: {  	[tilespmem:s10], [sflag:$0x7] =	stream.indirect.gather @!p2 [hbm4b:s4+s9], $0x80, s7, s9, $0xb8;
	[tilespmem:$0x1EC00] =	vst v63  }
0x138: {  	_ =	swait.ge @!p4 [sflag:s11], $0x3800  }
0x139: {  	[sflag:s11] =	ssyncset.done @!p4 $0x0  }
0x13a: {  	s21 =	sadd.s32 $0xA, s30;
	s7 =	simm.s32 @!p4 $0x280;
	[sflag:s11] =	ssyncadd.s32 @!p4 $0xFFFFC800  }
0x13b: {  	[spmem:s2] =	stream.indirect.scatter.add.f32 @!p4 [tilespmem:s14], [sflag:$0x8], $0x80, s7, s23, $0xb8;
	[tilespmem:$0x1EC00] =	vst v63  }
0x13c: {  	s11 =	simm.s32 @!p3 $0x8;
	p4 =	sge.u32 s21, s8  }
0x13d: {  	_ =	swait.ge @!p3 [sflag:s11], $0x3800;
	s7 =	simm.s32 @!p4 $0x0  }
0x13e: {  	s21 =	simm.s32 @!p4 $0x200;
	s14 =	rddreg [dreg:$0x9];
	[sflag:s11] =	ssyncset.done @!p3 $0x0  }
0x13f: {  	[sflag:s11] =	ssyncadd.s32 @!p3 $0xFFFFC800;
	s11 =	sadd.s32 @!p4 s31, s14;
	s14 =	simm.s32 @!p3 $0x2  }
0x140: {  	[tilespmem:s21], [sflag:$0x3] =	stream.linear.gather @!p4 [hbm4b:s11+s7], $0x100, $0x38;
	[tilespmem:$0x1EC00] =	vst v63  }
0x141: {  	_ =	swait.ge @!p3 [sflag:s14], $0x100  }
0x142: {  	s20 =	simm.s32 @!p3 $0x400;
	[sflag:s14] =	ssyncset.done @!p3 $0x0  }
0x143: {  	s11 =	simm.s32 @!p3 $0x70;
	s7 =	simm.s32 @!p1 $0x6;
	[sflag:s14] =	ssyncadd.s32 @!p3 $0xFFFFFF00  }
0x144: {  	[tilespmem:s20], [sflag:$0x5] =	stream.indirect.gather @!p3 [hbm4b:s4+s11], $0x80, s15, s11, $0xb8;
	[tilespmem:$0x1EC00] =	vst v63  }
0x145: {  	_ =	swait.ge @!p1 [sflag:s7], $0x3800  }
0x146: {  	s23 =	sadd.s32 $0xB, s30;
	[sflag:s7] =	ssyncset.done @!p1 $0x0  }
0x147: {  	s14 =	simm.s32 @!p1 $0x380;
	[sflag:s7] =	ssyncadd.s32 @!p1 $0xFFFFC800;
	s7 =	simm.s32 @!p4 $0x9  }
0x148: {  	[spmem:s2] =	stream.indirect.scatter.add.f32 @!p1 [tilespmem:s16], [sflag:$0x9], $0x80, s14, s6, $0xb8;
	[tilespmem:$0x1EC00] =	vst v63  }
0x149: {  	p1 =	sge.u32 s23, s8;
	s23 =	simm.s32 @!p4 $0x3;
	_ =	swait.ge @!p4 [sflag:s7], $0x3800  }
0x14a: {  	s15 =	simm.s32 @!p1 $0x300;
	s14 =	rddreg [dreg:$0x8];
	[sflag:s7] =	ssyncset.done @!p4 $0x0  }
0x14b: {  	[sflag:s7] =	ssyncadd.s32 @!p4 $0xFFFFC800;
	s7 =	simm.s32 @!p1 $0x0;
	s14 =	sadd.s32 @!p1 s31, s14  }
0x14c: {  	[tilespmem:s15], [sflag:$0x4] =	stream.linear.gather @!p1 [hbm4b:s14+s7], $0x100, $0x38;
	[tilespmem:$0x1EC00] =	vst v63  }
0x14d: {  	_ =	swait.ge @!p4 [sflag:s23], $0x100  }
0x14e: {  	s16 =	simm.s32 @!p4 $0x70;
	[sflag:s23] =	ssyncset.done @!p4 $0x0  }
0x14f: {  	s14 =	simm.s32 @!p4 $0x3C00;
	s7 =	simm.s32 @!p2 $0x7;
	[sflag:s23] =	ssyncadd.s32 @!p4 $0xFFFFFF00  }
0x150: {  	[tilespmem:s14], [sflag:$0x6] =	stream.indirect.gather @!p4 [hbm4b:s4+s16], $0x80, s21, s16, $0xb8;
	[tilespmem:$0x1EC00] =	vst v63  }
0x151: {  	_ =	swait.ge @!p2 [sflag:s7], $0x3800  }
0x152: {  	[sflag:s7] =	ssyncset.done @!p2 $0x0  }
0x153: {  	s21 =	simm.s32 @!p2 $0x80;
	[sflag:s7] =	ssyncadd.s32 @!p2 $0xFFFFC800;
	s7 =	simm.s32 @!p1 $0xA  }
0x154: {  	[spmem:s2] =	stream.indirect.scatter.add.f32 @!p2 [tilespmem:s10], [sflag:$0xA], $0x80, s21, s9, $0xb8;
	[tilespmem:$0x1EC00] =	vst v63  }
0x155: {  	p5 =	sge.u32 s1, s8;
	_ =	swait.ge @!p1 [sflag:s7], $0x3800  }
0x156: {  	s10 =	simm.s32 @!p1 $0x4;
	s9 =	rddreg [dreg:$0x7];
	[sflag:s7] =	ssyncset.done @!p1 $0x0  }
0x157: {  	[sflag:s7] =	ssyncadd.s32 @!p1 $0xFFFFC800;
	s7 =	simm.s32 @!p5 $0x0;
	s9 =	sadd.s32 @!p5 s31, s9  }
0x158: {  	[tilespmem:s7], [sflag:$0x1] =	stream.linear.gather @!p5 [hbm4b:s9+s7], $0x100, $0x38;
	[tilespmem:$0x1EC00] =	vst v63  }
0x159: {  	_ =	swait.ge @!p1 [sflag:s10], $0x100  }
0x15a: {  	s23 =	simm.s32 @!p1 $0x7400;
	[sflag:s10] =	ssyncset.done @!p1 $0x0  }
0x15b: {  	s21 =	simm.s32 @!p1 $0x70;
	s9 =	simm.s32 @!p3 $0x5;
	[sflag:s10] =	ssyncadd.s32 @!p1 $0xFFFFFF00  }
0x15c: {  	[tilespmem:s23], [sflag:$0x7] =	stream.indirect.gather @!p1 [hbm4b:s4+s21], $0x80, s15, s21, $0xb8;
	[tilespmem:$0x1EC00] =	vst v63  }
0x15d: {  	_ =	swait.ge @!p3 [sflag:s9], $0x3800  }
0x15e: {  	s10 =	simm.s32 @!p3 $0x180;
	[sflag:s9] =	ssyncset.done @!p3 $0x0  }
0x15f: {  	s15 =	sadd.s32 $0xD, s30;
	[sflag:s9] =	ssyncadd.s32 @!p3 $0xFFFFC800;
	s9 =	simm.s32 @!p5 $0x8  }
0x160: {  	[spmem:s2] =	stream.indirect.scatter.add.f32 @!p3 [tilespmem:s20], [sflag:$0x8], $0x80, s10, s11, $0xb8;
	[tilespmem:$0x1EC00] =	vst v63  }
0x161: {  	p2 =	sge.u32 s15, s8;
	s15 =	simm.s32 @!p5 $0x1;
	_ =	swait.ge @!p5 [sflag:s9], $0x3800  }
0x162: {  	s10 =	simm.s32 @!p2 $0x100;
	s11 =	rddreg [dreg:$0x6];
	[sflag:s9] =	ssyncset.done @!p5 $0x0  }
0x163: {  	[sflag:s9] =	ssyncadd.s32 @!p5 $0xFFFFC800;
	s9 =	simm.s32 @!p2 $0x0;
	s11 =	sadd.s32 @!p2 s31, s11  }
0x164: {  	[tilespmem:s10], [sflag:$0x2] =	stream.linear.gather @!p2 [hbm4b:s11+s9], $0x100, $0x38;
	[tilespmem:$0x1EC00] =	vst v63  }
0x165: {  	s17 =	smov.u32 s0;
	s0 =	sadd.s32 $0xC, s0;
	_ =	swait.ge @!p5 [sflag:s15], $0x100  }
0x166: {  	p0 =	sne.s32 s0, $0xA8;
	s9 =	simm.s32 @!p5 $0x70;
	[sflag:s15] =	ssyncset.done @!p5 $0x0  }
0x167: {  	s11 =	simm.s32 @!p5 $0x400;
	[sflag:s15] =	ssyncadd.s32 @!p5 $0xFFFFFF00;
	s15 =	simm.s32 @!p4 $0x6  }
0x168: {  	[tilespmem:s11], [sflag:$0x5] =	stream.indirect.gather @!p5 [hbm4b:s4+s9], $0x80, s7, s9, $0xb8;
	[tilespmem:$0x1EC00] =	vst v63  }
0x169: {  	s1 =	smov.u32 s0;
	s20 =	sadd.s32 $0xE, s30;
	_ =	swait.ge @!p4 [sflag:s15], $0x3800  }
0x16a: {  	s6 =	simm.s32 @!p1 $0x380;
	p3 =	sge.u32 s20, s8;
	[sflag:s15] =	ssyncset.done @!p4 $0x0  }
0x16b: {  	s7 =	simm.s32 @!p4 $0x280;
	s9 =	simm.s32 @!p2 $0x9;
	[sflag:s15] =	ssyncadd.s32 @!p4 $0xFFFFC800  }
0x16c: {  	[spmem:s2] =	stream.indirect.scatter.add.f32 @!p4 [tilespmem:s14], [sflag:$0x9], $0x80, s7, s16, $0xb8;
	[tilespmem:$0x1EC00] =	vst v63  }
0x16d: {  	s30 =	smov.u32 s17;
	s7 =	simm.s32 @!p3 $0x0;
	_ =	swait.ge @!p2 [sflag:s9], $0x3800  }
0x16e: {  	s14 =	simm.s32 @!p2 $0x2;
	s11 =	rddreg [dreg:$0x5];
	[sflag:s9] =	ssyncset.done @!p2 $0x0  }
0x16f: {  	[sflag:s9] =	ssyncadd.s32 @!p2 $0xFFFFC800;
	s9 =	simm.s32 @!p3 $0x200;
	s11 =	sadd.s32 @!p3 s31, s11  }
0x170: {  	[tilespmem:s9], [sflag:$0x3] =	stream.linear.gather @!p3 [hbm4b:s11+s7], $0x100, $0x38;
	[tilespmem:$0x1EC00] =	vst v63  }
.Ltmp0:
0x171: {  	s7 =	simm.s32 @!p2 $0x3C00;
	_ =	swait.ge @!p2 [sflag:s14], $0x100;
	(pc) =	sbr.rel @p0 .LBB2_2-.Ltmp0, $4  }
0x172: {  	p3 =	seq.s32 s30, $0x0;
	s11 =	simm.s32 @!p2 $0x70;
	[sflag:s14] =	ssyncset.done @!p2 $0x0  }
0x173: {  	s9 =	simm.s32 @!p1 $0x7;
	p4 =	sge.u32 @!p3 s30, s13;
	[sflag:s14] =	ssyncadd.s32 @!p2 $0xFFFFFF00  }
0x174: {  	[tilespmem:s7], [sflag:$0x6] =	stream.indirect.gather @!p2 [hbm4b:s4+s11], $0x80, s10, s11, $0xb8;
	[tilespmem:$0x1EC00] =	vst v63  }
0x175: {  	s31 =	sadd.s32 $0x180, s31;
	p2 =	por p4, p3;
	_ =	swait.ge @!p1 [sflag:s9], $0x3800  }
0x176: {  	[sflag:s9] =	ssyncset.done @!p1 $0x0  }
0x177: {  	s0 =	simm.s32 @!p2 $0xA;
	[sflag:s9] =	ssyncadd.s32 @!p1 $0xFFFFC800  }
0x178: {  	[spmem:s2] =	stream.indirect.scatter.add.f32 @!p1 [tilespmem:s23], [sflag:$0xA], $0x80, s6, s21, $0xb8;
	[tilespmem:$0x1EC00] =	vst v63  }
0x179: {  	s14 =	sadd.s32 $0x3, s30;
	_ =	swait.ge @!p2 [sflag:s0], $0x3800  }
0x17a: {  	p3 =	sge.u32 s30, s13;
	p0 =	sge.u32 s14, s8;
	[sflag:s0] =	ssyncset.done @!p2 $0x0  }
0x17b: {  	s9 =	simm.s32 @!p0 $0x300;
	s7 =	rddreg [dreg:$0x4];
	[sflag:s0] =	ssyncadd.s32 @!p2 $0xFFFFC800  }
0x17c: {  	s0 =	simm.s32 @!p0 $0x0;
	s6 =	sadd.s32 @!p0 s31, s7;
	s7 =	simm.s32 @!p3 $0x3  }
0x17d: {  	[tilespmem:s9], [sflag:$0x4] =	stream.linear.gather @!p0 [hbm4b:s6+s0], $0x100, $0x38;
	[tilespmem:$0x1EC00] =	vst v63  }
0x17e: {  	s10 =	simm.s32 @!p3 $0x200;
	_ =	swait.ge @!p3 [sflag:s7], $0x100  }
0x17f: {  	p1 =	sge.u32 s30, s8;
	s0 =	simm.s32 @!p3 $0x7400;
	[sflag:s7] =	ssyncset.done @!p3 $0x0  }
0x180: {  	s6 =	simm.s32 @!p3 $0x70;
	[sflag:s7] =	ssyncadd.s32 @!p3 $0xFFFFFF00;
	s7 =	simm.s32 @!p1 $0x5  }
0x181: {  	[tilespmem:s0], [sflag:$0x7] =	stream.indirect.gather @!p3 [hbm4b:s4+s6], $0x80, s10, s6, $0xb8;
	[tilespmem:$0x1EC00] =	vst v63  }
0x182: {  	s15 =	sadd.s32 $0x4, s30;
	_ =	swait.ge @!p1 [sflag:s7], $0x3800  }
0x183: {  	s11 =	simm.s32 @!p1 $0x70;
	s14 =	simm.s32 @!p1 $0x80;
	[sflag:s7] =	ssyncset.done @!p1 $0x0  }
0x184: {  	s10 =	simm.s32 @!p1 $0x400;
	[sflag:s7] =	ssyncadd.s32 @!p1 $0xFFFFC800;
	s7 =	simm.s32 @!p0 $0x8  }
0x185: {  	[spmem:s2] =	stream.indirect.scatter.add.f32 @!p1 [tilespmem:s10], [sflag:$0x8], $0x80, s14, s11, $0xb8;
	[tilespmem:$0x1EC00] =	vst v63  }
0x186: {  	p1 =	sge.u32 s15, s8;
	_ =	swait.ge @!p0 [sflag:s7], $0x3800  }
0x187: {  	s11 =	simm.s32 @!p0 $0x4;
	s10 =	rddreg [dreg:$0xf];
	[sflag:s7] =	ssyncset.done @!p0 $0x0  }
0x188: {  	[sflag:s7] =	ssyncadd.s32 @!p0 $0xFFFFC800;
	s7 =	simm.s32 @!p1 $0x0;
	s10 =	sadd.s32 @!p1 s31, s10  }
0x189: {  	[tilespmem:s7], [sflag:$0x1] =	stream.linear.gather @!p1 [hbm4b:s10+s7], $0x100, $0x38;
	[tilespmem:$0x1EC00] =	vst v63  }
0x18a: {  	_ =	swait.ge @!p0 [sflag:s11], $0x100  }
0x18b: {  	s14 =	simm.s32 @!p0 $0x400;
	[sflag:s11] =	ssyncset.done @!p0 $0x0;
	s16 =	rddreg [dreg:$0x3]  }
0x18c: {  	[sflag:s11] =	ssyncadd.s32 @!p0 $0xFFFFFF00;
	s11 =	simm.s32 @!p0 $0x70;
	p2 =	sge.u32 s30, s16  }
0x18d: {  	[tilespmem:s14], [sflag:$0x5] =	stream.indirect.gather @!p0 [hbm4b:s4+s11], $0x80, s9, s11, $0xb8;
	[tilespmem:$0x1EC00] =	vst v63  }
0x18e: {  	s9 =	simm.s32 @!p2 $0x6  }
0x18f: {  	s17 =	sadd.s32 $0x5, s30;
	_ =	swait.ge @!p2 [sflag:s9], $0x3800  }
0x190: {  	s10 =	simm.s32 @!p2 $0x3C00;
	s15 =	simm.s32 @!p2 $0x70;
	[sflag:s9] =	ssyncset.done @!p2 $0x0  }
0x191: {  	s16 =	simm.s32 @!p2 $0x180;
	[sflag:s9] =	ssyncadd.s32 @!p2 $0xFFFFC800;
	s9 =	simm.s32 @!p1 $0x9  }
0x192: {  	[spmem:s2] =	stream.indirect.scatter.add.f32 @!p2 [tilespmem:s10], [sflag:$0x9], $0x80, s16, s15, $0xb8;
	[tilespmem:$0x1EC00] =	vst v63  }
0x193: {  	p2 =	sge.u32 s17, s8;
	s16 =	simm.s32 @!p1 $0x1;
	_ =	swait.ge @!p1 [sflag:s9], $0x3800  }
0x194: {  	s10 =	simm.s32 @!p2 $0x100;
	s15 =	rddreg [dreg:$0xe];
	[sflag:s9] =	ssyncset.done @!p1 $0x0  }
0x195: {  	[sflag:s9] =	ssyncadd.s32 @!p1 $0xFFFFC800;
	s9 =	simm.s32 @!p2 $0x0;
	s15 =	sadd.s32 @!p2 s31, s15  }
0x196: {  	[tilespmem:s10], [sflag:$0x2] =	stream.linear.gather @!p2 [hbm4b:s15+s9], $0x100, $0x38;
	[tilespmem:$0x1EC00] =	vst v63  }
0x197: {  	_ =	swait.ge @!p1 [sflag:s16], $0x100  }
0x198: {  	s9 =	simm.s32 @!p1 $0x70;
	[sflag:s16] =	ssyncset.done @!p1 $0x0  }
0x199: {  	s15 =	simm.s32 @!p1 $0x3C00;
	[sflag:s16] =	ssyncadd.s32 @!p1 $0xFFFFFF00;
	s16 =	simm.s32 @!p3 $0x7  }
0x19a: {  	[tilespmem:s15], [sflag:$0x6] =	stream.indirect.gather @!p1 [hbm4b:s4+s9], $0x80, s7, s9, $0xb8;
	[tilespmem:$0x1EC00] =	vst v63  }
0x19b: {  	_ =	swait.ge @!p3 [sflag:s16], $0x3800  }
0x19c: {  	[sflag:s16] =	ssyncset.done @!p3 $0x0  }
0x19d: {  	s20 =	sadd.s32 $0x6, s30;
	s7 =	simm.s32 @!p3 $0x280;
	[sflag:s16] =	ssyncadd.s32 @!p3 $0xFFFFC800  }
0x19e: {  	[spmem:s2] =	stream.indirect.scatter.add.f32 @!p3 [tilespmem:s0], [sflag:$0xA], $0x80, s7, s6, $0xb8;
	[tilespmem:$0x1EC00] =	vst v63  }
0x19f: {  	s16 =	simm.s32 @!p2 $0xA;
	p3 =	sge.u32 s20, s8  }
0x1a0: {  	_ =	swait.ge @!p2 [sflag:s16], $0x3800;
	s0 =	simm.s32 @!p3 $0x0  }
0x1a1: {  	s7 =	simm.s32 @!p3 $0x200;
	s6 =	rddreg [dreg:$0xd];
	[sflag:s16] =	ssyncset.done @!p2 $0x0  }
0x1a2: {  	[sflag:s16] =	ssyncadd.s32 @!p2 $0xFFFFC800;
	s6 =	sadd.s32 @!p3 s31, s6;
	s16 =	simm.s32 @!p2 $0x2  }
0x1a3: {  	[tilespmem:s7], [sflag:$0x3] =	stream.linear.gather @!p3 [hbm4b:s6+s0], $0x100, $0x38;
	[tilespmem:$0x1EC00] =	vst v63  }
0x1a4: {  	_ =	swait.ge @!p2 [sflag:s16], $0x100  }
0x1a5: {  	s0 =	simm.s32 @!p2 $0x70;
	[sflag:s16] =	ssyncset.done @!p2 $0x0  }
0x1a6: {  	s6 =	simm.s32 @!p2 $0x7400;
	[sflag:s16] =	ssyncadd.s32 @!p2 $0xFFFFFF00;
	s16 =	simm.s32 @!p0 $0x5  }
0x1a7: {  	[tilespmem:s6], [sflag:$0x7] =	stream.indirect.gather @!p2 [hbm4b:s4+s0], $0x80, s10, s0, $0xb8;
	[tilespmem:$0x1EC00] =	vst v63  }
0x1a8: {  	_ =	swait.ge @!p0 [sflag:s16], $0x3800  }
0x1a9: {  	[sflag:s16] =	ssyncset.done @!p0 $0x0  }
0x1aa: {  	s21 =	sadd.s32 $0x7, s30;
	s10 =	simm.s32 @!p0 $0x380;
	[sflag:s16] =	ssyncadd.s32 @!p0 $0xFFFFC800  }
0x1ab: {  	[spmem:s2] =	stream.indirect.scatter.add.f32 @!p0 [tilespmem:s14], [sflag:$0x8], $0x80, s10, s11, $0xb8;
	[tilespmem:$0x1EC00] =	vst v63  }
0x1ac: {  	s16 =	simm.s32 @!p3 $0x8;
	p0 =	sge.u32 s21, s8  }
0x1ad: {  	_ =	swait.ge @!p3 [sflag:s16], $0x3800;
	s10 =	simm.s32 @!p0 $0x0  }
0x1ae: {  	s14 =	simm.s32 @!p0 $0x300;
	s11 =	rddreg [dreg:$0xc];
	[sflag:s16] =	ssyncset.done @!p3 $0x0  }
0x1af: {  	[sflag:s16] =	ssyncadd.s32 @!p3 $0xFFFFC800;
	s11 =	sadd.s32 @!p0 s31, s11;
	s16 =	simm.s32 @!p3 $0x3  }
0x1b0: {  	[tilespmem:s14], [sflag:$0x4] =	stream.linear.gather @!p0 [hbm4b:s11+s10], $0x100, $0x38;
	[tilespmem:$0x1EC00] =	vst v63  }
0x1b1: {  	_ =	swait.ge @!p3 [sflag:s16], $0x100  }
0x1b2: {  	s10 =	simm.s32 @!p3 $0x70;
	[sflag:s16] =	ssyncset.done @!p3 $0x0  }
0x1b3: {  	s11 =	simm.s32 @!p3 $0x400;
	[sflag:s16] =	ssyncadd.s32 @!p3 $0xFFFFFF00;
	s16 =	simm.s32 @!p1 $0x6  }
0x1b4: {  	[tilespmem:s11], [sflag:$0x5] =	stream.indirect.gather @!p3 [hbm4b:s4+s10], $0x80, s7, s10, $0xb8;
	[tilespmem:$0x1EC00] =	vst v63  }
0x1b5: {  	_ =	swait.ge @!p1 [sflag:s16], $0x3800  }
0x1b6: {  	s23 =	sadd.s32 $0x8, s30;
	[sflag:s16] =	ssyncset.done @!p1 $0x0  }
0x1b7: {  	s7 =	simm.s32 @!p1 $0x80;
	[sflag:s16] =	ssyncadd.s32 @!p1 $0xFFFFC800;
	s16 =	simm.s32 @!p0 $0x9  }
0x1b8: {  	[spmem:s2] =	stream.indirect.scatter.add.f32 @!p1 [tilespmem:s15], [sflag:$0x9], $0x80, s7, s9, $0xb8;
	[tilespmem:$0x1EC00] =	vst v63  }
0x1b9: {  	p1 =	sge.u32 s23, s8;
	_ =	swait.ge @!p0 [sflag:s16], $0x3800  }
0x1ba: {  	s15 =	simm.s32 @!p0 $0x4;
	s7 =	rddreg [dreg:$0xb];
	[sflag:s16] =	ssyncset.done @!p0 $0x0  }
0x1bb: {  	s9 =	simm.s32 @!p1 $0x0;
	[sflag:s16] =	ssyncadd.s32 @!p0 $0xFFFFC800;
	s7 =	sadd.s32 @!p1 s31, s7  }
0x1bc: {  	[tilespmem:s9], [sflag:$0x1] =	stream.linear.gather @!p1 [hbm4b:s7+s9], $0x100, $0x38;
	[tilespmem:$0x1EC00] =	vst v63  }
0x1bd: {  	_ =	swait.ge @!p0 [sflag:s15], $0x100  }
0x1be: {  	s16 =	simm.s32 @!p0 $0x3C00;
	[sflag:s15] =	ssyncset.done @!p0 $0x0  }
0x1bf: {  	s7 =	simm.s32 @!p0 $0x70;
	[sflag:s15] =	ssyncadd.s32 @!p0 $0xFFFFFF00;
	s15 =	simm.s32 @!p2 $0x7  }
0x1c0: {  	[tilespmem:s16], [sflag:$0x6] =	stream.indirect.gather @!p0 [hbm4b:s4+s7], $0x80, s14, s7, $0xb8;
	[tilespmem:$0x1EC00] =	vst v63  }
0x1c1: {  	_ =	swait.ge @!p2 [sflag:s15], $0x3800  }
0x1c2: {  	[sflag:s15] =	ssyncset.done @!p2 $0x0  }
0x1c3: {  	s14 =	simm.s32 @!p2 $0x180;
	[sflag:s15] =	ssyncadd.s32 @!p2 $0xFFFFC800;
	s15 =	simm.s32 @!p1 $0xA  }
0x1c4: {  	[spmem:s2] =	stream.indirect.scatter.add.f32 @!p2 [tilespmem:s6], [sflag:$0xA], $0x80, s14, s0, $0xb8;
	[tilespmem:$0x1EC00] =	vst v63  }
0x1c5: {  	s14 =	sadd.s32 $0x9, s30;
	_ =	swait.ge @!p1 [sflag:s15], $0x3800  }
0x1c6: {  	p2 =	sge.u32 s14, s8;
	s6 =	rddreg [dreg:$0xa]  }
0x1c7: {  	[sflag:s15] =	ssyncset.done @!p1 $0x0;
	s0 =	simm.s32 @!p2 $0x0;
	s14 =	simm.s32 @!p2 $0x100  }
0x1c8: {  	[sflag:s15] =	ssyncadd.s32 @!p1 $0xFFFFC800;
	s6 =	sadd.s32 @!p2 s31, s6;
	s15 =	simm.s32 @!p1 $0x1  }
0x1c9: {  	[tilespmem:s14], [sflag:$0x2] =	stream.linear.gather @!p2 [hbm4b:s6+s0], $0x100, $0x38;
	[tilespmem:$0x1EC00] =	vst v63  }
0x1ca: {  	_ =	swait.ge @!p1 [sflag:s15], $0x100  }
0x1cb: {  	s0 =	simm.s32 @!p1 $0x70;
	[sflag:s15] =	ssyncset.done @!p1 $0x0  }
0x1cc: {  	s6 =	simm.s32 @!p1 $0x7400;
	[sflag:s15] =	ssyncadd.s32 @!p1 $0xFFFFFF00;
	s15 =	simm.s32 @!p3 $0x5  }
0x1cd: {  	[tilespmem:s6], [sflag:$0x7] =	stream.indirect.gather @!p1 [hbm4b:s4+s0], $0x80, s9, s0, $0xb8;
	[tilespmem:$0x1EC00] =	vst v63  }
0x1ce: {  	_ =	swait.ge @!p3 [sflag:s15], $0x3800  }
0x1cf: {  	[sflag:s15] =	ssyncset.done @!p3 $0x0  }
0x1d0: {  	s17 =	sadd.s32 $0xA, s30;
	s9 =	simm.s32 @!p3 $0x280;
	[sflag:s15] =	ssyncadd.s32 @!p3 $0xFFFFC800  }
0x1d1: {  	[spmem:s2] =	stream.indirect.scatter.add.f32 @!p3 [tilespmem:s11], [sflag:$0x8], $0x80, s9, s10, $0xb8;
	[tilespmem:$0x1EC00] =	vst v63  }
0x1d2: {  	s15 =	simm.s32 @!p2 $0x8;
	p3 =	sge.u32 s17, s8  }
0x1d3: {  	_ =	swait.ge @!p2 [sflag:s15], $0x3800;
	s9 =	simm.s32 @!p3 $0x0  }
0x1d4: {  	s11 =	simm.s32 @!p3 $0x200;
	s10 =	rddreg [dreg:$0x9];
	[sflag:s15] =	ssyncset.done @!p2 $0x0  }
0x1d5: {  	[sflag:s15] =	ssyncadd.s32 @!p2 $0xFFFFC800;
	s10 =	sadd.s32 @!p3 s31, s10;
	s15 =	simm.s32 @!p2 $0x2  }
0x1d6: {  	[tilespmem:s11], [sflag:$0x3] =	stream.linear.gather @!p3 [hbm4b:s10+s9], $0x100, $0x38;
	[tilespmem:$0x1EC00] =	vst v63  }
0x1d7: {  	_ =	swait.ge @!p2 [sflag:s15], $0x100  }
0x1d8: {  	s9 =	simm.s32 @!p2 $0x70;
	[sflag:s15] =	ssyncset.done @!p2 $0x0  }
0x1d9: {  	s10 =	simm.s32 @!p2 $0x400;
	[sflag:s15] =	ssyncadd.s32 @!p2 $0xFFFFFF00;
	s15 =	simm.s32 @!p0 $0x6  }
0x1da: {  	[tilespmem:s10], [sflag:$0x5] =	stream.indirect.gather @!p2 [hbm4b:s4+s9], $0x80, s14, s9, $0xb8;
	[tilespmem:$0x1EC00] =	vst v63  }
0x1db: {  	_ =	swait.ge @!p0 [sflag:s15], $0x3800  }
0x1dc: {  	s20 =	sadd.s32 $0xB, s30;
	[sflag:s15] =	ssyncset.done @!p0 $0x0  }
0x1dd: {  	s14 =	simm.s32 @!p0 $0x380;
	[sflag:s15] =	ssyncadd.s32 @!p0 $0xFFFFC800;
	s15 =	simm.s32 @!p3 $0x9  }
0x1de: {  	[spmem:s2] =	stream.indirect.scatter.add.f32 @!p0 [tilespmem:s16], [sflag:$0x9], $0x80, s14, s7, $0xb8;
	[tilespmem:$0x1EC00] =	vst v63  }
0x1df: {  	p0 =	sge.u32 s20, s8;
	s16 =	simm.s32 @!p3 $0x3;
	_ =	swait.ge @!p3 [sflag:s15], $0x3800  }
0x1e0: {  	s7 =	simm.s32 @!p0 $0x0;
	s14 =	rddreg [dreg:$0x8];
	[sflag:s15] =	ssyncset.done @!p3 $0x0  }
0x1e1: {  	[sflag:s15] =	ssyncadd.s32 @!p3 $0xFFFFC800;
	s15 =	simm.s32 @!p0 $0x300;
	s14 =	sadd.s32 @!p0 s31, s14  }
0x1e2: {  	[tilespmem:s15], [sflag:$0x4] =	stream.linear.gather @!p0 [hbm4b:s14+s7], $0x100, $0x38;
	[tilespmem:$0x1EC00] =	vst v63  }
0x1e3: {  	_ =	swait.ge @!p3 [sflag:s16], $0x100  }
0x1e4: {  	s7 =	simm.s32 @!p3 $0x70;
	[sflag:s16] =	ssyncset.done @!p3 $0x0  }
0x1e5: {  	s14 =	simm.s32 @!p3 $0x3C00;
	[sflag:s16] =	ssyncadd.s32 @!p3 $0xFFFFFF00;
	s16 =	simm.s32 @!p1 $0x7  }
0x1e6: {  	[tilespmem:s14], [sflag:$0x6] =	stream.indirect.gather @!p3 [hbm4b:s4+s7], $0x80, s11, s7, $0xb8;
	[tilespmem:$0x1EC00] =	vst v63  }
0x1e7: {  	_ =	swait.ge @!p1 [sflag:s16], $0x3800  }
0x1e8: {  	[sflag:s16] =	ssyncset.done @!p1 $0x0  }
0x1e9: {  	s11 =	simm.s32 @!p1 $0x80;
	[sflag:s16] =	ssyncadd.s32 @!p1 $0xFFFFC800;
	s16 =	simm.s32 @!p0 $0xA  }
0x1ea: {  	[spmem:s2] =	stream.indirect.scatter.add.f32 @!p1 [tilespmem:s6], [sflag:$0xA], $0x80, s11, s0, $0xb8;
	[tilespmem:$0x1EC00] =	vst v63  }
0x1eb: {  	p4 =	sge.u32 s1, s8;
	_ =	swait.ge @!p0 [sflag:s16], $0x3800  }
0x1ec: {  	s1 =	simm.s32 @!p4 $0x0;
	s0 =	rddreg [dreg:$0x7];
	[sflag:s16] =	ssyncset.done @!p0 $0x0  }
0x1ed: {  	s6 =	simm.s32 @!p0 $0x4;
	[sflag:s16] =	ssyncadd.s32 @!p0 $0xFFFFC800;
	s0 =	sadd.s32 @!p4 s31, s0  }
0x1ee: {  	[tilespmem:s1], [sflag:$0x1] =	stream.linear.gather @!p4 [hbm4b:s0+s1], $0x100, $0x38;
	[tilespmem:$0x1EC00] =	vst v63  }
0x1ef: {  	_ =	swait.ge @!p0 [sflag:s6], $0x100  }
0x1f0: {  	s11 =	simm.s32 @!p0 $0x7400;
	[sflag:s6] =	ssyncset.done @!p0 $0x0  }
0x1f1: {  	s0 =	simm.s32 @!p0 $0x70;
	[sflag:s6] =	ssyncadd.s32 @!p0 $0xFFFFFF00;
	s6 =	simm.s32 @!p2 $0x5  }
0x1f2: {  	[tilespmem:s11], [sflag:$0x7] =	stream.indirect.gather @!p0 [hbm4b:s4+s0], $0x80, s15, s0, $0xb8;
	[tilespmem:$0x1EC00] =	vst v63  }
0x1f3: {  	s21 =	sadd.s32 $0xD, s30;
	_ =	swait.ge @!p2 [sflag:s6], $0x3800  }
0x1f4: {  	p1 =	sge.u32 s21, s8;
	[sflag:s6] =	ssyncset.done @!p2 $0x0  }
0x1f5: {  	s15 =	simm.s32 @!p2 $0x180;
	[sflag:s6] =	ssyncadd.s32 @!p2 $0xFFFFC800;
	s6 =	simm.s32 @!p4 $0x8  }
0x1f6: {  	[spmem:s2] =	stream.indirect.scatter.add.f32 @!p2 [tilespmem:s10], [sflag:$0x8], $0x80, s15, s9, $0xb8;
	[tilespmem:$0x1EC00] =	vst v63  }
0x1f7: {  	s9 =	simm.s32 @!p1 $0x100;
	_ =	swait.ge @!p4 [sflag:s6], $0x3800  }
0x1f8: {  	s15 =	simm.s32 @!p4 $0x1;
	s10 =	rddreg [dreg:$0x6];
	[sflag:s6] =	ssyncset.done @!p4 $0x0  }
0x1f9: {  	[sflag:s6] =	ssyncadd.s32 @!p4 $0xFFFFC800;
	s6 =	simm.s32 @!p1 $0x0;
	s10 =	sadd.s32 @!p1 s31, s10  }
0x1fa: {  	[tilespmem:s9], [sflag:$0x2] =	stream.linear.gather @!p1 [hbm4b:s10+s6], $0x100, $0x38;
	[tilespmem:$0x1EC00] =	vst v63  }
0x1fb: {  	_ =	swait.ge @!p4 [sflag:s15], $0x100  }
0x1fc: {  	s6 =	simm.s32 @!p4 $0x70;
	[sflag:s15] =	ssyncset.done @!p4 $0x0  }
0x1fd: {  	s10 =	simm.s32 @!p4 $0x400;
	[sflag:s15] =	ssyncadd.s32 @!p4 $0xFFFFFF00;
	s15 =	simm.s32 @!p3 $0x6  }
0x1fe: {  	[tilespmem:s10], [sflag:$0x5] =	stream.indirect.gather @!p4 [hbm4b:s4+s6], $0x80, s1, s6, $0xb8;
	[tilespmem:$0x1EC00] =	vst v63  }
0x1ff: {  	_ =	swait.ge @!p3 [sflag:s15], $0x3800  }
0x200: {  	s23 =	sadd.s32 $0xE, s30;
	[sflag:s15] =	ssyncset.done @!p3 $0x0  }
0x201: {  	s1 =	simm.s32 @!p3 $0x280;
	s6 =	simm.s32 @!p1 $0x9;
	[sflag:s15] =	ssyncadd.s32 @!p3 $0xFFFFC800  }
0x202: {  	[spmem:s2] =	stream.indirect.scatter.add.f32 @!p3 [tilespmem:s14], [sflag:$0x9], $0x80, s1, s7, $0xb8;
	[tilespmem:$0x1EC00] =	vst v63  }
0x203: {  	p2 =	sge.u32 s23, s8;
	s10 =	simm.s32 @!p1 $0x2;
	_ =	swait.ge @!p1 [sflag:s6], $0x3800  }
0x204: {  	s1 =	simm.s32 @!p2 $0x0;
	s7 =	rddreg [dreg:$0x5];
	[sflag:s6] =	ssyncset.done @!p1 $0x0  }
0x205: {  	[sflag:s6] =	ssyncadd.s32 @!p1 $0xFFFFC800;
	s6 =	simm.s32 @!p2 $0x200;
	s7 =	sadd.s32 @!p2 s31, s7  }
0x206: {  	[tilespmem:s6], [sflag:$0x3] =	stream.linear.gather @!p2 [hbm4b:s7+s1], $0x100, $0x38;
	[tilespmem:$0x1EC00] =	vst v63  }
0x207: {  	_ =	swait.ge @!p1 [sflag:s10], $0x100  }
0x208: {  	s1 =	simm.s32 @!p1 $0x3C00;
	[sflag:s10] =	ssyncset.done @!p1 $0x0  }
0x209: {  	s6 =	simm.s32 @!p1 $0x70;
	s7 =	simm.s32 @!p0 $0x7;
	[sflag:s10] =	ssyncadd.s32 @!p1 $0xFFFFFF00  }
0x20a: {  	[tilespmem:s1], [sflag:$0x6] =	stream.indirect.gather @!p1 [hbm4b:s4+s6], $0x80, s9, s6, $0xb8;
	[tilespmem:$0x1EC00] =	vst v63  }
0x20b: {  	_ =	swait.ge @!p0 [sflag:s7], $0x3800  }
0x20c: {  	[sflag:s7] =	ssyncset.done @!p0 $0x0  }
0x20d: {  	s1 =	simm.s32 @!p0 $0x380;
	[sflag:s7] =	ssyncadd.s32 @!p0 $0xFFFFC800  }
0x20e: {  	[spmem:s2] =	stream.indirect.scatter.add.f32 @!p0 [tilespmem:s11], [sflag:$0xA], $0x80, s1, s0, $0xb8;
	[tilespmem:$0x1EC00] =	vst v63  }
0x20f: {  	_ =	swait.ge [sflag:s24], $0x3800  }
0x210: {  	[sflag:s24] =	ssyncset.done $0x0  }
0x211: {  	[sflag:s24] =	ssyncadd.s32 $0xFFFFC800  }
0x212: {  	_ =	swait.ge [sflag:s25], $0x3800  }
0x213: {  	[sflag:s25] =	ssyncset.done $0x0  }
0x214: {  	[sflag:s25] =	ssyncadd.s32 $0xFFFFC800  }
0x215: {  	_ =	swait.ge [sflag:s26], $0x3800  }
0x216: {  	[sflag:s26] =	ssyncset.done $0x0  }
0x217: {  	[sflag:s26] =	ssyncadd.s32 $0xFFFFC800  }
0x218: {  	[bflag:$0x0] =	sbarrier.arrive $0xFFFF  }
0x219: {  	s30 =	rddreg [dreg:$0x15]  }
0x21a: {  	[hbm:s30], [sflag:s12] =	dma.local [spmem:s29], $0x2800  }
0x21b: {  	_ =	swait.ge [sflag:s18], $0x2800  }
0x21c: {  	s28 =	sadd.s32 $0x1, s28;
	s31 =	rddreg [dreg:$0x16]  }
0x21d: {  	p0 =	sne.s32 s28, s31  }
.Ltmp1:
0x21e: {  	_ = 	snop;
	(pc) =	sbr.rel @p0 .LBB2_1-.Ltmp1, $3  }
0x21f: {  	_ =	sdelay $0x1  }
0x220: {  	[sflag:s18] =	ssyncset.done $0x0  }
0x221: {  	[sflag:s18] =	ssyncadd.s32 $0xFFFFD800  }
0x222: {  	_ =	sfence.sel $0x180000  }
0x223: {  	[bflag:$0x0] =	sbarrier.arrive $0xFFFF  }
0x224: {  	_ =	strace $0x9000004D  }
0x225: {  	s0 =	stileid.u32;
	[bflag:$0x2] =	sbarrier.arrive $0xFFFF  }
0x226: {  	p0 =	sne.s32 s0, $0x0;
	s0 =	rddreg [dreg:$0x2]  }
0x227: {  	s0 =	sadd.s32 @!p0 $0x100000, s0  }
0x228: {  	[sflag:s0] =	ssyncadd.tile.s32 @!p0 $0x1;
	_ =	shalt  }
.Lfunc_end2:
_tile_overlayer_lowered:
.L_overlay_start_2:
0x229: {  	(tag) =	ssettag $0x2  }
0x22a: {  	s0 =	rddreg [dreg:$0x0];
	s2 =	stileid.u32  }
0x22b: {  	s1 =	rddreg [dreg:$0x1];
	p0 =	sne.s32 s2, $0x0  }
0x22c: {  	s3 =	rddreg [dreg:$0x2];
	[bflag:$0x3] =	sbarrier.arrive $0xFFFF;
	s2 =	simm.s32 @!p0 $0x1C0B  }
0x22d: {  	[timem:s3], [sflag:s2] =	dma.local @!p0 [hbm:s0], s1  }
0x22e: {  	s0 =	simm.s32 @!p0 $0xB  }
0x22f: {  	_ =	swait.ge @!p0 [sflag:s0], s1  }
0x230: {  	s1 =	ssub.s32 @!p0 $0x0, s1;
	[sflag:s0] =	ssyncset.done @!p0 $0x0  }
0x231: {  	[sflag:s0] =	ssyncadd.s32 @!p0 s1  }
0x232: {  	[bflag:$0x3] =	sbarrier.arrive $0xFFFF  }
0x233: {  	_ =	shalt  }

// kernel: kernel.8.cloned.1.call-start
scs
__scs_entry_jumppad:
0x0: {  	(pc) =	sbr.rel $0x88, $3  }
0x1: {  	(tag) =	ssettag $0x0;
	lr =	simm.s32 $0x1  }
0x2: {  	[smem:$0x3F9B] =	sst lr;
	_ =	strace $0xD0000000  }
0x3: {  	_ = 	snop  }
0x4: {  	_ = 	snop  }
0x5: {  	_ = 	snop  }
0x6: {  	_ = 	snop  }
0x7: {  	_ = 	snop  }
__scs_overlays_trampoline_lowered:
0x8: {  	[smem:$0x3FAA] =	sst s0  }
0x9: {  	[smem:$0x3FAB] =	sst s1  }
0xa: {  	[smem:$0x3FAC] =	sst s2  }
0xb: {  	[smem:$0x3FAD] =	sst s3  }
0xc: {  	[smem:$0x3FAE] =	sst s4  }
0xd: {  	[smem:$0x3FAF] =	sst s5  }
0xe: {  	[smem:$0x3FB0] =	sst s6  }
0xf: {  	[smem:$0x3FB1] =	sst s7  }
0x10: {  	[smem:$0x3FB2] =	sst s8  }
0x11: {  	[smem:$0x3FB3] =	sst s9;
	s0 =	simm.s32 @!p0 $0x0  }
0x12: {  	s1 =	sld [smem:$0x3F99];
	s0 =	simm.s32 @p0 $0x1  }
0x13: {  	[smem:$0x3FB4] =	sst s0;
	s0 =	simm.s32 @!p1 $0x0  }
0x14: {  	s2 =	sld [smem:$0x3F98];
	s0 =	simm.s32 @p1 $0x1  }
0x15: {  	[smem:$0x3FB5] =	sst s0;
	s0 =	simm.s32 @!p2 $0x0  }
0x16: {  	s3 =	sld [smem:$0x3FDB];
	s0 =	simm.s32 @p2 $0x1  }
0x17: {  	s4 =	simm.s32 $0x1BF5;
	[smem:$0x3FB7] =	sst s0  }
0x18: {  	s0 =	sld [smem:$0x3F9A];
	_ =	swait.ge [sflag:s4], $0x0  }
0x19: {  	s7 =	sld [smem:$0x3F9B]  }
0x1a: {  	s8 =	sadd.s32 $0xFFFFE003, lr  }
0x1b: {  	s9 =	sadd.s32 $0xFFFFFEF7, lr;
	s5 =	simm.s32 $0xFFFFFFFF;
	p2 =	slt.u32 s8, $0xFFFFF086  }
0x1c: {  	p1 =	slt.u32 s9, $0xF7A;
	s5 =	simm.s32 @!p2 $0x0  }
0x1d: {  	s5 =	simm.s32 @p1 $0x1;
	p0 =	seq.s32 s7, s2  }
0x1e: {  	s7 =	smul.u32 @!p0 $0xF7A, s2;
	p2 =	seq.s32 @!p0 s5, $0x0  }
0x1f: {  	s9 =	smul.u32 $0xF7A, s1;
	s8 =	simm.s32 @!p0 $0x1BF5;
	p2 =	por !p2, p0  }
0x20: {  	[sflag:s8] =	ssyncset.s32 @!p0 $0xFFFFF086;
	s6 =	sadd.s32 @!p0 s3, s7;
	s7 =	simm.s32 @!p0 $0x108  }
0x21: {  	s3 =	sadd.s32 s3, s9;
	s6 =	sadd.s32 @!p0 $0x88, s6;
	s7 =	simm.s32 @p2 $0x1082  }
0x22: {  	[simem:s7], [sflag:s8] =	dma.local @!p0 [hbm:s6], $0xF7A  }
0x23: {  	s9 =	sor.u32 $0xD0000000, s2;
	s6 =	simm.s32 $0x108;
	_ =	swait.ge @!p0 [sflag:s8], $0x0  }
0x24: {  	s3 =	sadd.s32 $0x88, s3;
	s6 =	simm.s32 @!p1 $0x1082;
	[sflag:s4] =	ssyncset.s32 $0xFFFFF086  }
0x25: {  	[simem:s6], [sflag:s4] =	dma.local [hbm:s3], $0xF7A  }
0x26: {  	[smem:$0x3F9B] =	sst s1;
	(tag) =	ssettag s2;
	_ =	strace s9  }
0x27: {  	s1 =	sld [smem:$0x3FAB]  }
0x28: {  	s2 =	sld [smem:$0x3FAC]  }
0x29: {  	s4 =	sld [smem:$0x3FAE]  }
0x2a: {  	p0 =	seq.s32 s5, $0x0;
	s5 =	sld [smem:$0x3FAF]  }
0x2b: {  	s6 =	sld [smem:$0x3FB0]  }
0x2c: {  	s7 =	sld [smem:$0x3FB1]  }
0x2d: {  	s3 =	simm.s32 $0x108;
	s8 =	sld [smem:$0x3FB2]  }
0x2e: {  	s3 =	simm.s32 @!p0 $0x1082;
	s9 =	sld [smem:$0x3FB3]  }
0x2f: {  	lr =	sadd.s32 s0, s3;
	s0 =	sld [smem:$0x3FAA]  }
0x30: {  	s3 =	sld [smem:$0x3FAD]  }
0x31: {  	[smem:$0x3FB6] =	sst s10  }
0x32: {  	s10 =	sld [smem:$0x3FB4];
	_ =	sdelay $0x3  }
0x33: {  	p0 =	seq.s32 s10, $0x1;
	s10 =	sld [smem:$0x3FB6];
	_ =	sdelay $0x3  }
0x34: {  	[smem:$0x3FB6] =	sst s10  }
0x35: {  	s10 =	sld [smem:$0x3FB5];
	_ =	sdelay $0x3  }
0x36: {  	p1 =	seq.s32 s10, $0x1;
	s10 =	sld [smem:$0x3FB6];
	_ =	sdelay $0x3  }
0x37: {  	[smem:$0x3FB6] =	sst s10  }
0x38: {  	s10 =	sld [smem:$0x3FB7]  }
0x39: {  	_ = 	snop;
	(pc) =	sbr.ind lr, $3  }
0x3a: {  	_ = 	snop  }
0x3b: {  	_ = 	snop  }
0x3c: {  	p2 =	seq.s32 s10, $0x1;
	s10 =	sld [smem:$0x3FB6]  }
0x3d: {  	_ =	shalt  }
0x3e: {  	_ =	shalt  }
0x3f: {  	_ =	shalt  }
0x40: {  	_ =	shalt  }
0x41: {  	_ =	shalt  }
0x42: {  	_ =	shalt  }
0x43: {  	_ =	shalt  }
0x44: {  	_ =	shalt  }
0x45: {  	_ =	shalt  }
0x46: {  	_ =	shalt  }
0x47: {  	_ =	shalt  }
0x48: {  	_ =	shalt  }
0x49: {  	_ =	shalt  }
0x4a: {  	_ =	shalt  }
0x4b: {  	_ =	shalt  }
0x4c: {  	_ =	shalt  }
0x4d: {  	_ =	shalt  }
0x4e: {  	_ =	shalt  }
0x4f: {  	_ =	shalt  }
0x50: {  	_ =	shalt  }
0x51: {  	_ =	shalt  }
0x52: {  	_ =	shalt  }
0x53: {  	_ =	shalt  }
0x54: {  	_ =	shalt  }
0x55: {  	_ =	shalt  }
0x56: {  	_ =	shalt  }
0x57: {  	_ =	shalt  }
0x58: {  	_ =	shalt  }
0x59: {  	_ =	shalt  }
0x5a: {  	_ =	shalt  }
0x5b: {  	_ =	shalt  }
0x5c: {  	_ =	shalt  }
0x5d: {  	_ =	shalt  }
0x5e: {  	_ =	shalt  }
0x5f: {  	_ =	shalt  }
0x60: {  	_ =	shalt  }
0x61: {  	_ =	shalt  }
0x62: {  	_ =	shalt  }
0x63: {  	_ =	shalt  }
0x64: {  	_ =	shalt  }
0x65: {  	_ =	shalt  }
0x66: {  	_ =	shalt  }
0x67: {  	_ =	shalt  }
0x68: {  	_ =	shalt  }
0x69: {  	_ =	shalt  }
0x6a: {  	_ =	shalt  }
0x6b: {  	_ =	shalt  }
0x6c: {  	_ =	shalt  }
0x6d: {  	_ =	shalt  }
0x6e: {  	_ =	shalt  }
0x6f: {  	_ =	shalt  }
0x70: {  	_ =	shalt  }
0x71: {  	_ =	shalt  }
0x72: {  	_ =	shalt  }
0x73: {  	_ =	shalt  }
0x74: {  	_ =	shalt  }
0x75: {  	_ =	shalt  }
0x76: {  	_ =	shalt  }
0x77: {  	_ =	shalt  }
0x78: {  	_ =	shalt  }
0x79: {  	_ =	shalt  }
0x7a: {  	_ =	shalt  }
0x7b: {  	_ =	shalt  }
0x7c: {  	_ =	shalt  }
0x7d: {  	_ =	shalt  }
0x7e: {  	_ =	shalt  }
0x7f: {  	_ =	shalt  }
0x80: {  	_ =	shalt  }
0x81: {  	_ =	shalt  }
0x82: {  	_ =	shalt  }
0x83: {  	_ =	shalt  }
0x84: {  	_ =	shalt  }
0x85: {  	_ =	shalt  }
0x86: {  	_ =	shalt  }
0x87: {  	_ =	shalt  }
.Lfunc_end0:
.L_simem_size_0:
called_computation_lowered:
.L_overlay_start_0:
0x88: {  	s2 =	sld [smem:$0x3FD9]  }
0x89: {  	s3 =	sld [smem:$0x3FFE];
	_ =	sdelay $0x1  }
0x8a: {  	s1 =	srdreg.scid  }
0x8b: {  	s0 =	sand.u32 $0x1, s1  }
0x8c: {  	s16 =	sshll.u32 s0, $0xA;
	s2 =	sadd.s32 s3, s2  }
0x8d: {  	s2 =	sadd.s32 s2, s16  }
0x8e: {  	[smem:$0x3FC2] =	sst s2  }
0x8f: {  	_ = 	snop  }
0x90: {  	(tm) =	ssettm $0x1  }
0x91: {  	s17 =	sld [smem:$0x3FFB];
	_ =	sdelay $0x3  }
0x92: {  	_ =	strace s17  }
0x93: {  	s2 =	sld [smem:$0x3FFC];
	_ =	sdelay $0x3  }
0x94: {  	_ =	strace s2  }
0x95: {  	s2 =	sld [smem:$0x3FFD];
	_ =	sdelay $0x3  }
0x96: {  	_ =	strace s2  }
0x97: {  	_ =	strace $0x8FFFFFFF  }
0x98: {  	s18 =	sld [smem:$0x3FDB];
	_ =	sdelay $0x1  }
0x99: {  	s19 =	simm.s32 $_scs_section_size  }
0x9a: {  	s4 =	simm.s32 $_size__tile_overlayer_lowered;
	s5 =	simm.s32 $_tile_overlayer_lowered  }
0x9b: {  	s22 =	simm.s32 $0x1BFF;
	s21 =	sshll.u32 s5, $0x1;
	s2 =	sadd.s32 s19, s18  }
0x9c: {  	s6 =	simm.s32 $0x0;
	s20 =	sshll.u32 s4, $0x1;
	s4 =	sadd.s32 s21, s2  }
0x9d: {  	[timem:s6], [sflag:s22] =	dma.local [hbm:s4], s20  }
0x9e: {  	_ =	swait.ge [sflag:s22], s20  }
0x9f: {  	s3 =	ssub.s32 $0x0, s20;
	[sflag:s22] =	ssyncset.done $0x0  }
0xa0: {  	[sflag:s22] =	ssyncadd.s32 s3;
	_ =	sdelay $0x1  }
0xa1: {  	s23 =	simm.s32 $0x1B8B  }
0xa2: {  	_ =	swait.ge [sflag:s23], $0x1  }
0xa3: {  	[sflag:s23] =	ssyncset.done $0x0  }
0xa4: {  	s25 =	simm.s32 $0x1B8E;
	s24 =	sld [smem:$0x3FFE];
	[sflag:s23] =	ssyncadd.s32 $0xFFFFFFFF  }
0xa5: {  	s26 =	simm.s32 $execute0_lowered;
	[smem:$0x3FD2] =	sst s25  }
0xa6: {  	s4 =	sshll.u32 s26, $0x1;
	_ =	strace $0x80000046;
	[dreg:$0x1] =	wrdreg $0xFFFFFFFF  }
0xa7: {  	s28 =	simm.s32 $_size_execute0_lowered;
	s2 =	sadd.s32 s2, s4;
	[dreg:$0x0] =	wrdreg $0x0  }
0xa8: {  	s4 =	sshll.u32 s28, $0x1;
	[dreg:$0x2] =	wrdreg s2  }
0xa9: {  	[dreg:$0x3] =	wrdreg s4  }
0xaa: {  	[dreg:$0x4] =	wrdreg $0xC0  }
0xab: {  	_ =	task [dreg:s6], $0x5FFFF  }
0xac: {  	[dreg:$0x1] =	wrdreg $0xFFFFFFFF  }
0xad: {  	[dreg:$0x0] =	wrdreg $0x60  }
0xae: {  	[dreg:$0x2] =	wrdreg s24  }
0xaf: {  	[dreg:$0x3] =	wrdreg $0x9  }
0xb0: {  	_ =	task.clear_ibuf [dreg:s6], $0x4FFFF;
	_ =	strace $0x90000046  }
0xb1: {  	s29 =	simm.s32 $0x9;
	_ =	strace $0x80000048  }
0xb2: {  	_ =	swait.ge [sflag:s29], $0x1  }
0xb3: {  	[sflag:s29] =	ssyncadd.s32 $0xFFFFFFFF  }
0xb4: {  	_ =	strace $0x90000048  }
0xb5: {  	_ =	sfence  }
0xb6: {  	s30 =	sld [smem:$0x0];
	_ =	sdelay $0x2  }
0xb7: {  	s31 =	sshll.u32 s1, $0xD;
	s1 =	sshrl.u32 s1, $0x2  }
0xb8: {  	s3 =	sand.u32 $0x4000, s31;
	s1 =	sadd.s32 s1, s30  }
0xb9: {  	s0 =	sor.u32 s3, s0;
	s1 =	sshll.u32 s1, $0x11  }
0xba: {  	s0 =	sor.u32 s1, s0  }
0xbb: {  	s0 =	sadd.s32 $0x8F2B, s0  }
0xbc: {  	[sflag:s0] =	ssyncadd.remote.s32 $0x1  }
0xbd: {  	_ =	sfence.sel $0xFFFF  }
0xbe: {  	[dreg:$0x0] =	wrdreg $0xFFFFFFFF;
	(pc) =	sbr.abs _section_cstart, $3  }
0xbf: {  	[dreg:$0x1] =	wrdreg $0xFFFFFFFF  }
0xc0: {  	_ =	task.clear_ibuf [dreg:s6], $0x2FFFF;
	_ =	strace $0x9FFFFFFF  }
0xc1: {  	(tm) =	ssettm $0x7FFFFFFF  }
tec
execute0_lowered:
.L_overlay_start_1:
0x0: {  	(tag) =	ssettag $0x1  }
0x1: {  	s1 =	srdreg.scid  }
0x2: {  	s0 =	stileid.u32;
	s4 =	rddreg [dreg:$0x0];
	s2 =	simm.s32 $0x0  }
0x3: {  	s9 =	simm.s32 $0x2780;
	s3 =	sand.u32 $0x1, s1;
	s30 =	sshll.u32 s0, $0x1  }
0x4: {  	s10 =	simm.s32 $0x4F00;
	s11 =	simm.s32 $0x7700;
	s5 =	sor.u32 s3, s30  }
0x5: {  	s12 =	simm.s32 $0x80;
	s13 =	simm.s32 $0x100;
	s6 =	smul.u32 $0x4E2, s5  }
0x6: {  	[smem:$0x7FF] =	sst s2;
	s3 =	ssub.s32 $0x2, s3;
	s5 =	smul.u32 $0xA00, s5  }
0x7: {  	s1 =	rddreg [dreg:$0x1];
	_ =	strace $0x80000047;
	s31 =	sshrl.u32 s3, $0x1  }
0x8: {  	s8 =	ssub.s32 s3, s31;
	s6 =	sadd.s32 s6, s4;
	s7 =	sadd.s32 s5, s4  }
0x9: {  	s3 =	sadd.s32 $0xC200, s6;
	s4 =	sadd.s32 $0x2400, s6;
	s5 =	sadd.s32 $0x16000, s7  }
0xa: {  	v0 =	vimm.f32 $0.0e+00;
	v1 =	vimm.f32 $1.000000000e+00;
	s6 =	sadd.s32 $0x16010, s7;
	s7 =	smax.u32 s8, $0x1;
	s8 =	simm.s32 $0x1  }
.LBB2_1:
0xb: {  	s14 =	simm.s32 $0x40;
	s15 =	simm.s32 $0x0  }
.LBB2_2:
0xc: {  	p0 =	sne.s32 s14, $0x9FC0;
	[tilespmem:s15+$0x4F00] =	vst v0;
	s16 =	smov.u32 s14;
	s14 =	sadd.s32 $0x40, s14  }
.Ltmp0:
0xd: {  	[tilespmem:s15+$0x7700] =	vst v0;
	(pc) =	sbr.rel @p0 .LBB2_2-.Ltmp0, $2  }
0xe: {  	_ =	sdelay $0x2  }
0xf: {  	s15 =	sshra.s32 s16, $0x2  }
0x10: {  	[tilespmem:s15+$0x4F00] =	vst v0  }
0x11: {  	[tilespmem:s15+$0x7700] =	vst v0;
	s14 =	simm.s32 $0x0  }
0x12: {  	[tilespmem:s14], [sflag:$0x1] =	stream.linear.gather [hbm4b:s3+s14], $0x2710, $0x38;
	[tilespmem:$0x9F00] =	vst v63  }
0x13: {  	_ =	swait.ge [sflag:s8], $0x2710  }
0x14: {  	[sflag:s8] =	ssyncset.done $0x0  }
0x15: {  	[sflag:s8] =	ssyncadd.s32 $0xFFFFD8F0  }
0x16: {  	[tilespmem:s9], [sflag:$0x1] =	stream.linear.gather [hbm4b:s4+s14], $0x2710, $0x38;
	[tilespmem:$0x9F00] =	vst v63  }
0x17: {  	_ =	swait.ge [sflag:s8], $0x2710  }
0x18: {  	[sflag:s8] =	ssyncset.done $0x0  }
0x19: {  	s15 =	simm.s32 $0x0;
	[sflag:s8] =	ssyncadd.s32 $0xFFFFD8F0  }
0x1a: {  	s14 =	simm.s32 $0x40;
	v2 =	vld [tilespmem:s15+$0x0]  }
.LBB2_4:
0x1b: {  	p0 =	sne.s32 s14, $0x9C00;
	v3 =	vld [tilespmem:s15+$0x2780];
	_ =	sdelay $0x4  }
.Ltmp1:
0x1c: {  	(pc) =	sbr.rel @p0 .LBB2_4-.Ltmp1, $4  }
0x1d: {  	_ = 	snop  }
0x1e: {  	[tilespmem:v2+s10+$0x0] =	vst.idx.add.f32.msk $0xffff, v1  }
0x1f: {  	s15 =	sshra.s32 s14, $0x2;
	[tilespmem:v3+s11+$0x0] =	vst.idx.add.f32.msk $0xffff, v1  }
0x20: {  	s14 =	sadd.s32 $0x40, s14;
	v2 =	vld [tilespmem:s15+$0x0]  }
0x21: {  	_ = 	snop  }
0x22: {  	v3 =	vld [tilespmem:s15+$0x2780];
	_ =	sdelay $0x6  }
0x23: {  	[tilespmem:v2+s10+$0x0] =	vst.idx.add.f32.msk $0xffff, v1  }
0x24: {  	[tilespmem:v3+s11+$0x0] =	vst.idx.add.f32.msk $0xffff, v1  }
0x25: {  	[hbm4b:s5+s12] =	stream.strided.scatter [tilespmem:s10], [sflag:$0x1], $0x2800, s13, s12, $0x38;
	[tilespmem:$0x9F00] =	vst v63  }
0x26: {  	s2 =	sadd.s32 $0x1, s2;
	_ =	swait.ge [sflag:s8], $0x2800  }
0x27: {  	p0 =	sne.s32 s2, s7;
	[sflag:s8] =	ssyncset.done $0x0  }
.Ltmp2:
0x28: {  	[sflag:s8] =	ssyncadd.s32 $0xFFFFD800;
	(pc) =	sbr.rel @p0 .LBB2_1-.Ltmp2, $4  }
0x29: {  	[hbm4b:s6+s12] =	stream.strided.scatter [tilespmem:s11], [sflag:$0x1], $0x2800, s13, s12, $0x38;
	[tilespmem:$0x9F00] =	vst v63  }
0x2a: {  	_ =	swait.ge [sflag:s8], $0x2800  }
0x2b: {  	[sflag:s8] =	ssyncset.done $0x0  }
0x2c: {  	[sflag:s8] =	ssyncadd.s32 $0xFFFFD800  }
0x2d: {  	_ =	sfence.sel $0x180000  }
0x2e: {  	[bflag:$0x0] =	sbarrier.arrive $0xFFFF  }
0x2f: {  	p0 =	sne.s32 s0, $0x0;
	_ =	strace $0x90000047  }
0x30: {  	s0 =	sadd.s32 @!p0 $0x100000, s1;
	[bflag:$0x2] =	sbarrier.arrive $0xFFFF  }
0x31: {  	[sflag:s0] =	ssyncadd.tile.s32 @!p0 $0x1;
	_ =	shalt  }
.Lfunc_end2:
_tile_overlayer_lowered:
.L_overlay_start_2:
0x32: {  	(tag) =	ssettag $0x2  }
0x33: {  	s0 =	rddreg [dreg:$0x0];
	s2 =	stileid.u32  }
0x34: {  	s1 =	rddreg [dreg:$0x1];
	p0 =	sne.s32 s2, $0x0  }
0x35: {  	s3 =	rddreg [dreg:$0x2];
	[bflag:$0x3] =	sbarrier.arrive $0xFFFF;
	s2 =	simm.s32 @!p0 $0x1C01  }
0x36: {  	[timem:s3], [sflag:s2] =	dma.local @!p0 [hbm:s0], s1  }
0x37: {  	s0 =	simm.s32 @!p0 $0x1  }
0x38: {  	_ =	swait.ge @!p0 [sflag:s0], s1  }
0x39: {  	s1 =	ssub.s32 @!p0 $0x0, s1;
	[sflag:s0] =	ssyncset.done @!p0 $0x0  }
0x3a: {  	[sflag:s0] =	ssyncadd.s32 @!p0 s1  }
0x3b: {  	[bflag:$0x3] =	sbarrier.arrive $0xFFFF  }
0x3c: {  	_ =	shalt  }

</sc_bundles>
